<compile_context>
chip_gen: v7x
topology: tpu7x:2x2x1
jax: 0.10.2.dev20260603
libtpu: 0.0.44.dev20260713+nightly
codegen_flags: <defaults>
</compile_context>

<pallas_src>
import functools

import jax
import jax.numpy as jnp
from jax import lax
from jax.experimental import pallas as pl
from jax.experimental.pallas import tpu as pltpu
from jax.experimental.pallas import tpu_sc as plsc

N = 10000
N_PAD = 10240
E = 320000
NC = 2
NS = 16
K = 80
CHT = E // (NS * K)
CHW = CHT // NC
NPT = N_PAD // NS
RB = 5

_mesh = lambda: plsc.VectorSubcoreMesh(core_axis_name="c", subcore_axis_name="s")
_sc_params = lambda: pltpu.CompilerParams(use_tc_tiling_on_sc=False)


@functools.lru_cache(maxsize=None)
def _make_deg():

    @functools.partial(
        pl.kernel,
        out_type=jax.ShapeDtypeStruct((N_PAD, 128), jnp.float32),
        mesh=_mesh(),
        compiler_params=_sc_params(),
        scratch_types=[
            pltpu.VMEM((CHW, K), jnp.int32),
            pltpu.VMEM((K, 8), jnp.float32),
            pltpu.VMEM_SHARED((N_PAD, 8), jnp.float32),
            pltpu.SemaphoreType.DMA,
        ],
    )
    def deg_kernel(dst_hbm, ones_hbm, zeros_hbm, out_hbm, dstv, ones_v, acc, ssem):
        c = lax.axis_index("c")
        s = lax.axis_index("s")

        pltpu.sync_copy(zeros_hbm.at[pl.ds(s * NPT, NPT)], acc.at[pl.ds(s * NPT, NPT)])
        pltpu.sync_copy(ones_hbm, ones_v)
        pltpu.sync_copy(dst_hbm.at[s, pl.ds(c * CHW, CHW)], dstv)
        plsc.subcore_barrier()

        GD = 25

        def group(g, _):
            for t in range(GD):
                pltpu.async_copy(ones_v, acc.at[dstv.at[g * GD + t]], ssem,
                                 add=True)
            for t in range(GD):
                pltpu.make_async_copy(ones_v, acc.at[dstv.at[0]], ssem).wait()
            return 0

        lax.fori_loop(0, CHW // GD, group, 0)
        plsc.subcore_barrier()
        pltpu.sync_copy(acc.at[pl.ds(s * NPT, NPT)],
                        out_hbm.at[pl.ds(s * NPT, NPT), pl.ds(c * 8, 8)])

    return deg_kernel


def _edge_pipeline(mk_src, srcv, dstv, rows, gsems, ssems, acc, n_chunks):
    M = n_chunks // RB

    def gissue(j, b):
        pltpu.async_copy(mk_src(j), rows[b], gsems[b])

    def gwait(b):
        pltpu.make_async_copy(mk_src(0), rows[b], gsems[b]).wait()

    def sissue(j, b):
        pltpu.async_copy(rows[b], acc.at[dstv.at[j]], ssems[b], add=True)

    def swait(b):
        pltpu.make_async_copy(rows[b], acc.at[dstv.at[0]], ssems[b]).wait()

    for b in range(3):
        gissue(b, b)
    for b in range(RB):
        b2 = (b - 2) % RB
        if b >= 2:
            swait(b2)
        gissue(b + 3, b2)
        gwait(b)
        sissue(b, b)

    def step(m, _):
        for b in range(RB):
            j = m * RB + b
            b2 = (b - 2) % RB
            swait(b2)
            gissue(j + 3, b2)
            gwait(b)
            sissue(j, b)
        return 0

    lax.fori_loop(1, M - 1, step, 0)

    base = (M - 1) * RB
    for b in range(RB):
        if b < 2:
            b2 = (b - 2) % RB
            swait(b2)
            gissue(base + b + 3, b2)
        gwait(b)
        sissue(base + b, b)
    for b in range(RB):
        swait(b)


def _prop_scratch(n_chunks):
    return [
        pltpu.VMEM((n_chunks, K), jnp.int32),
        pltpu.VMEM((n_chunks, K), jnp.int32),
    ] + [pltpu.VMEM((K, 64), jnp.float32) for _ in range(RB)] + [
        pltpu.VMEM_SHARED((N_PAD, 64), jnp.float32),
    ] + [pltpu.SemaphoreType.DMA for _ in range(2 * RB)]


@functools.lru_cache(maxsize=None)
def _make_prop_col():

    @functools.partial(
        pl.kernel,
        out_type=jax.ShapeDtypeStruct((N_PAD, 128), jnp.float32),
        mesh=_mesh(),
        compiler_params=_sc_params(),
        scratch_types=_prop_scratch(CHT),
    )
    def prop_kernel(tabA_hbm, tabB_hbm, src_hbm, dst_hbm, zeros_hbm, out_hbm,
                    srcv, dstv, r0, r1, r2, r3, r4, acc,
                    g0, g1, g2, g3, g4, s0, s1, s2, s3, s4):
        c = lax.axis_index("c")
        s = lax.axis_index("s")
        rows = [r0, r1, r2, r3, r4]
        gsems = [g0, g1, g2, g3, g4]
        ssems = [s0, s1, s2, s3, s4]

        pltpu.sync_copy(zeros_hbm.at[pl.ds(s * NPT, NPT)], acc.at[pl.ds(s * NPT, NPT)])
        pltpu.sync_copy(src_hbm.at[s], srcv)
        pltpu.sync_copy(dst_hbm.at[s], dstv)
        plsc.subcore_barrier()

        @pl.when(c == 0)
        def _():
            _edge_pipeline(lambda j: tabA_hbm.at[srcv.at[j]],
                           srcv, dstv, rows, gsems, ssems, acc, CHT)

        @pl.when(c == 1)
        def _():
            _edge_pipeline(lambda j: tabB_hbm.at[srcv.at[j]],
                           srcv, dstv, rows, gsems, ssems, acc, CHT)

        plsc.subcore_barrier()
        pltpu.sync_copy(acc.at[pl.ds(s * NPT, NPT)],
                        out_hbm.at[pl.ds(s * NPT, NPT), pl.ds(c * 64, 64)])

    return prop_kernel


@functools.lru_cache(maxsize=None)
def _make_prop_edge():

    @functools.partial(
        pl.kernel,
        out_type=jax.ShapeDtypeStruct((N_PAD, 128), jnp.float32),
        mesh=_mesh(),
        compiler_params=_sc_params(),
        scratch_types=_prop_scratch(CHW),
    )
    def prop_kernel(tab_hbm, src_hbm, dst_hbm, zeros_hbm, out_hbm,
                    srcv, dstv, r0, r1, r2, r3, r4, acc,
                    g0, g1, g2, g3, g4, s0, s1, s2, s3, s4):
        c = lax.axis_index("c")
        s = lax.axis_index("s")
        rows = [r0, r1, r2, r3, r4]
        gsems = [g0, g1, g2, g3, g4]
        ssems = [s0, s1, s2, s3, s4]

        pltpu.sync_copy(zeros_hbm.at[pl.ds(s * NPT, NPT)], acc.at[pl.ds(s * NPT, NPT)])
        pltpu.sync_copy(src_hbm.at[s, pl.ds(c * CHW, CHW)], srcv)
        pltpu.sync_copy(dst_hbm.at[s, pl.ds(c * CHW, CHW)], dstv)
        plsc.subcore_barrier()

        _edge_pipeline(lambda j: tab_hbm.at[srcv.at[j]],
                       srcv, dstv, rows, gsems, ssems, acc, CHW)

        plsc.subcore_barrier()
        pltpu.sync_copy(acc.at[pl.ds(s * NPT, NPT)],
                        out_hbm.at[pl.ds(s * NPT, NPT), pl.ds(c * 64, 64)])

    return prop_kernel


BLK = 2000


def _mlp_body(x_ref, wm_ref, bm_ref, degp_ref, htA_ref, htB_ref, dinv_ref):
    deg = degp_ref[:, 0:1] + degp_ref[:, 8:9] + 1.0
    dinv = lax.rsqrt(deg)
    h = jnp.dot(x_ref[...], wm_ref[...], preferred_element_type=jnp.float32)
    ht = jnp.maximum(h + bm_ref[...], 0.0) * dinv
    htA_ref[...] = ht[:, :64]
    htB_ref[...] = ht[:, 64:]
    dinv_ref[...] = jnp.broadcast_to(dinv, (dinv.shape[0], 8))


def _mid_body(acc_ref, htA_ref, htB_ref, dinv_ref, w1_ref, b1_ref, w2_ref, g_ref):
    dinv = dinv_ref[:, 0:1]
    ht = jnp.concatenate([htA_ref[...], htB_ref[...]], axis=1)
    u = (acc_ref[...] + ht) * dinv
    h1 = jnp.dot(u, w1_ref[...], preferred_element_type=jnp.float32)
    h1 = jnp.maximum(h1 + b1_ref[...], 0.0)
    g_ref[...] = jnp.dot(h1 * dinv, w2_ref[...], preferred_element_type=jnp.float32)


def _fin_body(acc_ref, g_ref, dinv_ref, b2_ref, out_ref):
    dinv = dinv_ref[:, 0:1]
    sg = acc_ref[:, :64] + acc_ref[:, 64:]
    out_ref[...] = (sg + g_ref[...]) * dinv + b2_ref[...]


def _tc_mlp(x, Wm, bm2, degp):
    return pl.pallas_call(
        _mlp_body,
        grid=(N // BLK,),
        in_specs=[
            pl.BlockSpec((BLK, 128), lambda i: (i, 0)),
            pl.BlockSpec((128, 128), lambda i: (0, 0)),
            pl.BlockSpec((1, 128), lambda i: (0, 0)),
            pl.BlockSpec((BLK, 128), lambda i: (i, 0)),
        ],
        out_specs=[
            pl.BlockSpec((BLK, 64), lambda i: (i, 0)),
            pl.BlockSpec((BLK, 64), lambda i: (i, 0)),
            pl.BlockSpec((BLK, 8), lambda i: (i, 0)),
        ],
        out_shape=[
            jax.ShapeDtypeStruct((N, 64), jnp.float32),
            jax.ShapeDtypeStruct((N, 64), jnp.float32),
            jax.ShapeDtypeStruct((N, 8), jnp.float32),
        ],
    )(x, Wm, bm2, degp)


def _tc_mid(acc1, htA, htB, dinv, W1, b12, W2):
    return pl.pallas_call(
        _mid_body,
        grid=(N // BLK,),
        in_specs=[
            pl.BlockSpec((BLK, 128), lambda i: (i, 0)),
            pl.BlockSpec((BLK, 64), lambda i: (i, 0)),
            pl.BlockSpec((BLK, 64), lambda i: (i, 0)),
            pl.BlockSpec((BLK, 8), lambda i: (i, 0)),
            pl.BlockSpec((128, 128), lambda i: (0, 0)),
            pl.BlockSpec((1, 128), lambda i: (0, 0)),
            pl.BlockSpec((128, 64), lambda i: (0, 0)),
        ],
        out_specs=pl.BlockSpec((BLK, 64), lambda i: (i, 0)),
        out_shape=jax.ShapeDtypeStruct((N, 64), jnp.float32),
    )(acc1, htA, htB, dinv, W1, b12, W2)


def _detile_body(ei_ref, src_ref, dst_ref):
    src_ref[...] = ei_ref[0, :]
    dst_ref[...] = ei_ref[1, :]


def _tc_detile(edge_index):
    return pl.pallas_call(
        _detile_body,
        out_shape=[
            jax.ShapeDtypeStruct((E,), jnp.int32),
            jax.ShapeDtypeStruct((E,), jnp.int32),
        ],
    )(edge_index)


def _tc_fin(acc2, g, dinv, b22):
    return pl.pallas_call(
        _fin_body,
        grid=(N // BLK,),
        in_specs=[
            pl.BlockSpec((BLK, 128), lambda i: (i, 0)),
            pl.BlockSpec((BLK, 64), lambda i: (i, 0)),
            pl.BlockSpec((BLK, 8), lambda i: (i, 0)),
            pl.BlockSpec((1, 64), lambda i: (0, 0)),
        ],
        out_specs=pl.BlockSpec((BLK, 64), lambda i: (i, 0)),
        out_shape=jax.ShapeDtypeStruct((N, 64), jnp.float32),
    )(acc2, g, dinv, b22)


def kernel(x, edge_index, Wm, bm, W1, b1, W2, b2):
    src_flat, dst_flat = _tc_detile(edge_index)
    src2 = src_flat.reshape(NS, CHT, K)
    dst2 = dst_flat.reshape(NS, CHT, K)
    ones8 = jnp.ones((K, 8), jnp.float32)
    zeros8 = jnp.zeros((N_PAD, 8), jnp.float32)
    zeros64 = jnp.zeros((N_PAD, 64), jnp.float32)

    degp = _make_deg()(dst2, ones8, zeros8)
    htA, htB, dinv = _tc_mlp(x, Wm, bm.reshape(1, -1), degp)
    acc1 = _make_prop_col()(htA, htB, src2, dst2, zeros64)
    g = _tc_mid(acc1, htA, htB, dinv, W1, b1.reshape(1, -1), W2)
    acc2 = _make_prop_edge()(g, src2, dst2, zeros64)
    return _tc_fin(acc2, g, dinv, b2.reshape(1, -1))

# --- scband reference (transcript-rebuilt; emitter-appended) ---
"""Pipeline reference for scband-gcnpre-9448928051676 (READ-ONLY COPY).

The authoritative reference and input builder live on the scoring server;
editing this copy changes nothing except your own understanding.
"""

import jax, jax.numpy as jnp
import numpy as np

N = 10000
E = 320000
F_IN = 128
MLP_H = 128
HID = 128
C = 64


def gcn_conv(x, src, dst, W, b):
    # PyG-style GCNConv: h = D^{-1/2} (A + I) D^{-1/2} (x @ W) + b
    # (self-loops are assumed already appended to src/dst by caller)
    h = x @ W
    deg = jax.ops.segment_sum(jnp.ones(dst.shape[0], dtype=h.dtype), dst, num_segments=N)
    dinv = jnp.where(deg > 0, 1.0 / jnp.sqrt(deg), 0.0)
    norm = dinv[src] * dinv[dst]
    msgs = h[src] * norm[:, None]
    out = jax.ops.segment_sum(msgs, dst, num_segments=N)
    return out + b


def setup_inputs(seed: int = 0) -> dict:
    key = jax.random.key(seed)
    ks = jax.random.split(key, 8)
    return {
        "x": jax.random.normal(ks[0], (N, F_IN), dtype=jnp.float32),
        "edge_index": jax.random.randint(ks[1], (2, E), 0, N, dtype=jnp.int32),
        "Wm": jax.random.normal(ks[2], (F_IN, MLP_H), dtype=jnp.float32) * 0.05,
        "bm": jnp.zeros((MLP_H,), dtype=jnp.float32),
        "W1": jax.random.normal(ks[3], (MLP_H, HID), dtype=jnp.float32) * 0.05,
        "b1": jnp.zeros((HID,), dtype=jnp.float32),
        "W2": jax.random.normal(ks[4], (HID, C), dtype=jnp.float32) * 0.05,
        "b2": jnp.zeros((C,), dtype=jnp.float32),
    }


def reference(x, edge_index, Wm, bm, W1, b1, W2, b2):
    src, dst = edge_index[0], edge_index[1]
    loop = jnp.arange(N, dtype=edge_index.dtype)
    src = jnp.concatenate([src, loop])
    dst = jnp.concatenate([dst, loop])
    h = jax.nn.relu(x @ Wm + bm)          # mlp_linear + relu
    h = jax.nn.relu(gcn_conv(h, src, dst, W1, b1))  # conv1 + relu
    # F.dropout(training=False) is identity in eval mode
    out = gcn_conv(h, src, dst, W2, b2)   # conv2
    return out

if __name__ == "__main__":
    import jax
    _d = setup_inputs()
    print(jax.jit(kernel)(*tuple(_d.values())))

</pallas_src>

<mosaic_0001>
#map = affine_map<(d0, d1) -> (0, 0)>
#map1 = affine_map<(d0, d1) -> (0, 0, 0)>
module attributes {stable_mosaic.version = 14 : i64} {
  func.func @prop_kernel(%arg0: i32, %arg1: i32, %arg2: memref<10000x64xf32, #tpu.memory_space<hbm>>, %arg3: memref<16x250x80xi32, #tpu.memory_space<hbm>>, %arg4: memref<16x250x80xi32, #tpu.memory_space<hbm>>, %arg5: memref<10240x64xf32, #tpu.memory_space<hbm>>, %arg6: memref<10240x128xf32, #tpu.memory_space<hbm>>, %arg7: memref<125x80xi32, #tpu.memory_space<vmem>>, %arg8: memref<125x80xi32, #tpu.memory_space<vmem>>, %arg9: memref<80x64xf32, #tpu.memory_space<vmem>>, %arg10: memref<80x64xf32, #tpu.memory_space<vmem>>, %arg11: memref<80x64xf32, #tpu.memory_space<vmem>>, %arg12: memref<80x64xf32, #tpu.memory_space<vmem>>, %arg13: memref<80x64xf32, #tpu.memory_space<vmem>>, %arg14: memref<10240x64xf32, #tpu.memory_space<vmem_shared>>, %arg15: memref<!tpu.dma_semaphore, #tpu.memory_space<semaphore_mem>>, %arg16: memref<!tpu.dma_semaphore, #tpu.memory_space<semaphore_mem>>, %arg17: memref<!tpu.dma_semaphore, #tpu.memory_space<semaphore_mem>>, %arg18: memref<!tpu.dma_semaphore, #tpu.memory_space<semaphore_mem>>, %arg19: memref<!tpu.dma_semaphore, #tpu.memory_space<semaphore_mem>>, %arg20: memref<!tpu.dma_semaphore, #tpu.memory_space<semaphore_mem>>, %arg21: memref<!tpu.dma_semaphore, #tpu.memory_space<semaphore_mem>>, %arg22: memref<!tpu.dma_semaphore, #tpu.memory_space<semaphore_mem>>, %arg23: memref<!tpu.dma_semaphore, #tpu.memory_space<semaphore_mem>>, %arg24: memref<!tpu.dma_semaphore, #tpu.memory_space<semaphore_mem>>) attributes {dimension_semantics = [#tpu.dimension_semantics<core_parallel>, #tpu.dimension_semantics<subcore_parallel>], iteration_bounds = array<i64: 2, 16>, scalar_prefetch = 0 : i64, scratch_operands = 18 : i64, tpu.core_type = #tpu.core_type<sc_vector_subcore>, window_params = [{transform_indices = #map}, {transform_indices = #map1}, {transform_indices = #map1}, {transform_indices = #map}, {transform_indices = #map}]} {
    %mul3A = arith.constant 640 : i32
    %mul3A_0 = arith.muli %arg1, %mul3A : i32
    %mul3A_1 = arith.constant 640 : i32
    %mul3A_2 = arith.muli %arg1, %mul3A_1 : i32
    "tpu.region"() ({
      %run_scoped3A = tpu.sem_alloc : memref<!tpu.dma_semaphore, #tpu.memory_space<semaphore_mem>>
      %dma_start3A_298 = arith.constant 0 : i32
      %dma_start3A_299 = tpu.memref_slice %arg14[%mul3A_2, %dma_start3A_298] : memref<10240x64xf32, #tpu.memory_space<vmem_shared>> -> memref<640x64xf32, #tpu.memory_space<vmem_shared>>
      %dma_start3A_300 = arith.constant 0 : i32
      %dma_start3A_301 = tpu.memref_slice %arg5[%mul3A_0, %dma_start3A_300] : memref<10240x64xf32, #tpu.memory_space<hbm>> -> memref<640x64xf32, #tpu.memory_space<hbm>>
      tpu.enqueue_dma source(%dma_start3A_301 : memref<640x64xf32, #tpu.memory_space<hbm>>) target(%dma_start3A_299 : memref<640x64xf32, #tpu.memory_space<vmem_shared>>) target_semaphore(%run_scoped3A : memref<!tpu.dma_semaphore, #tpu.memory_space<semaphore_mem>>)
      %dma_wait3A_302 = arith.constant 0 : i32
      %dma_wait3A_303 = tpu.memref_slice %arg14[%mul3A_2, %dma_wait3A_302] : memref<10240x64xf32, #tpu.memory_space<vmem_shared>> -> memref<640x64xf32, #tpu.memory_space<vmem_shared>>
      %dma_wait3A_304 = arith.constant 0 : i32
      %dma_wait3A_305 = tpu.memref_slice %arg5[%mul3A_0, %dma_wait3A_304] : memref<10240x64xf32, #tpu.memory_space<hbm>> -> memref<640x64xf32, #tpu.memory_space<hbm>>
      tpu.wait_dma2 semaphore(%run_scoped3A : memref<!tpu.dma_semaphore, #tpu.memory_space<semaphore_mem>>) src(%dma_wait3A_305 : memref<640x64xf32, #tpu.memory_space<hbm>>) dst(%dma_wait3A_303 : memref<640x64xf32, #tpu.memory_space<vmem_shared>>)
      tpu.yield
    }) : () -> ()
    %mul3A_3 = arith.constant 125 : i32
    %mul3A_4 = arith.muli %arg0, %mul3A_3 : i32
    "tpu.region"() ({
      %run_scoped3A = tpu.sem_alloc : memref<!tpu.dma_semaphore, #tpu.memory_space<semaphore_mem>>
      %dma_start3A_298 = arith.constant 0 : i32
      %dma_start3A_299 = tpu.memref_slice %arg3[%arg1, %mul3A_4, %dma_start3A_298] : memref<16x250x80xi32, #tpu.memory_space<hbm>> -> memref<1x125x80xi32, #tpu.memory_space<hbm>>
      %dma_start3A_300 = tpu.memref_squeeze %dma_start3A_299 : memref<1x125x80xi32, #tpu.memory_space<hbm>> -> memref<125x80xi32, #tpu.memory_space<hbm>>
      %dma_start3A_301 = arith.constant 0 : i32
      %dma_start3A_302 = tpu.memref_slice %arg3[%arg1, %mul3A_4, %dma_start3A_301] : memref<16x250x80xi32, #tpu.memory_space<hbm>> -> memref<1x125x80xi32, #tpu.memory_space<hbm>>
      %dma_start3A_303 = tpu.memref_squeeze %dma_start3A_302 : memref<1x125x80xi32, #tpu.memory_space<hbm>> -> memref<125x80xi32, #tpu.memory_space<hbm>>
      tpu.enqueue_dma source(%dma_start3A_303 : memref<125x80xi32, #tpu.memory_space<hbm>>) target(%arg7 : memref<125x80xi32, #tpu.memory_space<vmem>>) target_semaphore(%run_scoped3A : memref<!tpu.dma_semaphore, #tpu.memory_space<semaphore_mem>>)
      %dma_wait3A_304 = arith.constant 0 : i32
      %dma_wait3A_305 = tpu.memref_slice %arg3[%arg1, %mul3A_4, %dma_wait3A_304] : memref<16x250x80xi32, #tpu.memory_space<hbm>> -> memref<1x125x80xi32, #tpu.memory_space<hbm>>
      %dma_wait3A_306 = tpu.memref_squeeze %dma_wait3A_305 : memref<1x125x80xi32, #tpu.memory_space<hbm>> -> memref<125x80xi32, #tpu.memory_space<hbm>>
      %dma_wait3A_307 = arith.constant 0 : i32
      %dma_wait3A_308 = tpu.memref_slice %arg3[%arg1, %mul3A_4, %dma_wait3A_307] : memref<16x250x80xi32, #tpu.memory_space<hbm>> -> memref<1x125x80xi32, #tpu.memory_space<hbm>>
      %dma_wait3A_309 = tpu.memref_squeeze %dma_wait3A_308 : memref<1x125x80xi32, #tpu.memory_space<hbm>> -> memref<125x80xi32, #tpu.memory_space<hbm>>
      tpu.wait_dma2 semaphore(%run_scoped3A : memref<!tpu.dma_semaphore, #tpu.memory_space<semaphore_mem>>) src(%dma_wait3A_309 : memref<125x80xi32, #tpu.memory_space<hbm>>) dst(%arg7 : memref<125x80xi32, #tpu.memory_space<vmem>>)
      tpu.yield
    }) : () -> ()
    %mul3A_5 = arith.constant 125 : i32
    %mul3A_6 = arith.muli %arg0, %mul3A_5 : i32
    "tpu.region"() ({
      %run_scoped3A = tpu.sem_alloc : memref<!tpu.dma_semaphore, #tpu.memory_space<semaphore_mem>>
      %dma_start3A_298 = arith.constant 0 : i32
      %dma_start3A_299 = tpu.memref_slice %arg4[%arg1, %mul3A_6, %dma_start3A_298] : memref<16x250x80xi32, #tpu.memory_space<hbm>> -> memref<1x125x80xi32, #tpu.memory_space<hbm>>
      %dma_start3A_300 = tpu.memref_squeeze %dma_start3A_299 : memref<1x125x80xi32, #tpu.memory_space<hbm>> -> memref<125x80xi32, #tpu.memory_space<hbm>>
      %dma_start3A_301 = arith.constant 0 : i32
      %dma_start3A_302 = tpu.memref_slice %arg4[%arg1, %mul3A_6, %dma_start3A_301] : memref<16x250x80xi32, #tpu.memory_space<hbm>> -> memref<1x125x80xi32, #tpu.memory_space<hbm>>
      %dma_start3A_303 = tpu.memref_squeeze %dma_start3A_302 : memref<1x125x80xi32, #tpu.memory_space<hbm>> -> memref<125x80xi32, #tpu.memory_space<hbm>>
      tpu.enqueue_dma source(%dma_start3A_303 : memref<125x80xi32, #tpu.memory_space<hbm>>) target(%arg8 : memref<125x80xi32, #tpu.memory_space<vmem>>) target_semaphore(%run_scoped3A : memref<!tpu.dma_semaphore, #tpu.memory_space<semaphore_mem>>)
      %dma_wait3A_304 = arith.constant 0 : i32
      %dma_wait3A_305 = tpu.memref_slice %arg4[%arg1, %mul3A_6, %dma_wait3A_304] : memref<16x250x80xi32, #tpu.memory_space<hbm>> -> memref<1x125x80xi32, #tpu.memory_space<hbm>>
      %dma_wait3A_306 = tpu.memref_squeeze %dma_wait3A_305 : memref<1x125x80xi32, #tpu.memory_space<hbm>> -> memref<125x80xi32, #tpu.memory_space<hbm>>
      %dma_wait3A_307 = arith.constant 0 : i32
      %dma_wait3A_308 = tpu.memref_slice %arg4[%arg1, %mul3A_6, %dma_wait3A_307] : memref<16x250x80xi32, #tpu.memory_space<hbm>> -> memref<1x125x80xi32, #tpu.memory_space<hbm>>
      %dma_wait3A_309 = tpu.memref_squeeze %dma_wait3A_308 : memref<1x125x80xi32, #tpu.memory_space<hbm>> -> memref<125x80xi32, #tpu.memory_space<hbm>>
      tpu.wait_dma2 semaphore(%run_scoped3A : memref<!tpu.dma_semaphore, #tpu.memory_space<semaphore_mem>>) src(%dma_wait3A_309 : memref<125x80xi32, #tpu.memory_space<hbm>>) dst(%arg8 : memref<125x80xi32, #tpu.memory_space<vmem>>)
      tpu.yield
    }) : () -> ()
    %barrier3A = arith.constant 0 : index
    tpu.barrier barrier_id(%barrier3A)
    %dma_start3A = arith.constant 0 : i32
    %dma_start3A_7 = arith.constant 0 : i32
    %dma_start3A_8 = tpu.memref_slice %arg7[%dma_start3A, %dma_start3A_7] : memref<125x80xi32, #tpu.memory_space<vmem>> -> memref<1x80xi32, #tpu.memory_space<vmem>>
    %dma_start3A_9 = tpu.memref_squeeze %dma_start3A_8 : memref<1x80xi32, #tpu.memory_space<vmem>> -> memref<80xi32, #tpu.memory_space<vmem>>
    %dma_start3A_10 = arith.constant 0 : i32
    %dma_start3A_11 = arith.constant 0 : i32
    %dma_start3A_12 = tpu.memref_slice %arg2[%dma_start3A_10, %dma_start3A_11] : memref<10000x64xf32, #tpu.memory_space<hbm>> -> memref<10000x64xf32, #tpu.memory_space<hbm>>
    tpu.enqueue_indirect_dma source(%dma_start3A_12 : memref<10000x64xf32, #tpu.memory_space<hbm>>) target(%arg9 : memref<80x64xf32, #tpu.memory_space<vmem>>) offsets(%dma_start3A_9 : memref<80xi32, #tpu.memory_space<vmem>>) semaphore(%arg15 : memref<!tpu.dma_semaphore, #tpu.memory_space<semaphore_mem>>)
    %dma_start3A_13 = arith.constant 1 : i32
    %dma_start3A_14 = arith.constant 0 : i32
    %dma_start3A_15 = tpu.memref_slice %arg7[%dma_start3A_13, %dma_start3A_14] : memref<125x80xi32, #tpu.memory_space<vmem>> -> memref<1x80xi32, #tpu.memory_space<vmem>>
    %dma_start3A_16 = tpu.memref_squeeze %dma_start3A_15 : memref<1x80xi32, #tpu.memory_space<vmem>> -> memref<80xi32, #tpu.memory_space<vmem>>
    %dma_start3A_17 = arith.constant 0 : i32
    %dma_start3A_18 = arith.constant 0 : i32
    %dma_start3A_19 = tpu.memref_slice %arg2[%dma_start3A_17, %dma_start3A_18] : memref<10000x64xf32, #tpu.memory_space<hbm>> -> memref<10000x64xf32, #tpu.memory_space<hbm>>
    tpu.enqueue_indirect_dma source(%dma_start3A_19 : memref<10000x64xf32, #tpu.memory_space<hbm>>) target(%arg10 : memref<80x64xf32, #tpu.memory_space<vmem>>) offsets(%dma_start3A_16 : memref<80xi32, #tpu.memory_space<vmem>>) semaphore(%arg16 : memref<!tpu.dma_semaphore, #tpu.memory_space<semaphore_mem>>)
    %dma_start3A_20 = arith.constant 2 : i32
    %dma_start3A_21 = arith.constant 0 : i32
    %dma_start3A_22 = tpu.memref_slice %arg7[%dma_start3A_20, %dma_start3A_21] : memref<125x80xi32, #tpu.memory_space<vmem>> -> memref<1x80xi32, #tpu.memory_space<vmem>>
    %dma_start3A_23 = tpu.memref_squeeze %dma_start3A_22 : memref<1x80xi32, #tpu.memory_space<vmem>> -> memref<80xi32, #tpu.memory_space<vmem>>
    %dma_start3A_24 = arith.constant 0 : i32
    %dma_start3A_25 = arith.constant 0 : i32
    %dma_start3A_26 = tpu.memref_slice %arg2[%dma_start3A_24, %dma_start3A_25] : memref<10000x64xf32, #tpu.memory_space<hbm>> -> memref<10000x64xf32, #tpu.memory_space<hbm>>
    tpu.enqueue_indirect_dma source(%dma_start3A_26 : memref<10000x64xf32, #tpu.memory_space<hbm>>) target(%arg11 : memref<80x64xf32, #tpu.memory_space<vmem>>) offsets(%dma_start3A_23 : memref<80xi32, #tpu.memory_space<vmem>>) semaphore(%arg17 : memref<!tpu.dma_semaphore, #tpu.memory_space<semaphore_mem>>)
    %dma_start3A_27 = arith.constant 3 : i32
    %dma_start3A_28 = arith.constant 0 : i32
    %dma_start3A_29 = tpu.memref_slice %arg7[%dma_start3A_27, %dma_start3A_28] : memref<125x80xi32, #tpu.memory_space<vmem>> -> memref<1x80xi32, #tpu.memory_space<vmem>>
    %dma_start3A_30 = tpu.memref_squeeze %dma_start3A_29 : memref<1x80xi32, #tpu.memory_space<vmem>> -> memref<80xi32, #tpu.memory_space<vmem>>
    %dma_start3A_31 = arith.constant 0 : i32
    %dma_start3A_32 = arith.constant 0 : i32
    %dma_start3A_33 = tpu.memref_slice %arg2[%dma_start3A_31, %dma_start3A_32] : memref<10000x64xf32, #tpu.memory_space<hbm>> -> memref<10000x64xf32, #tpu.memory_space<hbm>>
    tpu.enqueue_indirect_dma source(%dma_start3A_33 : memref<10000x64xf32, #tpu.memory_space<hbm>>) target(%arg12 : memref<80x64xf32, #tpu.memory_space<vmem>>) offsets(%dma_start3A_30 : memref<80xi32, #tpu.memory_space<vmem>>) semaphore(%arg18 : memref<!tpu.dma_semaphore, #tpu.memory_space<semaphore_mem>>)
    %dma_wait3A = arith.constant 0 : i32
    %dma_wait3A_34 = arith.constant 0 : i32
    %dma_wait3A_35 = tpu.memref_slice %arg7[%dma_wait3A, %dma_wait3A_34] : memref<125x80xi32, #tpu.memory_space<vmem>> -> memref<1x80xi32, #tpu.memory_space<vmem>>
    %dma_wait3A_36 = tpu.memref_squeeze %dma_wait3A_35 : memref<1x80xi32, #tpu.memory_space<vmem>> -> memref<80xi32, #tpu.memory_space<vmem>>
    %dma_wait3A_37 = arith.constant 0 : i32
    %dma_wait3A_38 = arith.constant 0 : i32
    %dma_wait3A_39 = tpu.memref_slice %arg2[%dma_wait3A_37, %dma_wait3A_38] : memref<10000x64xf32, #tpu.memory_space<hbm>> -> memref<10000x64xf32, #tpu.memory_space<hbm>>
    tpu.wait_indirect_dma semaphore(%arg15 : memref<!tpu.dma_semaphore, #tpu.memory_space<semaphore_mem>>) src(%dma_wait3A_39 : memref<10000x64xf32, #tpu.memory_space<hbm>>) dst(%arg9 : memref<80x64xf32, #tpu.memory_space<vmem>>)
    %dma_start3A_40 = arith.constant 0 : i32
    %dma_start3A_41 = arith.constant 0 : i32
    %dma_start3A_42 = tpu.memref_slice %arg8[%dma_start3A_40, %dma_start3A_41] : memref<125x80xi32, #tpu.memory_space<vmem>> -> memref<1x80xi32, #tpu.memory_space<vmem>>
    %dma_start3A_43 = tpu.memref_squeeze %dma_start3A_42 : memref<1x80xi32, #tpu.memory_space<vmem>> -> memref<80xi32, #tpu.memory_space<vmem>>
    %dma_start3A_44 = arith.constant 0 : i32
    %dma_start3A_45 = arith.constant 0 : i32
    %dma_start3A_46 = tpu.memref_slice %arg14[%dma_start3A_44, %dma_start3A_45] : memref<10240x64xf32, #tpu.memory_space<vmem_shared>> -> memref<10240x64xf32, #tpu.memory_space<vmem_shared>>
    tpu.enqueue_indirect_dma source(%arg9 : memref<80x64xf32, #tpu.memory_space<vmem>>) target(%dma_start3A_46 : memref<10240x64xf32, #tpu.memory_space<vmem_shared>>) offsets(%dma_start3A_43 : memref<80xi32, #tpu.memory_space<vmem>>) semaphore(%arg20 : memref<!tpu.dma_semaphore, #tpu.memory_space<semaphore_mem>>) {add = true}
    %dma_start3A_47 = arith.constant 4 : i32
    %dma_start3A_48 = arith.constant 0 : i32
    %dma_start3A_49 = tpu.memref_slice %arg7[%dma_start3A_47, %dma_start3A_48] : memref<125x80xi32, #tpu.memory_space<vmem>> -> memref<1x80xi32, #tpu.memory_space<vmem>>
    %dma_start3A_50 = tpu.memref_squeeze %dma_start3A_49 : memref<1x80xi32, #tpu.memory_space<vmem>> -> memref<80xi32, #tpu.memory_space<vmem>>
    %dma_start3A_51 = arith.constant 0 : i32
    %dma_start3A_52 = arith.constant 0 : i32
    %dma_start3A_53 = tpu.memref_slice %arg2[%dma_start3A_51, %dma_start3A_52] : memref<10000x64xf32, #tpu.memory_space<hbm>> -> memref<10000x64xf32, #tpu.memory_space<hbm>>
    tpu.enqueue_indirect_dma source(%dma_start3A_53 : memref<10000x64xf32, #tpu.memory_space<hbm>>) target(%arg13 : memref<80x64xf32, #tpu.memory_space<vmem>>) offsets(%dma_start3A_50 : memref<80xi32, #tpu.memory_space<vmem>>) semaphore(%arg19 : memref<!tpu.dma_semaphore, #tpu.memory_space<semaphore_mem>>)
    %dma_wait3A_54 = arith.constant 0 : i32
    %dma_wait3A_55 = arith.constant 0 : i32
    %dma_wait3A_56 = tpu.memref_slice %arg7[%dma_wait3A_54, %dma_wait3A_55] : memref<125x80xi32, #tpu.memory_space<vmem>> -> memref<1x80xi32, #tpu.memory_space<vmem>>
    %dma_wait3A_57 = tpu.memref_squeeze %dma_wait3A_56 : memref<1x80xi32, #tpu.memory_space<vmem>> -> memref<80xi32, #tpu.memory_space<vmem>>
    %dma_wait3A_58 = arith.constant 0 : i32
    %dma_wait3A_59 = arith.constant 0 : i32
    %dma_wait3A_60 = tpu.memref_slice %arg2[%dma_wait3A_58, %dma_wait3A_59] : memref<10000x64xf32, #tpu.memory_space<hbm>> -> memref<10000x64xf32, #tpu.memory_space<hbm>>
    tpu.wait_indirect_dma semaphore(%arg16 : memref<!tpu.dma_semaphore, #tpu.memory_space<semaphore_mem>>) src(%dma_wait3A_60 : memref<10000x64xf32, #tpu.memory_space<hbm>>) dst(%arg10 : memref<80x64xf32, #tpu.memory_space<vmem>>)
    %dma_start3A_61 = arith.constant 1 : i32
    %dma_start3A_62 = arith.constant 0 : i32
    %dma_start3A_63 = tpu.memref_slice %arg8[%dma_start3A_61, %dma_start3A_62] : memref<125x80xi32, #tpu.memory_space<vmem>> -> memref<1x80xi32, #tpu.memory_space<vmem>>
    %dma_start3A_64 = tpu.memref_squeeze %dma_start3A_63 : memref<1x80xi32, #tpu.memory_space<vmem>> -> memref<80xi32, #tpu.memory_space<vmem>>
    %dma_start3A_65 = arith.constant 0 : i32
    %dma_start3A_66 = arith.constant 0 : i32
    %dma_start3A_67 = tpu.memref_slice %arg14[%dma_start3A_65, %dma_start3A_66] : memref<10240x64xf32, #tpu.memory_space<vmem_shared>> -> memref<10240x64xf32, #tpu.memory_space<vmem_shared>>
    tpu.enqueue_indirect_dma source(%arg10 : memref<80x64xf32, #tpu.memory_space<vmem>>) target(%dma_start3A_67 : memref<10240x64xf32, #tpu.memory_space<vmem_shared>>) offsets(%dma_start3A_64 : memref<80xi32, #tpu.memory_space<vmem>>) semaphore(%arg21 : memref<!tpu.dma_semaphore, #tpu.memory_space<semaphore_mem>>) {add = true}
    %dma_wait3A_68 = arith.constant 0 : i32
    %dma_wait3A_69 = arith.constant 0 : i32
    %dma_wait3A_70 = tpu.memref_slice %arg8[%dma_wait3A_68, %dma_wait3A_69] : memref<125x80xi32, #tpu.memory_space<vmem>> -> memref<1x80xi32, #tpu.memory_space<vmem>>
    %dma_wait3A_71 = tpu.memref_squeeze %dma_wait3A_70 : memref<1x80xi32, #tpu.memory_space<vmem>> -> memref<80xi32, #tpu.memory_space<vmem>>
    %dma_wait3A_72 = arith.constant 0 : i32
    %dma_wait3A_73 = arith.constant 0 : i32
    %dma_wait3A_74 = tpu.memref_slice %arg14[%dma_wait3A_72, %dma_wait3A_73] : memref<10240x64xf32, #tpu.memory_space<vmem_shared>> -> memref<10240x64xf32, #tpu.memory_space<vmem_shared>>
    tpu.wait_indirect_dma semaphore(%arg20 : memref<!tpu.dma_semaphore, #tpu.memory_space<semaphore_mem>>) src(%arg9 : memref<80x64xf32, #tpu.memory_space<vmem>>) dst(%dma_wait3A_74 : memref<10240x64xf32, #tpu.memory_space<vmem_shared>>)
    %dma_start3A_75 = arith.constant 5 : i32
    %dma_start3A_76 = arith.constant 0 : i32
    %dma_start3A_77 = tpu.memref_slice %arg7[%dma_start3A_75, %dma_start3A_76] : memref<125x80xi32, #tpu.memory_space<vmem>> -> memref<1x80xi32, #tpu.memory_space<vmem>>
    %dma_start3A_78 = tpu.memref_squeeze %dma_start3A_77 : memref<1x80xi32, #tpu.memory_space<vmem>> -> memref<80xi32, #tpu.memory_space<vmem>>
    %dma_start3A_79 = arith.constant 0 : i32
    %dma_start3A_80 = arith.constant 0 : i32
    %dma_start3A_81 = tpu.memref_slice %arg2[%dma_start3A_79, %dma_start3A_80] : memref<10000x64xf32, #tpu.memory_space<hbm>> -> memref<10000x64xf32, #tpu.memory_space<hbm>>
    tpu.enqueue_indirect_dma source(%dma_start3A_81 : memref<10000x64xf32, #tpu.memory_space<hbm>>) target(%arg9 : memref<80x64xf32, #tpu.memory_space<vmem>>) offsets(%dma_start3A_78 : memref<80xi32, #tpu.memory_space<vmem>>) semaphore(%arg15 : memref<!tpu.dma_semaphore, #tpu.memory_space<semaphore_mem>>)
    %dma_wait3A_82 = arith.constant 0 : i32
    %dma_wait3A_83 = arith.constant 0 : i32
    %dma_wait3A_84 = tpu.memref_slice %arg7[%dma_wait3A_82, %dma_wait3A_83] : memref<125x80xi32, #tpu.memory_space<vmem>> -> memref<1x80xi32, #tpu.memory_space<vmem>>
    %dma_wait3A_85 = tpu.memref_squeeze %dma_wait3A_84 : memref<1x80xi32, #tpu.memory_space<vmem>> -> memref<80xi32, #tpu.memory_space<vmem>>
    %dma_wait3A_86 = arith.constant 0 : i32
    %dma_wait3A_87 = arith.constant 0 : i32
    %dma_wait3A_88 = tpu.memref_slice %arg2[%dma_wait3A_86, %dma_wait3A_87] : memref<10000x64xf32, #tpu.memory_space<hbm>> -> memref<10000x64xf32, #tpu.memory_space<hbm>>
    tpu.wait_indirect_dma semaphore(%arg17 : memref<!tpu.dma_semaphore, #tpu.memory_space<semaphore_mem>>) src(%dma_wait3A_88 : memref<10000x64xf32, #tpu.memory_space<hbm>>) dst(%arg11 : memref<80x64xf32, #tpu.memory_space<vmem>>)
    %dma_start3A_89 = arith.constant 2 : i32
    %dma_start3A_90 = arith.constant 0 : i32
    %dma_start3A_91 = tpu.memref_slice %arg8[%dma_start3A_89, %dma_start3A_90] : memref<125x80xi32, #tpu.memory_space<vmem>> -> memref<1x80xi32, #tpu.memory_space<vmem>>
    %dma_start3A_92 = tpu.memref_squeeze %dma_start3A_91 : memref<1x80xi32, #tpu.memory_space<vmem>> -> memref<80xi32, #tpu.memory_space<vmem>>
    %dma_start3A_93 = arith.constant 0 : i32
    %dma_start3A_94 = arith.constant 0 : i32
    %dma_start3A_95 = tpu.memref_slice %arg14[%dma_start3A_93, %dma_start3A_94] : memref<10240x64xf32, #tpu.memory_space<vmem_shared>> -> memref<10240x64xf32, #tpu.memory_space<vmem_shared>>
    tpu.enqueue_indirect_dma source(%arg11 : memref<80x64xf32, #tpu.memory_space<vmem>>) target(%dma_start3A_95 : memref<10240x64xf32, #tpu.memory_space<vmem_shared>>) offsets(%dma_start3A_92 : memref<80xi32, #tpu.memory_space<vmem>>) semaphore(%arg22 : memref<!tpu.dma_semaphore, #tpu.memory_space<semaphore_mem>>) {add = true}
    %dma_wait3A_96 = arith.constant 0 : i32
    %dma_wait3A_97 = arith.constant 0 : i32
    %dma_wait3A_98 = tpu.memref_slice %arg8[%dma_wait3A_96, %dma_wait3A_97] : memref<125x80xi32, #tpu.memory_space<vmem>> -> memref<1x80xi32, #tpu.memory_space<vmem>>
    %dma_wait3A_99 = tpu.memref_squeeze %dma_wait3A_98 : memref<1x80xi32, #tpu.memory_space<vmem>> -> memref<80xi32, #tpu.memory_space<vmem>>
    %dma_wait3A_100 = arith.constant 0 : i32
    %dma_wait3A_101 = arith.constant 0 : i32
    %dma_wait3A_102 = tpu.memref_slice %arg14[%dma_wait3A_100, %dma_wait3A_101] : memref<10240x64xf32, #tpu.memory_space<vmem_shared>> -> memref<10240x64xf32, #tpu.memory_space<vmem_shared>>
    tpu.wait_indirect_dma semaphore(%arg21 : memref<!tpu.dma_semaphore, #tpu.memory_space<semaphore_mem>>) src(%arg10 : memref<80x64xf32, #tpu.memory_space<vmem>>) dst(%dma_wait3A_102 : memref<10240x64xf32, #tpu.memory_space<vmem_shared>>)
    %dma_start3A_103 = arith.constant 6 : i32
    %dma_start3A_104 = arith.constant 0 : i32
    %dma_start3A_105 = tpu.memref_slice %arg7[%dma_start3A_103, %dma_start3A_104] : memref<125x80xi32, #tpu.memory_space<vmem>> -> memref<1x80xi32, #tpu.memory_space<vmem>>
    %dma_start3A_106 = tpu.memref_squeeze %dma_start3A_105 : memref<1x80xi32, #tpu.memory_space<vmem>> -> memref<80xi32, #tpu.memory_space<vmem>>
    %dma_start3A_107 = arith.constant 0 : i32
    %dma_start3A_108 = arith.constant 0 : i32
    %dma_start3A_109 = tpu.memref_slice %arg2[%dma_start3A_107, %dma_start3A_108] : memref<10000x64xf32, #tpu.memory_space<hbm>> -> memref<10000x64xf32, #tpu.memory_space<hbm>>
    tpu.enqueue_indirect_dma source(%dma_start3A_109 : memref<10000x64xf32, #tpu.memory_space<hbm>>) target(%arg10 : memref<80x64xf32, #tpu.memory_space<vmem>>) offsets(%dma_start3A_106 : memref<80xi32, #tpu.memory_space<vmem>>) semaphore(%arg16 : memref<!tpu.dma_semaphore, #tpu.memory_space<semaphore_mem>>)
    %dma_wait3A_110 = arith.constant 0 : i32
    %dma_wait3A_111 = arith.constant 0 : i32
    %dma_wait3A_112 = tpu.memref_slice %arg7[%dma_wait3A_110, %dma_wait3A_111] : memref<125x80xi32, #tpu.memory_space<vmem>> -> memref<1x80xi32, #tpu.memory_space<vmem>>
    %dma_wait3A_113 = tpu.memref_squeeze %dma_wait3A_112 : memref<1x80xi32, #tpu.memory_space<vmem>> -> memref<80xi32, #tpu.memory_space<vmem>>
    %dma_wait3A_114 = arith.constant 0 : i32
    %dma_wait3A_115 = arith.constant 0 : i32
    %dma_wait3A_116 = tpu.memref_slice %arg2[%dma_wait3A_114, %dma_wait3A_115] : memref<10000x64xf32, #tpu.memory_space<hbm>> -> memref<10000x64xf32, #tpu.memory_space<hbm>>
    tpu.wait_indirect_dma semaphore(%arg18 : memref<!tpu.dma_semaphore, #tpu.memory_space<semaphore_mem>>) src(%dma_wait3A_116 : memref<10000x64xf32, #tpu.memory_space<hbm>>) dst(%arg12 : memref<80x64xf32, #tpu.memory_space<vmem>>)
    %dma_start3A_117 = arith.constant 3 : i32
    %dma_start3A_118 = arith.constant 0 : i32
    %dma_start3A_119 = tpu.memref_slice %arg8[%dma_start3A_117, %dma_start3A_118] : memref<125x80xi32, #tpu.memory_space<vmem>> -> memref<1x80xi32, #tpu.memory_space<vmem>>
    %dma_start3A_120 = tpu.memref_squeeze %dma_start3A_119 : memref<1x80xi32, #tpu.memory_space<vmem>> -> memref<80xi32, #tpu.memory_space<vmem>>
    %dma_start3A_121 = arith.constant 0 : i32
    %dma_start3A_122 = arith.constant 0 : i32
    %dma_start3A_123 = tpu.memref_slice %arg14[%dma_start3A_121, %dma_start3A_122] : memref<10240x64xf32, #tpu.memory_space<vmem_shared>> -> memref<10240x64xf32, #tpu.memory_space<vmem_shared>>
    tpu.enqueue_indirect_dma source(%arg12 : memref<80x64xf32, #tpu.memory_space<vmem>>) target(%dma_start3A_123 : memref<10240x64xf32, #tpu.memory_space<vmem_shared>>) offsets(%dma_start3A_120 : memref<80xi32, #tpu.memory_space<vmem>>) semaphore(%arg23 : memref<!tpu.dma_semaphore, #tpu.memory_space<semaphore_mem>>) {add = true}
    %dma_wait3A_124 = arith.constant 0 : i32
    %dma_wait3A_125 = arith.constant 0 : i32
    %dma_wait3A_126 = tpu.memref_slice %arg8[%dma_wait3A_124, %dma_wait3A_125] : memref<125x80xi32, #tpu.memory_space<vmem>> -> memref<1x80xi32, #tpu.memory_space<vmem>>
    %dma_wait3A_127 = tpu.memref_squeeze %dma_wait3A_126 : memref<1x80xi32, #tpu.memory_space<vmem>> -> memref<80xi32, #tpu.memory_space<vmem>>
    %dma_wait3A_128 = arith.constant 0 : i32
    %dma_wait3A_129 = arith.constant 0 : i32
    %dma_wait3A_130 = tpu.memref_slice %arg14[%dma_wait3A_128, %dma_wait3A_129] : memref<10240x64xf32, #tpu.memory_space<vmem_shared>> -> memref<10240x64xf32, #tpu.memory_space<vmem_shared>>
    tpu.wait_indirect_dma semaphore(%arg22 : memref<!tpu.dma_semaphore, #tpu.memory_space<semaphore_mem>>) src(%arg11 : memref<80x64xf32, #tpu.memory_space<vmem>>) dst(%dma_wait3A_130 : memref<10240x64xf32, #tpu.memory_space<vmem_shared>>)
    %dma_start3A_131 = arith.constant 7 : i32
    %dma_start3A_132 = arith.constant 0 : i32
    %dma_start3A_133 = tpu.memref_slice %arg7[%dma_start3A_131, %dma_start3A_132] : memref<125x80xi32, #tpu.memory_space<vmem>> -> memref<1x80xi32, #tpu.memory_space<vmem>>
    %dma_start3A_134 = tpu.memref_squeeze %dma_start3A_133 : memref<1x80xi32, #tpu.memory_space<vmem>> -> memref<80xi32, #tpu.memory_space<vmem>>
    %dma_start3A_135 = arith.constant 0 : i32
    %dma_start3A_136 = arith.constant 0 : i32
    %dma_start3A_137 = tpu.memref_slice %arg2[%dma_start3A_135, %dma_start3A_136] : memref<10000x64xf32, #tpu.memory_space<hbm>> -> memref<10000x64xf32, #tpu.memory_space<hbm>>
    tpu.enqueue_indirect_dma source(%dma_start3A_137 : memref<10000x64xf32, #tpu.memory_space<hbm>>) target(%arg11 : memref<80x64xf32, #tpu.memory_space<vmem>>) offsets(%dma_start3A_134 : memref<80xi32, #tpu.memory_space<vmem>>) semaphore(%arg17 : memref<!tpu.dma_semaphore, #tpu.memory_space<semaphore_mem>>)
    %dma_wait3A_138 = arith.constant 0 : i32
    %dma_wait3A_139 = arith.constant 0 : i32
    %dma_wait3A_140 = tpu.memref_slice %arg7[%dma_wait3A_138, %dma_wait3A_139] : memref<125x80xi32, #tpu.memory_space<vmem>> -> memref<1x80xi32, #tpu.memory_space<vmem>>
    %dma_wait3A_141 = tpu.memref_squeeze %dma_wait3A_140 : memref<1x80xi32, #tpu.memory_space<vmem>> -> memref<80xi32, #tpu.memory_space<vmem>>
    %dma_wait3A_142 = arith.constant 0 : i32
    %dma_wait3A_143 = arith.constant 0 : i32
    %dma_wait3A_144 = tpu.memref_slice %arg2[%dma_wait3A_142, %dma_wait3A_143] : memref<10000x64xf32, #tpu.memory_space<hbm>> -> memref<10000x64xf32, #tpu.memory_space<hbm>>
    tpu.wait_indirect_dma semaphore(%arg19 : memref<!tpu.dma_semaphore, #tpu.memory_space<semaphore_mem>>) src(%dma_wait3A_144 : memref<10000x64xf32, #tpu.memory_space<hbm>>) dst(%arg13 : memref<80x64xf32, #tpu.memory_space<vmem>>)
    %dma_start3A_145 = arith.constant 4 : i32
    %dma_start3A_146 = arith.constant 0 : i32
    %dma_start3A_147 = tpu.memref_slice %arg8[%dma_start3A_145, %dma_start3A_146] : memref<125x80xi32, #tpu.memory_space<vmem>> -> memref<1x80xi32, #tpu.memory_space<vmem>>
    %dma_start3A_148 = tpu.memref_squeeze %dma_start3A_147 : memref<1x80xi32, #tpu.memory_space<vmem>> -> memref<80xi32, #tpu.memory_space<vmem>>
    %dma_start3A_149 = arith.constant 0 : i32
    %dma_start3A_150 = arith.constant 0 : i32
    %dma_start3A_151 = tpu.memref_slice %arg14[%dma_start3A_149, %dma_start3A_150] : memref<10240x64xf32, #tpu.memory_space<vmem_shared>> -> memref<10240x64xf32, #tpu.memory_space<vmem_shared>>
    tpu.enqueue_indirect_dma source(%arg13 : memref<80x64xf32, #tpu.memory_space<vmem>>) target(%dma_start3A_151 : memref<10240x64xf32, #tpu.memory_space<vmem_shared>>) offsets(%dma_start3A_148 : memref<80xi32, #tpu.memory_space<vmem>>) semaphore(%arg24 : memref<!tpu.dma_semaphore, #tpu.memory_space<semaphore_mem>>) {add = true}
    %scan3A = arith.constant 0 : i32
    %scan3A_152 = arith.constant 1 : i32
    %scan3A_153 = arith.constant 23 : i32
    %scan3A_154 = arith.addi %scan3A_152, %scan3A_153 : i32
    %scan3A_155 = arith.constant 1 : i32
    %scan3A_156 = scf.for %scan3A_298 = %scan3A_152 to %scan3A_154 step %scan3A_155 iter_args(%scan3A_299 = %scan3A) -> (i32)  : i32 {
      %mul3A_300 = arith.constant 5 : i32
      %mul3A_301 = arith.muli %scan3A_298, %mul3A_300 : i32
      %add3A = arith.constant 0 : i32
      %add3A_302 = arith.addi %mul3A_301, %add3A : i32
      %dma_wait3A_303 = arith.constant 0 : i32
      %dma_wait3A_304 = arith.constant 0 : i32
      %dma_wait3A_305 = tpu.memref_slice %arg8[%dma_wait3A_303, %dma_wait3A_304] : memref<125x80xi32, #tpu.memory_space<vmem>> -> memref<1x80xi32, #tpu.memory_space<vmem>>
      %dma_wait3A_306 = tpu.memref_squeeze %dma_wait3A_305 : memref<1x80xi32, #tpu.memory_space<vmem>> -> memref<80xi32, #tpu.memory_space<vmem>>
      %dma_wait3A_307 = arith.constant 0 : i32
      %dma_wait3A_308 = arith.constant 0 : i32
      %dma_wait3A_309 = tpu.memref_slice %arg14[%dma_wait3A_307, %dma_wait3A_308] : memref<10240x64xf32, #tpu.memory_space<vmem_shared>> -> memref<10240x64xf32, #tpu.memory_space<vmem_shared>>
      tpu.wait_indirect_dma semaphore(%arg23 : memref<!tpu.dma_semaphore, #tpu.memory_space<semaphore_mem>>) src(%arg12 : memref<80x64xf32, #tpu.memory_space<vmem>>) dst(%dma_wait3A_309 : memref<10240x64xf32, #tpu.memory_space<vmem_shared>>)
      %add3A_310 = arith.constant 3 : i32
      %add3A_311 = arith.addi %add3A_302, %add3A_310 : i32
      %dma_start3A_312 = arith.constant 0 : i32
      %dma_start3A_313 = tpu.memref_slice %arg7[%add3A_311, %dma_start3A_312] : memref<125x80xi32, #tpu.memory_space<vmem>> -> memref<1x80xi32, #tpu.memory_space<vmem>>
      %dma_start3A_314 = tpu.memref_squeeze %dma_start3A_313 : memref<1x80xi32, #tpu.memory_space<vmem>> -> memref<80xi32, #tpu.memory_space<vmem>>
      %dma_start3A_315 = arith.constant 0 : i32
      %dma_start3A_316 = arith.constant 0 : i32
      %dma_start3A_317 = tpu.memref_slice %arg2[%dma_start3A_315, %dma_start3A_316] : memref<10000x64xf32, #tpu.memory_space<hbm>> -> memref<10000x64xf32, #tpu.memory_space<hbm>>
      tpu.enqueue_indirect_dma source(%dma_start3A_317 : memref<10000x64xf32, #tpu.memory_space<hbm>>) target(%arg12 : memref<80x64xf32, #tpu.memory_space<vmem>>) offsets(%dma_start3A_314 : memref<80xi32, #tpu.memory_space<vmem>>) semaphore(%arg18 : memref<!tpu.dma_semaphore, #tpu.memory_space<semaphore_mem>>)
      %dma_wait3A_318 = arith.constant 0 : i32
      %dma_wait3A_319 = arith.constant 0 : i32
      %dma_wait3A_320 = tpu.memref_slice %arg7[%dma_wait3A_318, %dma_wait3A_319] : memref<125x80xi32, #tpu.memory_space<vmem>> -> memref<1x80xi32, #tpu.memory_space<vmem>>
      %dma_wait3A_321 = tpu.memref_squeeze %dma_wait3A_320 : memref<1x80xi32, #tpu.memory_space<vmem>> -> memref<80xi32, #tpu.memory_space<vmem>>
      %dma_wait3A_322 = arith.constant 0 : i32
      %dma_wait3A_323 = arith.constant 0 : i32
      %dma_wait3A_324 = tpu.memref_slice %arg2[%dma_wait3A_322, %dma_wait3A_323] : memref<10000x64xf32, #tpu.memory_space<hbm>> -> memref<10000x64xf32, #tpu.memory_space<hbm>>
      tpu.wait_indirect_dma semaphore(%arg15 : memref<!tpu.dma_semaphore, #tpu.memory_space<semaphore_mem>>) src(%dma_wait3A_324 : memref<10000x64xf32, #tpu.memory_space<hbm>>) dst(%arg9 : memref<80x64xf32, #tpu.memory_space<vmem>>)
      %dma_start3A_325 = arith.constant 0 : i32
      %dma_start3A_326 = tpu.memref_slice %arg8[%add3A_302, %dma_start3A_325] : memref<125x80xi32, #tpu.memory_space<vmem>> -> memref<1x80xi32, #tpu.memory_space<vmem>>
      %dma_start3A_327 = tpu.memref_squeeze %dma_start3A_326 : memref<1x80xi32, #tpu.memory_space<vmem>> -> memref<80xi32, #tpu.memory_space<vmem>>
      %dma_start3A_328 = arith.constant 0 : i32
      %dma_start3A_329 = arith.constant 0 : i32
      %dma_start3A_330 = tpu.memref_slice %arg14[%dma_start3A_328, %dma_start3A_329] : memref<10240x64xf32, #tpu.memory_space<vmem_shared>> -> memref<10240x64xf32, #tpu.memory_space<vmem_shared>>
      tpu.enqueue_indirect_dma source(%arg9 : memref<80x64xf32, #tpu.memory_space<vmem>>) target(%dma_start3A_330 : memref<10240x64xf32, #tpu.memory_space<vmem_shared>>) offsets(%dma_start3A_327 : memref<80xi32, #tpu.memory_space<vmem>>) semaphore(%arg20 : memref<!tpu.dma_semaphore, #tpu.memory_space<semaphore_mem>>) {add = true}
      %mul3A_331 = arith.constant 5 : i32
      %mul3A_332 = arith.muli %scan3A_298, %mul3A_331 : i32
      %add3A_333 = arith.constant 1 : i32
      %add3A_334 = arith.addi %mul3A_332, %add3A_333 : i32
      %dma_wait3A_335 = arith.constant 0 : i32
      %dma_wait3A_336 = arith.constant 0 : i32
      %dma_wait3A_337 = tpu.memref_slice %arg8[%dma_wait3A_335, %dma_wait3A_336] : memref<125x80xi32, #tpu.memory_space<vmem>> -> memref<1x80xi32, #tpu.memory_space<vmem>>
      %dma_wait3A_338 = tpu.memref_squeeze %dma_wait3A_337 : memref<1x80xi32, #tpu.memory_space<vmem>> -> memref<80xi32, #tpu.memory_space<vmem>>
      %dma_wait3A_339 = arith.constant 0 : i32
      %dma_wait3A_340 = arith.constant 0 : i32
      %dma_wait3A_341 = tpu.memref_slice %arg14[%dma_wait3A_339, %dma_wait3A_340] : memref<10240x64xf32, #tpu.memory_space<vmem_shared>> -> memref<10240x64xf32, #tpu.memory_space<vmem_shared>>
      tpu.wait_indirect_dma semaphore(%arg24 : memref<!tpu.dma_semaphore, #tpu.memory_space<semaphore_mem>>) src(%arg13 : memref<80x64xf32, #tpu.memory_space<vmem>>) dst(%dma_wait3A_341 : memref<10240x64xf32, #tpu.memory_space<vmem_shared>>)
      %add3A_342 = arith.constant 3 : i32
      %add3A_343 = arith.addi %add3A_334, %add3A_342 : i32
      %dma_start3A_344 = arith.constant 0 : i32
      %dma_start3A_345 = tpu.memref_slice %arg7[%add3A_343, %dma_start3A_344] : memref<125x80xi32, #tpu.memory_space<vmem>> -> memref<1x80xi32, #tpu.memory_space<vmem>>
      %dma_start3A_346 = tpu.memref_squeeze %dma_start3A_345 : memref<1x80xi32, #tpu.memory_space<vmem>> -> memref<80xi32, #tpu.memory_space<vmem>>
      %dma_start3A_347 = arith.constant 0 : i32
      %dma_start3A_348 = arith.constant 0 : i32
      %dma_start3A_349 = tpu.memref_slice %arg2[%dma_start3A_347, %dma_start3A_348] : memref<10000x64xf32, #tpu.memory_space<hbm>> -> memref<10000x64xf32, #tpu.memory_space<hbm>>
      tpu.enqueue_indirect_dma source(%dma_start3A_349 : memref<10000x64xf32, #tpu.memory_space<hbm>>) target(%arg13 : memref<80x64xf32, #tpu.memory_space<vmem>>) offsets(%dma_start3A_346 : memref<80xi32, #tpu.memory_space<vmem>>) semaphore(%arg19 : memref<!tpu.dma_semaphore, #tpu.memory_space<semaphore_mem>>)
      %dma_wait3A_350 = arith.constant 0 : i32
      %dma_wait3A_351 = arith.constant 0 : i32
      %dma_wait3A_352 = tpu.memref_slice %arg7[%dma_wait3A_350, %dma_wait3A_351] : memref<125x80xi32, #tpu.memory_space<vmem>> -> memref<1x80xi32, #tpu.memory_space<vmem>>
      %dma_wait3A_353 = tpu.memref_squeeze %dma_wait3A_352 : memref<1x80xi32, #tpu.memory_space<vmem>> -> memref<80xi32, #tpu.memory_space<vmem>>
      %dma_wait3A_354 = arith.constant 0 : i32
      %dma_wait3A_355 = arith.constant 0 : i32
      %dma_wait3A_356 = tpu.memref_slice %arg2[%dma_wait3A_354, %dma_wait3A_355] : memref<10000x64xf32, #tpu.memory_space<hbm>> -> memref<10000x64xf32, #tpu.memory_space<hbm>>
      tpu.wait_indirect_dma semaphore(%arg16 : memref<!tpu.dma_semaphore, #tpu.memory_space<semaphore_mem>>) src(%dma_wait3A_356 : memref<10000x64xf32, #tpu.memory_space<hbm>>) dst(%arg10 : memref<80x64xf32, #tpu.memory_space<vmem>>)
      %dma_start3A_357 = arith.constant 0 : i32
      %dma_start3A_358 = tpu.memref_slice %arg8[%add3A_334, %dma_start3A_357] : memref<125x80xi32, #tpu.memory_space<vmem>> -> memref<1x80xi32, #tpu.memory_space<vmem>>
      %dma_start3A_359 = tpu.memref_squeeze %dma_start3A_358 : memref<1x80xi32, #tpu.memory_space<vmem>> -> memref<80xi32, #tpu.memory_space<vmem>>
      %dma_start3A_360 = arith.constant 0 : i32
      %dma_start3A_361 = arith.constant 0 : i32
      %dma_start3A_362 = tpu.memref_slice %arg14[%dma_start3A_360, %dma_start3A_361] : memref<10240x64xf32, #tpu.memory_space<vmem_shared>> -> memref<10240x64xf32, #tpu.memory_space<vmem_shared>>
      tpu.enqueue_indirect_dma source(%arg10 : memref<80x64xf32, #tpu.memory_space<vmem>>) target(%dma_start3A_362 : memref<10240x64xf32, #tpu.memory_space<vmem_shared>>) offsets(%dma_start3A_359 : memref<80xi32, #tpu.memory_space<vmem>>) semaphore(%arg21 : memref<!tpu.dma_semaphore, #tpu.memory_space<semaphore_mem>>) {add = true}
      %mul3A_363 = arith.constant 5 : i32
      %mul3A_364 = arith.muli %scan3A_298, %mul3A_363 : i32
      %add3A_365 = arith.constant 2 : i32
      %add3A_366 = arith.addi %mul3A_364, %add3A_365 : i32
      %dma_wait3A_367 = arith.constant 0 : i32
      %dma_wait3A_368 = arith.constant 0 : i32
      %dma_wait3A_369 = tpu.memref_slice %arg8[%dma_wait3A_367, %dma_wait3A_368] : memref<125x80xi32, #tpu.memory_space<vmem>> -> memref<1x80xi32, #tpu.memory_space<vmem>>
      %dma_wait3A_370 = tpu.memref_squeeze %dma_wait3A_369 : memref<1x80xi32, #tpu.memory_space<vmem>> -> memref<80xi32, #tpu.memory_space<vmem>>
      %dma_wait3A_371 = arith.constant 0 : i32
      %dma_wait3A_372 = arith.constant 0 : i32
      %dma_wait3A_373 = tpu.memref_slice %arg14[%dma_wait3A_371, %dma_wait3A_372] : memref<10240x64xf32, #tpu.memory_space<vmem_shared>> -> memref<10240x64xf32, #tpu.memory_space<vmem_shared>>
      tpu.wait_indirect_dma semaphore(%arg20 : memref<!tpu.dma_semaphore, #tpu.memory_space<semaphore_mem>>) src(%arg9 : memref<80x64xf32, #tpu.memory_space<vmem>>) dst(%dma_wait3A_373 : memref<10240x64xf32, #tpu.memory_space<vmem_shared>>)
      %add3A_374 = arith.constant 3 : i32
      %add3A_375 = arith.addi %add3A_366, %add3A_374 : i32
      %dma_start3A_376 = arith.constant 0 : i32
      %dma_start3A_377 = tpu.memref_slice %arg7[%add3A_375, %dma_start3A_376] : memref<125x80xi32, #tpu.memory_space<vmem>> -> memref<1x80xi32, #tpu.memory_space<vmem>>
      %dma_start3A_378 = tpu.memref_squeeze %dma_start3A_377 : memref<1x80xi32, #tpu.memory_space<vmem>> -> memref<80xi32, #tpu.memory_space<vmem>>
      %dma_start3A_379 = arith.constant 0 : i32
      %dma_start3A_380 = arith.constant 0 : i32
      %dma_start3A_381 = tpu.memref_slice %arg2[%dma_start3A_379, %dma_start3A_380] : memref<10000x64xf32, #tpu.memory_space<hbm>> -> memref<10000x64xf32, #tpu.memory_space<hbm>>
      tpu.enqueue_indirect_dma source(%dma_start3A_381 : memref<10000x64xf32, #tpu.memory_space<hbm>>) target(%arg9 : memref<80x64xf32, #tpu.memory_space<vmem>>) offsets(%dma_start3A_378 : memref<80xi32, #tpu.memory_space<vmem>>) semaphore(%arg15 : memref<!tpu.dma_semaphore, #tpu.memory_space<semaphore_mem>>)
      %dma_wait3A_382 = arith.constant 0 : i32
      %dma_wait3A_383 = arith.constant 0 : i32
      %dma_wait3A_384 = tpu.memref_slice %arg7[%dma_wait3A_382, %dma_wait3A_383] : memref<125x80xi32, #tpu.memory_space<vmem>> -> memref<1x80xi32, #tpu.memory_space<vmem>>
      %dma_wait3A_385 = tpu.memref_squeeze %dma_wait3A_384 : memref<1x80xi32, #tpu.memory_space<vmem>> -> memref<80xi32, #tpu.memory_space<vmem>>
      %dma_wait3A_386 = arith.constant 0 : i32
      %dma_wait3A_387 = arith.constant 0 : i32
      %dma_wait3A_388 = tpu.memref_slice %arg2[%dma_wait3A_386, %dma_wait3A_387] : memref<10000x64xf32, #tpu.memory_space<hbm>> -> memref<10000x64xf32, #tpu.memory_space<hbm>>
      tpu.wait_indirect_dma semaphore(%arg17 : memref<!tpu.dma_semaphore, #tpu.memory_space<semaphore_mem>>) src(%dma_wait3A_388 : memref<10000x64xf32, #tpu.memory_space<hbm>>) dst(%arg11 : memref<80x64xf32, #tpu.memory_space<vmem>>)
      %dma_start3A_389 = arith.constant 0 : i32
      %dma_start3A_390 = tpu.memref_slice %arg8[%add3A_366, %dma_start3A_389] : memref<125x80xi32, #tpu.memory_space<vmem>> -> memref<1x80xi32, #tpu.memory_space<vmem>>
      %dma_start3A_391 = tpu.memref_squeeze %dma_start3A_390 : memref<1x80xi32, #tpu.memory_space<vmem>> -> memref<80xi32, #tpu.memory_space<vmem>>
      %dma_start3A_392 = arith.constant 0 : i32
      %dma_start3A_393 = arith.constant 0 : i32
      %dma_start3A_394 = tpu.memref_slice %arg14[%dma_start3A_392, %dma_start3A_393] : memref<10240x64xf32, #tpu.memory_space<vmem_shared>> -> memref<10240x64xf32, #tpu.memory_space<vmem_shared>>
      tpu.enqueue_indirect_dma source(%arg11 : memref<80x64xf32, #tpu.memory_space<vmem>>) target(%dma_start3A_394 : memref<10240x64xf32, #tpu.memory_space<vmem_shared>>) offsets(%dma_start3A_391 : memref<80xi32, #tpu.memory_space<vmem>>) semaphore(%arg22 : memref<!tpu.dma_semaphore, #tpu.memory_space<semaphore_mem>>) {add = true}
      %mul3A_395 = arith.constant 5 : i32
      %mul3A_396 = arith.muli %scan3A_298, %mul3A_395 : i32
      %add3A_397 = arith.constant 3 : i32
      %add3A_398 = arith.addi %mul3A_396, %add3A_397 : i32
      %dma_wait3A_399 = arith.constant 0 : i32
      %dma_wait3A_400 = arith.constant 0 : i32
      %dma_wait3A_401 = tpu.memref_slice %arg8[%dma_wait3A_399, %dma_wait3A_400] : memref<125x80xi32, #tpu.memory_space<vmem>> -> memref<1x80xi32, #tpu.memory_space<vmem>>
      %dma_wait3A_402 = tpu.memref_squeeze %dma_wait3A_401 : memref<1x80xi32, #tpu.memory_space<vmem>> -> memref<80xi32, #tpu.memory_space<vmem>>
      %dma_wait3A_403 = arith.constant 0 : i32
      %dma_wait3A_404 = arith.constant 0 : i32
      %dma_wait3A_405 = tpu.memref_slice %arg14[%dma_wait3A_403, %dma_wait3A_404] : memref<10240x64xf32, #tpu.memory_space<vmem_shared>> -> memref<10240x64xf32, #tpu.memory_space<vmem_shared>>
      tpu.wait_indirect_dma semaphore(%arg21 : memref<!tpu.dma_semaphore, #tpu.memory_space<semaphore_mem>>) src(%arg10 : memref<80x64xf32, #tpu.memory_space<vmem>>) dst(%dma_wait3A_405 : memref<10240x64xf32, #tpu.memory_space<vmem_shared>>)
      %add3A_406 = arith.constant 3 : i32
      %add3A_407 = arith.addi %add3A_398, %add3A_406 : i32
      %dma_start3A_408 = arith.constant 0 : i32
      %dma_start3A_409 = tpu.memref_slice %arg7[%add3A_407, %dma_start3A_408] : memref<125x80xi32, #tpu.memory_space<vmem>> -> memref<1x80xi32, #tpu.memory_space<vmem>>
      %dma_start3A_410 = tpu.memref_squeeze %dma_start3A_409 : memref<1x80xi32, #tpu.memory_space<vmem>> -> memref<80xi32, #tpu.memory_space<vmem>>
      %dma_start3A_411 = arith.constant 0 : i32
      %dma_start3A_412 = arith.constant 0 : i32
      %dma_start3A_413 = tpu.memref_slice %arg2[%dma_start3A_411, %dma_start3A_412] : memref<10000x64xf32, #tpu.memory_space<hbm>> -> memref<10000x64xf32, #tpu.memory_space<hbm>>
      tpu.enqueue_indirect_dma source(%dma_start3A_413 : memref<10000x64xf32, #tpu.memory_space<hbm>>) target(%arg10 : memref<80x64xf32, #tpu.memory_space<vmem>>) offsets(%dma_start3A_410 : memref<80xi32, #tpu.memory_space<vmem>>) semaphore(%arg16 : memref<!tpu.dma_semaphore, #tpu.memory_space<semaphore_mem>>)
      %dma_wait3A_414 = arith.constant 0 : i32
      %dma_wait3A_415 = arith.constant 0 : i32
      %dma_wait3A_416 = tpu.memref_slice %arg7[%dma_wait3A_414, %dma_wait3A_415] : memref<125x80xi32, #tpu.memory_space<vmem>> -> memref<1x80xi32, #tpu.memory_space<vmem>>
      %dma_wait3A_417 = tpu.memref_squeeze %dma_wait3A_416 : memref<1x80xi32, #tpu.memory_space<vmem>> -> memref<80xi32, #tpu.memory_space<vmem>>
      %dma_wait3A_418 = arith.constant 0 : i32
      %dma_wait3A_419 = arith.constant 0 : i32
      %dma_wait3A_420 = tpu.memref_slice %arg2[%dma_wait3A_418, %dma_wait3A_419] : memref<10000x64xf32, #tpu.memory_space<hbm>> -> memref<10000x64xf32, #tpu.memory_space<hbm>>
      tpu.wait_indirect_dma semaphore(%arg18 : memref<!tpu.dma_semaphore, #tpu.memory_space<semaphore_mem>>) src(%dma_wait3A_420 : memref<10000x64xf32, #tpu.memory_space<hbm>>) dst(%arg12 : memref<80x64xf32, #tpu.memory_space<vmem>>)
      %dma_start3A_421 = arith.constant 0 : i32
      %dma_start3A_422 = tpu.memref_slice %arg8[%add3A_398, %dma_start3A_421] : memref<125x80xi32, #tpu.memory_space<vmem>> -> memref<1x80xi32, #tpu.memory_space<vmem>>
      %dma_start3A_423 = tpu.memref_squeeze %dma_start3A_422 : memref<1x80xi32, #tpu.memory_space<vmem>> -> memref<80xi32, #tpu.memory_space<vmem>>
      %dma_start3A_424 = arith.constant 0 : i32
      %dma_start3A_425 = arith.constant 0 : i32
      %dma_start3A_426 = tpu.memref_slice %arg14[%dma_start3A_424, %dma_start3A_425] : memref<10240x64xf32, #tpu.memory_space<vmem_shared>> -> memref<10240x64xf32, #tpu.memory_space<vmem_shared>>
      tpu.enqueue_indirect_dma source(%arg12 : memref<80x64xf32, #tpu.memory_space<vmem>>) target(%dma_start3A_426 : memref<10240x64xf32, #tpu.memory_space<vmem_shared>>) offsets(%dma_start3A_423 : memref<80xi32, #tpu.memory_space<vmem>>) semaphore(%arg23 : memref<!tpu.dma_semaphore, #tpu.memory_space<semaphore_mem>>) {add = true}
      %mul3A_427 = arith.constant 5 : i32
      %mul3A_428 = arith.muli %scan3A_298, %mul3A_427 : i32
      %add3A_429 = arith.constant 4 : i32
      %add3A_430 = arith.addi %mul3A_428, %add3A_429 : i32
      %dma_wait3A_431 = arith.constant 0 : i32
      %dma_wait3A_432 = arith.constant 0 : i32
      %dma_wait3A_433 = tpu.memref_slice %arg8[%dma_wait3A_431, %dma_wait3A_432] : memref<125x80xi32, #tpu.memory_space<vmem>> -> memref<1x80xi32, #tpu.memory_space<vmem>>
      %dma_wait3A_434 = tpu.memref_squeeze %dma_wait3A_433 : memref<1x80xi32, #tpu.memory_space<vmem>> -> memref<80xi32, #tpu.memory_space<vmem>>
      %dma_wait3A_435 = arith.constant 0 : i32
      %dma_wait3A_436 = arith.constant 0 : i32
      %dma_wait3A_437 = tpu.memref_slice %arg14[%dma_wait3A_435, %dma_wait3A_436] : memref<10240x64xf32, #tpu.memory_space<vmem_shared>> -> memref<10240x64xf32, #tpu.memory_space<vmem_shared>>
      tpu.wait_indirect_dma semaphore(%arg22 : memref<!tpu.dma_semaphore, #tpu.memory_space<semaphore_mem>>) src(%arg11 : memref<80x64xf32, #tpu.memory_space<vmem>>) dst(%dma_wait3A_437 : memref<10240x64xf32, #tpu.memory_space<vmem_shared>>)
      %add3A_438 = arith.constant 3 : i32
      %add3A_439 = arith.addi %add3A_430, %add3A_438 : i32
      %dma_start3A_440 = arith.constant 0 : i32
      %dma_start3A_441 = tpu.memref_slice %arg7[%add3A_439, %dma_start3A_440] : memref<125x80xi32, #tpu.memory_space<vmem>> -> memref<1x80xi32, #tpu.memory_space<vmem>>
      %dma_start3A_442 = tpu.memref_squeeze %dma_start3A_441 : memref<1x80xi32, #tpu.memory_space<vmem>> -> memref<80xi32, #tpu.memory_space<vmem>>
      %dma_start3A_443 = arith.constant 0 : i32
      %dma_start3A_444 = arith.constant 0 : i32
      %dma_start3A_445 = tpu.memref_slice %arg2[%dma_start3A_443, %dma_start3A_444] : memref<10000x64xf32, #tpu.memory_space<hbm>> -> memref<10000x64xf32, #tpu.memory_space<hbm>>
      tpu.enqueue_indirect_dma source(%dma_start3A_445 : memref<10000x64xf32, #tpu.memory_space<hbm>>) target(%arg11 : memref<80x64xf32, #tpu.memory_space<vmem>>) offsets(%dma_start3A_442 : memref<80xi32, #tpu.memory_space<vmem>>) semaphore(%arg17 : memref<!tpu.dma_semaphore, #tpu.memory_space<semaphore_mem>>)
      %dma_wait3A_446 = arith.constant 0 : i32
      %dma_wait3A_447 = arith.constant 0 : i32
      %dma_wait3A_448 = tpu.memref_slice %arg7[%dma_wait3A_446, %dma_wait3A_447] : memref<125x80xi32, #tpu.memory_space<vmem>> -> memref<1x80xi32, #tpu.memory_space<vmem>>
      %dma_wait3A_449 = tpu.memref_squeeze %dma_wait3A_448 : memref<1x80xi32, #tpu.memory_space<vmem>> -> memref<80xi32, #tpu.memory_space<vmem>>
      %dma_wait3A_450 = arith.constant 0 : i32
      %dma_wait3A_451 = arith.constant 0 : i32
      %dma_wait3A_452 = tpu.memref_slice %arg2[%dma_wait3A_450, %dma_wait3A_451] : memref<10000x64xf32, #tpu.memory_space<hbm>> -> memref<10000x64xf32, #tpu.memory_space<hbm>>
      tpu.wait_indirect_dma semaphore(%arg19 : memref<!tpu.dma_semaphore, #tpu.memory_space<semaphore_mem>>) src(%dma_wait3A_452 : memref<10000x64xf32, #tpu.memory_space<hbm>>) dst(%arg13 : memref<80x64xf32, #tpu.memory_space<vmem>>)
      %dma_start3A_453 = arith.constant 0 : i32
      %dma_start3A_454 = tpu.memref_slice %arg8[%add3A_430, %dma_start3A_453] : memref<125x80xi32, #tpu.memory_space<vmem>> -> memref<1x80xi32, #tpu.memory_space<vmem>>
      %dma_start3A_455 = tpu.memref_squeeze %dma_start3A_454 : memref<1x80xi32, #tpu.memory_space<vmem>> -> memref<80xi32, #tpu.memory_space<vmem>>
      %dma_start3A_456 = arith.constant 0 : i32
      %dma_start3A_457 = arith.constant 0 : i32
      %dma_start3A_458 = tpu.memref_slice %arg14[%dma_start3A_456, %dma_start3A_457] : memref<10240x64xf32, #tpu.memory_space<vmem_shared>> -> memref<10240x64xf32, #tpu.memory_space<vmem_shared>>
      tpu.enqueue_indirect_dma source(%arg13 : memref<80x64xf32, #tpu.memory_space<vmem>>) target(%dma_start3A_458 : memref<10240x64xf32, #tpu.memory_space<vmem_shared>>) offsets(%dma_start3A_455 : memref<80xi32, #tpu.memory_space<vmem>>) semaphore(%arg24 : memref<!tpu.dma_semaphore, #tpu.memory_space<semaphore_mem>>) {add = true}
      %scan3A_459 = arith.constant 0 : i32
      scf.yield %scan3A_459 : i32
    }
    %scan3A_157 = arith.constant 23 : i32
    %dma_wait3A_158 = arith.constant 0 : i32
    %dma_wait3A_159 = arith.constant 0 : i32
    %dma_wait3A_160 = tpu.memref_slice %arg8[%dma_wait3A_158, %dma_wait3A_159] : memref<125x80xi32, #tpu.memory_space<vmem>> -> memref<1x80xi32, #tpu.memory_space<vmem>>
    %dma_wait3A_161 = tpu.memref_squeeze %dma_wait3A_160 : memref<1x80xi32, #tpu.memory_space<vmem>> -> memref<80xi32, #tpu.memory_space<vmem>>
    %dma_wait3A_162 = arith.constant 0 : i32
    %dma_wait3A_163 = arith.constant 0 : i32
    %dma_wait3A_164 = tpu.memref_slice %arg14[%dma_wait3A_162, %dma_wait3A_163] : memref<10240x64xf32, #tpu.memory_space<vmem_shared>> -> memref<10240x64xf32, #tpu.memory_space<vmem_shared>>
    tpu.wait_indirect_dma semaphore(%arg23 : memref<!tpu.dma_semaphore, #tpu.memory_space<semaphore_mem>>) src(%arg12 : memref<80x64xf32, #tpu.memory_space<vmem>>) dst(%dma_wait3A_164 : memref<10240x64xf32, #tpu.memory_space<vmem_shared>>)
    %dma_start3A_165 = arith.constant 123 : i32
    %dma_start3A_166 = arith.constant 0 : i32
    %dma_start3A_167 = tpu.memref_slice %arg7[%dma_start3A_165, %dma_start3A_166] : memref<125x80xi32, #tpu.memory_space<vmem>> -> memref<1x80xi32, #tpu.memory_space<vmem>>
    %dma_start3A_168 = tpu.memref_squeeze %dma_start3A_167 : memref<1x80xi32, #tpu.memory_space<vmem>> -> memref<80xi32, #tpu.memory_space<vmem>>
    %dma_start3A_169 = arith.constant 0 : i32
    %dma_start3A_170 = arith.constant 0 : i32
    %dma_start3A_171 = tpu.memref_slice %arg2[%dma_start3A_169, %dma_start3A_170] : memref<10000x64xf32, #tpu.memory_space<hbm>> -> memref<10000x64xf32, #tpu.memory_space<hbm>>
    tpu.enqueue_indirect_dma source(%dma_start3A_171 : memref<10000x64xf32, #tpu.memory_space<hbm>>) target(%arg12 : memref<80x64xf32, #tpu.memory_space<vmem>>) offsets(%dma_start3A_168 : memref<80xi32, #tpu.memory_space<vmem>>) semaphore(%arg18 : memref<!tpu.dma_semaphore, #tpu.memory_space<semaphore_mem>>)
    %dma_wait3A_172 = arith.constant 0 : i32
    %dma_wait3A_173 = arith.constant 0 : i32
    %dma_wait3A_174 = tpu.memref_slice %arg7[%dma_wait3A_172, %dma_wait3A_173] : memref<125x80xi32, #tpu.memory_space<vmem>> -> memref<1x80xi32, #tpu.memory_space<vmem>>
    %dma_wait3A_175 = tpu.memref_squeeze %dma_wait3A_174 : memref<1x80xi32, #tpu.memory_space<vmem>> -> memref<80xi32, #tpu.memory_space<vmem>>
    %dma_wait3A_176 = arith.constant 0 : i32
    %dma_wait3A_177 = arith.constant 0 : i32
    %dma_wait3A_178 = tpu.memref_slice %arg2[%dma_wait3A_176, %dma_wait3A_177] : memref<10000x64xf32, #tpu.memory_space<hbm>> -> memref<10000x64xf32, #tpu.memory_space<hbm>>
    tpu.wait_indirect_dma semaphore(%arg15 : memref<!tpu.dma_semaphore, #tpu.memory_space<semaphore_mem>>) src(%dma_wait3A_178 : memref<10000x64xf32, #tpu.memory_space<hbm>>) dst(%arg9 : memref<80x64xf32, #tpu.memory_space<vmem>>)
    %dma_start3A_179 = arith.constant 120 : i32
    %dma_start3A_180 = arith.constant 0 : i32
    %dma_start3A_181 = tpu.memref_slice %arg8[%dma_start3A_179, %dma_start3A_180] : memref<125x80xi32, #tpu.memory_space<vmem>> -> memref<1x80xi32, #tpu.memory_space<vmem>>
    %dma_start3A_182 = tpu.memref_squeeze %dma_start3A_181 : memref<1x80xi32, #tpu.memory_space<vmem>> -> memref<80xi32, #tpu.memory_space<vmem>>
    %dma_start3A_183 = arith.constant 0 : i32
    %dma_start3A_184 = arith.constant 0 : i32
    %dma_start3A_185 = tpu.memref_slice %arg14[%dma_start3A_183, %dma_start3A_184] : memref<10240x64xf32, #tpu.memory_space<vmem_shared>> -> memref<10240x64xf32, #tpu.memory_space<vmem_shared>>
    tpu.enqueue_indirect_dma source(%arg9 : memref<80x64xf32, #tpu.memory_space<vmem>>) target(%dma_start3A_185 : memref<10240x64xf32, #tpu.memory_space<vmem_shared>>) offsets(%dma_start3A_182 : memref<80xi32, #tpu.memory_space<vmem>>) semaphore(%arg20 : memref<!tpu.dma_semaphore, #tpu.memory_space<semaphore_mem>>) {add = true}
    %dma_wait3A_186 = arith.constant 0 : i32
    %dma_wait3A_187 = arith.constant 0 : i32
    %dma_wait3A_188 = tpu.memref_slice %arg8[%dma_wait3A_186, %dma_wait3A_187] : memref<125x80xi32, #tpu.memory_space<vmem>> -> memref<1x80xi32, #tpu.memory_space<vmem>>
    %dma_wait3A_189 = tpu.memref_squeeze %dma_wait3A_188 : memref<1x80xi32, #tpu.memory_space<vmem>> -> memref<80xi32, #tpu.memory_space<vmem>>
    %dma_wait3A_190 = arith.constant 0 : i32
    %dma_wait3A_191 = arith.constant 0 : i32
    %dma_wait3A_192 = tpu.memref_slice %arg14[%dma_wait3A_190, %dma_wait3A_191] : memref<10240x64xf32, #tpu.memory_space<vmem_shared>> -> memref<10240x64xf32, #tpu.memory_space<vmem_shared>>
    tpu.wait_indirect_dma semaphore(%arg24 : memref<!tpu.dma_semaphore, #tpu.memory_space<semaphore_mem>>) src(%arg13 : memref<80x64xf32, #tpu.memory_space<vmem>>) dst(%dma_wait3A_192 : memref<10240x64xf32, #tpu.memory_space<vmem_shared>>)
    %dma_start3A_193 = arith.constant 124 : i32
    %dma_start3A_194 = arith.constant 0 : i32
    %dma_start3A_195 = tpu.memref_slice %arg7[%dma_start3A_193, %dma_start3A_194] : memref<125x80xi32, #tpu.memory_space<vmem>> -> memref<1x80xi32, #tpu.memory_space<vmem>>
    %dma_start3A_196 = tpu.memref_squeeze %dma_start3A_195 : memref<1x80xi32, #tpu.memory_space<vmem>> -> memref<80xi32, #tpu.memory_space<vmem>>
    %dma_start3A_197 = arith.constant 0 : i32
    %dma_start3A_198 = arith.constant 0 : i32
    %dma_start3A_199 = tpu.memref_slice %arg2[%dma_start3A_197, %dma_start3A_198] : memref<10000x64xf32, #tpu.memory_space<hbm>> -> memref<10000x64xf32, #tpu.memory_space<hbm>>
    tpu.enqueue_indirect_dma source(%dma_start3A_199 : memref<10000x64xf32, #tpu.memory_space<hbm>>) target(%arg13 : memref<80x64xf32, #tpu.memory_space<vmem>>) offsets(%dma_start3A_196 : memref<80xi32, #tpu.memory_space<vmem>>) semaphore(%arg19 : memref<!tpu.dma_semaphore, #tpu.memory_space<semaphore_mem>>)
    %dma_wait3A_200 = arith.constant 0 : i32
    %dma_wait3A_201 = arith.constant 0 : i32
    %dma_wait3A_202 = tpu.memref_slice %arg7[%dma_wait3A_200, %dma_wait3A_201] : memref<125x80xi32, #tpu.memory_space<vmem>> -> memref<1x80xi32, #tpu.memory_space<vmem>>
    %dma_wait3A_203 = tpu.memref_squeeze %dma_wait3A_202 : memref<1x80xi32, #tpu.memory_space<vmem>> -> memref<80xi32, #tpu.memory_space<vmem>>
    %dma_wait3A_204 = arith.constant 0 : i32
    %dma_wait3A_205 = arith.constant 0 : i32
    %dma_wait3A_206 = tpu.memref_slice %arg2[%dma_wait3A_204, %dma_wait3A_205] : memref<10000x64xf32, #tpu.memory_space<hbm>> -> memref<10000x64xf32, #tpu.memory_space<hbm>>
    tpu.wait_indirect_dma semaphore(%arg16 : memref<!tpu.dma_semaphore, #tpu.memory_space<semaphore_mem>>) src(%dma_wait3A_206 : memref<10000x64xf32, #tpu.memory_space<hbm>>) dst(%arg10 : memref<80x64xf32, #tpu.memory_space<vmem>>)
    %dma_start3A_207 = arith.constant 121 : i32
    %dma_start3A_208 = arith.constant 0 : i32
    %dma_start3A_209 = tpu.memref_slice %arg8[%dma_start3A_207, %dma_start3A_208] : memref<125x80xi32, #tpu.memory_space<vmem>> -> memref<1x80xi32, #tpu.memory_space<vmem>>
    %dma_start3A_210 = tpu.memref_squeeze %dma_start3A_209 : memref<1x80xi32, #tpu.memory_space<vmem>> -> memref<80xi32, #tpu.memory_space<vmem>>
    %dma_start3A_211 = arith.constant 0 : i32
    %dma_start3A_212 = arith.constant 0 : i32
    %dma_start3A_213 = tpu.memref_slice %arg14[%dma_start3A_211, %dma_start3A_212] : memref<10240x64xf32, #tpu.memory_space<vmem_shared>> -> memref<10240x64xf32, #tpu.memory_space<vmem_shared>>
    tpu.enqueue_indirect_dma source(%arg10 : memref<80x64xf32, #tpu.memory_space<vmem>>) target(%dma_start3A_213 : memref<10240x64xf32, #tpu.memory_space<vmem_shared>>) offsets(%dma_start3A_210 : memref<80xi32, #tpu.memory_space<vmem>>) semaphore(%arg21 : memref<!tpu.dma_semaphore, #tpu.memory_space<semaphore_mem>>) {add = true}
    %dma_wait3A_214 = arith.constant 0 : i32
    %dma_wait3A_215 = arith.constant 0 : i32
    %dma_wait3A_216 = tpu.memref_slice %arg7[%dma_wait3A_214, %dma_wait3A_215] : memref<125x80xi32, #tpu.memory_space<vmem>> -> memref<1x80xi32, #tpu.memory_space<vmem>>
    %dma_wait3A_217 = tpu.memref_squeeze %dma_wait3A_216 : memref<1x80xi32, #tpu.memory_space<vmem>> -> memref<80xi32, #tpu.memory_space<vmem>>
    %dma_wait3A_218 = arith.constant 0 : i32
    %dma_wait3A_219 = arith.constant 0 : i32
    %dma_wait3A_220 = tpu.memref_slice %arg2[%dma_wait3A_218, %dma_wait3A_219] : memref<10000x64xf32, #tpu.memory_space<hbm>> -> memref<10000x64xf32, #tpu.memory_space<hbm>>
    tpu.wait_indirect_dma semaphore(%arg17 : memref<!tpu.dma_semaphore, #tpu.memory_space<semaphore_mem>>) src(%dma_wait3A_220 : memref<10000x64xf32, #tpu.memory_space<hbm>>) dst(%arg11 : memref<80x64xf32, #tpu.memory_space<vmem>>)
    %dma_start3A_221 = arith.constant 122 : i32
    %dma_start3A_222 = arith.constant 0 : i32
    %dma_start3A_223 = tpu.memref_slice %arg8[%dma_start3A_221, %dma_start3A_222] : memref<125x80xi32, #tpu.memory_space<vmem>> -> memref<1x80xi32, #tpu.memory_space<vmem>>
    %dma_start3A_224 = tpu.memref_squeeze %dma_start3A_223 : memref<1x80xi32, #tpu.memory_space<vmem>> -> memref<80xi32, #tpu.memory_space<vmem>>
    %dma_start3A_225 = arith.constant 0 : i32
    %dma_start3A_226 = arith.constant 0 : i32
    %dma_start3A_227 = tpu.memref_slice %arg14[%dma_start3A_225, %dma_start3A_226] : memref<10240x64xf32, #tpu.memory_space<vmem_shared>> -> memref<10240x64xf32, #tpu.memory_space<vmem_shared>>
    tpu.enqueue_indirect_dma source(%arg11 : memref<80x64xf32, #tpu.memory_space<vmem>>) target(%dma_start3A_227 : memref<10240x64xf32, #tpu.memory_space<vmem_shared>>) offsets(%dma_start3A_224 : memref<80xi32, #tpu.memory_space<vmem>>) semaphore(%arg22 : memref<!tpu.dma_semaphore, #tpu.memory_space<semaphore_mem>>) {add = true}
    %dma_wait3A_228 = arith.constant 0 : i32
    %dma_wait3A_229 = arith.constant 0 : i32
    %dma_wait3A_230 = tpu.memref_slice %arg7[%dma_wait3A_228, %dma_wait3A_229] : memref<125x80xi32, #tpu.memory_space<vmem>> -> memref<1x80xi32, #tpu.memory_space<vmem>>
    %dma_wait3A_231 = tpu.memref_squeeze %dma_wait3A_230 : memref<1x80xi32, #tpu.memory_space<vmem>> -> memref<80xi32, #tpu.memory_space<vmem>>
    %dma_wait3A_232 = arith.constant 0 : i32
    %dma_wait3A_233 = arith.constant 0 : i32
    %dma_wait3A_234 = tpu.memref_slice %arg2[%dma_wait3A_232, %dma_wait3A_233] : memref<10000x64xf32, #tpu.memory_space<hbm>> -> memref<10000x64xf32, #tpu.memory_space<hbm>>
    tpu.wait_indirect_dma semaphore(%arg18 : memref<!tpu.dma_semaphore, #tpu.memory_space<semaphore_mem>>) src(%dma_wait3A_234 : memref<10000x64xf32, #tpu.memory_space<hbm>>) dst(%arg12 : memref<80x64xf32, #tpu.memory_space<vmem>>)
    %dma_start3A_235 = arith.constant 123 : i32
    %dma_start3A_236 = arith.constant 0 : i32
    %dma_start3A_237 = tpu.memref_slice %arg8[%dma_start3A_235, %dma_start3A_236] : memref<125x80xi32, #tpu.memory_space<vmem>> -> memref<1x80xi32, #tpu.memory_space<vmem>>
    %dma_start3A_238 = tpu.memref_squeeze %dma_start3A_237 : memref<1x80xi32, #tpu.memory_space<vmem>> -> memref<80xi32, #tpu.memory_space<vmem>>
    %dma_start3A_239 = arith.constant 0 : i32
    %dma_start3A_240 = arith.constant 0 : i32
    %dma_start3A_241 = tpu.memref_slice %arg14[%dma_start3A_239, %dma_start3A_240] : memref<10240x64xf32, #tpu.memory_space<vmem_shared>> -> memref<10240x64xf32, #tpu.memory_space<vmem_shared>>
    tpu.enqueue_indirect_dma source(%arg12 : memref<80x64xf32, #tpu.memory_space<vmem>>) target(%dma_start3A_241 : memref<10240x64xf32, #tpu.memory_space<vmem_shared>>) offsets(%dma_start3A_238 : memref<80xi32, #tpu.memory_space<vmem>>) semaphore(%arg23 : memref<!tpu.dma_semaphore, #tpu.memory_space<semaphore_mem>>) {add = true}
    %dma_wait3A_242 = arith.constant 0 : i32
    %dma_wait3A_243 = arith.constant 0 : i32
    %dma_wait3A_244 = tpu.memref_slice %arg7[%dma_wait3A_242, %dma_wait3A_243] : memref<125x80xi32, #tpu.memory_space<vmem>> -> memref<1x80xi32, #tpu.memory_space<vmem>>
    %dma_wait3A_245 = tpu.memref_squeeze %dma_wait3A_244 : memref<1x80xi32, #tpu.memory_space<vmem>> -> memref<80xi32, #tpu.memory_space<vmem>>
    %dma_wait3A_246 = arith.constant 0 : i32
    %dma_wait3A_247 = arith.constant 0 : i32
    %dma_wait3A_248 = tpu.memref_slice %arg2[%dma_wait3A_246, %dma_wait3A_247] : memref<10000x64xf32, #tpu.memory_space<hbm>> -> memref<10000x64xf32, #tpu.memory_space<hbm>>
    tpu.wait_indirect_dma semaphore(%arg19 : memref<!tpu.dma_semaphore, #tpu.memory_space<semaphore_mem>>) src(%dma_wait3A_248 : memref<10000x64xf32, #tpu.memory_space<hbm>>) dst(%arg13 : memref<80x64xf32, #tpu.memory_space<vmem>>)
    %dma_start3A_249 = arith.constant 124 : i32
    %dma_start3A_250 = arith.constant 0 : i32
    %dma_start3A_251 = tpu.memref_slice %arg8[%dma_start3A_249, %dma_start3A_250] : memref<125x80xi32, #tpu.memory_space<vmem>> -> memref<1x80xi32, #tpu.memory_space<vmem>>
    %dma_start3A_252 = tpu.memref_squeeze %dma_start3A_251 : memref<1x80xi32, #tpu.memory_space<vmem>> -> memref<80xi32, #tpu.memory_space<vmem>>
    %dma_start3A_253 = arith.constant 0 : i32
    %dma_start3A_254 = arith.constant 0 : i32
    %dma_start3A_255 = tpu.memref_slice %arg14[%dma_start3A_253, %dma_start3A_254] : memref<10240x64xf32, #tpu.memory_space<vmem_shared>> -> memref<10240x64xf32, #tpu.memory_space<vmem_shared>>
    tpu.enqueue_indirect_dma source(%arg13 : memref<80x64xf32, #tpu.memory_space<vmem>>) target(%dma_start3A_255 : memref<10240x64xf32, #tpu.memory_space<vmem_shared>>) offsets(%dma_start3A_252 : memref<80xi32, #tpu.memory_space<vmem>>) semaphore(%arg24 : memref<!tpu.dma_semaphore, #tpu.memory_space<semaphore_mem>>) {add = true}
    %dma_wait3A_256 = arith.constant 0 : i32
    %dma_wait3A_257 = arith.constant 0 : i32
    %dma_wait3A_258 = tpu.memref_slice %arg8[%dma_wait3A_256, %dma_wait3A_257] : memref<125x80xi32, #tpu.memory_space<vmem>> -> memref<1x80xi32, #tpu.memory_space<vmem>>
    %dma_wait3A_259 = tpu.memref_squeeze %dma_wait3A_258 : memref<1x80xi32, #tpu.memory_space<vmem>> -> memref<80xi32, #tpu.memory_space<vmem>>
    %dma_wait3A_260 = arith.constant 0 : i32
    %dma_wait3A_261 = arith.constant 0 : i32
    %dma_wait3A_262 = tpu.memref_slice %arg14[%dma_wait3A_260, %dma_wait3A_261] : memref<10240x64xf32, #tpu.memory_space<vmem_shared>> -> memref<10240x64xf32, #tpu.memory_space<vmem_shared>>
    tpu.wait_indirect_dma semaphore(%arg20 : memref<!tpu.dma_semaphore, #tpu.memory_space<semaphore_mem>>) src(%arg9 : memref<80x64xf32, #tpu.memory_space<vmem>>) dst(%dma_wait3A_262 : memref<10240x64xf32, #tpu.memory_space<vmem_shared>>)
    %dma_wait3A_263 = arith.constant 0 : i32
    %dma_wait3A_264 = arith.constant 0 : i32
    %dma_wait3A_265 = tpu.memref_slice %arg8[%dma_wait3A_263, %dma_wait3A_264] : memref<125x80xi32, #tpu.memory_space<vmem>> -> memref<1x80xi32, #tpu.memory_space<vmem>>
    %dma_wait3A_266 = tpu.memref_squeeze %dma_wait3A_265 : memref<1x80xi32, #tpu.memory_space<vmem>> -> memref<80xi32, #tpu.memory_space<vmem>>
    %dma_wait3A_267 = arith.constant 0 : i32
    %dma_wait3A_268 = arith.constant 0 : i32
    %dma_wait3A_269 = tpu.memref_slice %arg14[%dma_wait3A_267, %dma_wait3A_268] : memref<10240x64xf32, #tpu.memory_space<vmem_shared>> -> memref<10240x64xf32, #tpu.memory_space<vmem_shared>>
    tpu.wait_indirect_dma semaphore(%arg21 : memref<!tpu.dma_semaphore, #tpu.memory_space<semaphore_mem>>) src(%arg10 : memref<80x64xf32, #tpu.memory_space<vmem>>) dst(%dma_wait3A_269 : memref<10240x64xf32, #tpu.memory_space<vmem_shared>>)
    %dma_wait3A_270 = arith.constant 0 : i32
    %dma_wait3A_271 = arith.constant 0 : i32
    %dma_wait3A_272 = tpu.memref_slice %arg8[%dma_wait3A_270, %dma_wait3A_271] : memref<125x80xi32, #tpu.memory_space<vmem>> -> memref<1x80xi32, #tpu.memory_space<vmem>>
    %dma_wait3A_273 = tpu.memref_squeeze %dma_wait3A_272 : memref<1x80xi32, #tpu.memory_space<vmem>> -> memref<80xi32, #tpu.memory_space<vmem>>
    %dma_wait3A_274 = arith.constant 0 : i32
    %dma_wait3A_275 = arith.constant 0 : i32
    %dma_wait3A_276 = tpu.memref_slice %arg14[%dma_wait3A_274, %dma_wait3A_275] : memref<10240x64xf32, #tpu.memory_space<vmem_shared>> -> memref<10240x64xf32, #tpu.memory_space<vmem_shared>>
    tpu.wait_indirect_dma semaphore(%arg22 : memref<!tpu.dma_semaphore, #tpu.memory_space<semaphore_mem>>) src(%arg11 : memref<80x64xf32, #tpu.memory_space<vmem>>) dst(%dma_wait3A_276 : memref<10240x64xf32, #tpu.memory_space<vmem_shared>>)
    %dma_wait3A_277 = arith.constant 0 : i32
    %dma_wait3A_278 = arith.constant 0 : i32
    %dma_wait3A_279 = tpu.memref_slice %arg8[%dma_wait3A_277, %dma_wait3A_278] : memref<125x80xi32, #tpu.memory_space<vmem>> -> memref<1x80xi32, #tpu.memory_space<vmem>>
    %dma_wait3A_280 = tpu.memref_squeeze %dma_wait3A_279 : memref<1x80xi32, #tpu.memory_space<vmem>> -> memref<80xi32, #tpu.memory_space<vmem>>
    %dma_wait3A_281 = arith.constant 0 : i32
    %dma_wait3A_282 = arith.constant 0 : i32
    %dma_wait3A_283 = tpu.memref_slice %arg14[%dma_wait3A_281, %dma_wait3A_282] : memref<10240x64xf32, #tpu.memory_space<vmem_shared>> -> memref<10240x64xf32, #tpu.memory_space<vmem_shared>>
    tpu.wait_indirect_dma semaphore(%arg23 : memref<!tpu.dma_semaphore, #tpu.memory_space<semaphore_mem>>) src(%arg12 : memref<80x64xf32, #tpu.memory_space<vmem>>) dst(%dma_wait3A_283 : memref<10240x64xf32, #tpu.memory_space<vmem_shared>>)
    %dma_wait3A_284 = arith.constant 0 : i32
    %dma_wait3A_285 = arith.constant 0 : i32
    %dma_wait3A_286 = tpu.memref_slice %arg8[%dma_wait3A_284, %dma_wait3A_285] : memref<125x80xi32, #tpu.memory_space<vmem>> -> memref<1x80xi32, #tpu.memory_space<vmem>>
    %dma_wait3A_287 = tpu.memref_squeeze %dma_wait3A_286 : memref<1x80xi32, #tpu.memory_space<vmem>> -> memref<80xi32, #tpu.memory_space<vmem>>
    %dma_wait3A_288 = arith.constant 0 : i32
    %dma_wait3A_289 = arith.constant 0 : i32
    %dma_wait3A_290 = tpu.memref_slice %arg14[%dma_wait3A_288, %dma_wait3A_289] : memref<10240x64xf32, #tpu.memory_space<vmem_shared>> -> memref<10240x64xf32, #tpu.memory_space<vmem_shared>>
    tpu.wait_indirect_dma semaphore(%arg24 : memref<!tpu.dma_semaphore, #tpu.memory_space<semaphore_mem>>) src(%arg13 : memref<80x64xf32, #tpu.memory_space<vmem>>) dst(%dma_wait3A_290 : memref<10240x64xf32, #tpu.memory_space<vmem_shared>>)
    %barrier3A_291 = arith.constant 0 : index
    tpu.barrier barrier_id(%barrier3A_291)
    %mul3A_292 = arith.constant 640 : i32
    %mul3A_293 = arith.muli %arg1, %mul3A_292 : i32
    %mul3A_294 = arith.constant 640 : i32
    %mul3A_295 = arith.muli %arg1, %mul3A_294 : i32
    %mul3A_296 = arith.constant 64 : i32
    %mul3A_297 = arith.muli %arg0, %mul3A_296 : i32
    "tpu.region"() ({
      %run_scoped3A = tpu.sem_alloc : memref<!tpu.dma_semaphore, #tpu.memory_space<semaphore_mem>>
      %dma_start3A_298 = tpu.memref_slice %arg6[%mul3A_295, %mul3A_297] : memref<10240x128xf32, #tpu.memory_space<hbm>> -> memref<640x64xf32, #tpu.memory_space<hbm>>
      %dma_start3A_299 = arith.constant 0 : i32
      %dma_start3A_300 = tpu.memref_slice %arg14[%mul3A_293, %dma_start3A_299] : memref<10240x64xf32, #tpu.memory_space<vmem_shared>> -> memref<640x64xf32, #tpu.memory_space<vmem_shared>>
      tpu.enqueue_dma source(%dma_start3A_300 : memref<640x64xf32, #tpu.memory_space<vmem_shared>>) target(%dma_start3A_298 : memref<640x64xf32, #tpu.memory_space<hbm>>) target_semaphore(%run_scoped3A : memref<!tpu.dma_semaphore, #tpu.memory_space<semaphore_mem>>)
      %dma_wait3A_301 = tpu.memref_slice %arg6[%mul3A_295, %mul3A_297] : memref<10240x128xf32, #tpu.memory_space<hbm>> -> memref<640x64xf32, #tpu.memory_space<hbm>>
      %dma_wait3A_302 = arith.constant 0 : i32
      %dma_wait3A_303 = tpu.memref_slice %arg14[%mul3A_293, %dma_wait3A_302] : memref<10240x64xf32, #tpu.memory_space<vmem_shared>> -> memref<640x64xf32, #tpu.memory_space<vmem_shared>>
      tpu.wait_dma2 semaphore(%run_scoped3A : memref<!tpu.dma_semaphore, #tpu.memory_space<semaphore_mem>>) src(%dma_wait3A_303 : memref<640x64xf32, #tpu.memory_space<vmem_shared>>) dst(%dma_wait3A_301 : memref<640x64xf32, #tpu.memory_space<hbm>>)
      tpu.yield
    }) : () -> ()
    return
  }
}

#map = affine_map<(d0, d1) -> (0, 0, 0)>
#map1 = affine_map<(d0, d1) -> (0, 0)>
module attributes {stable_mosaic.version = 14 : i64} {
  func.func @deg_kernel(%arg0: i32, %arg1: i32, %arg2: memref<16x250x80xi32, #tpu.memory_space<hbm>>, %arg3: memref<80x8xf32, #tpu.memory_space<hbm>>, %arg4: memref<10240x8xf32, #tpu.memory_space<hbm>>, %arg5: memref<10240x128xf32, #tpu.memory_space<hbm>>, %arg6: memref<125x80xi32, #tpu.memory_space<vmem>>, %arg7: memref<80x8xf32, #tpu.memory_space<vmem>>, %arg8: memref<10240x8xf32, #tpu.memory_space<vmem_shared>>, %arg9: memref<!tpu.dma_semaphore, #tpu.memory_space<semaphore_mem>>) attributes {dimension_semantics = [#tpu.dimension_semantics<core_parallel>, #tpu.dimension_semantics<subcore_parallel>], iteration_bounds = array<i64: 2, 16>, scalar_prefetch = 0 : i64, scratch_operands = 4 : i64, tpu.core_type = #tpu.core_type<sc_vector_subcore>, window_params = [{transform_indices = #map}, {transform_indices = #map1}, {transform_indices = #map1}, {transform_indices = #map1}]} {
    %mul3A = arith.constant 640 : i32
    %mul3A_0 = arith.muli %arg1, %mul3A : i32
    %mul3A_1 = arith.constant 640 : i32
    %mul3A_2 = arith.muli %arg1, %mul3A_1 : i32
    "tpu.region"() ({
      %run_scoped3A = tpu.sem_alloc : memref<!tpu.dma_semaphore, #tpu.memory_space<semaphore_mem>>
      %dma_start3A = arith.constant 0 : i32
      %dma_start3A_18 = tpu.memref_slice %arg8[%mul3A_2, %dma_start3A] : memref<10240x8xf32, #tpu.memory_space<vmem_shared>> -> memref<640x8xf32, #tpu.memory_space<vmem_shared>>
      %dma_start3A_19 = arith.constant 0 : i32
      %dma_start3A_20 = tpu.memref_slice %arg4[%mul3A_0, %dma_start3A_19] : memref<10240x8xf32, #tpu.memory_space<hbm>> -> memref<640x8xf32, #tpu.memory_space<hbm>>
      tpu.enqueue_dma source(%dma_start3A_20 : memref<640x8xf32, #tpu.memory_space<hbm>>) target(%dma_start3A_18 : memref<640x8xf32, #tpu.memory_space<vmem_shared>>) target_semaphore(%run_scoped3A : memref<!tpu.dma_semaphore, #tpu.memory_space<semaphore_mem>>)
      %dma_wait3A = arith.constant 0 : i32
      %dma_wait3A_21 = tpu.memref_slice %arg8[%mul3A_2, %dma_wait3A] : memref<10240x8xf32, #tpu.memory_space<vmem_shared>> -> memref<640x8xf32, #tpu.memory_space<vmem_shared>>
      %dma_wait3A_22 = arith.constant 0 : i32
      %dma_wait3A_23 = tpu.memref_slice %arg4[%mul3A_0, %dma_wait3A_22] : memref<10240x8xf32, #tpu.memory_space<hbm>> -> memref<640x8xf32, #tpu.memory_space<hbm>>
      tpu.wait_dma2 semaphore(%run_scoped3A : memref<!tpu.dma_semaphore, #tpu.memory_space<semaphore_mem>>) src(%dma_wait3A_23 : memref<640x8xf32, #tpu.memory_space<hbm>>) dst(%dma_wait3A_21 : memref<640x8xf32, #tpu.memory_space<vmem_shared>>)
      tpu.yield
    }) : () -> ()
    "tpu.region"() ({
      %run_scoped3A = tpu.sem_alloc : memref<!tpu.dma_semaphore, #tpu.memory_space<semaphore_mem>>
      tpu.enqueue_dma source(%arg3 : memref<80x8xf32, #tpu.memory_space<hbm>>) target(%arg7 : memref<80x8xf32, #tpu.memory_space<vmem>>) target_semaphore(%run_scoped3A : memref<!tpu.dma_semaphore, #tpu.memory_space<semaphore_mem>>)
      tpu.wait_dma2 semaphore(%run_scoped3A : memref<!tpu.dma_semaphore, #tpu.memory_space<semaphore_mem>>) src(%arg3 : memref<80x8xf32, #tpu.memory_space<hbm>>) dst(%arg7 : memref<80x8xf32, #tpu.memory_space<vmem>>)
      tpu.yield
    }) : () -> ()
    %mul3A_3 = arith.constant 125 : i32
    %mul3A_4 = arith.muli %arg0, %mul3A_3 : i32
    "tpu.region"() ({
      %run_scoped3A = tpu.sem_alloc : memref<!tpu.dma_semaphore, #tpu.memory_space<semaphore_mem>>
      %dma_start3A = arith.constant 0 : i32
      %dma_start3A_18 = tpu.memref_slice %arg2[%arg1, %mul3A_4, %dma_start3A] : memref<16x250x80xi32, #tpu.memory_space<hbm>> -> memref<1x125x80xi32, #tpu.memory_space<hbm>>
      %dma_start3A_19 = tpu.memref_squeeze %dma_start3A_18 : memref<1x125x80xi32, #tpu.memory_space<hbm>> -> memref<125x80xi32, #tpu.memory_space<hbm>>
      %dma_start3A_20 = arith.constant 0 : i32
      %dma_start3A_21 = tpu.memref_slice %arg2[%arg1, %mul3A_4, %dma_start3A_20] : memref<16x250x80xi32, #tpu.memory_space<hbm>> -> memref<1x125x80xi32, #tpu.memory_space<hbm>>
      %dma_start3A_22 = tpu.memref_squeeze %dma_start3A_21 : memref<1x125x80xi32, #tpu.memory_space<hbm>> -> memref<125x80xi32, #tpu.memory_space<hbm>>
      tpu.enqueue_dma source(%dma_start3A_22 : memref<125x80xi32, #tpu.memory_space<hbm>>) target(%arg6 : memref<125x80xi32, #tpu.memory_space<vmem>>) target_semaphore(%run_scoped3A : memref<!tpu.dma_semaphore, #tpu.memory_space<semaphore_mem>>)
      %dma_wait3A = arith.constant 0 : i32
      %dma_wait3A_23 = tpu.memref_slice %arg2[%arg1, %mul3A_4, %dma_wait3A] : memref<16x250x80xi32, #tpu.memory_space<hbm>> -> memref<1x125x80xi32, #tpu.memory_space<hbm>>
      %dma_wait3A_24 = tpu.memref_squeeze %dma_wait3A_23 : memref<1x125x80xi32, #tpu.memory_space<hbm>> -> memref<125x80xi32, #tpu.memory_space<hbm>>
      %dma_wait3A_25 = arith.constant 0 : i32
      %dma_wait3A_26 = tpu.memref_slice %arg2[%arg1, %mul3A_4, %dma_wait3A_25] : memref<16x250x80xi32, #tpu.memory_space<hbm>> -> memref<1x125x80xi32, #tpu.memory_space<hbm>>
      %dma_wait3A_27 = tpu.memref_squeeze %dma_wait3A_26 : memref<1x125x80xi32, #tpu.memory_space<hbm>> -> memref<125x80xi32, #tpu.memory_space<hbm>>
      tpu.wait_dma2 semaphore(%run_scoped3A : memref<!tpu.dma_semaphore, #tpu.memory_space<semaphore_mem>>) src(%dma_wait3A_27 : memref<125x80xi32, #tpu.memory_space<hbm>>) dst(%arg6 : memref<125x80xi32, #tpu.memory_space<vmem>>)
      tpu.yield
    }) : () -> ()
    %barrier3A = arith.constant 0 : index
    tpu.barrier barrier_id(%barrier3A)
    %scan3A = arith.constant 0 : i32
    %scan3A_5 = arith.constant 0 : i32
    %scan3A_6 = arith.constant 5 : i32
    %scan3A_7 = arith.addi %scan3A_5, %scan3A_6 : i32
    %scan3A_8 = arith.constant 1 : i32
    %scan3A_9 = scf.for %scan3A_18 = %scan3A_5 to %scan3A_7 step %scan3A_8 iter_args(%scan3A_19 = %scan3A) -> (i32)  : i32 {
      %mul3A_20 = arith.constant 25 : i32
      %mul3A_21 = arith.muli %scan3A_18, %mul3A_20 : i32
      %add3A = arith.constant 0 : i32
      %add3A_22 = arith.addi %mul3A_21, %add3A : i32
      %dma_start3A = arith.constant 0 : i32
      %dma_start3A_23 = tpu.memref_slice %arg6[%add3A_22, %dma_start3A] : memref<125x80xi32, #tpu.memory_space<vmem>> -> memref<1x80xi32, #tpu.memory_space<vmem>>
      %dma_start3A_24 = tpu.memref_squeeze %dma_start3A_23 : memref<1x80xi32, #tpu.memory_space<vmem>> -> memref<80xi32, #tpu.memory_space<vmem>>
      %dma_start3A_25 = arith.constant 0 : i32
      %dma_start3A_26 = arith.constant 0 : i32
      %dma_start3A_27 = tpu.memref_slice %arg8[%dma_start3A_25, %dma_start3A_26] : memref<10240x8xf32, #tpu.memory_space<vmem_shared>> -> memref<10240x8xf32, #tpu.memory_space<vmem_shared>>
      tpu.enqueue_indirect_dma source(%arg7 : memref<80x8xf32, #tpu.memory_space<vmem>>) target(%dma_start3A_27 : memref<10240x8xf32, #tpu.memory_space<vmem_shared>>) offsets(%dma_start3A_24 : memref<80xi32, #tpu.memory_space<vmem>>) semaphore(%arg9 : memref<!tpu.dma_semaphore, #tpu.memory_space<semaphore_mem>>) {add = true}
      %mul3A_28 = arith.constant 25 : i32
      %mul3A_29 = arith.muli %scan3A_18, %mul3A_28 : i32
      %add3A_30 = arith.constant 1 : i32
      %add3A_31 = arith.addi %mul3A_29, %add3A_30 : i32
      %dma_start3A_32 = arith.constant 0 : i32
      %dma_start3A_33 = tpu.memref_slice %arg6[%add3A_31, %dma_start3A_32] : memref<125x80xi32, #tpu.memory_space<vmem>> -> memref<1x80xi32, #tpu.memory_space<vmem>>
      %dma_start3A_34 = tpu.memref_squeeze %dma_start3A_33 : memref<1x80xi32, #tpu.memory_space<vmem>> -> memref<80xi32, #tpu.memory_space<vmem>>
      %dma_start3A_35 = arith.constant 0 : i32
      %dma_start3A_36 = arith.constant 0 : i32
      %dma_start3A_37 = tpu.memref_slice %arg8[%dma_start3A_35, %dma_start3A_36] : memref<10240x8xf32, #tpu.memory_space<vmem_shared>> -> memref<10240x8xf32, #tpu.memory_space<vmem_shared>>
      tpu.enqueue_indirect_dma source(%arg7 : memref<80x8xf32, #tpu.memory_space<vmem>>) target(%dma_start3A_37 : memref<10240x8xf32, #tpu.memory_space<vmem_shared>>) offsets(%dma_start3A_34 : memref<80xi32, #tpu.memory_space<vmem>>) semaphore(%arg9 : memref<!tpu.dma_semaphore, #tpu.memory_space<semaphore_mem>>) {add = true}
      %mul3A_38 = arith.constant 25 : i32
      %mul3A_39 = arith.muli %scan3A_18, %mul3A_38 : i32
      %add3A_40 = arith.constant 2 : i32
      %add3A_41 = arith.addi %mul3A_39, %add3A_40 : i32
      %dma_start3A_42 = arith.constant 0 : i32
      %dma_start3A_43 = tpu.memref_slice %arg6[%add3A_41, %dma_start3A_42] : memref<125x80xi32, #tpu.memory_space<vmem>> -> memref<1x80xi32, #tpu.memory_space<vmem>>
      %dma_start3A_44 = tpu.memref_squeeze %dma_start3A_43 : memref<1x80xi32, #tpu.memory_space<vmem>> -> memref<80xi32, #tpu.memory_space<vmem>>
      %dma_start3A_45 = arith.constant 0 : i32
      %dma_start3A_46 = arith.constant 0 : i32
      %dma_start3A_47 = tpu.memref_slice %arg8[%dma_start3A_45, %dma_start3A_46] : memref<10240x8xf32, #tpu.memory_space<vmem_shared>> -> memref<10240x8xf32, #tpu.memory_space<vmem_shared>>
      tpu.enqueue_indirect_dma source(%arg7 : memref<80x8xf32, #tpu.memory_space<vmem>>) target(%dma_start3A_47 : memref<10240x8xf32, #tpu.memory_space<vmem_shared>>) offsets(%dma_start3A_44 : memref<80xi32, #tpu.memory_space<vmem>>) semaphore(%arg9 : memref<!tpu.dma_semaphore, #tpu.memory_space<semaphore_mem>>) {add = true}
      %mul3A_48 = arith.constant 25 : i32
      %mul3A_49 = arith.muli %scan3A_18, %mul3A_48 : i32
      %add3A_50 = arith.constant 3 : i32
      %add3A_51 = arith.addi %mul3A_49, %add3A_50 : i32
      %dma_start3A_52 = arith.constant 0 : i32
      %dma_start3A_53 = tpu.memref_slice %arg6[%add3A_51, %dma_start3A_52] : memref<125x80xi32, #tpu.memory_space<vmem>> -> memref<1x80xi32, #tpu.memory_space<vmem>>
      %dma_start3A_54 = tpu.memref_squeeze %dma_start3A_53 : memref<1x80xi32, #tpu.memory_space<vmem>> -> memref<80xi32, #tpu.memory_space<vmem>>
      %dma_start3A_55 = arith.constant 0 : i32
      %dma_start3A_56 = arith.constant 0 : i32
      %dma_start3A_57 = tpu.memref_slice %arg8[%dma_start3A_55, %dma_start3A_56] : memref<10240x8xf32, #tpu.memory_space<vmem_shared>> -> memref<10240x8xf32, #tpu.memory_space<vmem_shared>>
      tpu.enqueue_indirect_dma source(%arg7 : memref<80x8xf32, #tpu.memory_space<vmem>>) target(%dma_start3A_57 : memref<10240x8xf32, #tpu.memory_space<vmem_shared>>) offsets(%dma_start3A_54 : memref<80xi32, #tpu.memory_space<vmem>>) semaphore(%arg9 : memref<!tpu.dma_semaphore, #tpu.memory_space<semaphore_mem>>) {add = true}
      %mul3A_58 = arith.constant 25 : i32
      %mul3A_59 = arith.muli %scan3A_18, %mul3A_58 : i32
      %add3A_60 = arith.constant 4 : i32
      %add3A_61 = arith.addi %mul3A_59, %add3A_60 : i32
      %dma_start3A_62 = arith.constant 0 : i32
      %dma_start3A_63 = tpu.memref_slice %arg6[%add3A_61, %dma_start3A_62] : memref<125x80xi32, #tpu.memory_space<vmem>> -> memref<1x80xi32, #tpu.memory_space<vmem>>
      %dma_start3A_64 = tpu.memref_squeeze %dma_start3A_63 : memref<1x80xi32, #tpu.memory_space<vmem>> -> memref<80xi32, #tpu.memory_space<vmem>>
      %dma_start3A_65 = arith.constant 0 : i32
      %dma_start3A_66 = arith.constant 0 : i32
      %dma_start3A_67 = tpu.memref_slice %arg8[%dma_start3A_65, %dma_start3A_66] : memref<10240x8xf32, #tpu.memory_space<vmem_shared>> -> memref<10240x8xf32, #tpu.memory_space<vmem_shared>>
      tpu.enqueue_indirect_dma source(%arg7 : memref<80x8xf32, #tpu.memory_space<vmem>>) target(%dma_start3A_67 : memref<10240x8xf32, #tpu.memory_space<vmem_shared>>) offsets(%dma_start3A_64 : memref<80xi32, #tpu.memory_space<vmem>>) semaphore(%arg9 : memref<!tpu.dma_semaphore, #tpu.memory_space<semaphore_mem>>) {add = true}
      %mul3A_68 = arith.constant 25 : i32
      %mul3A_69 = arith.muli %scan3A_18, %mul3A_68 : i32
      %add3A_70 = arith.constant 5 : i32
      %add3A_71 = arith.addi %mul3A_69, %add3A_70 : i32
      %dma_start3A_72 = arith.constant 0 : i32
      %dma_start3A_73 = tpu.memref_slice %arg6[%add3A_71, %dma_start3A_72] : memref<125x80xi32, #tpu.memory_space<vmem>> -> memref<1x80xi32, #tpu.memory_space<vmem>>
      %dma_start3A_74 = tpu.memref_squeeze %dma_start3A_73 : memref<1x80xi32, #tpu.memory_space<vmem>> -> memref<80xi32, #tpu.memory_space<vmem>>
      %dma_start3A_75 = arith.constant 0 : i32
      %dma_start3A_76 = arith.constant 0 : i32
      %dma_start3A_77 = tpu.memref_slice %arg8[%dma_start3A_75, %dma_start3A_76] : memref<10240x8xf32, #tpu.memory_space<vmem_shared>> -> memref<10240x8xf32, #tpu.memory_space<vmem_shared>>
      tpu.enqueue_indirect_dma source(%arg7 : memref<80x8xf32, #tpu.memory_space<vmem>>) target(%dma_start3A_77 : memref<10240x8xf32, #tpu.memory_space<vmem_shared>>) offsets(%dma_start3A_74 : memref<80xi32, #tpu.memory_space<vmem>>) semaphore(%arg9 : memref<!tpu.dma_semaphore, #tpu.memory_space<semaphore_mem>>) {add = true}
      %mul3A_78 = arith.constant 25 : i32
      %mul3A_79 = arith.muli %scan3A_18, %mul3A_78 : i32
      %add3A_80 = arith.constant 6 : i32
      %add3A_81 = arith.addi %mul3A_79, %add3A_80 : i32
      %dma_start3A_82 = arith.constant 0 : i32
      %dma_start3A_83 = tpu.memref_slice %arg6[%add3A_81, %dma_start3A_82] : memref<125x80xi32, #tpu.memory_space<vmem>> -> memref<1x80xi32, #tpu.memory_space<vmem>>
      %dma_start3A_84 = tpu.memref_squeeze %dma_start3A_83 : memref<1x80xi32, #tpu.memory_space<vmem>> -> memref<80xi32, #tpu.memory_space<vmem>>
      %dma_start3A_85 = arith.constant 0 : i32
      %dma_start3A_86 = arith.constant 0 : i32
      %dma_start3A_87 = tpu.memref_slice %arg8[%dma_start3A_85, %dma_start3A_86] : memref<10240x8xf32, #tpu.memory_space<vmem_shared>> -> memref<10240x8xf32, #tpu.memory_space<vmem_shared>>
      tpu.enqueue_indirect_dma source(%arg7 : memref<80x8xf32, #tpu.memory_space<vmem>>) target(%dma_start3A_87 : memref<10240x8xf32, #tpu.memory_space<vmem_shared>>) offsets(%dma_start3A_84 : memref<80xi32, #tpu.memory_space<vmem>>) semaphore(%arg9 : memref<!tpu.dma_semaphore, #tpu.memory_space<semaphore_mem>>) {add = true}
      %mul3A_88 = arith.constant 25 : i32
      %mul3A_89 = arith.muli %scan3A_18, %mul3A_88 : i32
      %add3A_90 = arith.constant 7 : i32
      %add3A_91 = arith.addi %mul3A_89, %add3A_90 : i32
      %dma_start3A_92 = arith.constant 0 : i32
      %dma_start3A_93 = tpu.memref_slice %arg6[%add3A_91, %dma_start3A_92] : memref<125x80xi32, #tpu.memory_space<vmem>> -> memref<1x80xi32, #tpu.memory_space<vmem>>
      %dma_start3A_94 = tpu.memref_squeeze %dma_start3A_93 : memref<1x80xi32, #tpu.memory_space<vmem>> -> memref<80xi32, #tpu.memory_space<vmem>>
      %dma_start3A_95 = arith.constant 0 : i32
      %dma_start3A_96 = arith.constant 0 : i32
      %dma_start3A_97 = tpu.memref_slice %arg8[%dma_start3A_95, %dma_start3A_96] : memref<10240x8xf32, #tpu.memory_space<vmem_shared>> -> memref<10240x8xf32, #tpu.memory_space<vmem_shared>>
      tpu.enqueue_indirect_dma source(%arg7 : memref<80x8xf32, #tpu.memory_space<vmem>>) target(%dma_start3A_97 : memref<10240x8xf32, #tpu.memory_space<vmem_shared>>) offsets(%dma_start3A_94 : memref<80xi32, #tpu.memory_space<vmem>>) semaphore(%arg9 : memref<!tpu.dma_semaphore, #tpu.memory_space<semaphore_mem>>) {add = true}
      %mul3A_98 = arith.constant 25 : i32
      %mul3A_99 = arith.muli %scan3A_18, %mul3A_98 : i32
      %add3A_100 = arith.constant 8 : i32
      %add3A_101 = arith.addi %mul3A_99, %add3A_100 : i32
      %dma_start3A_102 = arith.constant 0 : i32
      %dma_start3A_103 = tpu.memref_slice %arg6[%add3A_101, %dma_start3A_102] : memref<125x80xi32, #tpu.memory_space<vmem>> -> memref<1x80xi32, #tpu.memory_space<vmem>>
      %dma_start3A_104 = tpu.memref_squeeze %dma_start3A_103 : memref<1x80xi32, #tpu.memory_space<vmem>> -> memref<80xi32, #tpu.memory_space<vmem>>
      %dma_start3A_105 = arith.constant 0 : i32
      %dma_start3A_106 = arith.constant 0 : i32
      %dma_start3A_107 = tpu.memref_slice %arg8[%dma_start3A_105, %dma_start3A_106] : memref<10240x8xf32, #tpu.memory_space<vmem_shared>> -> memref<10240x8xf32, #tpu.memory_space<vmem_shared>>
      tpu.enqueue_indirect_dma source(%arg7 : memref<80x8xf32, #tpu.memory_space<vmem>>) target(%dma_start3A_107 : memref<10240x8xf32, #tpu.memory_space<vmem_shared>>) offsets(%dma_start3A_104 : memref<80xi32, #tpu.memory_space<vmem>>) semaphore(%arg9 : memref<!tpu.dma_semaphore, #tpu.memory_space<semaphore_mem>>) {add = true}
      %mul3A_108 = arith.constant 25 : i32
      %mul3A_109 = arith.muli %scan3A_18, %mul3A_108 : i32
      %add3A_110 = arith.constant 9 : i32
      %add3A_111 = arith.addi %mul3A_109, %add3A_110 : i32
      %dma_start3A_112 = arith.constant 0 : i32
      %dma_start3A_113 = tpu.memref_slice %arg6[%add3A_111, %dma_start3A_112] : memref<125x80xi32, #tpu.memory_space<vmem>> -> memref<1x80xi32, #tpu.memory_space<vmem>>
      %dma_start3A_114 = tpu.memref_squeeze %dma_start3A_113 : memref<1x80xi32, #tpu.memory_space<vmem>> -> memref<80xi32, #tpu.memory_space<vmem>>
      %dma_start3A_115 = arith.constant 0 : i32
      %dma_start3A_116 = arith.constant 0 : i32
      %dma_start3A_117 = tpu.memref_slice %arg8[%dma_start3A_115, %dma_start3A_116] : memref<10240x8xf32, #tpu.memory_space<vmem_shared>> -> memref<10240x8xf32, #tpu.memory_space<vmem_shared>>
      tpu.enqueue_indirect_dma source(%arg7 : memref<80x8xf32, #tpu.memory_space<vmem>>) target(%dma_start3A_117 : memref<10240x8xf32, #tpu.memory_space<vmem_shared>>) offsets(%dma_start3A_114 : memref<80xi32, #tpu.memory_space<vmem>>) semaphore(%arg9 : memref<!tpu.dma_semaphore, #tpu.memory_space<semaphore_mem>>) {add = true}
      %mul3A_118 = arith.constant 25 : i32
      %mul3A_119 = arith.muli %scan3A_18, %mul3A_118 : i32
      %add3A_120 = arith.constant 10 : i32
      %add3A_121 = arith.addi %mul3A_119, %add3A_120 : i32
      %dma_start3A_122 = arith.constant 0 : i32
      %dma_start3A_123 = tpu.memref_slice %arg6[%add3A_121, %dma_start3A_122] : memref<125x80xi32, #tpu.memory_space<vmem>> -> memref<1x80xi32, #tpu.memory_space<vmem>>
      %dma_start3A_124 = tpu.memref_squeeze %dma_start3A_123 : memref<1x80xi32, #tpu.memory_space<vmem>> -> memref<80xi32, #tpu.memory_space<vmem>>
      %dma_start3A_125 = arith.constant 0 : i32
      %dma_start3A_126 = arith.constant 0 : i32
      %dma_start3A_127 = tpu.memref_slice %arg8[%dma_start3A_125, %dma_start3A_126] : memref<10240x8xf32, #tpu.memory_space<vmem_shared>> -> memref<10240x8xf32, #tpu.memory_space<vmem_shared>>
      tpu.enqueue_indirect_dma source(%arg7 : memref<80x8xf32, #tpu.memory_space<vmem>>) target(%dma_start3A_127 : memref<10240x8xf32, #tpu.memory_space<vmem_shared>>) offsets(%dma_start3A_124 : memref<80xi32, #tpu.memory_space<vmem>>) semaphore(%arg9 : memref<!tpu.dma_semaphore, #tpu.memory_space<semaphore_mem>>) {add = true}
      %mul3A_128 = arith.constant 25 : i32
      %mul3A_129 = arith.muli %scan3A_18, %mul3A_128 : i32
      %add3A_130 = arith.constant 11 : i32
      %add3A_131 = arith.addi %mul3A_129, %add3A_130 : i32
      %dma_start3A_132 = arith.constant 0 : i32
      %dma_start3A_133 = tpu.memref_slice %arg6[%add3A_131, %dma_start3A_132] : memref<125x80xi32, #tpu.memory_space<vmem>> -> memref<1x80xi32, #tpu.memory_space<vmem>>
      %dma_start3A_134 = tpu.memref_squeeze %dma_start3A_133 : memref<1x80xi32, #tpu.memory_space<vmem>> -> memref<80xi32, #tpu.memory_space<vmem>>
      %dma_start3A_135 = arith.constant 0 : i32
      %dma_start3A_136 = arith.constant 0 : i32
      %dma_start3A_137 = tpu.memref_slice %arg8[%dma_start3A_135, %dma_start3A_136] : memref<10240x8xf32, #tpu.memory_space<vmem_shared>> -> memref<10240x8xf32, #tpu.memory_space<vmem_shared>>
      tpu.enqueue_indirect_dma source(%arg7 : memref<80x8xf32, #tpu.memory_space<vmem>>) target(%dma_start3A_137 : memref<10240x8xf32, #tpu.memory_space<vmem_shared>>) offsets(%dma_start3A_134 : memref<80xi32, #tpu.memory_space<vmem>>) semaphore(%arg9 : memref<!tpu.dma_semaphore, #tpu.memory_space<semaphore_mem>>) {add = true}
      %mul3A_138 = arith.constant 25 : i32
      %mul3A_139 = arith.muli %scan3A_18, %mul3A_138 : i32
      %add3A_140 = arith.constant 12 : i32
      %add3A_141 = arith.addi %mul3A_139, %add3A_140 : i32
      %dma_start3A_142 = arith.constant 0 : i32
      %dma_start3A_143 = tpu.memref_slice %arg6[%add3A_141, %dma_start3A_142] : memref<125x80xi32, #tpu.memory_space<vmem>> -> memref<1x80xi32, #tpu.memory_space<vmem>>
      %dma_start3A_144 = tpu.memref_squeeze %dma_start3A_143 : memref<1x80xi32, #tpu.memory_space<vmem>> -> memref<80xi32, #tpu.memory_space<vmem>>
      %dma_start3A_145 = arith.constant 0 : i32
      %dma_start3A_146 = arith.constant 0 : i32
      %dma_start3A_147 = tpu.memref_slice %arg8[%dma_start3A_145, %dma_start3A_146] : memref<10240x8xf32, #tpu.memory_space<vmem_shared>> -> memref<10240x8xf32, #tpu.memory_space<vmem_shared>>
      tpu.enqueue_indirect_dma source(%arg7 : memref<80x8xf32, #tpu.memory_space<vmem>>) target(%dma_start3A_147 : memref<10240x8xf32, #tpu.memory_space<vmem_shared>>) offsets(%dma_start3A_144 : memref<80xi32, #tpu.memory_space<vmem>>) semaphore(%arg9 : memref<!tpu.dma_semaphore, #tpu.memory_space<semaphore_mem>>) {add = true}
      %mul3A_148 = arith.constant 25 : i32
      %mul3A_149 = arith.muli %scan3A_18, %mul3A_148 : i32
      %add3A_150 = arith.constant 13 : i32
      %add3A_151 = arith.addi %mul3A_149, %add3A_150 : i32
      %dma_start3A_152 = arith.constant 0 : i32
      %dma_start3A_153 = tpu.memref_slice %arg6[%add3A_151, %dma_start3A_152] : memref<125x80xi32, #tpu.memory_space<vmem>> -> memref<1x80xi32, #tpu.memory_space<vmem>>
      %dma_start3A_154 = tpu.memref_squeeze %dma_start3A_153 : memref<1x80xi32, #tpu.memory_space<vmem>> -> memref<80xi32, #tpu.memory_space<vmem>>
      %dma_start3A_155 = arith.constant 0 : i32
      %dma_start3A_156 = arith.constant 0 : i32
      %dma_start3A_157 = tpu.memref_slice %arg8[%dma_start3A_155, %dma_start3A_156] : memref<10240x8xf32, #tpu.memory_space<vmem_shared>> -> memref<10240x8xf32, #tpu.memory_space<vmem_shared>>
      tpu.enqueue_indirect_dma source(%arg7 : memref<80x8xf32, #tpu.memory_space<vmem>>) target(%dma_start3A_157 : memref<10240x8xf32, #tpu.memory_space<vmem_shared>>) offsets(%dma_start3A_154 : memref<80xi32, #tpu.memory_space<vmem>>) semaphore(%arg9 : memref<!tpu.dma_semaphore, #tpu.memory_space<semaphore_mem>>) {add = true}
      %mul3A_158 = arith.constant 25 : i32
      %mul3A_159 = arith.muli %scan3A_18, %mul3A_158 : i32
      %add3A_160 = arith.constant 14 : i32
      %add3A_161 = arith.addi %mul3A_159, %add3A_160 : i32
      %dma_start3A_162 = arith.constant 0 : i32
      %dma_start3A_163 = tpu.memref_slice %arg6[%add3A_161, %dma_start3A_162] : memref<125x80xi32, #tpu.memory_space<vmem>> -> memref<1x80xi32, #tpu.memory_space<vmem>>
      %dma_start3A_164 = tpu.memref_squeeze %dma_start3A_163 : memref<1x80xi32, #tpu.memory_space<vmem>> -> memref<80xi32, #tpu.memory_space<vmem>>
      %dma_start3A_165 = arith.constant 0 : i32
      %dma_start3A_166 = arith.constant 0 : i32
      %dma_start3A_167 = tpu.memref_slice %arg8[%dma_start3A_165, %dma_start3A_166] : memref<10240x8xf32, #tpu.memory_space<vmem_shared>> -> memref<10240x8xf32, #tpu.memory_space<vmem_shared>>
      tpu.enqueue_indirect_dma source(%arg7 : memref<80x8xf32, #tpu.memory_space<vmem>>) target(%dma_start3A_167 : memref<10240x8xf32, #tpu.memory_space<vmem_shared>>) offsets(%dma_start3A_164 : memref<80xi32, #tpu.memory_space<vmem>>) semaphore(%arg9 : memref<!tpu.dma_semaphore, #tpu.memory_space<semaphore_mem>>) {add = true}
      %mul3A_168 = arith.constant 25 : i32
      %mul3A_169 = arith.muli %scan3A_18, %mul3A_168 : i32
      %add3A_170 = arith.constant 15 : i32
      %add3A_171 = arith.addi %mul3A_169, %add3A_170 : i32
      %dma_start3A_172 = arith.constant 0 : i32
      %dma_start3A_173 = tpu.memref_slice %arg6[%add3A_171, %dma_start3A_172] : memref<125x80xi32, #tpu.memory_space<vmem>> -> memref<1x80xi32, #tpu.memory_space<vmem>>
      %dma_start3A_174 = tpu.memref_squeeze %dma_start3A_173 : memref<1x80xi32, #tpu.memory_space<vmem>> -> memref<80xi32, #tpu.memory_space<vmem>>
      %dma_start3A_175 = arith.constant 0 : i32
      %dma_start3A_176 = arith.constant 0 : i32
      %dma_start3A_177 = tpu.memref_slice %arg8[%dma_start3A_175, %dma_start3A_176] : memref<10240x8xf32, #tpu.memory_space<vmem_shared>> -> memref<10240x8xf32, #tpu.memory_space<vmem_shared>>
      tpu.enqueue_indirect_dma source(%arg7 : memref<80x8xf32, #tpu.memory_space<vmem>>) target(%dma_start3A_177 : memref<10240x8xf32, #tpu.memory_space<vmem_shared>>) offsets(%dma_start3A_174 : memref<80xi32, #tpu.memory_space<vmem>>) semaphore(%arg9 : memref<!tpu.dma_semaphore, #tpu.memory_space<semaphore_mem>>) {add = true}
      %mul3A_178 = arith.constant 25 : i32
      %mul3A_179 = arith.muli %scan3A_18, %mul3A_178 : i32
      %add3A_180 = arith.constant 16 : i32
      %add3A_181 = arith.addi %mul3A_179, %add3A_180 : i32
      %dma_start3A_182 = arith.constant 0 : i32
      %dma_start3A_183 = tpu.memref_slice %arg6[%add3A_181, %dma_start3A_182] : memref<125x80xi32, #tpu.memory_space<vmem>> -> memref<1x80xi32, #tpu.memory_space<vmem>>
      %dma_start3A_184 = tpu.memref_squeeze %dma_start3A_183 : memref<1x80xi32, #tpu.memory_space<vmem>> -> memref<80xi32, #tpu.memory_space<vmem>>
      %dma_start3A_185 = arith.constant 0 : i32
      %dma_start3A_186 = arith.constant 0 : i32
      %dma_start3A_187 = tpu.memref_slice %arg8[%dma_start3A_185, %dma_start3A_186] : memref<10240x8xf32, #tpu.memory_space<vmem_shared>> -> memref<10240x8xf32, #tpu.memory_space<vmem_shared>>
      tpu.enqueue_indirect_dma source(%arg7 : memref<80x8xf32, #tpu.memory_space<vmem>>) target(%dma_start3A_187 : memref<10240x8xf32, #tpu.memory_space<vmem_shared>>) offsets(%dma_start3A_184 : memref<80xi32, #tpu.memory_space<vmem>>) semaphore(%arg9 : memref<!tpu.dma_semaphore, #tpu.memory_space<semaphore_mem>>) {add = true}
      %mul3A_188 = arith.constant 25 : i32
      %mul3A_189 = arith.muli %scan3A_18, %mul3A_188 : i32
      %add3A_190 = arith.constant 17 : i32
      %add3A_191 = arith.addi %mul3A_189, %add3A_190 : i32
      %dma_start3A_192 = arith.constant 0 : i32
      %dma_start3A_193 = tpu.memref_slice %arg6[%add3A_191, %dma_start3A_192] : memref<125x80xi32, #tpu.memory_space<vmem>> -> memref<1x80xi32, #tpu.memory_space<vmem>>
      %dma_start3A_194 = tpu.memref_squeeze %dma_start3A_193 : memref<1x80xi32, #tpu.memory_space<vmem>> -> memref<80xi32, #tpu.memory_space<vmem>>
      %dma_start3A_195 = arith.constant 0 : i32
      %dma_start3A_196 = arith.constant 0 : i32
      %dma_start3A_197 = tpu.memref_slice %arg8[%dma_start3A_195, %dma_start3A_196] : memref<10240x8xf32, #tpu.memory_space<vmem_shared>> -> memref<10240x8xf32, #tpu.memory_space<vmem_shared>>
      tpu.enqueue_indirect_dma source(%arg7 : memref<80x8xf32, #tpu.memory_space<vmem>>) target(%dma_start3A_197 : memref<10240x8xf32, #tpu.memory_space<vmem_shared>>) offsets(%dma_start3A_194 : memref<80xi32, #tpu.memory_space<vmem>>) semaphore(%arg9 : memref<!tpu.dma_semaphore, #tpu.memory_space<semaphore_mem>>) {add = true}
      %mul3A_198 = arith.constant 25 : i32
      %mul3A_199 = arith.muli %scan3A_18, %mul3A_198 : i32
      %add3A_200 = arith.constant 18 : i32
      %add3A_201 = arith.addi %mul3A_199, %add3A_200 : i32
      %dma_start3A_202 = arith.constant 0 : i32
      %dma_start3A_203 = tpu.memref_slice %arg6[%add3A_201, %dma_start3A_202] : memref<125x80xi32, #tpu.memory_space<vmem>> -> memref<1x80xi32, #tpu.memory_space<vmem>>
      %dma_start3A_204 = tpu.memref_squeeze %dma_start3A_203 : memref<1x80xi32, #tpu.memory_space<vmem>> -> memref<80xi32, #tpu.memory_space<vmem>>
      %dma_start3A_205 = arith.constant 0 : i32
      %dma_start3A_206 = arith.constant 0 : i32
      %dma_start3A_207 = tpu.memref_slice %arg8[%dma_start3A_205, %dma_start3A_206] : memref<10240x8xf32, #tpu.memory_space<vmem_shared>> -> memref<10240x8xf32, #tpu.memory_space<vmem_shared>>
      tpu.enqueue_indirect_dma source(%arg7 : memref<80x8xf32, #tpu.memory_space<vmem>>) target(%dma_start3A_207 : memref<10240x8xf32, #tpu.memory_space<vmem_shared>>) offsets(%dma_start3A_204 : memref<80xi32, #tpu.memory_space<vmem>>) semaphore(%arg9 : memref<!tpu.dma_semaphore, #tpu.memory_space<semaphore_mem>>) {add = true}
      %mul3A_208 = arith.constant 25 : i32
      %mul3A_209 = arith.muli %scan3A_18, %mul3A_208 : i32
      %add3A_210 = arith.constant 19 : i32
      %add3A_211 = arith.addi %mul3A_209, %add3A_210 : i32
      %dma_start3A_212 = arith.constant 0 : i32
      %dma_start3A_213 = tpu.memref_slice %arg6[%add3A_211, %dma_start3A_212] : memref<125x80xi32, #tpu.memory_space<vmem>> -> memref<1x80xi32, #tpu.memory_space<vmem>>
      %dma_start3A_214 = tpu.memref_squeeze %dma_start3A_213 : memref<1x80xi32, #tpu.memory_space<vmem>> -> memref<80xi32, #tpu.memory_space<vmem>>
      %dma_start3A_215 = arith.constant 0 : i32
      %dma_start3A_216 = arith.constant 0 : i32
      %dma_start3A_217 = tpu.memref_slice %arg8[%dma_start3A_215, %dma_start3A_216] : memref<10240x8xf32, #tpu.memory_space<vmem_shared>> -> memref<10240x8xf32, #tpu.memory_space<vmem_shared>>
      tpu.enqueue_indirect_dma source(%arg7 : memref<80x8xf32, #tpu.memory_space<vmem>>) target(%dma_start3A_217 : memref<10240x8xf32, #tpu.memory_space<vmem_shared>>) offsets(%dma_start3A_214 : memref<80xi32, #tpu.memory_space<vmem>>) semaphore(%arg9 : memref<!tpu.dma_semaphore, #tpu.memory_space<semaphore_mem>>) {add = true}
      %mul3A_218 = arith.constant 25 : i32
      %mul3A_219 = arith.muli %scan3A_18, %mul3A_218 : i32
      %add3A_220 = arith.constant 20 : i32
      %add3A_221 = arith.addi %mul3A_219, %add3A_220 : i32
      %dma_start3A_222 = arith.constant 0 : i32
      %dma_start3A_223 = tpu.memref_slice %arg6[%add3A_221, %dma_start3A_222] : memref<125x80xi32, #tpu.memory_space<vmem>> -> memref<1x80xi32, #tpu.memory_space<vmem>>
      %dma_start3A_224 = tpu.memref_squeeze %dma_start3A_223 : memref<1x80xi32, #tpu.memory_space<vmem>> -> memref<80xi32, #tpu.memory_space<vmem>>
      %dma_start3A_225 = arith.constant 0 : i32
      %dma_start3A_226 = arith.constant 0 : i32
      %dma_start3A_227 = tpu.memref_slice %arg8[%dma_start3A_225, %dma_start3A_226] : memref<10240x8xf32, #tpu.memory_space<vmem_shared>> -> memref<10240x8xf32, #tpu.memory_space<vmem_shared>>
      tpu.enqueue_indirect_dma source(%arg7 : memref<80x8xf32, #tpu.memory_space<vmem>>) target(%dma_start3A_227 : memref<10240x8xf32, #tpu.memory_space<vmem_shared>>) offsets(%dma_start3A_224 : memref<80xi32, #tpu.memory_space<vmem>>) semaphore(%arg9 : memref<!tpu.dma_semaphore, #tpu.memory_space<semaphore_mem>>) {add = true}
      %mul3A_228 = arith.constant 25 : i32
      %mul3A_229 = arith.muli %scan3A_18, %mul3A_228 : i32
      %add3A_230 = arith.constant 21 : i32
      %add3A_231 = arith.addi %mul3A_229, %add3A_230 : i32
      %dma_start3A_232 = arith.constant 0 : i32
      %dma_start3A_233 = tpu.memref_slice %arg6[%add3A_231, %dma_start3A_232] : memref<125x80xi32, #tpu.memory_space<vmem>> -> memref<1x80xi32, #tpu.memory_space<vmem>>
      %dma_start3A_234 = tpu.memref_squeeze %dma_start3A_233 : memref<1x80xi32, #tpu.memory_space<vmem>> -> memref<80xi32, #tpu.memory_space<vmem>>
      %dma_start3A_235 = arith.constant 0 : i32
      %dma_start3A_236 = arith.constant 0 : i32
      %dma_start3A_237 = tpu.memref_slice %arg8[%dma_start3A_235, %dma_start3A_236] : memref<10240x8xf32, #tpu.memory_space<vmem_shared>> -> memref<10240x8xf32, #tpu.memory_space<vmem_shared>>
      tpu.enqueue_indirect_dma source(%arg7 : memref<80x8xf32, #tpu.memory_space<vmem>>) target(%dma_start3A_237 : memref<10240x8xf32, #tpu.memory_space<vmem_shared>>) offsets(%dma_start3A_234 : memref<80xi32, #tpu.memory_space<vmem>>) semaphore(%arg9 : memref<!tpu.dma_semaphore, #tpu.memory_space<semaphore_mem>>) {add = true}
      %mul3A_238 = arith.constant 25 : i32
      %mul3A_239 = arith.muli %scan3A_18, %mul3A_238 : i32
      %add3A_240 = arith.constant 22 : i32
      %add3A_241 = arith.addi %mul3A_239, %add3A_240 : i32
      %dma_start3A_242 = arith.constant 0 : i32
      %dma_start3A_243 = tpu.memref_slice %arg6[%add3A_241, %dma_start3A_242] : memref<125x80xi32, #tpu.memory_space<vmem>> -> memref<1x80xi32, #tpu.memory_space<vmem>>
      %dma_start3A_244 = tpu.memref_squeeze %dma_start3A_243 : memref<1x80xi32, #tpu.memory_space<vmem>> -> memref<80xi32, #tpu.memory_space<vmem>>
      %dma_start3A_245 = arith.constant 0 : i32
      %dma_start3A_246 = arith.constant 0 : i32
      %dma_start3A_247 = tpu.memref_slice %arg8[%dma_start3A_245, %dma_start3A_246] : memref<10240x8xf32, #tpu.memory_space<vmem_shared>> -> memref<10240x8xf32, #tpu.memory_space<vmem_shared>>
      tpu.enqueue_indirect_dma source(%arg7 : memref<80x8xf32, #tpu.memory_space<vmem>>) target(%dma_start3A_247 : memref<10240x8xf32, #tpu.memory_space<vmem_shared>>) offsets(%dma_start3A_244 : memref<80xi32, #tpu.memory_space<vmem>>) semaphore(%arg9 : memref<!tpu.dma_semaphore, #tpu.memory_space<semaphore_mem>>) {add = true}
      %mul3A_248 = arith.constant 25 : i32
      %mul3A_249 = arith.muli %scan3A_18, %mul3A_248 : i32
      %add3A_250 = arith.constant 23 : i32
      %add3A_251 = arith.addi %mul3A_249, %add3A_250 : i32
      %dma_start3A_252 = arith.constant 0 : i32
      %dma_start3A_253 = tpu.memref_slice %arg6[%add3A_251, %dma_start3A_252] : memref<125x80xi32, #tpu.memory_space<vmem>> -> memref<1x80xi32, #tpu.memory_space<vmem>>
      %dma_start3A_254 = tpu.memref_squeeze %dma_start3A_253 : memref<1x80xi32, #tpu.memory_space<vmem>> -> memref<80xi32, #tpu.memory_space<vmem>>
      %dma_start3A_255 = arith.constant 0 : i32
      %dma_start3A_256 = arith.constant 0 : i32
      %dma_start3A_257 = tpu.memref_slice %arg8[%dma_start3A_255, %dma_start3A_256] : memref<10240x8xf32, #tpu.memory_space<vmem_shared>> -> memref<10240x8xf32, #tpu.memory_space<vmem_shared>>
      tpu.enqueue_indirect_dma source(%arg7 : memref<80x8xf32, #tpu.memory_space<vmem>>) target(%dma_start3A_257 : memref<10240x8xf32, #tpu.memory_space<vmem_shared>>) offsets(%dma_start3A_254 : memref<80xi32, #tpu.memory_space<vmem>>) semaphore(%arg9 : memref<!tpu.dma_semaphore, #tpu.memory_space<semaphore_mem>>) {add = true}
      %mul3A_258 = arith.constant 25 : i32
      %mul3A_259 = arith.muli %scan3A_18, %mul3A_258 : i32
      %add3A_260 = arith.constant 24 : i32
      %add3A_261 = arith.addi %mul3A_259, %add3A_260 : i32
      %dma_start3A_262 = arith.constant 0 : i32
      %dma_start3A_263 = tpu.memref_slice %arg6[%add3A_261, %dma_start3A_262] : memref<125x80xi32, #tpu.memory_space<vmem>> -> memref<1x80xi32, #tpu.memory_space<vmem>>
      %dma_start3A_264 = tpu.memref_squeeze %dma_start3A_263 : memref<1x80xi32, #tpu.memory_space<vmem>> -> memref<80xi32, #tpu.memory_space<vmem>>
      %dma_start3A_265 = arith.constant 0 : i32
      %dma_start3A_266 = arith.constant 0 : i32
      %dma_start3A_267 = tpu.memref_slice %arg8[%dma_start3A_265, %dma_start3A_266] : memref<10240x8xf32, #tpu.memory_space<vmem_shared>> -> memref<10240x8xf32, #tpu.memory_space<vmem_shared>>
      tpu.enqueue_indirect_dma source(%arg7 : memref<80x8xf32, #tpu.memory_space<vmem>>) target(%dma_start3A_267 : memref<10240x8xf32, #tpu.memory_space<vmem_shared>>) offsets(%dma_start3A_264 : memref<80xi32, #tpu.memory_space<vmem>>) semaphore(%arg9 : memref<!tpu.dma_semaphore, #tpu.memory_space<semaphore_mem>>) {add = true}
      %dma_wait3A = arith.constant 0 : i32
      %dma_wait3A_268 = arith.constant 0 : i32
      %dma_wait3A_269 = tpu.memref_slice %arg6[%dma_wait3A, %dma_wait3A_268] : memref<125x80xi32, #tpu.memory_space<vmem>> -> memref<1x80xi32, #tpu.memory_space<vmem>>
      %dma_wait3A_270 = tpu.memref_squeeze %dma_wait3A_269 : memref<1x80xi32, #tpu.memory_space<vmem>> -> memref<80xi32, #tpu.memory_space<vmem>>
      %dma_wait3A_271 = arith.constant 0 : i32
      %dma_wait3A_272 = arith.constant 0 : i32
      %dma_wait3A_273 = tpu.memref_slice %arg8[%dma_wait3A_271, %dma_wait3A_272] : memref<10240x8xf32, #tpu.memory_space<vmem_shared>> -> memref<10240x8xf32, #tpu.memory_space<vmem_shared>>
      tpu.wait_indirect_dma semaphore(%arg9 : memref<!tpu.dma_semaphore, #tpu.memory_space<semaphore_mem>>) src(%arg7 : memref<80x8xf32, #tpu.memory_space<vmem>>) dst(%dma_wait3A_273 : memref<10240x8xf32, #tpu.memory_space<vmem_shared>>)
      %dma_wait3A_274 = arith.constant 0 : i32
      %dma_wait3A_275 = arith.constant 0 : i32
      %dma_wait3A_276 = tpu.memref_slice %arg6[%dma_wait3A_274, %dma_wait3A_275] : memref<125x80xi32, #tpu.memory_space<vmem>> -> memref<1x80xi32, #tpu.memory_space<vmem>>
      %dma_wait3A_277 = tpu.memref_squeeze %dma_wait3A_276 : memref<1x80xi32, #tpu.memory_space<vmem>> -> memref<80xi32, #tpu.memory_space<vmem>>
      %dma_wait3A_278 = arith.constant 0 : i32
      %dma_wait3A_279 = arith.constant 0 : i32
      %dma_wait3A_280 = tpu.memref_slice %arg8[%dma_wait3A_278, %dma_wait3A_279] : memref<10240x8xf32, #tpu.memory_space<vmem_shared>> -> memref<10240x8xf32, #tpu.memory_space<vmem_shared>>
      tpu.wait_indirect_dma semaphore(%arg9 : memref<!tpu.dma_semaphore, #tpu.memory_space<semaphore_mem>>) src(%arg7 : memref<80x8xf32, #tpu.memory_space<vmem>>) dst(%dma_wait3A_280 : memref<10240x8xf32, #tpu.memory_space<vmem_shared>>)
      %dma_wait3A_281 = arith.constant 0 : i32
      %dma_wait3A_282 = arith.constant 0 : i32
      %dma_wait3A_283 = tpu.memref_slice %arg6[%dma_wait3A_281, %dma_wait3A_282] : memref<125x80xi32, #tpu.memory_space<vmem>> -> memref<1x80xi32, #tpu.memory_space<vmem>>
      %dma_wait3A_284 = tpu.memref_squeeze %dma_wait3A_283 : memref<1x80xi32, #tpu.memory_space<vmem>> -> memref<80xi32, #tpu.memory_space<vmem>>
      %dma_wait3A_285 = arith.constant 0 : i32
      %dma_wait3A_286 = arith.constant 0 : i32
      %dma_wait3A_287 = tpu.memref_slice %arg8[%dma_wait3A_285, %dma_wait3A_286] : memref<10240x8xf32, #tpu.memory_space<vmem_shared>> -> memref<10240x8xf32, #tpu.memory_space<vmem_shared>>
      tpu.wait_indirect_dma semaphore(%arg9 : memref<!tpu.dma_semaphore, #tpu.memory_space<semaphore_mem>>) src(%arg7 : memref<80x8xf32, #tpu.memory_space<vmem>>) dst(%dma_wait3A_287 : memref<10240x8xf32, #tpu.memory_space<vmem_shared>>)
      %dma_wait3A_288 = arith.constant 0 : i32
      %dma_wait3A_289 = arith.constant 0 : i32
      %dma_wait3A_290 = tpu.memref_slice %arg6[%dma_wait3A_288, %dma_wait3A_289] : memref<125x80xi32, #tpu.memory_space<vmem>> -> memref<1x80xi32, #tpu.memory_space<vmem>>
      %dma_wait3A_291 = tpu.memref_squeeze %dma_wait3A_290 : memref<1x80xi32, #tpu.memory_space<vmem>> -> memref<80xi32, #tpu.memory_space<vmem>>
      %dma_wait3A_292 = arith.constant 0 : i32
      %dma_wait3A_293 = arith.constant 0 : i32
      %dma_wait3A_294 = tpu.memref_slice %arg8[%dma_wait3A_292, %dma_wait3A_293] : memref<10240x8xf32, #tpu.memory_space<vmem_shared>> -> memref<10240x8xf32, #tpu.memory_space<vmem_shared>>
      tpu.wait_indirect_dma semaphore(%arg9 : memref<!tpu.dma_semaphore, #tpu.memory_space<semaphore_mem>>) src(%arg7 : memref<80x8xf32, #tpu.memory_space<vmem>>) dst(%dma_wait3A_294 : memref<10240x8xf32, #tpu.memory_space<vmem_shared>>)
      %dma_wait3A_295 = arith.constant 0 : i32
      %dma_wait3A_296 = arith.constant 0 : i32
      %dma_wait3A_297 = tpu.memref_slice %arg6[%dma_wait3A_295, %dma_wait3A_296] : memref<125x80xi32, #tpu.memory_space<vmem>> -> memref<1x80xi32, #tpu.memory_space<vmem>>
      %dma_wait3A_298 = tpu.memref_squeeze %dma_wait3A_297 : memref<1x80xi32, #tpu.memory_space<vmem>> -> memref<80xi32, #tpu.memory_space<vmem>>
      %dma_wait3A_299 = arith.constant 0 : i32
      %dma_wait3A_300 = arith.constant 0 : i32
      %dma_wait3A_301 = tpu.memref_slice %arg8[%dma_wait3A_299, %dma_wait3A_300] : memref<10240x8xf32, #tpu.memory_space<vmem_shared>> -> memref<10240x8xf32, #tpu.memory_space<vmem_shared>>
      tpu.wait_indirect_dma semaphore(%arg9 : memref<!tpu.dma_semaphore, #tpu.memory_space<semaphore_mem>>) src(%arg7 : memref<80x8xf32, #tpu.memory_space<vmem>>) dst(%dma_wait3A_301 : memref<10240x8xf32, #tpu.memory_space<vmem_shared>>)
      %dma_wait3A_302 = arith.constant 0 : i32
      %dma_wait3A_303 = arith.constant 0 : i32
      %dma_wait3A_304 = tpu.memref_slice %arg6[%dma_wait3A_302, %dma_wait3A_303] : memref<125x80xi32, #tpu.memory_space<vmem>> -> memref<1x80xi32, #tpu.memory_space<vmem>>
      %dma_wait3A_305 = tpu.memref_squeeze %dma_wait3A_304 : memref<1x80xi32, #tpu.memory_space<vmem>> -> memref<80xi32, #tpu.memory_space<vmem>>
      %dma_wait3A_306 = arith.constant 0 : i32
      %dma_wait3A_307 = arith.constant 0 : i32
      %dma_wait3A_308 = tpu.memref_slice %arg8[%dma_wait3A_306, %dma_wait3A_307] : memref<10240x8xf32, #tpu.memory_space<vmem_shared>> -> memref<10240x8xf32, #tpu.memory_space<vmem_shared>>
      tpu.wait_indirect_dma semaphore(%arg9 : memref<!tpu.dma_semaphore, #tpu.memory_space<semaphore_mem>>) src(%arg7 : memref<80x8xf32, #tpu.memory_space<vmem>>) dst(%dma_wait3A_308 : memref<10240x8xf32, #tpu.memory_space<vmem_shared>>)
      %dma_wait3A_309 = arith.constant 0 : i32
      %dma_wait3A_310 = arith.constant 0 : i32
      %dma_wait3A_311 = tpu.memref_slice %arg6[%dma_wait3A_309, %dma_wait3A_310] : memref<125x80xi32, #tpu.memory_space<vmem>> -> memref<1x80xi32, #tpu.memory_space<vmem>>
      %dma_wait3A_312 = tpu.memref_squeeze %dma_wait3A_311 : memref<1x80xi32, #tpu.memory_space<vmem>> -> memref<80xi32, #tpu.memory_space<vmem>>
      %dma_wait3A_313 = arith.constant 0 : i32
      %dma_wait3A_314 = arith.constant 0 : i32
      %dma_wait3A_315 = tpu.memref_slice %arg8[%dma_wait3A_313, %dma_wait3A_314] : memref<10240x8xf32, #tpu.memory_space<vmem_shared>> -> memref<10240x8xf32, #tpu.memory_space<vmem_shared>>
      tpu.wait_indirect_dma semaphore(%arg9 : memref<!tpu.dma_semaphore, #tpu.memory_space<semaphore_mem>>) src(%arg7 : memref<80x8xf32, #tpu.memory_space<vmem>>) dst(%dma_wait3A_315 : memref<10240x8xf32, #tpu.memory_space<vmem_shared>>)
      %dma_wait3A_316 = arith.constant 0 : i32
      %dma_wait3A_317 = arith.constant 0 : i32
      %dma_wait3A_318 = tpu.memref_slice %arg6[%dma_wait3A_316, %dma_wait3A_317] : memref<125x80xi32, #tpu.memory_space<vmem>> -> memref<1x80xi32, #tpu.memory_space<vmem>>
      %dma_wait3A_319 = tpu.memref_squeeze %dma_wait3A_318 : memref<1x80xi32, #tpu.memory_space<vmem>> -> memref<80xi32, #tpu.memory_space<vmem>>
      %dma_wait3A_320 = arith.constant 0 : i32
      %dma_wait3A_321 = arith.constant 0 : i32
      %dma_wait3A_322 = tpu.memref_slice %arg8[%dma_wait3A_320, %dma_wait3A_321] : memref<10240x8xf32, #tpu.memory_space<vmem_shared>> -> memref<10240x8xf32, #tpu.memory_space<vmem_shared>>
      tpu.wait_indirect_dma semaphore(%arg9 : memref<!tpu.dma_semaphore, #tpu.memory_space<semaphore_mem>>) src(%arg7 : memref<80x8xf32, #tpu.memory_space<vmem>>) dst(%dma_wait3A_322 : memref<10240x8xf32, #tpu.memory_space<vmem_shared>>)
      %dma_wait3A_323 = arith.constant 0 : i32
      %dma_wait3A_324 = arith.constant 0 : i32
      %dma_wait3A_325 = tpu.memref_slice %arg6[%dma_wait3A_323, %dma_wait3A_324] : memref<125x80xi32, #tpu.memory_space<vmem>> -> memref<1x80xi32, #tpu.memory_space<vmem>>
      %dma_wait3A_326 = tpu.memref_squeeze %dma_wait3A_325 : memref<1x80xi32, #tpu.memory_space<vmem>> -> memref<80xi32, #tpu.memory_space<vmem>>
      %dma_wait3A_327 = arith.constant 0 : i32
      %dma_wait3A_328 = arith.constant 0 : i32
      %dma_wait3A_329 = tpu.memref_slice %arg8[%dma_wait3A_327, %dma_wait3A_328] : memref<10240x8xf32, #tpu.memory_space<vmem_shared>> -> memref<10240x8xf32, #tpu.memory_space<vmem_shared>>
      tpu.wait_indirect_dma semaphore(%arg9 : memref<!tpu.dma_semaphore, #tpu.memory_space<semaphore_mem>>) src(%arg7 : memref<80x8xf32, #tpu.memory_space<vmem>>) dst(%dma_wait3A_329 : memref<10240x8xf32, #tpu.memory_space<vmem_shared>>)
      %dma_wait3A_330 = arith.constant 0 : i32
      %dma_wait3A_331 = arith.constant 0 : i32
      %dma_wait3A_332 = tpu.memref_slice %arg6[%dma_wait3A_330, %dma_wait3A_331] : memref<125x80xi32, #tpu.memory_space<vmem>> -> memref<1x80xi32, #tpu.memory_space<vmem>>
      %dma_wait3A_333 = tpu.memref_squeeze %dma_wait3A_332 : memref<1x80xi32, #tpu.memory_space<vmem>> -> memref<80xi32, #tpu.memory_space<vmem>>
      %dma_wait3A_334 = arith.constant 0 : i32
      %dma_wait3A_335 = arith.constant 0 : i32
      %dma_wait3A_336 = tpu.memref_slice %arg8[%dma_wait3A_334, %dma_wait3A_335] : memref<10240x8xf32, #tpu.memory_space<vmem_shared>> -> memref<10240x8xf32, #tpu.memory_space<vmem_shared>>
      tpu.wait_indirect_dma semaphore(%arg9 : memref<!tpu.dma_semaphore, #tpu.memory_space<semaphore_mem>>) src(%arg7 : memref<80x8xf32, #tpu.memory_space<vmem>>) dst(%dma_wait3A_336 : memref<10240x8xf32, #tpu.memory_space<vmem_shared>>)
      %dma_wait3A_337 = arith.constant 0 : i32
      %dma_wait3A_338 = arith.constant 0 : i32
      %dma_wait3A_339 = tpu.memref_slice %arg6[%dma_wait3A_337, %dma_wait3A_338] : memref<125x80xi32, #tpu.memory_space<vmem>> -> memref<1x80xi32, #tpu.memory_space<vmem>>
      %dma_wait3A_340 = tpu.memref_squeeze %dma_wait3A_339 : memref<1x80xi32, #tpu.memory_space<vmem>> -> memref<80xi32, #tpu.memory_space<vmem>>
      %dma_wait3A_341 = arith.constant 0 : i32
      %dma_wait3A_342 = arith.constant 0 : i32
      %dma_wait3A_343 = tpu.memref_slice %arg8[%dma_wait3A_341, %dma_wait3A_342] : memref<10240x8xf32, #tpu.memory_space<vmem_shared>> -> memref<10240x8xf32, #tpu.memory_space<vmem_shared>>
      tpu.wait_indirect_dma semaphore(%arg9 : memref<!tpu.dma_semaphore, #tpu.memory_space<semaphore_mem>>) src(%arg7 : memref<80x8xf32, #tpu.memory_space<vmem>>) dst(%dma_wait3A_343 : memref<10240x8xf32, #tpu.memory_space<vmem_shared>>)
      %dma_wait3A_344 = arith.constant 0 : i32
      %dma_wait3A_345 = arith.constant 0 : i32
      %dma_wait3A_346 = tpu.memref_slice %arg6[%dma_wait3A_344, %dma_wait3A_345] : memref<125x80xi32, #tpu.memory_space<vmem>> -> memref<1x80xi32, #tpu.memory_space<vmem>>
      %dma_wait3A_347 = tpu.memref_squeeze %dma_wait3A_346 : memref<1x80xi32, #tpu.memory_space<vmem>> -> memref<80xi32, #tpu.memory_space<vmem>>
      %dma_wait3A_348 = arith.constant 0 : i32
      %dma_wait3A_349 = arith.constant 0 : i32
      %dma_wait3A_350 = tpu.memref_slice %arg8[%dma_wait3A_348, %dma_wait3A_349] : memref<10240x8xf32, #tpu.memory_space<vmem_shared>> -> memref<10240x8xf32, #tpu.memory_space<vmem_shared>>
      tpu.wait_indirect_dma semaphore(%arg9 : memref<!tpu.dma_semaphore, #tpu.memory_space<semaphore_mem>>) src(%arg7 : memref<80x8xf32, #tpu.memory_space<vmem>>) dst(%dma_wait3A_350 : memref<10240x8xf32, #tpu.memory_space<vmem_shared>>)
      %dma_wait3A_351 = arith.constant 0 : i32
      %dma_wait3A_352 = arith.constant 0 : i32
      %dma_wait3A_353 = tpu.memref_slice %arg6[%dma_wait3A_351, %dma_wait3A_352] : memref<125x80xi32, #tpu.memory_space<vmem>> -> memref<1x80xi32, #tpu.memory_space<vmem>>
      %dma_wait3A_354 = tpu.memref_squeeze %dma_wait3A_353 : memref<1x80xi32, #tpu.memory_space<vmem>> -> memref<80xi32, #tpu.memory_space<vmem>>
      %dma_wait3A_355 = arith.constant 0 : i32
      %dma_wait3A_356 = arith.constant 0 : i32
      %dma_wait3A_357 = tpu.memref_slice %arg8[%dma_wait3A_355, %dma_wait3A_356] : memref<10240x8xf32, #tpu.memory_space<vmem_shared>> -> memref<10240x8xf32, #tpu.memory_space<vmem_shared>>
      tpu.wait_indirect_dma semaphore(%arg9 : memref<!tpu.dma_semaphore, #tpu.memory_space<semaphore_mem>>) src(%arg7 : memref<80x8xf32, #tpu.memory_space<vmem>>) dst(%dma_wait3A_357 : memref<10240x8xf32, #tpu.memory_space<vmem_shared>>)
      %dma_wait3A_358 = arith.constant 0 : i32
      %dma_wait3A_359 = arith.constant 0 : i32
      %dma_wait3A_360 = tpu.memref_slice %arg6[%dma_wait3A_358, %dma_wait3A_359] : memref<125x80xi32, #tpu.memory_space<vmem>> -> memref<1x80xi32, #tpu.memory_space<vmem>>
      %dma_wait3A_361 = tpu.memref_squeeze %dma_wait3A_360 : memref<1x80xi32, #tpu.memory_space<vmem>> -> memref<80xi32, #tpu.memory_space<vmem>>
      %dma_wait3A_362 = arith.constant 0 : i32
      %dma_wait3A_363 = arith.constant 0 : i32
      %dma_wait3A_364 = tpu.memref_slice %arg8[%dma_wait3A_362, %dma_wait3A_363] : memref<10240x8xf32, #tpu.memory_space<vmem_shared>> -> memref<10240x8xf32, #tpu.memory_space<vmem_shared>>
      tpu.wait_indirect_dma semaphore(%arg9 : memref<!tpu.dma_semaphore, #tpu.memory_space<semaphore_mem>>) src(%arg7 : memref<80x8xf32, #tpu.memory_space<vmem>>) dst(%dma_wait3A_364 : memref<10240x8xf32, #tpu.memory_space<vmem_shared>>)
      %dma_wait3A_365 = arith.constant 0 : i32
      %dma_wait3A_366 = arith.constant 0 : i32
      %dma_wait3A_367 = tpu.memref_slice %arg6[%dma_wait3A_365, %dma_wait3A_366] : memref<125x80xi32, #tpu.memory_space<vmem>> -> memref<1x80xi32, #tpu.memory_space<vmem>>
      %dma_wait3A_368 = tpu.memref_squeeze %dma_wait3A_367 : memref<1x80xi32, #tpu.memory_space<vmem>> -> memref<80xi32, #tpu.memory_space<vmem>>
      %dma_wait3A_369 = arith.constant 0 : i32
      %dma_wait3A_370 = arith.constant 0 : i32
      %dma_wait3A_371 = tpu.memref_slice %arg8[%dma_wait3A_369, %dma_wait3A_370] : memref<10240x8xf32, #tpu.memory_space<vmem_shared>> -> memref<10240x8xf32, #tpu.memory_space<vmem_shared>>
      tpu.wait_indirect_dma semaphore(%arg9 : memref<!tpu.dma_semaphore, #tpu.memory_space<semaphore_mem>>) src(%arg7 : memref<80x8xf32, #tpu.memory_space<vmem>>) dst(%dma_wait3A_371 : memref<10240x8xf32, #tpu.memory_space<vmem_shared>>)
      %dma_wait3A_372 = arith.constant 0 : i32
      %dma_wait3A_373 = arith.constant 0 : i32
      %dma_wait3A_374 = tpu.memref_slice %arg6[%dma_wait3A_372, %dma_wait3A_373] : memref<125x80xi32, #tpu.memory_space<vmem>> -> memref<1x80xi32, #tpu.memory_space<vmem>>
      %dma_wait3A_375 = tpu.memref_squeeze %dma_wait3A_374 : memref<1x80xi32, #tpu.memory_space<vmem>> -> memref<80xi32, #tpu.memory_space<vmem>>
      %dma_wait3A_376 = arith.constant 0 : i32
      %dma_wait3A_377 = arith.constant 0 : i32
      %dma_wait3A_378 = tpu.memref_slice %arg8[%dma_wait3A_376, %dma_wait3A_377] : memref<10240x8xf32, #tpu.memory_space<vmem_shared>> -> memref<10240x8xf32, #tpu.memory_space<vmem_shared>>
      tpu.wait_indirect_dma semaphore(%arg9 : memref<!tpu.dma_semaphore, #tpu.memory_space<semaphore_mem>>) src(%arg7 : memref<80x8xf32, #tpu.memory_space<vmem>>) dst(%dma_wait3A_378 : memref<10240x8xf32, #tpu.memory_space<vmem_shared>>)
      %dma_wait3A_379 = arith.constant 0 : i32
      %dma_wait3A_380 = arith.constant 0 : i32
      %dma_wait3A_381 = tpu.memref_slice %arg6[%dma_wait3A_379, %dma_wait3A_380] : memref<125x80xi32, #tpu.memory_space<vmem>> -> memref<1x80xi32, #tpu.memory_space<vmem>>
      %dma_wait3A_382 = tpu.memref_squeeze %dma_wait3A_381 : memref<1x80xi32, #tpu.memory_space<vmem>> -> memref<80xi32, #tpu.memory_space<vmem>>
      %dma_wait3A_383 = arith.constant 0 : i32
      %dma_wait3A_384 = arith.constant 0 : i32
      %dma_wait3A_385 = tpu.memref_slice %arg8[%dma_wait3A_383, %dma_wait3A_384] : memref<10240x8xf32, #tpu.memory_space<vmem_shared>> -> memref<10240x8xf32, #tpu.memory_space<vmem_shared>>
      tpu.wait_indirect_dma semaphore(%arg9 : memref<!tpu.dma_semaphore, #tpu.memory_space<semaphore_mem>>) src(%arg7 : memref<80x8xf32, #tpu.memory_space<vmem>>) dst(%dma_wait3A_385 : memref<10240x8xf32, #tpu.memory_space<vmem_shared>>)
      %dma_wait3A_386 = arith.constant 0 : i32
      %dma_wait3A_387 = arith.constant 0 : i32
      %dma_wait3A_388 = tpu.memref_slice %arg6[%dma_wait3A_386, %dma_wait3A_387] : memref<125x80xi32, #tpu.memory_space<vmem>> -> memref<1x80xi32, #tpu.memory_space<vmem>>
      %dma_wait3A_389 = tpu.memref_squeeze %dma_wait3A_388 : memref<1x80xi32, #tpu.memory_space<vmem>> -> memref<80xi32, #tpu.memory_space<vmem>>
      %dma_wait3A_390 = arith.constant 0 : i32
      %dma_wait3A_391 = arith.constant 0 : i32
      %dma_wait3A_392 = tpu.memref_slice %arg8[%dma_wait3A_390, %dma_wait3A_391] : memref<10240x8xf32, #tpu.memory_space<vmem_shared>> -> memref<10240x8xf32, #tpu.memory_space<vmem_shared>>
      tpu.wait_indirect_dma semaphore(%arg9 : memref<!tpu.dma_semaphore, #tpu.memory_space<semaphore_mem>>) src(%arg7 : memref<80x8xf32, #tpu.memory_space<vmem>>) dst(%dma_wait3A_392 : memref<10240x8xf32, #tpu.memory_space<vmem_shared>>)
      %dma_wait3A_393 = arith.constant 0 : i32
      %dma_wait3A_394 = arith.constant 0 : i32
      %dma_wait3A_395 = tpu.memref_slice %arg6[%dma_wait3A_393, %dma_wait3A_394] : memref<125x80xi32, #tpu.memory_space<vmem>> -> memref<1x80xi32, #tpu.memory_space<vmem>>
      %dma_wait3A_396 = tpu.memref_squeeze %dma_wait3A_395 : memref<1x80xi32, #tpu.memory_space<vmem>> -> memref<80xi32, #tpu.memory_space<vmem>>
      %dma_wait3A_397 = arith.constant 0 : i32
      %dma_wait3A_398 = arith.constant 0 : i32
      %dma_wait3A_399 = tpu.memref_slice %arg8[%dma_wait3A_397, %dma_wait3A_398] : memref<10240x8xf32, #tpu.memory_space<vmem_shared>> -> memref<10240x8xf32, #tpu.memory_space<vmem_shared>>
      tpu.wait_indirect_dma semaphore(%arg9 : memref<!tpu.dma_semaphore, #tpu.memory_space<semaphore_mem>>) src(%arg7 : memref<80x8xf32, #tpu.memory_space<vmem>>) dst(%dma_wait3A_399 : memref<10240x8xf32, #tpu.memory_space<vmem_shared>>)
      %dma_wait3A_400 = arith.constant 0 : i32
      %dma_wait3A_401 = arith.constant 0 : i32
      %dma_wait3A_402 = tpu.memref_slice %arg6[%dma_wait3A_400, %dma_wait3A_401] : memref<125x80xi32, #tpu.memory_space<vmem>> -> memref<1x80xi32, #tpu.memory_space<vmem>>
      %dma_wait3A_403 = tpu.memref_squeeze %dma_wait3A_402 : memref<1x80xi32, #tpu.memory_space<vmem>> -> memref<80xi32, #tpu.memory_space<vmem>>
      %dma_wait3A_404 = arith.constant 0 : i32
      %dma_wait3A_405 = arith.constant 0 : i32
      %dma_wait3A_406 = tpu.memref_slice %arg8[%dma_wait3A_404, %dma_wait3A_405] : memref<10240x8xf32, #tpu.memory_space<vmem_shared>> -> memref<10240x8xf32, #tpu.memory_space<vmem_shared>>
      tpu.wait_indirect_dma semaphore(%arg9 : memref<!tpu.dma_semaphore, #tpu.memory_space<semaphore_mem>>) src(%arg7 : memref<80x8xf32, #tpu.memory_space<vmem>>) dst(%dma_wait3A_406 : memref<10240x8xf32, #tpu.memory_space<vmem_shared>>)
      %dma_wait3A_407 = arith.constant 0 : i32
      %dma_wait3A_408 = arith.constant 0 : i32
      %dma_wait3A_409 = tpu.memref_slice %arg6[%dma_wait3A_407, %dma_wait3A_408] : memref<125x80xi32, #tpu.memory_space<vmem>> -> memref<1x80xi32, #tpu.memory_space<vmem>>
      %dma_wait3A_410 = tpu.memref_squeeze %dma_wait3A_409 : memref<1x80xi32, #tpu.memory_space<vmem>> -> memref<80xi32, #tpu.memory_space<vmem>>
      %dma_wait3A_411 = arith.constant 0 : i32
      %dma_wait3A_412 = arith.constant 0 : i32
      %dma_wait3A_413 = tpu.memref_slice %arg8[%dma_wait3A_411, %dma_wait3A_412] : memref<10240x8xf32, #tpu.memory_space<vmem_shared>> -> memref<10240x8xf32, #tpu.memory_space<vmem_shared>>
      tpu.wait_indirect_dma semaphore(%arg9 : memref<!tpu.dma_semaphore, #tpu.memory_space<semaphore_mem>>) src(%arg7 : memref<80x8xf32, #tpu.memory_space<vmem>>) dst(%dma_wait3A_413 : memref<10240x8xf32, #tpu.memory_space<vmem_shared>>)
      %dma_wait3A_414 = arith.constant 0 : i32
      %dma_wait3A_415 = arith.constant 0 : i32
      %dma_wait3A_416 = tpu.memref_slice %arg6[%dma_wait3A_414, %dma_wait3A_415] : memref<125x80xi32, #tpu.memory_space<vmem>> -> memref<1x80xi32, #tpu.memory_space<vmem>>
      %dma_wait3A_417 = tpu.memref_squeeze %dma_wait3A_416 : memref<1x80xi32, #tpu.memory_space<vmem>> -> memref<80xi32, #tpu.memory_space<vmem>>
      %dma_wait3A_418 = arith.constant 0 : i32
      %dma_wait3A_419 = arith.constant 0 : i32
      %dma_wait3A_420 = tpu.memref_slice %arg8[%dma_wait3A_418, %dma_wait3A_419] : memref<10240x8xf32, #tpu.memory_space<vmem_shared>> -> memref<10240x8xf32, #tpu.memory_space<vmem_shared>>
      tpu.wait_indirect_dma semaphore(%arg9 : memref<!tpu.dma_semaphore, #tpu.memory_space<semaphore_mem>>) src(%arg7 : memref<80x8xf32, #tpu.memory_space<vmem>>) dst(%dma_wait3A_420 : memref<10240x8xf32, #tpu.memory_space<vmem_shared>>)
      %dma_wait3A_421 = arith.constant 0 : i32
      %dma_wait3A_422 = arith.constant 0 : i32
      %dma_wait3A_423 = tpu.memref_slice %arg6[%dma_wait3A_421, %dma_wait3A_422] : memref<125x80xi32, #tpu.memory_space<vmem>> -> memref<1x80xi32, #tpu.memory_space<vmem>>
      %dma_wait3A_424 = tpu.memref_squeeze %dma_wait3A_423 : memref<1x80xi32, #tpu.memory_space<vmem>> -> memref<80xi32, #tpu.memory_space<vmem>>
      %dma_wait3A_425 = arith.constant 0 : i32
      %dma_wait3A_426 = arith.constant 0 : i32
      %dma_wait3A_427 = tpu.memref_slice %arg8[%dma_wait3A_425, %dma_wait3A_426] : memref<10240x8xf32, #tpu.memory_space<vmem_shared>> -> memref<10240x8xf32, #tpu.memory_space<vmem_shared>>
      tpu.wait_indirect_dma semaphore(%arg9 : memref<!tpu.dma_semaphore, #tpu.memory_space<semaphore_mem>>) src(%arg7 : memref<80x8xf32, #tpu.memory_space<vmem>>) dst(%dma_wait3A_427 : memref<10240x8xf32, #tpu.memory_space<vmem_shared>>)
      %dma_wait3A_428 = arith.constant 0 : i32
      %dma_wait3A_429 = arith.constant 0 : i32
      %dma_wait3A_430 = tpu.memref_slice %arg6[%dma_wait3A_428, %dma_wait3A_429] : memref<125x80xi32, #tpu.memory_space<vmem>> -> memref<1x80xi32, #tpu.memory_space<vmem>>
      %dma_wait3A_431 = tpu.memref_squeeze %dma_wait3A_430 : memref<1x80xi32, #tpu.memory_space<vmem>> -> memref<80xi32, #tpu.memory_space<vmem>>
      %dma_wait3A_432 = arith.constant 0 : i32
      %dma_wait3A_433 = arith.constant 0 : i32
      %dma_wait3A_434 = tpu.memref_slice %arg8[%dma_wait3A_432, %dma_wait3A_433] : memref<10240x8xf32, #tpu.memory_space<vmem_shared>> -> memref<10240x8xf32, #tpu.memory_space<vmem_shared>>
      tpu.wait_indirect_dma semaphore(%arg9 : memref<!tpu.dma_semaphore, #tpu.memory_space<semaphore_mem>>) src(%arg7 : memref<80x8xf32, #tpu.memory_space<vmem>>) dst(%dma_wait3A_434 : memref<10240x8xf32, #tpu.memory_space<vmem_shared>>)
      %dma_wait3A_435 = arith.constant 0 : i32
      %dma_wait3A_436 = arith.constant 0 : i32
      %dma_wait3A_437 = tpu.memref_slice %arg6[%dma_wait3A_435, %dma_wait3A_436] : memref<125x80xi32, #tpu.memory_space<vmem>> -> memref<1x80xi32, #tpu.memory_space<vmem>>
      %dma_wait3A_438 = tpu.memref_squeeze %dma_wait3A_437 : memref<1x80xi32, #tpu.memory_space<vmem>> -> memref<80xi32, #tpu.memory_space<vmem>>
      %dma_wait3A_439 = arith.constant 0 : i32
      %dma_wait3A_440 = arith.constant 0 : i32
      %dma_wait3A_441 = tpu.memref_slice %arg8[%dma_wait3A_439, %dma_wait3A_440] : memref<10240x8xf32, #tpu.memory_space<vmem_shared>> -> memref<10240x8xf32, #tpu.memory_space<vmem_shared>>
      tpu.wait_indirect_dma semaphore(%arg9 : memref<!tpu.dma_semaphore, #tpu.memory_space<semaphore_mem>>) src(%arg7 : memref<80x8xf32, #tpu.memory_space<vmem>>) dst(%dma_wait3A_441 : memref<10240x8xf32, #tpu.memory_space<vmem_shared>>)
      %scan3A_442 = arith.constant 0 : i32
      scf.yield %scan3A_442 : i32
    }
    %scan3A_10 = arith.constant 5 : i32
    %barrier3A_11 = arith.constant 0 : index
    tpu.barrier barrier_id(%barrier3A_11)
    %mul3A_12 = arith.constant 640 : i32
    %mul3A_13 = arith.muli %arg1, %mul3A_12 : i32
    %mul3A_14 = arith.constant 640 : i32
    %mul3A_15 = arith.muli %arg1, %mul3A_14 : i32
    %mul3A_16 = arith.constant 8 : i32
    %mul3A_17 = arith.muli %arg0, %mul3A_16 : i32
    "tpu.region"() ({
      %run_scoped3A = tpu.sem_alloc : memref<!tpu.dma_semaphore, #tpu.memory_space<semaphore_mem>>
      %dma_start3A = tpu.memref_slice %arg5[%mul3A_15, %mul3A_17] : memref<10240x128xf32, #tpu.memory_space<hbm>> -> memref<640x8xf32, #tpu.memory_space<hbm>>
      %dma_start3A_18 = arith.constant 0 : i32
      %dma_start3A_19 = tpu.memref_slice %arg8[%mul3A_13, %dma_start3A_18] : memref<10240x8xf32, #tpu.memory_space<vmem_shared>> -> memref<640x8xf32, #tpu.memory_space<vmem_shared>>
      tpu.enqueue_dma source(%dma_start3A_19 : memref<640x8xf32, #tpu.memory_space<vmem_shared>>) target(%dma_start3A : memref<640x8xf32, #tpu.memory_space<hbm>>) target_semaphore(%run_scoped3A : memref<!tpu.dma_semaphore, #tpu.memory_space<semaphore_mem>>)
      %dma_wait3A = tpu.memref_slice %arg5[%mul3A_15, %mul3A_17] : memref<10240x128xf32, #tpu.memory_space<hbm>> -> memref<640x8xf32, #tpu.memory_space<hbm>>
      %dma_wait3A_20 = arith.constant 0 : i32
      %dma_wait3A_21 = tpu.memref_slice %arg8[%mul3A_13, %dma_wait3A_20] : memref<10240x8xf32, #tpu.memory_space<vmem_shared>> -> memref<640x8xf32, #tpu.memory_space<vmem_shared>>
      tpu.wait_dma2 semaphore(%run_scoped3A : memref<!tpu.dma_semaphore, #tpu.memory_space<semaphore_mem>>) src(%dma_wait3A_21 : memref<640x8xf32, #tpu.memory_space<vmem_shared>>) dst(%dma_wait3A : memref<640x8xf32, #tpu.memory_space<hbm>>)
      tpu.yield
    }) : () -> ()
    return
  }
}

#map = affine_map<(d0, d1) -> (0, 0)>
#map1 = affine_map<(d0, d1) -> (0, 0, 0)>
module attributes {stable_mosaic.version = 14 : i64} {
  func.func @prop_kernel(%arg0: i32, %arg1: i32, %arg2: memref<10000x64xf32, #tpu.memory_space<hbm>>, %arg3: memref<10000x64xf32, #tpu.memory_space<hbm>>, %arg4: memref<16x250x80xi32, #tpu.memory_space<hbm>>, %arg5: memref<16x250x80xi32, #tpu.memory_space<hbm>>, %arg6: memref<10240x64xf32, #tpu.memory_space<hbm>>, %arg7: memref<10240x128xf32, #tpu.memory_space<hbm>>, %arg8: memref<250x80xi32, #tpu.memory_space<vmem>>, %arg9: memref<250x80xi32, #tpu.memory_space<vmem>>, %arg10: memref<80x64xf32, #tpu.memory_space<vmem>>, %arg11: memref<80x64xf32, #tpu.memory_space<vmem>>, %arg12: memref<80x64xf32, #tpu.memory_space<vmem>>, %arg13: memref<80x64xf32, #tpu.memory_space<vmem>>, %arg14: memref<80x64xf32, #tpu.memory_space<vmem>>, %arg15: memref<10240x64xf32, #tpu.memory_space<vmem_shared>>, %arg16: memref<!tpu.dma_semaphore, #tpu.memory_space<semaphore_mem>>, %arg17: memref<!tpu.dma_semaphore, #tpu.memory_space<semaphore_mem>>, %arg18: memref<!tpu.dma_semaphore, #tpu.memory_space<semaphore_mem>>, %arg19: memref<!tpu.dma_semaphore, #tpu.memory_space<semaphore_mem>>, %arg20: memref<!tpu.dma_semaphore, #tpu.memory_space<semaphore_mem>>, %arg21: memref<!tpu.dma_semaphore, #tpu.memory_space<semaphore_mem>>, %arg22: memref<!tpu.dma_semaphore, #tpu.memory_space<semaphore_mem>>, %arg23: memref<!tpu.dma_semaphore, #tpu.memory_space<semaphore_mem>>, %arg24: memref<!tpu.dma_semaphore, #tpu.memory_space<semaphore_mem>>, %arg25: memref<!tpu.dma_semaphore, #tpu.memory_space<semaphore_mem>>) attributes {dimension_semantics = [#tpu.dimension_semantics<core_parallel>, #tpu.dimension_semantics<subcore_parallel>], iteration_bounds = array<i64: 2, 16>, scalar_prefetch = 0 : i64, scratch_operands = 18 : i64, tpu.core_type = #tpu.core_type<sc_vector_subcore>, window_params = [{transform_indices = #map}, {transform_indices = #map}, {transform_indices = #map1}, {transform_indices = #map1}, {transform_indices = #map}, {transform_indices = #map}]} {
    %mul3A = arith.constant 640 : i32
    %mul3A_0 = arith.muli %arg1, %mul3A : i32
    %mul3A_1 = arith.constant 640 : i32
    %mul3A_2 = arith.muli %arg1, %mul3A_1 : i32
    "tpu.region"() ({
      %run_scoped3A = tpu.sem_alloc : memref<!tpu.dma_semaphore, #tpu.memory_space<semaphore_mem>>
      %dma_start3A = arith.constant 0 : i32
      %dma_start3A_17 = tpu.memref_slice %arg15[%mul3A_2, %dma_start3A] : memref<10240x64xf32, #tpu.memory_space<vmem_shared>> -> memref<640x64xf32, #tpu.memory_space<vmem_shared>>
      %dma_start3A_18 = arith.constant 0 : i32
      %dma_start3A_19 = tpu.memref_slice %arg6[%mul3A_0, %dma_start3A_18] : memref<10240x64xf32, #tpu.memory_space<hbm>> -> memref<640x64xf32, #tpu.memory_space<hbm>>
      tpu.enqueue_dma source(%dma_start3A_19 : memref<640x64xf32, #tpu.memory_space<hbm>>) target(%dma_start3A_17 : memref<640x64xf32, #tpu.memory_space<vmem_shared>>) target_semaphore(%run_scoped3A : memref<!tpu.dma_semaphore, #tpu.memory_space<semaphore_mem>>)
      %dma_wait3A = arith.constant 0 : i32
      %dma_wait3A_20 = tpu.memref_slice %arg15[%mul3A_2, %dma_wait3A] : memref<10240x64xf32, #tpu.memory_space<vmem_shared>> -> memref<640x64xf32, #tpu.memory_space<vmem_shared>>
      %dma_wait3A_21 = arith.constant 0 : i32
      %dma_wait3A_22 = tpu.memref_slice %arg6[%mul3A_0, %dma_wait3A_21] : memref<10240x64xf32, #tpu.memory_space<hbm>> -> memref<640x64xf32, #tpu.memory_space<hbm>>
      tpu.wait_dma2 semaphore(%run_scoped3A : memref<!tpu.dma_semaphore, #tpu.memory_space<semaphore_mem>>) src(%dma_wait3A_22 : memref<640x64xf32, #tpu.memory_space<hbm>>) dst(%dma_wait3A_20 : memref<640x64xf32, #tpu.memory_space<vmem_shared>>)
      tpu.yield
    }) : () -> ()
    "tpu.region"() ({
      %run_scoped3A = tpu.sem_alloc : memref<!tpu.dma_semaphore, #tpu.memory_space<semaphore_mem>>
      %dma_start3A = arith.constant 0 : i32
      %dma_start3A_17 = arith.constant 0 : i32
      %dma_start3A_18 = tpu.memref_slice %arg4[%arg1, %dma_start3A, %dma_start3A_17] : memref<16x250x80xi32, #tpu.memory_space<hbm>> -> memref<1x250x80xi32, #tpu.memory_space<hbm>>
      %dma_start3A_19 = tpu.memref_squeeze %dma_start3A_18 : memref<1x250x80xi32, #tpu.memory_space<hbm>> -> memref<250x80xi32, #tpu.memory_space<hbm>>
      %dma_start3A_20 = arith.constant 0 : i32
      %dma_start3A_21 = arith.constant 0 : i32
      %dma_start3A_22 = tpu.memref_slice %arg4[%arg1, %dma_start3A_20, %dma_start3A_21] : memref<16x250x80xi32, #tpu.memory_space<hbm>> -> memref<1x250x80xi32, #tpu.memory_space<hbm>>
      %dma_start3A_23 = tpu.memref_squeeze %dma_start3A_22 : memref<1x250x80xi32, #tpu.memory_space<hbm>> -> memref<250x80xi32, #tpu.memory_space<hbm>>
      tpu.enqueue_dma source(%dma_start3A_23 : memref<250x80xi32, #tpu.memory_space<hbm>>) target(%arg8 : memref<250x80xi32, #tpu.memory_space<vmem>>) target_semaphore(%run_scoped3A : memref<!tpu.dma_semaphore, #tpu.memory_space<semaphore_mem>>)
      %dma_wait3A = arith.constant 0 : i32
      %dma_wait3A_24 = arith.constant 0 : i32
      %dma_wait3A_25 = tpu.memref_slice %arg4[%arg1, %dma_wait3A, %dma_wait3A_24] : memref<16x250x80xi32, #tpu.memory_space<hbm>> -> memref<1x250x80xi32, #tpu.memory_space<hbm>>
      %dma_wait3A_26 = tpu.memref_squeeze %dma_wait3A_25 : memref<1x250x80xi32, #tpu.memory_space<hbm>> -> memref<250x80xi32, #tpu.memory_space<hbm>>
      %dma_wait3A_27 = arith.constant 0 : i32
      %dma_wait3A_28 = arith.constant 0 : i32
      %dma_wait3A_29 = tpu.memref_slice %arg4[%arg1, %dma_wait3A_27, %dma_wait3A_28] : memref<16x250x80xi32, #tpu.memory_space<hbm>> -> memref<1x250x80xi32, #tpu.memory_space<hbm>>
      %dma_wait3A_30 = tpu.memref_squeeze %dma_wait3A_29 : memref<1x250x80xi32, #tpu.memory_space<hbm>> -> memref<250x80xi32, #tpu.memory_space<hbm>>
      tpu.wait_dma2 semaphore(%run_scoped3A : memref<!tpu.dma_semaphore, #tpu.memory_space<semaphore_mem>>) src(%dma_wait3A_30 : memref<250x80xi32, #tpu.memory_space<hbm>>) dst(%arg8 : memref<250x80xi32, #tpu.memory_space<vmem>>)
      tpu.yield
    }) : () -> ()
    "tpu.region"() ({
      %run_scoped3A = tpu.sem_alloc : memref<!tpu.dma_semaphore, #tpu.memory_space<semaphore_mem>>
      %dma_start3A = arith.constant 0 : i32
      %dma_start3A_17 = arith.constant 0 : i32
      %dma_start3A_18 = tpu.memref_slice %arg5[%arg1, %dma_start3A, %dma_start3A_17] : memref<16x250x80xi32, #tpu.memory_space<hbm>> -> memref<1x250x80xi32, #tpu.memory_space<hbm>>
      %dma_start3A_19 = tpu.memref_squeeze %dma_start3A_18 : memref<1x250x80xi32, #tpu.memory_space<hbm>> -> memref<250x80xi32, #tpu.memory_space<hbm>>
      %dma_start3A_20 = arith.constant 0 : i32
      %dma_start3A_21 = arith.constant 0 : i32
      %dma_start3A_22 = tpu.memref_slice %arg5[%arg1, %dma_start3A_20, %dma_start3A_21] : memref<16x250x80xi32, #tpu.memory_space<hbm>> -> memref<1x250x80xi32, #tpu.memory_space<hbm>>
      %dma_start3A_23 = tpu.memref_squeeze %dma_start3A_22 : memref<1x250x80xi32, #tpu.memory_space<hbm>> -> memref<250x80xi32, #tpu.memory_space<hbm>>
      tpu.enqueue_dma source(%dma_start3A_23 : memref<250x80xi32, #tpu.memory_space<hbm>>) target(%arg9 : memref<250x80xi32, #tpu.memory_space<vmem>>) target_semaphore(%run_scoped3A : memref<!tpu.dma_semaphore, #tpu.memory_space<semaphore_mem>>)
      %dma_wait3A = arith.constant 0 : i32
      %dma_wait3A_24 = arith.constant 0 : i32
      %dma_wait3A_25 = tpu.memref_slice %arg5[%arg1, %dma_wait3A, %dma_wait3A_24] : memref<16x250x80xi32, #tpu.memory_space<hbm>> -> memref<1x250x80xi32, #tpu.memory_space<hbm>>
      %dma_wait3A_26 = tpu.memref_squeeze %dma_wait3A_25 : memref<1x250x80xi32, #tpu.memory_space<hbm>> -> memref<250x80xi32, #tpu.memory_space<hbm>>
      %dma_wait3A_27 = arith.constant 0 : i32
      %dma_wait3A_28 = arith.constant 0 : i32
      %dma_wait3A_29 = tpu.memref_slice %arg5[%arg1, %dma_wait3A_27, %dma_wait3A_28] : memref<16x250x80xi32, #tpu.memory_space<hbm>> -> memref<1x250x80xi32, #tpu.memory_space<hbm>>
      %dma_wait3A_30 = tpu.memref_squeeze %dma_wait3A_29 : memref<1x250x80xi32, #tpu.memory_space<hbm>> -> memref<250x80xi32, #tpu.memory_space<hbm>>
      tpu.wait_dma2 semaphore(%run_scoped3A : memref<!tpu.dma_semaphore, #tpu.memory_space<semaphore_mem>>) src(%dma_wait3A_30 : memref<250x80xi32, #tpu.memory_space<hbm>>) dst(%arg9 : memref<250x80xi32, #tpu.memory_space<vmem>>)
      tpu.yield
    }) : () -> ()
    %barrier3A = arith.constant 0 : index
    tpu.barrier barrier_id(%barrier3A)
    %eq3A = arith.constant 0 : i32
    %eq3A_3 = arith.cmpi eq, %arg0, %eq3A : i32
    %convert_element_type3A = arith.extui %eq3A_3 : i1 to i32
    %cond3A = arith.constant 0 : i32
    %cond3A_4 = arith.cmpi ne, %convert_element_type3A, %cond3A : i32
    scf.if %cond3A_4 {
      %dma_start3A = arith.constant 0 : i32
      %dma_start3A_17 = arith.constant 0 : i32
      %dma_start3A_18 = tpu.memref_slice %arg8[%dma_start3A, %dma_start3A_17] : memref<250x80xi32, #tpu.memory_space<vmem>> -> memref<1x80xi32, #tpu.memory_space<vmem>>
      %dma_start3A_19 = tpu.memref_squeeze %dma_start3A_18 : memref<1x80xi32, #tpu.memory_space<vmem>> -> memref<80xi32, #tpu.memory_space<vmem>>
      %dma_start3A_20 = arith.constant 0 : i32
      %dma_start3A_21 = arith.constant 0 : i32
      %dma_start3A_22 = tpu.memref_slice %arg2[%dma_start3A_20, %dma_start3A_21] : memref<10000x64xf32, #tpu.memory_space<hbm>> -> memref<10000x64xf32, #tpu.memory_space<hbm>>
      tpu.enqueue_indirect_dma source(%dma_start3A_22 : memref<10000x64xf32, #tpu.memory_space<hbm>>) target(%arg10 : memref<80x64xf32, #tpu.memory_space<vmem>>) offsets(%dma_start3A_19 : memref<80xi32, #tpu.memory_space<vmem>>) semaphore(%arg16 : memref<!tpu.dma_semaphore, #tpu.memory_space<semaphore_mem>>)
      %dma_start3A_23 = arith.constant 1 : i32
      %dma_start3A_24 = arith.constant 0 : i32
      %dma_start3A_25 = tpu.memref_slice %arg8[%dma_start3A_23, %dma_start3A_24] : memref<250x80xi32, #tpu.memory_space<vmem>> -> memref<1x80xi32, #tpu.memory_space<vmem>>
      %dma_start3A_26 = tpu.memref_squeeze %dma_start3A_25 : memref<1x80xi32, #tpu.memory_space<vmem>> -> memref<80xi32, #tpu.memory_space<vmem>>
      %dma_start3A_27 = arith.constant 0 : i32
      %dma_start3A_28 = arith.constant 0 : i32
      %dma_start3A_29 = tpu.memref_slice %arg2[%dma_start3A_27, %dma_start3A_28] : memref<10000x64xf32, #tpu.memory_space<hbm>> -> memref<10000x64xf32, #tpu.memory_space<hbm>>
      tpu.enqueue_indirect_dma source(%dma_start3A_29 : memref<10000x64xf32, #tpu.memory_space<hbm>>) target(%arg11 : memref<80x64xf32, #tpu.memory_space<vmem>>) offsets(%dma_start3A_26 : memref<80xi32, #tpu.memory_space<vmem>>) semaphore(%arg17 : memref<!tpu.dma_semaphore, #tpu.memory_space<semaphore_mem>>)
      %dma_start3A_30 = arith.constant 2 : i32
      %dma_start3A_31 = arith.constant 0 : i32
      %dma_start3A_32 = tpu.memref_slice %arg8[%dma_start3A_30, %dma_start3A_31] : memref<250x80xi32, #tpu.memory_space<vmem>> -> memref<1x80xi32, #tpu.memory_space<vmem>>
      %dma_start3A_33 = tpu.memref_squeeze %dma_start3A_32 : memref<1x80xi32, #tpu.memory_space<vmem>> -> memref<80xi32, #tpu.memory_space<vmem>>
      %dma_start3A_34 = arith.constant 0 : i32
      %dma_start3A_35 = arith.constant 0 : i32
      %dma_start3A_36 = tpu.memref_slice %arg2[%dma_start3A_34, %dma_start3A_35] : memref<10000x64xf32, #tpu.memory_space<hbm>> -> memref<10000x64xf32, #tpu.memory_space<hbm>>
      tpu.enqueue_indirect_dma source(%dma_start3A_36 : memref<10000x64xf32, #tpu.memory_space<hbm>>) target(%arg12 : memref<80x64xf32, #tpu.memory_space<vmem>>) offsets(%dma_start3A_33 : memref<80xi32, #tpu.memory_space<vmem>>) semaphore(%arg18 : memref<!tpu.dma_semaphore, #tpu.memory_space<semaphore_mem>>)
      %dma_start3A_37 = arith.constant 3 : i32
      %dma_start3A_38 = arith.constant 0 : i32
      %dma_start3A_39 = tpu.memref_slice %arg8[%dma_start3A_37, %dma_start3A_38] : memref<250x80xi32, #tpu.memory_space<vmem>> -> memref<1x80xi32, #tpu.memory_space<vmem>>
      %dma_start3A_40 = tpu.memref_squeeze %dma_start3A_39 : memref<1x80xi32, #tpu.memory_space<vmem>> -> memref<80xi32, #tpu.memory_space<vmem>>
      %dma_start3A_41 = arith.constant 0 : i32
      %dma_start3A_42 = arith.constant 0 : i32
      %dma_start3A_43 = tpu.memref_slice %arg2[%dma_start3A_41, %dma_start3A_42] : memref<10000x64xf32, #tpu.memory_space<hbm>> -> memref<10000x64xf32, #tpu.memory_space<hbm>>
      tpu.enqueue_indirect_dma source(%dma_start3A_43 : memref<10000x64xf32, #tpu.memory_space<hbm>>) target(%arg13 : memref<80x64xf32, #tpu.memory_space<vmem>>) offsets(%dma_start3A_40 : memref<80xi32, #tpu.memory_space<vmem>>) semaphore(%arg19 : memref<!tpu.dma_semaphore, #tpu.memory_space<semaphore_mem>>)
      %dma_wait3A = arith.constant 0 : i32
      %dma_wait3A_44 = arith.constant 0 : i32
      %dma_wait3A_45 = tpu.memref_slice %arg8[%dma_wait3A, %dma_wait3A_44] : memref<250x80xi32, #tpu.memory_space<vmem>> -> memref<1x80xi32, #tpu.memory_space<vmem>>
      %dma_wait3A_46 = tpu.memref_squeeze %dma_wait3A_45 : memref<1x80xi32, #tpu.memory_space<vmem>> -> memref<80xi32, #tpu.memory_space<vmem>>
      %dma_wait3A_47 = arith.constant 0 : i32
      %dma_wait3A_48 = arith.constant 0 : i32
      %dma_wait3A_49 = tpu.memref_slice %arg2[%dma_wait3A_47, %dma_wait3A_48] : memref<10000x64xf32, #tpu.memory_space<hbm>> -> memref<10000x64xf32, #tpu.memory_space<hbm>>
      tpu.wait_indirect_dma semaphore(%arg16 : memref<!tpu.dma_semaphore, #tpu.memory_space<semaphore_mem>>) src(%dma_wait3A_49 : memref<10000x64xf32, #tpu.memory_space<hbm>>) dst(%arg10 : memref<80x64xf32, #tpu.memory_space<vmem>>)
      %dma_start3A_50 = arith.constant 0 : i32
      %dma_start3A_51 = arith.constant 0 : i32
      %dma_start3A_52 = tpu.memref_slice %arg9[%dma_start3A_50, %dma_start3A_51] : memref<250x80xi32, #tpu.memory_space<vmem>> -> memref<1x80xi32, #tpu.memory_space<vmem>>
      %dma_start3A_53 = tpu.memref_squeeze %dma_start3A_52 : memref<1x80xi32, #tpu.memory_space<vmem>> -> memref<80xi32, #tpu.memory_space<vmem>>
      %dma_start3A_54 = arith.constant 0 : i32
      %dma_start3A_55 = arith.constant 0 : i32
      %dma_start3A_56 = tpu.memref_slice %arg15[%dma_start3A_54, %dma_start3A_55] : memref<10240x64xf32, #tpu.memory_space<vmem_shared>> -> memref<10240x64xf32, #tpu.memory_space<vmem_shared>>
      tpu.enqueue_indirect_dma source(%arg10 : memref<80x64xf32, #tpu.memory_space<vmem>>) target(%dma_start3A_56 : memref<10240x64xf32, #tpu.memory_space<vmem_shared>>) offsets(%dma_start3A_53 : memref<80xi32, #tpu.memory_space<vmem>>) semaphore(%arg21 : memref<!tpu.dma_semaphore, #tpu.memory_space<semaphore_mem>>) {add = true}
      %dma_start3A_57 = arith.constant 4 : i32
      %dma_start3A_58 = arith.constant 0 : i32
      %dma_start3A_59 = tpu.memref_slice %arg8[%dma_start3A_57, %dma_start3A_58] : memref<250x80xi32, #tpu.memory_space<vmem>> -> memref<1x80xi32, #tpu.memory_space<vmem>>
      %dma_start3A_60 = tpu.memref_squeeze %dma_start3A_59 : memref<1x80xi32, #tpu.memory_space<vmem>> -> memref<80xi32, #tpu.memory_space<vmem>>
      %dma_start3A_61 = arith.constant 0 : i32
      %dma_start3A_62 = arith.constant 0 : i32
      %dma_start3A_63 = tpu.memref_slice %arg2[%dma_start3A_61, %dma_start3A_62] : memref<10000x64xf32, #tpu.memory_space<hbm>> -> memref<10000x64xf32, #tpu.memory_space<hbm>>
      tpu.enqueue_indirect_dma source(%dma_start3A_63 : memref<10000x64xf32, #tpu.memory_space<hbm>>) target(%arg14 : memref<80x64xf32, #tpu.memory_space<vmem>>) offsets(%dma_start3A_60 : memref<80xi32, #tpu.memory_space<vmem>>) semaphore(%arg20 : memref<!tpu.dma_semaphore, #tpu.memory_space<semaphore_mem>>)
      %dma_wait3A_64 = arith.constant 0 : i32
      %dma_wait3A_65 = arith.constant 0 : i32
      %dma_wait3A_66 = tpu.memref_slice %arg8[%dma_wait3A_64, %dma_wait3A_65] : memref<250x80xi32, #tpu.memory_space<vmem>> -> memref<1x80xi32, #tpu.memory_space<vmem>>
      %dma_wait3A_67 = tpu.memref_squeeze %dma_wait3A_66 : memref<1x80xi32, #tpu.memory_space<vmem>> -> memref<80xi32, #tpu.memory_space<vmem>>
      %dma_wait3A_68 = arith.constant 0 : i32
      %dma_wait3A_69 = arith.constant 0 : i32
      %dma_wait3A_70 = tpu.memref_slice %arg2[%dma_wait3A_68, %dma_wait3A_69] : memref<10000x64xf32, #tpu.memory_space<hbm>> -> memref<10000x64xf32, #tpu.memory_space<hbm>>
      tpu.wait_indirect_dma semaphore(%arg17 : memref<!tpu.dma_semaphore, #tpu.memory_space<semaphore_mem>>) src(%dma_wait3A_70 : memref<10000x64xf32, #tpu.memory_space<hbm>>) dst(%arg11 : memref<80x64xf32, #tpu.memory_space<vmem>>)
      %dma_start3A_71 = arith.constant 1 : i32
      %dma_start3A_72 = arith.constant 0 : i32
      %dma_start3A_73 = tpu.memref_slice %arg9[%dma_start3A_71, %dma_start3A_72] : memref<250x80xi32, #tpu.memory_space<vmem>> -> memref<1x80xi32, #tpu.memory_space<vmem>>
      %dma_start3A_74 = tpu.memref_squeeze %dma_start3A_73 : memref<1x80xi32, #tpu.memory_space<vmem>> -> memref<80xi32, #tpu.memory_space<vmem>>
      %dma_start3A_75 = arith.constant 0 : i32
      %dma_start3A_76 = arith.constant 0 : i32
      %dma_start3A_77 = tpu.memref_slice %arg15[%dma_start3A_75, %dma_start3A_76] : memref<10240x64xf32, #tpu.memory_space<vmem_shared>> -> memref<10240x64xf32, #tpu.memory_space<vmem_shared>>
      tpu.enqueue_indirect_dma source(%arg11 : memref<80x64xf32, #tpu.memory_space<vmem>>) target(%dma_start3A_77 : memref<10240x64xf32, #tpu.memory_space<vmem_shared>>) offsets(%dma_start3A_74 : memref<80xi32, #tpu.memory_space<vmem>>) semaphore(%arg22 : memref<!tpu.dma_semaphore, #tpu.memory_space<semaphore_mem>>) {add = true}
      %dma_wait3A_78 = arith.constant 0 : i32
      %dma_wait3A_79 = arith.constant 0 : i32
      %dma_wait3A_80 = tpu.memref_slice %arg9[%dma_wait3A_78, %dma_wait3A_79] : memref<250x80xi32, #tpu.memory_space<vmem>> -> memref<1x80xi32, #tpu.memory_space<vmem>>
      %dma_wait3A_81 = tpu.memref_squeeze %dma_wait3A_80 : memref<1x80xi32, #tpu.memory_space<vmem>> -> memref<80xi32, #tpu.memory_space<vmem>>
      %dma_wait3A_82 = arith.constant 0 : i32
      %dma_wait3A_83 = arith.constant 0 : i32
      %dma_wait3A_84 = tpu.memref_slice %arg15[%dma_wait3A_82, %dma_wait3A_83] : memref<10240x64xf32, #tpu.memory_space<vmem_shared>> -> memref<10240x64xf32, #tpu.memory_space<vmem_shared>>
      tpu.wait_indirect_dma semaphore(%arg21 : memref<!tpu.dma_semaphore, #tpu.memory_space<semaphore_mem>>) src(%arg10 : memref<80x64xf32, #tpu.memory_space<vmem>>) dst(%dma_wait3A_84 : memref<10240x64xf32, #tpu.memory_space<vmem_shared>>)
      %dma_start3A_85 = arith.constant 5 : i32
      %dma_start3A_86 = arith.constant 0 : i32
      %dma_start3A_87 = tpu.memref_slice %arg8[%dma_start3A_85, %dma_start3A_86] : memref<250x80xi32, #tpu.memory_space<vmem>> -> memref<1x80xi32, #tpu.memory_space<vmem>>
      %dma_start3A_88 = tpu.memref_squeeze %dma_start3A_87 : memref<1x80xi32, #tpu.memory_space<vmem>> -> memref<80xi32, #tpu.memory_space<vmem>>
      %dma_start3A_89 = arith.constant 0 : i32
      %dma_start3A_90 = arith.constant 0 : i32
      %dma_start3A_91 = tpu.memref_slice %arg2[%dma_start3A_89, %dma_start3A_90] : memref<10000x64xf32, #tpu.memory_space<hbm>> -> memref<10000x64xf32, #tpu.memory_space<hbm>>
      tpu.enqueue_indirect_dma source(%dma_start3A_91 : memref<10000x64xf32, #tpu.memory_space<hbm>>) target(%arg10 : memref<80x64xf32, #tpu.memory_space<vmem>>) offsets(%dma_start3A_88 : memref<80xi32, #tpu.memory_space<vmem>>) semaphore(%arg16 : memref<!tpu.dma_semaphore, #tpu.memory_space<semaphore_mem>>)
      %dma_wait3A_92 = arith.constant 0 : i32
      %dma_wait3A_93 = arith.constant 0 : i32
      %dma_wait3A_94 = tpu.memref_slice %arg8[%dma_wait3A_92, %dma_wait3A_93] : memref<250x80xi32, #tpu.memory_space<vmem>> -> memref<1x80xi32, #tpu.memory_space<vmem>>
      %dma_wait3A_95 = tpu.memref_squeeze %dma_wait3A_94 : memref<1x80xi32, #tpu.memory_space<vmem>> -> memref<80xi32, #tpu.memory_space<vmem>>
      %dma_wait3A_96 = arith.constant 0 : i32
      %dma_wait3A_97 = arith.constant 0 : i32
      %dma_wait3A_98 = tpu.memref_slice %arg2[%dma_wait3A_96, %dma_wait3A_97] : memref<10000x64xf32, #tpu.memory_space<hbm>> -> memref<10000x64xf32, #tpu.memory_space<hbm>>
      tpu.wait_indirect_dma semaphore(%arg18 : memref<!tpu.dma_semaphore, #tpu.memory_space<semaphore_mem>>) src(%dma_wait3A_98 : memref<10000x64xf32, #tpu.memory_space<hbm>>) dst(%arg12 : memref<80x64xf32, #tpu.memory_space<vmem>>)
      %dma_start3A_99 = arith.constant 2 : i32
      %dma_start3A_100 = arith.constant 0 : i32
      %dma_start3A_101 = tpu.memref_slice %arg9[%dma_start3A_99, %dma_start3A_100] : memref<250x80xi32, #tpu.memory_space<vmem>> -> memref<1x80xi32, #tpu.memory_space<vmem>>
      %dma_start3A_102 = tpu.memref_squeeze %dma_start3A_101 : memref<1x80xi32, #tpu.memory_space<vmem>> -> memref<80xi32, #tpu.memory_space<vmem>>
      %dma_start3A_103 = arith.constant 0 : i32
      %dma_start3A_104 = arith.constant 0 : i32
      %dma_start3A_105 = tpu.memref_slice %arg15[%dma_start3A_103, %dma_start3A_104] : memref<10240x64xf32, #tpu.memory_space<vmem_shared>> -> memref<10240x64xf32, #tpu.memory_space<vmem_shared>>
      tpu.enqueue_indirect_dma source(%arg12 : memref<80x64xf32, #tpu.memory_space<vmem>>) target(%dma_start3A_105 : memref<10240x64xf32, #tpu.memory_space<vmem_shared>>) offsets(%dma_start3A_102 : memref<80xi32, #tpu.memory_space<vmem>>) semaphore(%arg23 : memref<!tpu.dma_semaphore, #tpu.memory_space<semaphore_mem>>) {add = true}
      %dma_wait3A_106 = arith.constant 0 : i32
      %dma_wait3A_107 = arith.constant 0 : i32
      %dma_wait3A_108 = tpu.memref_slice %arg9[%dma_wait3A_106, %dma_wait3A_107] : memref<250x80xi32, #tpu.memory_space<vmem>> -> memref<1x80xi32, #tpu.memory_space<vmem>>
      %dma_wait3A_109 = tpu.memref_squeeze %dma_wait3A_108 : memref<1x80xi32, #tpu.memory_space<vmem>> -> memref<80xi32, #tpu.memory_space<vmem>>
      %dma_wait3A_110 = arith.constant 0 : i32
      %dma_wait3A_111 = arith.constant 0 : i32
      %dma_wait3A_112 = tpu.memref_slice %arg15[%dma_wait3A_110, %dma_wait3A_111] : memref<10240x64xf32, #tpu.memory_space<vmem_shared>> -> memref<10240x64xf32, #tpu.memory_space<vmem_shared>>
      tpu.wait_indirect_dma semaphore(%arg22 : memref<!tpu.dma_semaphore, #tpu.memory_space<semaphore_mem>>) src(%arg11 : memref<80x64xf32, #tpu.memory_space<vmem>>) dst(%dma_wait3A_112 : memref<10240x64xf32, #tpu.memory_space<vmem_shared>>)
      %dma_start3A_113 = arith.constant 6 : i32
      %dma_start3A_114 = arith.constant 0 : i32
      %dma_start3A_115 = tpu.memref_slice %arg8[%dma_start3A_113, %dma_start3A_114] : memref<250x80xi32, #tpu.memory_space<vmem>> -> memref<1x80xi32, #tpu.memory_space<vmem>>
      %dma_start3A_116 = tpu.memref_squeeze %dma_start3A_115 : memref<1x80xi32, #tpu.memory_space<vmem>> -> memref<80xi32, #tpu.memory_space<vmem>>
      %dma_start3A_117 = arith.constant 0 : i32
      %dma_start3A_118 = arith.constant 0 : i32
      %dma_start3A_119 = tpu.memref_slice %arg2[%dma_start3A_117, %dma_start3A_118] : memref<10000x64xf32, #tpu.memory_space<hbm>> -> memref<10000x64xf32, #tpu.memory_space<hbm>>
      tpu.enqueue_indirect_dma source(%dma_start3A_119 : memref<10000x64xf32, #tpu.memory_space<hbm>>) target(%arg11 : memref<80x64xf32, #tpu.memory_space<vmem>>) offsets(%dma_start3A_116 : memref<80xi32, #tpu.memory_space<vmem>>) semaphore(%arg17 : memref<!tpu.dma_semaphore, #tpu.memory_space<semaphore_mem>>)
      %dma_wait3A_120 = arith.constant 0 : i32
      %dma_wait3A_121 = arith.constant 0 : i32
      %dma_wait3A_122 = tpu.memref_slice %arg8[%dma_wait3A_120, %dma_wait3A_121] : memref<250x80xi32, #tpu.memory_space<vmem>> -> memref<1x80xi32, #tpu.memory_space<vmem>>
      %dma_wait3A_123 = tpu.memref_squeeze %dma_wait3A_122 : memref<1x80xi32, #tpu.memory_space<vmem>> -> memref<80xi32, #tpu.memory_space<vmem>>
      %dma_wait3A_124 = arith.constant 0 : i32
      %dma_wait3A_125 = arith.constant 0 : i32
      %dma_wait3A_126 = tpu.memref_slice %arg2[%dma_wait3A_124, %dma_wait3A_125] : memref<10000x64xf32, #tpu.memory_space<hbm>> -> memref<10000x64xf32, #tpu.memory_space<hbm>>
      tpu.wait_indirect_dma semaphore(%arg19 : memref<!tpu.dma_semaphore, #tpu.memory_space<semaphore_mem>>) src(%dma_wait3A_126 : memref<10000x64xf32, #tpu.memory_space<hbm>>) dst(%arg13 : memref<80x64xf32, #tpu.memory_space<vmem>>)
      %dma_start3A_127 = arith.constant 3 : i32
      %dma_start3A_128 = arith.constant 0 : i32
      %dma_start3A_129 = tpu.memref_slice %arg9[%dma_start3A_127, %dma_start3A_128] : memref<250x80xi32, #tpu.memory_space<vmem>> -> memref<1x80xi32, #tpu.memory_space<vmem>>
      %dma_start3A_130 = tpu.memref_squeeze %dma_start3A_129 : memref<1x80xi32, #tpu.memory_space<vmem>> -> memref<80xi32, #tpu.memory_space<vmem>>
      %dma_start3A_131 = arith.constant 0 : i32
      %dma_start3A_132 = arith.constant 0 : i32
      %dma_start3A_133 = tpu.memref_slice %arg15[%dma_start3A_131, %dma_start3A_132] : memref<10240x64xf32, #tpu.memory_space<vmem_shared>> -> memref<10240x64xf32, #tpu.memory_space<vmem_shared>>
      tpu.enqueue_indirect_dma source(%arg13 : memref<80x64xf32, #tpu.memory_space<vmem>>) target(%dma_start3A_133 : memref<10240x64xf32, #tpu.memory_space<vmem_shared>>) offsets(%dma_start3A_130 : memref<80xi32, #tpu.memory_space<vmem>>) semaphore(%arg24 : memref<!tpu.dma_semaphore, #tpu.memory_space<semaphore_mem>>) {add = true}
      %dma_wait3A_134 = arith.constant 0 : i32
      %dma_wait3A_135 = arith.constant 0 : i32
      %dma_wait3A_136 = tpu.memref_slice %arg9[%dma_wait3A_134, %dma_wait3A_135] : memref<250x80xi32, #tpu.memory_space<vmem>> -> memref<1x80xi32, #tpu.memory_space<vmem>>
      %dma_wait3A_137 = tpu.memref_squeeze %dma_wait3A_136 : memref<1x80xi32, #tpu.memory_space<vmem>> -> memref<80xi32, #tpu.memory_space<vmem>>
      %dma_wait3A_138 = arith.constant 0 : i32
      %dma_wait3A_139 = arith.constant 0 : i32
      %dma_wait3A_140 = tpu.memref_slice %arg15[%dma_wait3A_138, %dma_wait3A_139] : memref<10240x64xf32, #tpu.memory_space<vmem_shared>> -> memref<10240x64xf32, #tpu.memory_space<vmem_shared>>
      tpu.wait_indirect_dma semaphore(%arg23 : memref<!tpu.dma_semaphore, #tpu.memory_space<semaphore_mem>>) src(%arg12 : memref<80x64xf32, #tpu.memory_space<vmem>>) dst(%dma_wait3A_140 : memref<10240x64xf32, #tpu.memory_space<vmem_shared>>)
      %dma_start3A_141 = arith.constant 7 : i32
      %dma_start3A_142 = arith.constant 0 : i32
      %dma_start3A_143 = tpu.memref_slice %arg8[%dma_start3A_141, %dma_start3A_142] : memref<250x80xi32, #tpu.memory_space<vmem>> -> memref<1x80xi32, #tpu.memory_space<vmem>>
      %dma_start3A_144 = tpu.memref_squeeze %dma_start3A_143 : memref<1x80xi32, #tpu.memory_space<vmem>> -> memref<80xi32, #tpu.memory_space<vmem>>
      %dma_start3A_145 = arith.constant 0 : i32
      %dma_start3A_146 = arith.constant 0 : i32
      %dma_start3A_147 = tpu.memref_slice %arg2[%dma_start3A_145, %dma_start3A_146] : memref<10000x64xf32, #tpu.memory_space<hbm>> -> memref<10000x64xf32, #tpu.memory_space<hbm>>
      tpu.enqueue_indirect_dma source(%dma_start3A_147 : memref<10000x64xf32, #tpu.memory_space<hbm>>) target(%arg12 : memref<80x64xf32, #tpu.memory_space<vmem>>) offsets(%dma_start3A_144 : memref<80xi32, #tpu.memory_space<vmem>>) semaphore(%arg18 : memref<!tpu.dma_semaphore, #tpu.memory_space<semaphore_mem>>)
      %dma_wait3A_148 = arith.constant 0 : i32
      %dma_wait3A_149 = arith.constant 0 : i32
      %dma_wait3A_150 = tpu.memref_slice %arg8[%dma_wait3A_148, %dma_wait3A_149] : memref<250x80xi32, #tpu.memory_space<vmem>> -> memref<1x80xi32, #tpu.memory_space<vmem>>
      %dma_wait3A_151 = tpu.memref_squeeze %dma_wait3A_150 : memref<1x80xi32, #tpu.memory_space<vmem>> -> memref<80xi32, #tpu.memory_space<vmem>>
      %dma_wait3A_152 = arith.constant 0 : i32
      %dma_wait3A_153 = arith.constant 0 : i32
      %dma_wait3A_154 = tpu.memref_slice %arg2[%dma_wait3A_152, %dma_wait3A_153] : memref<10000x64xf32, #tpu.memory_space<hbm>> -> memref<10000x64xf32, #tpu.memory_space<hbm>>
      tpu.wait_indirect_dma semaphore(%arg20 : memref<!tpu.dma_semaphore, #tpu.memory_space<semaphore_mem>>) src(%dma_wait3A_154 : memref<10000x64xf32, #tpu.memory_space<hbm>>) dst(%arg14 : memref<80x64xf32, #tpu.memory_space<vmem>>)
      %dma_start3A_155 = arith.constant 4 : i32
      %dma_start3A_156 = arith.constant 0 : i32
      %dma_start3A_157 = tpu.memref_slice %arg9[%dma_start3A_155, %dma_start3A_156] : memref<250x80xi32, #tpu.memory_space<vmem>> -> memref<1x80xi32, #tpu.memory_space<vmem>>
      %dma_start3A_158 = tpu.memref_squeeze %dma_start3A_157 : memref<1x80xi32, #tpu.memory_space<vmem>> -> memref<80xi32, #tpu.memory_space<vmem>>
      %dma_start3A_159 = arith.constant 0 : i32
      %dma_start3A_160 = arith.constant 0 : i32
      %dma_start3A_161 = tpu.memref_slice %arg15[%dma_start3A_159, %dma_start3A_160] : memref<10240x64xf32, #tpu.memory_space<vmem_shared>> -> memref<10240x64xf32, #tpu.memory_space<vmem_shared>>
      tpu.enqueue_indirect_dma source(%arg14 : memref<80x64xf32, #tpu.memory_space<vmem>>) target(%dma_start3A_161 : memref<10240x64xf32, #tpu.memory_space<vmem_shared>>) offsets(%dma_start3A_158 : memref<80xi32, #tpu.memory_space<vmem>>) semaphore(%arg25 : memref<!tpu.dma_semaphore, #tpu.memory_space<semaphore_mem>>) {add = true}
      %scan3A = arith.constant 0 : i32
      %scan3A_162 = arith.constant 1 : i32
      %scan3A_163 = arith.constant 48 : i32
      %scan3A_164 = arith.addi %scan3A_162, %scan3A_163 : i32
      %scan3A_165 = arith.constant 1 : i32
      %scan3A_166 = scf.for %scan3A_301 = %scan3A_162 to %scan3A_164 step %scan3A_165 iter_args(%scan3A_302 = %scan3A) -> (i32)  : i32 {
        %mul3A_303 = arith.constant 5 : i32
        %mul3A_304 = arith.muli %scan3A_301, %mul3A_303 : i32
        %add3A = arith.constant 0 : i32
        %add3A_305 = arith.addi %mul3A_304, %add3A : i32
        %dma_wait3A_306 = arith.constant 0 : i32
        %dma_wait3A_307 = arith.constant 0 : i32
        %dma_wait3A_308 = tpu.memref_slice %arg9[%dma_wait3A_306, %dma_wait3A_307] : memref<250x80xi32, #tpu.memory_space<vmem>> -> memref<1x80xi32, #tpu.memory_space<vmem>>
        %dma_wait3A_309 = tpu.memref_squeeze %dma_wait3A_308 : memref<1x80xi32, #tpu.memory_space<vmem>> -> memref<80xi32, #tpu.memory_space<vmem>>
        %dma_wait3A_310 = arith.constant 0 : i32
        %dma_wait3A_311 = arith.constant 0 : i32
        %dma_wait3A_312 = tpu.memref_slice %arg15[%dma_wait3A_310, %dma_wait3A_311] : memref<10240x64xf32, #tpu.memory_space<vmem_shared>> -> memref<10240x64xf32, #tpu.memory_space<vmem_shared>>
        tpu.wait_indirect_dma semaphore(%arg24 : memref<!tpu.dma_semaphore, #tpu.memory_space<semaphore_mem>>) src(%arg13 : memref<80x64xf32, #tpu.memory_space<vmem>>) dst(%dma_wait3A_312 : memref<10240x64xf32, #tpu.memory_space<vmem_shared>>)
        %add3A_313 = arith.constant 3 : i32
        %add3A_314 = arith.addi %add3A_305, %add3A_313 : i32
        %dma_start3A_315 = arith.constant 0 : i32
        %dma_start3A_316 = tpu.memref_slice %arg8[%add3A_314, %dma_start3A_315] : memref<250x80xi32, #tpu.memory_space<vmem>> -> memref<1x80xi32, #tpu.memory_space<vmem>>
        %dma_start3A_317 = tpu.memref_squeeze %dma_start3A_316 : memref<1x80xi32, #tpu.memory_space<vmem>> -> memref<80xi32, #tpu.memory_space<vmem>>
        %dma_start3A_318 = arith.constant 0 : i32
        %dma_start3A_319 = arith.constant 0 : i32
        %dma_start3A_320 = tpu.memref_slice %arg2[%dma_start3A_318, %dma_start3A_319] : memref<10000x64xf32, #tpu.memory_space<hbm>> -> memref<10000x64xf32, #tpu.memory_space<hbm>>
        tpu.enqueue_indirect_dma source(%dma_start3A_320 : memref<10000x64xf32, #tpu.memory_space<hbm>>) target(%arg13 : memref<80x64xf32, #tpu.memory_space<vmem>>) offsets(%dma_start3A_317 : memref<80xi32, #tpu.memory_space<vmem>>) semaphore(%arg19 : memref<!tpu.dma_semaphore, #tpu.memory_space<semaphore_mem>>)
        %dma_wait3A_321 = arith.constant 0 : i32
        %dma_wait3A_322 = arith.constant 0 : i32
        %dma_wait3A_323 = tpu.memref_slice %arg8[%dma_wait3A_321, %dma_wait3A_322] : memref<250x80xi32, #tpu.memory_space<vmem>> -> memref<1x80xi32, #tpu.memory_space<vmem>>
        %dma_wait3A_324 = tpu.memref_squeeze %dma_wait3A_323 : memref<1x80xi32, #tpu.memory_space<vmem>> -> memref<80xi32, #tpu.memory_space<vmem>>
        %dma_wait3A_325 = arith.constant 0 : i32
        %dma_wait3A_326 = arith.constant 0 : i32
        %dma_wait3A_327 = tpu.memref_slice %arg2[%dma_wait3A_325, %dma_wait3A_326] : memref<10000x64xf32, #tpu.memory_space<hbm>> -> memref<10000x64xf32, #tpu.memory_space<hbm>>
        tpu.wait_indirect_dma semaphore(%arg16 : memref<!tpu.dma_semaphore, #tpu.memory_space<semaphore_mem>>) src(%dma_wait3A_327 : memref<10000x64xf32, #tpu.memory_space<hbm>>) dst(%arg10 : memref<80x64xf32, #tpu.memory_space<vmem>>)
        %dma_start3A_328 = arith.constant 0 : i32
        %dma_start3A_329 = tpu.memref_slice %arg9[%add3A_305, %dma_start3A_328] : memref<250x80xi32, #tpu.memory_space<vmem>> -> memref<1x80xi32, #tpu.memory_space<vmem>>
        %dma_start3A_330 = tpu.memref_squeeze %dma_start3A_329 : memref<1x80xi32, #tpu.memory_space<vmem>> -> memref<80xi32, #tpu.memory_space<vmem>>
        %dma_start3A_331 = arith.constant 0 : i32
        %dma_start3A_332 = arith.constant 0 : i32
        %dma_start3A_333 = tpu.memref_slice %arg15[%dma_start3A_331, %dma_start3A_332] : memref<10240x64xf32, #tpu.memory_space<vmem_shared>> -> memref<10240x64xf32, #tpu.memory_space<vmem_shared>>
        tpu.enqueue_indirect_dma source(%arg10 : memref<80x64xf32, #tpu.memory_space<vmem>>) target(%dma_start3A_333 : memref<10240x64xf32, #tpu.memory_space<vmem_shared>>) offsets(%dma_start3A_330 : memref<80xi32, #tpu.memory_space<vmem>>) semaphore(%arg21 : memref<!tpu.dma_semaphore, #tpu.memory_space<semaphore_mem>>) {add = true}
        %mul3A_334 = arith.constant 5 : i32
        %mul3A_335 = arith.muli %scan3A_301, %mul3A_334 : i32
        %add3A_336 = arith.constant 1 : i32
        %add3A_337 = arith.addi %mul3A_335, %add3A_336 : i32
        %dma_wait3A_338 = arith.constant 0 : i32
        %dma_wait3A_339 = arith.constant 0 : i32
        %dma_wait3A_340 = tpu.memref_slice %arg9[%dma_wait3A_338, %dma_wait3A_339] : memref<250x80xi32, #tpu.memory_space<vmem>> -> memref<1x80xi32, #tpu.memory_space<vmem>>
        %dma_wait3A_341 = tpu.memref_squeeze %dma_wait3A_340 : memref<1x80xi32, #tpu.memory_space<vmem>> -> memref<80xi32, #tpu.memory_space<vmem>>
        %dma_wait3A_342 = arith.constant 0 : i32
        %dma_wait3A_343 = arith.constant 0 : i32
        %dma_wait3A_344 = tpu.memref_slice %arg15[%dma_wait3A_342, %dma_wait3A_343] : memref<10240x64xf32, #tpu.memory_space<vmem_shared>> -> memref<10240x64xf32, #tpu.memory_space<vmem_shared>>
        tpu.wait_indirect_dma semaphore(%arg25 : memref<!tpu.dma_semaphore, #tpu.memory_space<semaphore_mem>>) src(%arg14 : memref<80x64xf32, #tpu.memory_space<vmem>>) dst(%dma_wait3A_344 : memref<10240x64xf32, #tpu.memory_space<vmem_shared>>)
        %add3A_345 = arith.constant 3 : i32
        %add3A_346 = arith.addi %add3A_337, %add3A_345 : i32
        %dma_start3A_347 = arith.constant 0 : i32
        %dma_start3A_348 = tpu.memref_slice %arg8[%add3A_346, %dma_start3A_347] : memref<250x80xi32, #tpu.memory_space<vmem>> -> memref<1x80xi32, #tpu.memory_space<vmem>>
        %dma_start3A_349 = tpu.memref_squeeze %dma_start3A_348 : memref<1x80xi32, #tpu.memory_space<vmem>> -> memref<80xi32, #tpu.memory_space<vmem>>
        %dma_start3A_350 = arith.constant 0 : i32
        %dma_start3A_351 = arith.constant 0 : i32
        %dma_start3A_352 = tpu.memref_slice %arg2[%dma_start3A_350, %dma_start3A_351] : memref<10000x64xf32, #tpu.memory_space<hbm>> -> memref<10000x64xf32, #tpu.memory_space<hbm>>
        tpu.enqueue_indirect_dma source(%dma_start3A_352 : memref<10000x64xf32, #tpu.memory_space<hbm>>) target(%arg14 : memref<80x64xf32, #tpu.memory_space<vmem>>) offsets(%dma_start3A_349 : memref<80xi32, #tpu.memory_space<vmem>>) semaphore(%arg20 : memref<!tpu.dma_semaphore, #tpu.memory_space<semaphore_mem>>)
        %dma_wait3A_353 = arith.constant 0 : i32
        %dma_wait3A_354 = arith.constant 0 : i32
        %dma_wait3A_355 = tpu.memref_slice %arg8[%dma_wait3A_353, %dma_wait3A_354] : memref<250x80xi32, #tpu.memory_space<vmem>> -> memref<1x80xi32, #tpu.memory_space<vmem>>
        %dma_wait3A_356 = tpu.memref_squeeze %dma_wait3A_355 : memref<1x80xi32, #tpu.memory_space<vmem>> -> memref<80xi32, #tpu.memory_space<vmem>>
        %dma_wait3A_357 = arith.constant 0 : i32
        %dma_wait3A_358 = arith.constant 0 : i32
        %dma_wait3A_359 = tpu.memref_slice %arg2[%dma_wait3A_357, %dma_wait3A_358] : memref<10000x64xf32, #tpu.memory_space<hbm>> -> memref<10000x64xf32, #tpu.memory_space<hbm>>
        tpu.wait_indirect_dma semaphore(%arg17 : memref<!tpu.dma_semaphore, #tpu.memory_space<semaphore_mem>>) src(%dma_wait3A_359 : memref<10000x64xf32, #tpu.memory_space<hbm>>) dst(%arg11 : memref<80x64xf32, #tpu.memory_space<vmem>>)
        %dma_start3A_360 = arith.constant 0 : i32
        %dma_start3A_361 = tpu.memref_slice %arg9[%add3A_337, %dma_start3A_360] : memref<250x80xi32, #tpu.memory_space<vmem>> -> memref<1x80xi32, #tpu.memory_space<vmem>>
        %dma_start3A_362 = tpu.memref_squeeze %dma_start3A_361 : memref<1x80xi32, #tpu.memory_space<vmem>> -> memref<80xi32, #tpu.memory_space<vmem>>
        %dma_start3A_363 = arith.constant 0 : i32
        %dma_start3A_364 = arith.constant 0 : i32
        %dma_start3A_365 = tpu.memref_slice %arg15[%dma_start3A_363, %dma_start3A_364] : memref<10240x64xf32, #tpu.memory_space<vmem_shared>> -> memref<10240x64xf32, #tpu.memory_space<vmem_shared>>
        tpu.enqueue_indirect_dma source(%arg11 : memref<80x64xf32, #tpu.memory_space<vmem>>) target(%dma_start3A_365 : memref<10240x64xf32, #tpu.memory_space<vmem_shared>>) offsets(%dma_start3A_362 : memref<80xi32, #tpu.memory_space<vmem>>) semaphore(%arg22 : memref<!tpu.dma_semaphore, #tpu.memory_space<semaphore_mem>>) {add = true}
        %mul3A_366 = arith.constant 5 : i32
        %mul3A_367 = arith.muli %scan3A_301, %mul3A_366 : i32
        %add3A_368 = arith.constant 2 : i32
        %add3A_369 = arith.addi %mul3A_367, %add3A_368 : i32
        %dma_wait3A_370 = arith.constant 0 : i32
        %dma_wait3A_371 = arith.constant 0 : i32
        %dma_wait3A_372 = tpu.memref_slice %arg9[%dma_wait3A_370, %dma_wait3A_371] : memref<250x80xi32, #tpu.memory_space<vmem>> -> memref<1x80xi32, #tpu.memory_space<vmem>>
        %dma_wait3A_373 = tpu.memref_squeeze %dma_wait3A_372 : memref<1x80xi32, #tpu.memory_space<vmem>> -> memref<80xi32, #tpu.memory_space<vmem>>
        %dma_wait3A_374 = arith.constant 0 : i32
        %dma_wait3A_375 = arith.constant 0 : i32
        %dma_wait3A_376 = tpu.memref_slice %arg15[%dma_wait3A_374, %dma_wait3A_375] : memref<10240x64xf32, #tpu.memory_space<vmem_shared>> -> memref<10240x64xf32, #tpu.memory_space<vmem_shared>>
        tpu.wait_indirect_dma semaphore(%arg21 : memref<!tpu.dma_semaphore, #tpu.memory_space<semaphore_mem>>) src(%arg10 : memref<80x64xf32, #tpu.memory_space<vmem>>) dst(%dma_wait3A_376 : memref<10240x64xf32, #tpu.memory_space<vmem_shared>>)
        %add3A_377 = arith.constant 3 : i32
        %add3A_378 = arith.addi %add3A_369, %add3A_377 : i32
        %dma_start3A_379 = arith.constant 0 : i32
        %dma_start3A_380 = tpu.memref_slice %arg8[%add3A_378, %dma_start3A_379] : memref<250x80xi32, #tpu.memory_space<vmem>> -> memref<1x80xi32, #tpu.memory_space<vmem>>
        %dma_start3A_381 = tpu.memref_squeeze %dma_start3A_380 : memref<1x80xi32, #tpu.memory_space<vmem>> -> memref<80xi32, #tpu.memory_space<vmem>>
        %dma_start3A_382 = arith.constant 0 : i32
        %dma_start3A_383 = arith.constant 0 : i32
        %dma_start3A_384 = tpu.memref_slice %arg2[%dma_start3A_382, %dma_start3A_383] : memref<10000x64xf32, #tpu.memory_space<hbm>> -> memref<10000x64xf32, #tpu.memory_space<hbm>>
        tpu.enqueue_indirect_dma source(%dma_start3A_384 : memref<10000x64xf32, #tpu.memory_space<hbm>>) target(%arg10 : memref<80x64xf32, #tpu.memory_space<vmem>>) offsets(%dma_start3A_381 : memref<80xi32, #tpu.memory_space<vmem>>) semaphore(%arg16 : memref<!tpu.dma_semaphore, #tpu.memory_space<semaphore_mem>>)
        %dma_wait3A_385 = arith.constant 0 : i32
        %dma_wait3A_386 = arith.constant 0 : i32
        %dma_wait3A_387 = tpu.memref_slice %arg8[%dma_wait3A_385, %dma_wait3A_386] : memref<250x80xi32, #tpu.memory_space<vmem>> -> memref<1x80xi32, #tpu.memory_space<vmem>>
        %dma_wait3A_388 = tpu.memref_squeeze %dma_wait3A_387 : memref<1x80xi32, #tpu.memory_space<vmem>> -> memref<80xi32, #tpu.memory_space<vmem>>
        %dma_wait3A_389 = arith.constant 0 : i32
        %dma_wait3A_390 = arith.constant 0 : i32
        %dma_wait3A_391 = tpu.memref_slice %arg2[%dma_wait3A_389, %dma_wait3A_390] : memref<10000x64xf32, #tpu.memory_space<hbm>> -> memref<10000x64xf32, #tpu.memory_space<hbm>>
        tpu.wait_indirect_dma semaphore(%arg18 : memref<!tpu.dma_semaphore, #tpu.memory_space<semaphore_mem>>) src(%dma_wait3A_391 : memref<10000x64xf32, #tpu.memory_space<hbm>>) dst(%arg12 : memref<80x64xf32, #tpu.memory_space<vmem>>)
        %dma_start3A_392 = arith.constant 0 : i32
        %dma_start3A_393 = tpu.memref_slice %arg9[%add3A_369, %dma_start3A_392] : memref<250x80xi32, #tpu.memory_space<vmem>> -> memref<1x80xi32, #tpu.memory_space<vmem>>
        %dma_start3A_394 = tpu.memref_squeeze %dma_start3A_393 : memref<1x80xi32, #tpu.memory_space<vmem>> -> memref<80xi32, #tpu.memory_space<vmem>>
        %dma_start3A_395 = arith.constant 0 : i32
        %dma_start3A_396 = arith.constant 0 : i32
        %dma_start3A_397 = tpu.memref_slice %arg15[%dma_start3A_395, %dma_start3A_396] : memref<10240x64xf32, #tpu.memory_space<vmem_shared>> -> memref<10240x64xf32, #tpu.memory_space<vmem_shared>>
        tpu.enqueue_indirect_dma source(%arg12 : memref<80x64xf32, #tpu.memory_space<vmem>>) target(%dma_start3A_397 : memref<10240x64xf32, #tpu.memory_space<vmem_shared>>) offsets(%dma_start3A_394 : memref<80xi32, #tpu.memory_space<vmem>>) semaphore(%arg23 : memref<!tpu.dma_semaphore, #tpu.memory_space<semaphore_mem>>) {add = true}
        %mul3A_398 = arith.constant 5 : i32
        %mul3A_399 = arith.muli %scan3A_301, %mul3A_398 : i32
        %add3A_400 = arith.constant 3 : i32
        %add3A_401 = arith.addi %mul3A_399, %add3A_400 : i32
        %dma_wait3A_402 = arith.constant 0 : i32
        %dma_wait3A_403 = arith.constant 0 : i32
        %dma_wait3A_404 = tpu.memref_slice %arg9[%dma_wait3A_402, %dma_wait3A_403] : memref<250x80xi32, #tpu.memory_space<vmem>> -> memref<1x80xi32, #tpu.memory_space<vmem>>
        %dma_wait3A_405 = tpu.memref_squeeze %dma_wait3A_404 : memref<1x80xi32, #tpu.memory_space<vmem>> -> memref<80xi32, #tpu.memory_space<vmem>>
        %dma_wait3A_406 = arith.constant 0 : i32
        %dma_wait3A_407 = arith.constant 0 : i32
        %dma_wait3A_408 = tpu.memref_slice %arg15[%dma_wait3A_406, %dma_wait3A_407] : memref<10240x64xf32, #tpu.memory_space<vmem_shared>> -> memref<10240x64xf32, #tpu.memory_space<vmem_shared>>
        tpu.wait_indirect_dma semaphore(%arg22 : memref<!tpu.dma_semaphore, #tpu.memory_space<semaphore_mem>>) src(%arg11 : memref<80x64xf32, #tpu.memory_space<vmem>>) dst(%dma_wait3A_408 : memref<10240x64xf32, #tpu.memory_space<vmem_shared>>)
        %add3A_409 = arith.constant 3 : i32
        %add3A_410 = arith.addi %add3A_401, %add3A_409 : i32
        %dma_start3A_411 = arith.constant 0 : i32
        %dma_start3A_412 = tpu.memref_slice %arg8[%add3A_410, %dma_start3A_411] : memref<250x80xi32, #tpu.memory_space<vmem>> -> memref<1x80xi32, #tpu.memory_space<vmem>>
        %dma_start3A_413 = tpu.memref_squeeze %dma_start3A_412 : memref<1x80xi32, #tpu.memory_space<vmem>> -> memref<80xi32, #tpu.memory_space<vmem>>
        %dma_start3A_414 = arith.constant 0 : i32
        %dma_start3A_415 = arith.constant 0 : i32
        %dma_start3A_416 = tpu.memref_slice %arg2[%dma_start3A_414, %dma_start3A_415] : memref<10000x64xf32, #tpu.memory_space<hbm>> -> memref<10000x64xf32, #tpu.memory_space<hbm>>
        tpu.enqueue_indirect_dma source(%dma_start3A_416 : memref<10000x64xf32, #tpu.memory_space<hbm>>) target(%arg11 : memref<80x64xf32, #tpu.memory_space<vmem>>) offsets(%dma_start3A_413 : memref<80xi32, #tpu.memory_space<vmem>>) semaphore(%arg17 : memref<!tpu.dma_semaphore, #tpu.memory_space<semaphore_mem>>)
        %dma_wait3A_417 = arith.constant 0 : i32
        %dma_wait3A_418 = arith.constant 0 : i32
        %dma_wait3A_419 = tpu.memref_slice %arg8[%dma_wait3A_417, %dma_wait3A_418] : memref<250x80xi32, #tpu.memory_space<vmem>> -> memref<1x80xi32, #tpu.memory_space<vmem>>
        %dma_wait3A_420 = tpu.memref_squeeze %dma_wait3A_419 : memref<1x80xi32, #tpu.memory_space<vmem>> -> memref<80xi32, #tpu.memory_space<vmem>>
        %dma_wait3A_421 = arith.constant 0 : i32
        %dma_wait3A_422 = arith.constant 0 : i32
        %dma_wait3A_423 = tpu.memref_slice %arg2[%dma_wait3A_421, %dma_wait3A_422] : memref<10000x64xf32, #tpu.memory_space<hbm>> -> memref<10000x64xf32, #tpu.memory_space<hbm>>
        tpu.wait_indirect_dma semaphore(%arg19 : memref<!tpu.dma_semaphore, #tpu.memory_space<semaphore_mem>>) src(%dma_wait3A_423 : memref<10000x64xf32, #tpu.memory_space<hbm>>) dst(%arg13 : memref<80x64xf32, #tpu.memory_space<vmem>>)
        %dma_start3A_424 = arith.constant 0 : i32
        %dma_start3A_425 = tpu.memref_slice %arg9[%add3A_401, %dma_start3A_424] : memref<250x80xi32, #tpu.memory_space<vmem>> -> memref<1x80xi32, #tpu.memory_space<vmem>>
        %dma_start3A_426 = tpu.memref_squeeze %dma_start3A_425 : memref<1x80xi32, #tpu.memory_space<vmem>> -> memref<80xi32, #tpu.memory_space<vmem>>
        %dma_start3A_427 = arith.constant 0 : i32
        %dma_start3A_428 = arith.constant 0 : i32
        %dma_start3A_429 = tpu.memref_slice %arg15[%dma_start3A_427, %dma_start3A_428] : memref<10240x64xf32, #tpu.memory_space<vmem_shared>> -> memref<10240x64xf32, #tpu.memory_space<vmem_shared>>
        tpu.enqueue_indirect_dma source(%arg13 : memref<80x64xf32, #tpu.memory_space<vmem>>) target(%dma_start3A_429 : memref<10240x64xf32, #tpu.memory_space<vmem_shared>>) offsets(%dma_start3A_426 : memref<80xi32, #tpu.memory_space<vmem>>) semaphore(%arg24 : memref<!tpu.dma_semaphore, #tpu.memory_space<semaphore_mem>>) {add = true}
        %mul3A_430 = arith.constant 5 : i32
        %mul3A_431 = arith.muli %scan3A_301, %mul3A_430 : i32
        %add3A_432 = arith.constant 4 : i32
        %add3A_433 = arith.addi %mul3A_431, %add3A_432 : i32
        %dma_wait3A_434 = arith.constant 0 : i32
        %dma_wait3A_435 = arith.constant 0 : i32
        %dma_wait3A_436 = tpu.memref_slice %arg9[%dma_wait3A_434, %dma_wait3A_435] : memref<250x80xi32, #tpu.memory_space<vmem>> -> memref<1x80xi32, #tpu.memory_space<vmem>>
        %dma_wait3A_437 = tpu.memref_squeeze %dma_wait3A_436 : memref<1x80xi32, #tpu.memory_space<vmem>> -> memref<80xi32, #tpu.memory_space<vmem>>
        %dma_wait3A_438 = arith.constant 0 : i32
        %dma_wait3A_439 = arith.constant 0 : i32
        %dma_wait3A_440 = tpu.memref_slice %arg15[%dma_wait3A_438, %dma_wait3A_439] : memref<10240x64xf32, #tpu.memory_space<vmem_shared>> -> memref<10240x64xf32, #tpu.memory_space<vmem_shared>>
        tpu.wait_indirect_dma semaphore(%arg23 : memref<!tpu.dma_semaphore, #tpu.memory_space<semaphore_mem>>) src(%arg12 : memref<80x64xf32, #tpu.memory_space<vmem>>) dst(%dma_wait3A_440 : memref<10240x64xf32, #tpu.memory_space<vmem_shared>>)
        %add3A_441 = arith.constant 3 : i32
        %add3A_442 = arith.addi %add3A_433, %add3A_441 : i32
        %dma_start3A_443 = arith.constant 0 : i32
        %dma_start3A_444 = tpu.memref_slice %arg8[%add3A_442, %dma_start3A_443] : memref<250x80xi32, #tpu.memory_space<vmem>> -> memref<1x80xi32, #tpu.memory_space<vmem>>
        %dma_start3A_445 = tpu.memref_squeeze %dma_start3A_444 : memref<1x80xi32, #tpu.memory_space<vmem>> -> memref<80xi32, #tpu.memory_space<vmem>>
        %dma_start3A_446 = arith.constant 0 : i32
        %dma_start3A_447 = arith.constant 0 : i32
        %dma_start3A_448 = tpu.memref_slice %arg2[%dma_start3A_446, %dma_start3A_447] : memref<10000x64xf32, #tpu.memory_space<hbm>> -> memref<10000x64xf32, #tpu.memory_space<hbm>>
        tpu.enqueue_indirect_dma source(%dma_start3A_448 : memref<10000x64xf32, #tpu.memory_space<hbm>>) target(%arg12 : memref<80x64xf32, #tpu.memory_space<vmem>>) offsets(%dma_start3A_445 : memref<80xi32, #tpu.memory_space<vmem>>) semaphore(%arg18 : memref<!tpu.dma_semaphore, #tpu.memory_space<semaphore_mem>>)
        %dma_wait3A_449 = arith.constant 0 : i32
        %dma_wait3A_450 = arith.constant 0 : i32
        %dma_wait3A_451 = tpu.memref_slice %arg8[%dma_wait3A_449, %dma_wait3A_450] : memref<250x80xi32, #tpu.memory_space<vmem>> -> memref<1x80xi32, #tpu.memory_space<vmem>>
        %dma_wait3A_452 = tpu.memref_squeeze %dma_wait3A_451 : memref<1x80xi32, #tpu.memory_space<vmem>> -> memref<80xi32, #tpu.memory_space<vmem>>
        %dma_wait3A_453 = arith.constant 0 : i32
        %dma_wait3A_454 = arith.constant 0 : i32
        %dma_wait3A_455 = tpu.memref_slice %arg2[%dma_wait3A_453, %dma_wait3A_454] : memref<10000x64xf32, #tpu.memory_space<hbm>> -> memref<10000x64xf32, #tpu.memory_space<hbm>>
        tpu.wait_indirect_dma semaphore(%arg20 : memref<!tpu.dma_semaphore, #tpu.memory_space<semaphore_mem>>) src(%dma_wait3A_455 : memref<10000x64xf32, #tpu.memory_space<hbm>>) dst(%arg14 : memref<80x64xf32, #tpu.memory_space<vmem>>)
        %dma_start3A_456 = arith.constant 0 : i32
        %dma_start3A_457 = tpu.memref_slice %arg9[%add3A_433, %dma_start3A_456] : memref<250x80xi32, #tpu.memory_space<vmem>> -> memref<1x80xi32, #tpu.memory_space<vmem>>
        %dma_start3A_458 = tpu.memref_squeeze %dma_start3A_457 : memref<1x80xi32, #tpu.memory_space<vmem>> -> memref<80xi32, #tpu.memory_space<vmem>>
        %dma_start3A_459 = arith.constant 0 : i32
        %dma_start3A_460 = arith.constant 0 : i32
        %dma_start3A_461 = tpu.memref_slice %arg15[%dma_start3A_459, %dma_start3A_460] : memref<10240x64xf32, #tpu.memory_space<vmem_shared>> -> memref<10240x64xf32, #tpu.memory_space<vmem_shared>>
        tpu.enqueue_indirect_dma source(%arg14 : memref<80x64xf32, #tpu.memory_space<vmem>>) target(%dma_start3A_461 : memref<10240x64xf32, #tpu.memory_space<vmem_shared>>) offsets(%dma_start3A_458 : memref<80xi32, #tpu.memory_space<vmem>>) semaphore(%arg25 : memref<!tpu.dma_semaphore, #tpu.memory_space<semaphore_mem>>) {add = true}
        %scan3A_462 = arith.constant 0 : i32
        scf.yield %scan3A_462 : i32
      }
      %scan3A_167 = arith.constant 48 : i32
      %dma_wait3A_168 = arith.constant 0 : i32
      %dma_wait3A_169 = arith.constant 0 : i32
      %dma_wait3A_170 = tpu.memref_slice %arg9[%dma_wait3A_168, %dma_wait3A_169] : memref<250x80xi32, #tpu.memory_space<vmem>> -> memref<1x80xi32, #tpu.memory_space<vmem>>
      %dma_wait3A_171 = tpu.memref_squeeze %dma_wait3A_170 : memref<1x80xi32, #tpu.memory_space<vmem>> -> memref<80xi32, #tpu.memory_space<vmem>>
      %dma_wait3A_172 = arith.constant 0 : i32
      %dma_wait3A_173 = arith.constant 0 : i32
      %dma_wait3A_174 = tpu.memref_slice %arg15[%dma_wait3A_172, %dma_wait3A_173] : memref<10240x64xf32, #tpu.memory_space<vmem_shared>> -> memref<10240x64xf32, #tpu.memory_space<vmem_shared>>
      tpu.wait_indirect_dma semaphore(%arg24 : memref<!tpu.dma_semaphore, #tpu.memory_space<semaphore_mem>>) src(%arg13 : memref<80x64xf32, #tpu.memory_space<vmem>>) dst(%dma_wait3A_174 : memref<10240x64xf32, #tpu.memory_space<vmem_shared>>)
      %dma_start3A_175 = arith.constant 248 : i32
      %dma_start3A_176 = arith.constant 0 : i32
      %dma_start3A_177 = tpu.memref_slice %arg8[%dma_start3A_175, %dma_start3A_176] : memref<250x80xi32, #tpu.memory_space<vmem>> -> memref<1x80xi32, #tpu.memory_space<vmem>>
      %dma_start3A_178 = tpu.memref_squeeze %dma_start3A_177 : memref<1x80xi32, #tpu.memory_space<vmem>> -> memref<80xi32, #tpu.memory_space<vmem>>
      %dma_start3A_179 = arith.constant 0 : i32
      %dma_start3A_180 = arith.constant 0 : i32
      %dma_start3A_181 = tpu.memref_slice %arg2[%dma_start3A_179, %dma_start3A_180] : memref<10000x64xf32, #tpu.memory_space<hbm>> -> memref<10000x64xf32, #tpu.memory_space<hbm>>
      tpu.enqueue_indirect_dma source(%dma_start3A_181 : memref<10000x64xf32, #tpu.memory_space<hbm>>) target(%arg13 : memref<80x64xf32, #tpu.memory_space<vmem>>) offsets(%dma_start3A_178 : memref<80xi32, #tpu.memory_space<vmem>>) semaphore(%arg19 : memref<!tpu.dma_semaphore, #tpu.memory_space<semaphore_mem>>)
      %dma_wait3A_182 = arith.constant 0 : i32
      %dma_wait3A_183 = arith.constant 0 : i32
      %dma_wait3A_184 = tpu.memref_slice %arg8[%dma_wait3A_182, %dma_wait3A_183] : memref<250x80xi32, #tpu.memory_space<vmem>> -> memref<1x80xi32, #tpu.memory_space<vmem>>
      %dma_wait3A_185 = tpu.memref_squeeze %dma_wait3A_184 : memref<1x80xi32, #tpu.memory_space<vmem>> -> memref<80xi32, #tpu.memory_space<vmem>>
      %dma_wait3A_186 = arith.constant 0 : i32
      %dma_wait3A_187 = arith.constant 0 : i32
      %dma_wait3A_188 = tpu.memref_slice %arg2[%dma_wait3A_186, %dma_wait3A_187] : memref<10000x64xf32, #tpu.memory_space<hbm>> -> memref<10000x64xf32, #tpu.memory_space<hbm>>
      tpu.wait_indirect_dma semaphore(%arg16 : memref<!tpu.dma_semaphore, #tpu.memory_space<semaphore_mem>>) src(%dma_wait3A_188 : memref<10000x64xf32, #tpu.memory_space<hbm>>) dst(%arg10 : memref<80x64xf32, #tpu.memory_space<vmem>>)
      %dma_start3A_189 = arith.constant 245 : i32
      %dma_start3A_190 = arith.constant 0 : i32
      %dma_start3A_191 = tpu.memref_slice %arg9[%dma_start3A_189, %dma_start3A_190] : memref<250x80xi32, #tpu.memory_space<vmem>> -> memref<1x80xi32, #tpu.memory_space<vmem>>
      %dma_start3A_192 = tpu.memref_squeeze %dma_start3A_191 : memref<1x80xi32, #tpu.memory_space<vmem>> -> memref<80xi32, #tpu.memory_space<vmem>>
      %dma_start3A_193 = arith.constant 0 : i32
      %dma_start3A_194 = arith.constant 0 : i32
      %dma_start3A_195 = tpu.memref_slice %arg15[%dma_start3A_193, %dma_start3A_194] : memref<10240x64xf32, #tpu.memory_space<vmem_shared>> -> memref<10240x64xf32, #tpu.memory_space<vmem_shared>>
      tpu.enqueue_indirect_dma source(%arg10 : memref<80x64xf32, #tpu.memory_space<vmem>>) target(%dma_start3A_195 : memref<10240x64xf32, #tpu.memory_space<vmem_shared>>) offsets(%dma_start3A_192 : memref<80xi32, #tpu.memory_space<vmem>>) semaphore(%arg21 : memref<!tpu.dma_semaphore, #tpu.memory_space<semaphore_mem>>) {add = true}
      %dma_wait3A_196 = arith.constant 0 : i32
      %dma_wait3A_197 = arith.constant 0 : i32
      %dma_wait3A_198 = tpu.memref_slice %arg9[%dma_wait3A_196, %dma_wait3A_197] : memref<250x80xi32, #tpu.memory_space<vmem>> -> memref<1x80xi32, #tpu.memory_space<vmem>>
      %dma_wait3A_199 = tpu.memref_squeeze %dma_wait3A_198 : memref<1x80xi32, #tpu.memory_space<vmem>> -> memref<80xi32, #tpu.memory_space<vmem>>
      %dma_wait3A_200 = arith.constant 0 : i32
      %dma_wait3A_201 = arith.constant 0 : i32
      %dma_wait3A_202 = tpu.memref_slice %arg15[%dma_wait3A_200, %dma_wait3A_201] : memref<10240x64xf32, #tpu.memory_space<vmem_shared>> -> memref<10240x64xf32, #tpu.memory_space<vmem_shared>>
      tpu.wait_indirect_dma semaphore(%arg25 : memref<!tpu.dma_semaphore, #tpu.memory_space<semaphore_mem>>) src(%arg14 : memref<80x64xf32, #tpu.memory_space<vmem>>) dst(%dma_wait3A_202 : memref<10240x64xf32, #tpu.memory_space<vmem_shared>>)
      %dma_start3A_203 = arith.constant 249 : i32
      %dma_start3A_204 = arith.constant 0 : i32
      %dma_start3A_205 = tpu.memref_slice %arg8[%dma_start3A_203, %dma_start3A_204] : memref<250x80xi32, #tpu.memory_space<vmem>> -> memref<1x80xi32, #tpu.memory_space<vmem>>
      %dma_start3A_206 = tpu.memref_squeeze %dma_start3A_205 : memref<1x80xi32, #tpu.memory_space<vmem>> -> memref<80xi32, #tpu.memory_space<vmem>>
      %dma_start3A_207 = arith.constant 0 : i32
      %dma_start3A_208 = arith.constant 0 : i32
      %dma_start3A_209 = tpu.memref_slice %arg2[%dma_start3A_207, %dma_start3A_208] : memref<10000x64xf32, #tpu.memory_space<hbm>> -> memref<10000x64xf32, #tpu.memory_space<hbm>>
      tpu.enqueue_indirect_dma source(%dma_start3A_209 : memref<10000x64xf32, #tpu.memory_space<hbm>>) target(%arg14 : memref<80x64xf32, #tpu.memory_space<vmem>>) offsets(%dma_start3A_206 : memref<80xi32, #tpu.memory_space<vmem>>) semaphore(%arg20 : memref<!tpu.dma_semaphore, #tpu.memory_space<semaphore_mem>>)
      %dma_wait3A_210 = arith.constant 0 : i32
      %dma_wait3A_211 = arith.constant 0 : i32
      %dma_wait3A_212 = tpu.memref_slice %arg8[%dma_wait3A_210, %dma_wait3A_211] : memref<250x80xi32, #tpu.memory_space<vmem>> -> memref<1x80xi32, #tpu.memory_space<vmem>>
      %dma_wait3A_213 = tpu.memref_squeeze %dma_wait3A_212 : memref<1x80xi32, #tpu.memory_space<vmem>> -> memref<80xi32, #tpu.memory_space<vmem>>
      %dma_wait3A_214 = arith.constant 0 : i32
      %dma_wait3A_215 = arith.constant 0 : i32
      %dma_wait3A_216 = tpu.memref_slice %arg2[%dma_wait3A_214, %dma_wait3A_215] : memref<10000x64xf32, #tpu.memory_space<hbm>> -> memref<10000x64xf32, #tpu.memory_space<hbm>>
      tpu.wait_indirect_dma semaphore(%arg17 : memref<!tpu.dma_semaphore, #tpu.memory_space<semaphore_mem>>) src(%dma_wait3A_216 : memref<10000x64xf32, #tpu.memory_space<hbm>>) dst(%arg11 : memref<80x64xf32, #tpu.memory_space<vmem>>)
      %dma_start3A_217 = arith.constant 246 : i32
      %dma_start3A_218 = arith.constant 0 : i32
      %dma_start3A_219 = tpu.memref_slice %arg9[%dma_start3A_217, %dma_start3A_218] : memref<250x80xi32, #tpu.memory_space<vmem>> -> memref<1x80xi32, #tpu.memory_space<vmem>>
      %dma_start3A_220 = tpu.memref_squeeze %dma_start3A_219 : memref<1x80xi32, #tpu.memory_space<vmem>> -> memref<80xi32, #tpu.memory_space<vmem>>
      %dma_start3A_221 = arith.constant 0 : i32
      %dma_start3A_222 = arith.constant 0 : i32
      %dma_start3A_223 = tpu.memref_slice %arg15[%dma_start3A_221, %dma_start3A_222] : memref<10240x64xf32, #tpu.memory_space<vmem_shared>> -> memref<10240x64xf32, #tpu.memory_space<vmem_shared>>
      tpu.enqueue_indirect_dma source(%arg11 : memref<80x64xf32, #tpu.memory_space<vmem>>) target(%dma_start3A_223 : memref<10240x64xf32, #tpu.memory_space<vmem_shared>>) offsets(%dma_start3A_220 : memref<80xi32, #tpu.memory_space<vmem>>) semaphore(%arg22 : memref<!tpu.dma_semaphore, #tpu.memory_space<semaphore_mem>>) {add = true}
      %dma_wait3A_224 = arith.constant 0 : i32
      %dma_wait3A_225 = arith.constant 0 : i32
      %dma_wait3A_226 = tpu.memref_slice %arg8[%dma_wait3A_224, %dma_wait3A_225] : memref<250x80xi32, #tpu.memory_space<vmem>> -> memref<1x80xi32, #tpu.memory_space<vmem>>
      %dma_wait3A_227 = tpu.memref_squeeze %dma_wait3A_226 : memref<1x80xi32, #tpu.memory_space<vmem>> -> memref<80xi32, #tpu.memory_space<vmem>>
      %dma_wait3A_228 = arith.constant 0 : i32
      %dma_wait3A_229 = arith.constant 0 : i32
      %dma_wait3A_230 = tpu.memref_slice %arg2[%dma_wait3A_228, %dma_wait3A_229] : memref<10000x64xf32, #tpu.memory_space<hbm>> -> memref<10000x64xf32, #tpu.memory_space<hbm>>
      tpu.wait_indirect_dma semaphore(%arg18 : memref<!tpu.dma_semaphore, #tpu.memory_space<semaphore_mem>>) src(%dma_wait3A_230 : memref<10000x64xf32, #tpu.memory_space<hbm>>) dst(%arg12 : memref<80x64xf32, #tpu.memory_space<vmem>>)
      %dma_start3A_231 = arith.constant 247 : i32
      %dma_start3A_232 = arith.constant 0 : i32
      %dma_start3A_233 = tpu.memref_slice %arg9[%dma_start3A_231, %dma_start3A_232] : memref<250x80xi32, #tpu.memory_space<vmem>> -> memref<1x80xi32, #tpu.memory_space<vmem>>
      %dma_start3A_234 = tpu.memref_squeeze %dma_start3A_233 : memref<1x80xi32, #tpu.memory_space<vmem>> -> memref<80xi32, #tpu.memory_space<vmem>>
      %dma_start3A_235 = arith.constant 0 : i32
      %dma_start3A_236 = arith.constant 0 : i32
      %dma_start3A_237 = tpu.memref_slice %arg15[%dma_start3A_235, %dma_start3A_236] : memref<10240x64xf32, #tpu.memory_space<vmem_shared>> -> memref<10240x64xf32, #tpu.memory_space<vmem_shared>>
      tpu.enqueue_indirect_dma source(%arg12 : memref<80x64xf32, #tpu.memory_space<vmem>>) target(%dma_start3A_237 : memref<10240x64xf32, #tpu.memory_space<vmem_shared>>) offsets(%dma_start3A_234 : memref<80xi32, #tpu.memory_space<vmem>>) semaphore(%arg23 : memref<!tpu.dma_semaphore, #tpu.memory_space<semaphore_mem>>) {add = true}
      %dma_wait3A_238 = arith.constant 0 : i32
      %dma_wait3A_239 = arith.constant 0 : i32
      %dma_wait3A_240 = tpu.memref_slice %arg8[%dma_wait3A_238, %dma_wait3A_239] : memref<250x80xi32, #tpu.memory_space<vmem>> -> memref<1x80xi32, #tpu.memory_space<vmem>>
      %dma_wait3A_241 = tpu.memref_squeeze %dma_wait3A_240 : memref<1x80xi32, #tpu.memory_space<vmem>> -> memref<80xi32, #tpu.memory_space<vmem>>
      %dma_wait3A_242 = arith.constant 0 : i32
      %dma_wait3A_243 = arith.constant 0 : i32
      %dma_wait3A_244 = tpu.memref_slice %arg2[%dma_wait3A_242, %dma_wait3A_243] : memref<10000x64xf32, #tpu.memory_space<hbm>> -> memref<10000x64xf32, #tpu.memory_space<hbm>>
      tpu.wait_indirect_dma semaphore(%arg19 : memref<!tpu.dma_semaphore, #tpu.memory_space<semaphore_mem>>) src(%dma_wait3A_244 : memref<10000x64xf32, #tpu.memory_space<hbm>>) dst(%arg13 : memref<80x64xf32, #tpu.memory_space<vmem>>)
      %dma_start3A_245 = arith.constant 248 : i32
      %dma_start3A_246 = arith.constant 0 : i32
      %dma_start3A_247 = tpu.memref_slice %arg9[%dma_start3A_245, %dma_start3A_246] : memref<250x80xi32, #tpu.memory_space<vmem>> -> memref<1x80xi32, #tpu.memory_space<vmem>>
      %dma_start3A_248 = tpu.memref_squeeze %dma_start3A_247 : memref<1x80xi32, #tpu.memory_space<vmem>> -> memref<80xi32, #tpu.memory_space<vmem>>
      %dma_start3A_249 = arith.constant 0 : i32
      %dma_start3A_250 = arith.constant 0 : i32
      %dma_start3A_251 = tpu.memref_slice %arg15[%dma_start3A_249, %dma_start3A_250] : memref<10240x64xf32, #tpu.memory_space<vmem_shared>> -> memref<10240x64xf32, #tpu.memory_space<vmem_shared>>
      tpu.enqueue_indirect_dma source(%arg13 : memref<80x64xf32, #tpu.memory_space<vmem>>) target(%dma_start3A_251 : memref<10240x64xf32, #tpu.memory_space<vmem_shared>>) offsets(%dma_start3A_248 : memref<80xi32, #tpu.memory_space<vmem>>) semaphore(%arg24 : memref<!tpu.dma_semaphore, #tpu.memory_space<semaphore_mem>>) {add = true}
      %dma_wait3A_252 = arith.constant 0 : i32
      %dma_wait3A_253 = arith.constant 0 : i32
      %dma_wait3A_254 = tpu.memref_slice %arg8[%dma_wait3A_252, %dma_wait3A_253] : memref<250x80xi32, #tpu.memory_space<vmem>> -> memref<1x80xi32, #tpu.memory_space<vmem>>
      %dma_wait3A_255 = tpu.memref_squeeze %dma_wait3A_254 : memref<1x80xi32, #tpu.memory_space<vmem>> -> memref<80xi32, #tpu.memory_space<vmem>>
      %dma_wait3A_256 = arith.constant 0 : i32
      %dma_wait3A_257 = arith.constant 0 : i32
      %dma_wait3A_258 = tpu.memref_slice %arg2[%dma_wait3A_256, %dma_wait3A_257] : memref<10000x64xf32, #tpu.memory_space<hbm>> -> memref<10000x64xf32, #tpu.memory_space<hbm>>
      tpu.wait_indirect_dma semaphore(%arg20 : memref<!tpu.dma_semaphore, #tpu.memory_space<semaphore_mem>>) src(%dma_wait3A_258 : memref<10000x64xf32, #tpu.memory_space<hbm>>) dst(%arg14 : memref<80x64xf32, #tpu.memory_space<vmem>>)
      %dma_start3A_259 = arith.constant 249 : i32
      %dma_start3A_260 = arith.constant 0 : i32
      %dma_start3A_261 = tpu.memref_slice %arg9[%dma_start3A_259, %dma_start3A_260] : memref<250x80xi32, #tpu.memory_space<vmem>> -> memref<1x80xi32, #tpu.memory_space<vmem>>
      %dma_start3A_262 = tpu.memref_squeeze %dma_start3A_261 : memref<1x80xi32, #tpu.memory_space<vmem>> -> memref<80xi32, #tpu.memory_space<vmem>>
      %dma_start3A_263 = arith.constant 0 : i32
      %dma_start3A_264 = arith.constant 0 : i32
      %dma_start3A_265 = tpu.memref_slice %arg15[%dma_start3A_263, %dma_start3A_264] : memref<10240x64xf32, #tpu.memory_space<vmem_shared>> -> memref<10240x64xf32, #tpu.memory_space<vmem_shared>>
      tpu.enqueue_indirect_dma source(%arg14 : memref<80x64xf32, #tpu.memory_space<vmem>>) target(%dma_start3A_265 : memref<10240x64xf32, #tpu.memory_space<vmem_shared>>) offsets(%dma_start3A_262 : memref<80xi32, #tpu.memory_space<vmem>>) semaphore(%arg25 : memref<!tpu.dma_semaphore, #tpu.memory_space<semaphore_mem>>) {add = true}
      %dma_wait3A_266 = arith.constant 0 : i32
      %dma_wait3A_267 = arith.constant 0 : i32
      %dma_wait3A_268 = tpu.memref_slice %arg9[%dma_wait3A_266, %dma_wait3A_267] : memref<250x80xi32, #tpu.memory_space<vmem>> -> memref<1x80xi32, #tpu.memory_space<vmem>>
      %dma_wait3A_269 = tpu.memref_squeeze %dma_wait3A_268 : memref<1x80xi32, #tpu.memory_space<vmem>> -> memref<80xi32, #tpu.memory_space<vmem>>
      %dma_wait3A_270 = arith.constant 0 : i32
      %dma_wait3A_271 = arith.constant 0 : i32
      %dma_wait3A_272 = tpu.memref_slice %arg15[%dma_wait3A_270, %dma_wait3A_271] : memref<10240x64xf32, #tpu.memory_space<vmem_shared>> -> memref<10240x64xf32, #tpu.memory_space<vmem_shared>>
      tpu.wait_indirect_dma semaphore(%arg21 : memref<!tpu.dma_semaphore, #tpu.memory_space<semaphore_mem>>) src(%arg10 : memref<80x64xf32, #tpu.memory_space<vmem>>) dst(%dma_wait3A_272 : memref<10240x64xf32, #tpu.memory_space<vmem_shared>>)
      %dma_wait3A_273 = arith.constant 0 : i32
      %dma_wait3A_274 = arith.constant 0 : i32
      %dma_wait3A_275 = tpu.memref_slice %arg9[%dma_wait3A_273, %dma_wait3A_274] : memref<250x80xi32, #tpu.memory_space<vmem>> -> memref<1x80xi32, #tpu.memory_space<vmem>>
      %dma_wait3A_276 = tpu.memref_squeeze %dma_wait3A_275 : memref<1x80xi32, #tpu.memory_space<vmem>> -> memref<80xi32, #tpu.memory_space<vmem>>
      %dma_wait3A_277 = arith.constant 0 : i32
      %dma_wait3A_278 = arith.constant 0 : i32
      %dma_wait3A_279 = tpu.memref_slice %arg15[%dma_wait3A_277, %dma_wait3A_278] : memref<10240x64xf32, #tpu.memory_space<vmem_shared>> -> memref<10240x64xf32, #tpu.memory_space<vmem_shared>>
      tpu.wait_indirect_dma semaphore(%arg22 : memref<!tpu.dma_semaphore, #tpu.memory_space<semaphore_mem>>) src(%arg11 : memref<80x64xf32, #tpu.memory_space<vmem>>) dst(%dma_wait3A_279 : memref<10240x64xf32, #tpu.memory_space<vmem_shared>>)
      %dma_wait3A_280 = arith.constant 0 : i32
      %dma_wait3A_281 = arith.constant 0 : i32
      %dma_wait3A_282 = tpu.memref_slice %arg9[%dma_wait3A_280, %dma_wait3A_281] : memref<250x80xi32, #tpu.memory_space<vmem>> -> memref<1x80xi32, #tpu.memory_space<vmem>>
      %dma_wait3A_283 = tpu.memref_squeeze %dma_wait3A_282 : memref<1x80xi32, #tpu.memory_space<vmem>> -> memref<80xi32, #tpu.memory_space<vmem>>
      %dma_wait3A_284 = arith.constant 0 : i32
      %dma_wait3A_285 = arith.constant 0 : i32
      %dma_wait3A_286 = tpu.memref_slice %arg15[%dma_wait3A_284, %dma_wait3A_285] : memref<10240x64xf32, #tpu.memory_space<vmem_shared>> -> memref<10240x64xf32, #tpu.memory_space<vmem_shared>>
      tpu.wait_indirect_dma semaphore(%arg23 : memref<!tpu.dma_semaphore, #tpu.memory_space<semaphore_mem>>) src(%arg12 : memref<80x64xf32, #tpu.memory_space<vmem>>) dst(%dma_wait3A_286 : memref<10240x64xf32, #tpu.memory_space<vmem_shared>>)
      %dma_wait3A_287 = arith.constant 0 : i32
      %dma_wait3A_288 = arith.constant 0 : i32
      %dma_wait3A_289 = tpu.memref_slice %arg9[%dma_wait3A_287, %dma_wait3A_288] : memref<250x80xi32, #tpu.memory_space<vmem>> -> memref<1x80xi32, #tpu.memory_space<vmem>>
      %dma_wait3A_290 = tpu.memref_squeeze %dma_wait3A_289 : memref<1x80xi32, #tpu.memory_space<vmem>> -> memref<80xi32, #tpu.memory_space<vmem>>
      %dma_wait3A_291 = arith.constant 0 : i32
      %dma_wait3A_292 = arith.constant 0 : i32
      %dma_wait3A_293 = tpu.memref_slice %arg15[%dma_wait3A_291, %dma_wait3A_292] : memref<10240x64xf32, #tpu.memory_space<vmem_shared>> -> memref<10240x64xf32, #tpu.memory_space<vmem_shared>>
      tpu.wait_indirect_dma semaphore(%arg24 : memref<!tpu.dma_semaphore, #tpu.memory_space<semaphore_mem>>) src(%arg13 : memref<80x64xf32, #tpu.memory_space<vmem>>) dst(%dma_wait3A_293 : memref<10240x64xf32, #tpu.memory_space<vmem_shared>>)
      %dma_wait3A_294 = arith.constant 0 : i32
      %dma_wait3A_295 = arith.constant 0 : i32
      %dma_wait3A_296 = tpu.memref_slice %arg9[%dma_wait3A_294, %dma_wait3A_295] : memref<250x80xi32, #tpu.memory_space<vmem>> -> memref<1x80xi32, #tpu.memory_space<vmem>>
      %dma_wait3A_297 = tpu.memref_squeeze %dma_wait3A_296 : memref<1x80xi32, #tpu.memory_space<vmem>> -> memref<80xi32, #tpu.memory_space<vmem>>
      %dma_wait3A_298 = arith.constant 0 : i32
      %dma_wait3A_299 = arith.constant 0 : i32
      %dma_wait3A_300 = tpu.memref_slice %arg15[%dma_wait3A_298, %dma_wait3A_299] : memref<10240x64xf32, #tpu.memory_space<vmem_shared>> -> memref<10240x64xf32, #tpu.memory_space<vmem_shared>>
      tpu.wait_indirect_dma semaphore(%arg25 : memref<!tpu.dma_semaphore, #tpu.memory_space<semaphore_mem>>) src(%arg14 : memref<80x64xf32, #tpu.memory_space<vmem>>) dst(%dma_wait3A_300 : memref<10240x64xf32, #tpu.memory_space<vmem_shared>>)
    } else {
    }
    %eq3A_5 = arith.constant 1 : i32
    %eq3A_6 = arith.cmpi eq, %arg0, %eq3A_5 : i32
    %convert_element_type3A_7 = arith.extui %eq3A_6 : i1 to i32
    %cond3A_8 = arith.constant 0 : i32
    %cond3A_9 = arith.cmpi ne, %convert_element_type3A_7, %cond3A_8 : i32
    scf.if %cond3A_9 {
      %dma_start3A = arith.constant 0 : i32
      %dma_start3A_17 = arith.constant 0 : i32
      %dma_start3A_18 = tpu.memref_slice %arg8[%dma_start3A, %dma_start3A_17] : memref<250x80xi32, #tpu.memory_space<vmem>> -> memref<1x80xi32, #tpu.memory_space<vmem>>
      %dma_start3A_19 = tpu.memref_squeeze %dma_start3A_18 : memref<1x80xi32, #tpu.memory_space<vmem>> -> memref<80xi32, #tpu.memory_space<vmem>>
      %dma_start3A_20 = arith.constant 0 : i32
      %dma_start3A_21 = arith.constant 0 : i32
      %dma_start3A_22 = tpu.memref_slice %arg3[%dma_start3A_20, %dma_start3A_21] : memref<10000x64xf32, #tpu.memory_space<hbm>> -> memref<10000x64xf32, #tpu.memory_space<hbm>>
      tpu.enqueue_indirect_dma source(%dma_start3A_22 : memref<10000x64xf32, #tpu.memory_space<hbm>>) target(%arg10 : memref<80x64xf32, #tpu.memory_space<vmem>>) offsets(%dma_start3A_19 : memref<80xi32, #tpu.memory_space<vmem>>) semaphore(%arg16 : memref<!tpu.dma_semaphore, #tpu.memory_space<semaphore_mem>>)
      %dma_start3A_23 = arith.constant 1 : i32
      %dma_start3A_24 = arith.constant 0 : i32
      %dma_start3A_25 = tpu.memref_slice %arg8[%dma_start3A_23, %dma_start3A_24] : memref<250x80xi32, #tpu.memory_space<vmem>> -> memref<1x80xi32, #tpu.memory_space<vmem>>
      %dma_start3A_26 = tpu.memref_squeeze %dma_start3A_25 : memref<1x80xi32, #tpu.memory_space<vmem>> -> memref<80xi32, #tpu.memory_space<vmem>>
      %dma_start3A_27 = arith.constant 0 : i32
      %dma_start3A_28 = arith.constant 0 : i32
      %dma_start3A_29 = tpu.memref_slice %arg3[%dma_start3A_27, %dma_start3A_28] : memref<10000x64xf32, #tpu.memory_space<hbm>> -> memref<10000x64xf32, #tpu.memory_space<hbm>>
      tpu.enqueue_indirect_dma source(%dma_start3A_29 : memref<10000x64xf32, #tpu.memory_space<hbm>>) target(%arg11 : memref<80x64xf32, #tpu.memory_space<vmem>>) offsets(%dma_start3A_26 : memref<80xi32, #tpu.memory_space<vmem>>) semaphore(%arg17 : memref<!tpu.dma_semaphore, #tpu.memory_space<semaphore_mem>>)
      %dma_start3A_30 = arith.constant 2 : i32
      %dma_start3A_31 = arith.constant 0 : i32
      %dma_start3A_32 = tpu.memref_slice %arg8[%dma_start3A_30, %dma_start3A_31] : memref<250x80xi32, #tpu.memory_space<vmem>> -> memref<1x80xi32, #tpu.memory_space<vmem>>
      %dma_start3A_33 = tpu.memref_squeeze %dma_start3A_32 : memref<1x80xi32, #tpu.memory_space<vmem>> -> memref<80xi32, #tpu.memory_space<vmem>>
      %dma_start3A_34 = arith.constant 0 : i32
      %dma_start3A_35 = arith.constant 0 : i32
      %dma_start3A_36 = tpu.memref_slice %arg3[%dma_start3A_34, %dma_start3A_35] : memref<10000x64xf32, #tpu.memory_space<hbm>> -> memref<10000x64xf32, #tpu.memory_space<hbm>>
      tpu.enqueue_indirect_dma source(%dma_start3A_36 : memref<10000x64xf32, #tpu.memory_space<hbm>>) target(%arg12 : memref<80x64xf32, #tpu.memory_space<vmem>>) offsets(%dma_start3A_33 : memref<80xi32, #tpu.memory_space<vmem>>) semaphore(%arg18 : memref<!tpu.dma_semaphore, #tpu.memory_space<semaphore_mem>>)
      %dma_start3A_37 = arith.constant 3 : i32
      %dma_start3A_38 = arith.constant 0 : i32
      %dma_start3A_39 = tpu.memref_slice %arg8[%dma_start3A_37, %dma_start3A_38] : memref<250x80xi32, #tpu.memory_space<vmem>> -> memref<1x80xi32, #tpu.memory_space<vmem>>
      %dma_start3A_40 = tpu.memref_squeeze %dma_start3A_39 : memref<1x80xi32, #tpu.memory_space<vmem>> -> memref<80xi32, #tpu.memory_space<vmem>>
      %dma_start3A_41 = arith.constant 0 : i32
      %dma_start3A_42 = arith.constant 0 : i32
      %dma_start3A_43 = tpu.memref_slice %arg3[%dma_start3A_41, %dma_start3A_42] : memref<10000x64xf32, #tpu.memory_space<hbm>> -> memref<10000x64xf32, #tpu.memory_space<hbm>>
      tpu.enqueue_indirect_dma source(%dma_start3A_43 : memref<10000x64xf32, #tpu.memory_space<hbm>>) target(%arg13 : memref<80x64xf32, #tpu.memory_space<vmem>>) offsets(%dma_start3A_40 : memref<80xi32, #tpu.memory_space<vmem>>) semaphore(%arg19 : memref<!tpu.dma_semaphore, #tpu.memory_space<semaphore_mem>>)
      %dma_wait3A = arith.constant 0 : i32
      %dma_wait3A_44 = arith.constant 0 : i32
      %dma_wait3A_45 = tpu.memref_slice %arg8[%dma_wait3A, %dma_wait3A_44] : memref<250x80xi32, #tpu.memory_space<vmem>> -> memref<1x80xi32, #tpu.memory_space<vmem>>
      %dma_wait3A_46 = tpu.memref_squeeze %dma_wait3A_45 : memref<1x80xi32, #tpu.memory_space<vmem>> -> memref<80xi32, #tpu.memory_space<vmem>>
      %dma_wait3A_47 = arith.constant 0 : i32
      %dma_wait3A_48 = arith.constant 0 : i32
      %dma_wait3A_49 = tpu.memref_slice %arg3[%dma_wait3A_47, %dma_wait3A_48] : memref<10000x64xf32, #tpu.memory_space<hbm>> -> memref<10000x64xf32, #tpu.memory_space<hbm>>
      tpu.wait_indirect_dma semaphore(%arg16 : memref<!tpu.dma_semaphore, #tpu.memory_space<semaphore_mem>>) src(%dma_wait3A_49 : memref<10000x64xf32, #tpu.memory_space<hbm>>) dst(%arg10 : memref<80x64xf32, #tpu.memory_space<vmem>>)
      %dma_start3A_50 = arith.constant 0 : i32
      %dma_start3A_51 = arith.constant 0 : i32
      %dma_start3A_52 = tpu.memref_slice %arg9[%dma_start3A_50, %dma_start3A_51] : memref<250x80xi32, #tpu.memory_space<vmem>> -> memref<1x80xi32, #tpu.memory_space<vmem>>
      %dma_start3A_53 = tpu.memref_squeeze %dma_start3A_52 : memref<1x80xi32, #tpu.memory_space<vmem>> -> memref<80xi32, #tpu.memory_space<vmem>>
      %dma_start3A_54 = arith.constant 0 : i32
      %dma_start3A_55 = arith.constant 0 : i32
      %dma_start3A_56 = tpu.memref_slice %arg15[%dma_start3A_54, %dma_start3A_55] : memref<10240x64xf32, #tpu.memory_space<vmem_shared>> -> memref<10240x64xf32, #tpu.memory_space<vmem_shared>>
      tpu.enqueue_indirect_dma source(%arg10 : memref<80x64xf32, #tpu.memory_space<vmem>>) target(%dma_start3A_56 : memref<10240x64xf32, #tpu.memory_space<vmem_shared>>) offsets(%dma_start3A_53 : memref<80xi32, #tpu.memory_space<vmem>>) semaphore(%arg21 : memref<!tpu.dma_semaphore, #tpu.memory_space<semaphore_mem>>) {add = true}
      %dma_start3A_57 = arith.constant 4 : i32
      %dma_start3A_58 = arith.constant 0 : i32
      %dma_start3A_59 = tpu.memref_slice %arg8[%dma_start3A_57, %dma_start3A_58] : memref<250x80xi32, #tpu.memory_space<vmem>> -> memref<1x80xi32, #tpu.memory_space<vmem>>
      %dma_start3A_60 = tpu.memref_squeeze %dma_start3A_59 : memref<1x80xi32, #tpu.memory_space<vmem>> -> memref<80xi32, #tpu.memory_space<vmem>>
      %dma_start3A_61 = arith.constant 0 : i32
      %dma_start3A_62 = arith.constant 0 : i32
      %dma_start3A_63 = tpu.memref_slice %arg3[%dma_start3A_61, %dma_start3A_62] : memref<10000x64xf32, #tpu.memory_space<hbm>> -> memref<10000x64xf32, #tpu.memory_space<hbm>>
      tpu.enqueue_indirect_dma source(%dma_start3A_63 : memref<10000x64xf32, #tpu.memory_space<hbm>>) target(%arg14 : memref<80x64xf32, #tpu.memory_space<vmem>>) offsets(%dma_start3A_60 : memref<80xi32, #tpu.memory_space<vmem>>) semaphore(%arg20 : memref<!tpu.dma_semaphore, #tpu.memory_space<semaphore_mem>>)
      %dma_wait3A_64 = arith.constant 0 : i32
      %dma_wait3A_65 = arith.constant 0 : i32
      %dma_wait3A_66 = tpu.memref_slice %arg8[%dma_wait3A_64, %dma_wait3A_65] : memref<250x80xi32, #tpu.memory_space<vmem>> -> memref<1x80xi32, #tpu.memory_space<vmem>>
      %dma_wait3A_67 = tpu.memref_squeeze %dma_wait3A_66 : memref<1x80xi32, #tpu.memory_space<vmem>> -> memref<80xi32, #tpu.memory_space<vmem>>
      %dma_wait3A_68 = arith.constant 0 : i32
      %dma_wait3A_69 = arith.constant 0 : i32
      %dma_wait3A_70 = tpu.memref_slice %arg3[%dma_wait3A_68, %dma_wait3A_69] : memref<10000x64xf32, #tpu.memory_space<hbm>> -> memref<10000x64xf32, #tpu.memory_space<hbm>>
      tpu.wait_indirect_dma semaphore(%arg17 : memref<!tpu.dma_semaphore, #tpu.memory_space<semaphore_mem>>) src(%dma_wait3A_70 : memref<10000x64xf32, #tpu.memory_space<hbm>>) dst(%arg11 : memref<80x64xf32, #tpu.memory_space<vmem>>)
      %dma_start3A_71 = arith.constant 1 : i32
      %dma_start3A_72 = arith.constant 0 : i32
      %dma_start3A_73 = tpu.memref_slice %arg9[%dma_start3A_71, %dma_start3A_72] : memref<250x80xi32, #tpu.memory_space<vmem>> -> memref<1x80xi32, #tpu.memory_space<vmem>>
      %dma_start3A_74 = tpu.memref_squeeze %dma_start3A_73 : memref<1x80xi32, #tpu.memory_space<vmem>> -> memref<80xi32, #tpu.memory_space<vmem>>
      %dma_start3A_75 = arith.constant 0 : i32
      %dma_start3A_76 = arith.constant 0 : i32
      %dma_start3A_77 = tpu.memref_slice %arg15[%dma_start3A_75, %dma_start3A_76] : memref<10240x64xf32, #tpu.memory_space<vmem_shared>> -> memref<10240x64xf32, #tpu.memory_space<vmem_shared>>
      tpu.enqueue_indirect_dma source(%arg11 : memref<80x64xf32, #tpu.memory_space<vmem>>) target(%dma_start3A_77 : memref<10240x64xf32, #tpu.memory_space<vmem_shared>>) offsets(%dma_start3A_74 : memref<80xi32, #tpu.memory_space<vmem>>) semaphore(%arg22 : memref<!tpu.dma_semaphore, #tpu.memory_space<semaphore_mem>>) {add = true}
      %dma_wait3A_78 = arith.constant 0 : i32
      %dma_wait3A_79 = arith.constant 0 : i32
      %dma_wait3A_80 = tpu.memref_slice %arg9[%dma_wait3A_78, %dma_wait3A_79] : memref<250x80xi32, #tpu.memory_space<vmem>> -> memref<1x80xi32, #tpu.memory_space<vmem>>
      %dma_wait3A_81 = tpu.memref_squeeze %dma_wait3A_80 : memref<1x80xi32, #tpu.memory_space<vmem>> -> memref<80xi32, #tpu.memory_space<vmem>>
      %dma_wait3A_82 = arith.constant 0 : i32
      %dma_wait3A_83 = arith.constant 0 : i32
      %dma_wait3A_84 = tpu.memref_slice %arg15[%dma_wait3A_82, %dma_wait3A_83] : memref<10240x64xf32, #tpu.memory_space<vmem_shared>> -> memref<10240x64xf32, #tpu.memory_space<vmem_shared>>
      tpu.wait_indirect_dma semaphore(%arg21 : memref<!tpu.dma_semaphore, #tpu.memory_space<semaphore_mem>>) src(%arg10 : memref<80x64xf32, #tpu.memory_space<vmem>>) dst(%dma_wait3A_84 : memref<10240x64xf32, #tpu.memory_space<vmem_shared>>)
      %dma_start3A_85 = arith.constant 5 : i32
      %dma_start3A_86 = arith.constant 0 : i32
      %dma_start3A_87 = tpu.memref_slice %arg8[%dma_start3A_85, %dma_start3A_86] : memref<250x80xi32, #tpu.memory_space<vmem>> -> memref<1x80xi32, #tpu.memory_space<vmem>>
      %dma_start3A_88 = tpu.memref_squeeze %dma_start3A_87 : memref<1x80xi32, #tpu.memory_space<vmem>> -> memref<80xi32, #tpu.memory_space<vmem>>
      %dma_start3A_89 = arith.constant 0 : i32
      %dma_start3A_90 = arith.constant 0 : i32
      %dma_start3A_91 = tpu.memref_slice %arg3[%dma_start3A_89, %dma_start3A_90] : memref<10000x64xf32, #tpu.memory_space<hbm>> -> memref<10000x64xf32, #tpu.memory_space<hbm>>
      tpu.enqueue_indirect_dma source(%dma_start3A_91 : memref<10000x64xf32, #tpu.memory_space<hbm>>) target(%arg10 : memref<80x64xf32, #tpu.memory_space<vmem>>) offsets(%dma_start3A_88 : memref<80xi32, #tpu.memory_space<vmem>>) semaphore(%arg16 : memref<!tpu.dma_semaphore, #tpu.memory_space<semaphore_mem>>)
      %dma_wait3A_92 = arith.constant 0 : i32
      %dma_wait3A_93 = arith.constant 0 : i32
      %dma_wait3A_94 = tpu.memref_slice %arg8[%dma_wait3A_92, %dma_wait3A_93] : memref<250x80xi32, #tpu.memory_space<vmem>> -> memref<1x80xi32, #tpu.memory_space<vmem>>
      %dma_wait3A_95 = tpu.memref_squeeze %dma_wait3A_94 : memref<1x80xi32, #tpu.memory_space<vmem>> -> memref<80xi32, #tpu.memory_space<vmem>>
      %dma_wait3A_96 = arith.constant 0 : i32
      %dma_wait3A_97 = arith.constant 0 : i32
      %dma_wait3A_98 = tpu.memref_slice %arg3[%dma_wait3A_96, %dma_wait3A_97] : memref<10000x64xf32, #tpu.memory_space<hbm>> -> memref<10000x64xf32, #tpu.memory_space<hbm>>
      tpu.wait_indirect_dma semaphore(%arg18 : memref<!tpu.dma_semaphore, #tpu.memory_space<semaphore_mem>>) src(%dma_wait3A_98 : memref<10000x64xf32, #tpu.memory_space<hbm>>) dst(%arg12 : memref<80x64xf32, #tpu.memory_space<vmem>>)
      %dma_start3A_99 = arith.constant 2 : i32
      %dma_start3A_100 = arith.constant 0 : i32
      %dma_start3A_101 = tpu.memref_slice %arg9[%dma_start3A_99, %dma_start3A_100] : memref<250x80xi32, #tpu.memory_space<vmem>> -> memref<1x80xi32, #tpu.memory_space<vmem>>
      %dma_start3A_102 = tpu.memref_squeeze %dma_start3A_101 : memref<1x80xi32, #tpu.memory_space<vmem>> -> memref<80xi32, #tpu.memory_space<vmem>>
      %dma_start3A_103 = arith.constant 0 : i32
      %dma_start3A_104 = arith.constant 0 : i32
      %dma_start3A_105 = tpu.memref_slice %arg15[%dma_start3A_103, %dma_start3A_104] : memref<10240x64xf32, #tpu.memory_space<vmem_shared>> -> memref<10240x64xf32, #tpu.memory_space<vmem_shared>>
      tpu.enqueue_indirect_dma source(%arg12 : memref<80x64xf32, #tpu.memory_space<vmem>>) target(%dma_start3A_105 : memref<10240x64xf32, #tpu.memory_space<vmem_shared>>) offsets(%dma_start3A_102 : memref<80xi32, #tpu.memory_space<vmem>>) semaphore(%arg23 : memref<!tpu.dma_semaphore, #tpu.memory_space<semaphore_mem>>) {add = true}
      %dma_wait3A_106 = arith.constant 0 : i32
      %dma_wait3A_107 = arith.constant 0 : i32
      %dma_wait3A_108 = tpu.memref_slice %arg9[%dma_wait3A_106, %dma_wait3A_107] : memref<250x80xi32, #tpu.memory_space<vmem>> -> memref<1x80xi32, #tpu.memory_space<vmem>>
      %dma_wait3A_109 = tpu.memref_squeeze %dma_wait3A_108 : memref<1x80xi32, #tpu.memory_space<vmem>> -> memref<80xi32, #tpu.memory_space<vmem>>
      %dma_wait3A_110 = arith.constant 0 : i32
      %dma_wait3A_111 = arith.constant 0 : i32
      %dma_wait3A_112 = tpu.memref_slice %arg15[%dma_wait3A_110, %dma_wait3A_111] : memref<10240x64xf32, #tpu.memory_space<vmem_shared>> -> memref<10240x64xf32, #tpu.memory_space<vmem_shared>>
      tpu.wait_indirect_dma semaphore(%arg22 : memref<!tpu.dma_semaphore, #tpu.memory_space<semaphore_mem>>) src(%arg11 : memref<80x64xf32, #tpu.memory_space<vmem>>) dst(%dma_wait3A_112 : memref<10240x64xf32, #tpu.memory_space<vmem_shared>>)
      %dma_start3A_113 = arith.constant 6 : i32
      %dma_start3A_114 = arith.constant 0 : i32
      %dma_start3A_115 = tpu.memref_slice %arg8[%dma_start3A_113, %dma_start3A_114] : memref<250x80xi32, #tpu.memory_space<vmem>> -> memref<1x80xi32, #tpu.memory_space<vmem>>
      %dma_start3A_116 = tpu.memref_squeeze %dma_start3A_115 : memref<1x80xi32, #tpu.memory_space<vmem>> -> memref<80xi32, #tpu.memory_space<vmem>>
      %dma_start3A_117 = arith.constant 0 : i32
      %dma_start3A_118 = arith.constant 0 : i32
      %dma_start3A_119 = tpu.memref_slice %arg3[%dma_start3A_117, %dma_start3A_118] : memref<10000x64xf32, #tpu.memory_space<hbm>> -> memref<10000x64xf32, #tpu.memory_space<hbm>>
      tpu.enqueue_indirect_dma source(%dma_start3A_119 : memref<10000x64xf32, #tpu.memory_space<hbm>>) target(%arg11 : memref<80x64xf32, #tpu.memory_space<vmem>>) offsets(%dma_start3A_116 : memref<80xi32, #tpu.memory_space<vmem>>) semaphore(%arg17 : memref<!tpu.dma_semaphore, #tpu.memory_space<semaphore_mem>>)
      %dma_wait3A_120 = arith.constant 0 : i32
      %dma_wait3A_121 = arith.constant 0 : i32
      %dma_wait3A_122 = tpu.memref_slice %arg8[%dma_wait3A_120, %dma_wait3A_121] : memref<250x80xi32, #tpu.memory_space<vmem>> -> memref<1x80xi32, #tpu.memory_space<vmem>>
      %dma_wait3A_123 = tpu.memref_squeeze %dma_wait3A_122 : memref<1x80xi32, #tpu.memory_space<vmem>> -> memref<80xi32, #tpu.memory_space<vmem>>
      %dma_wait3A_124 = arith.constant 0 : i32
      %dma_wait3A_125 = arith.constant 0 : i32
      %dma_wait3A_126 = tpu.memref_slice %arg3[%dma_wait3A_124, %dma_wait3A_125] : memref<10000x64xf32, #tpu.memory_space<hbm>> -> memref<10000x64xf32, #tpu.memory_space<hbm>>
      tpu.wait_indirect_dma semaphore(%arg19 : memref<!tpu.dma_semaphore, #tpu.memory_space<semaphore_mem>>) src(%dma_wait3A_126 : memref<10000x64xf32, #tpu.memory_space<hbm>>) dst(%arg13 : memref<80x64xf32, #tpu.memory_space<vmem>>)
      %dma_start3A_127 = arith.constant 3 : i32
      %dma_start3A_128 = arith.constant 0 : i32
      %dma_start3A_129 = tpu.memref_slice %arg9[%dma_start3A_127, %dma_start3A_128] : memref<250x80xi32, #tpu.memory_space<vmem>> -> memref<1x80xi32, #tpu.memory_space<vmem>>
      %dma_start3A_130 = tpu.memref_squeeze %dma_start3A_129 : memref<1x80xi32, #tpu.memory_space<vmem>> -> memref<80xi32, #tpu.memory_space<vmem>>
      %dma_start3A_131 = arith.constant 0 : i32
      %dma_start3A_132 = arith.constant 0 : i32
      %dma_start3A_133 = tpu.memref_slice %arg15[%dma_start3A_131, %dma_start3A_132] : memref<10240x64xf32, #tpu.memory_space<vmem_shared>> -> memref<10240x64xf32, #tpu.memory_space<vmem_shared>>
      tpu.enqueue_indirect_dma source(%arg13 : memref<80x64xf32, #tpu.memory_space<vmem>>) target(%dma_start3A_133 : memref<10240x64xf32, #tpu.memory_space<vmem_shared>>) offsets(%dma_start3A_130 : memref<80xi32, #tpu.memory_space<vmem>>) semaphore(%arg24 : memref<!tpu.dma_semaphore, #tpu.memory_space<semaphore_mem>>) {add = true}
      %dma_wait3A_134 = arith.constant 0 : i32
      %dma_wait3A_135 = arith.constant 0 : i32
      %dma_wait3A_136 = tpu.memref_slice %arg9[%dma_wait3A_134, %dma_wait3A_135] : memref<250x80xi32, #tpu.memory_space<vmem>> -> memref<1x80xi32, #tpu.memory_space<vmem>>
      %dma_wait3A_137 = tpu.memref_squeeze %dma_wait3A_136 : memref<1x80xi32, #tpu.memory_space<vmem>> -> memref<80xi32, #tpu.memory_space<vmem>>
      %dma_wait3A_138 = arith.constant 0 : i32
      %dma_wait3A_139 = arith.constant 0 : i32
      %dma_wait3A_140 = tpu.memref_slice %arg15[%dma_wait3A_138, %dma_wait3A_139] : memref<10240x64xf32, #tpu.memory_space<vmem_shared>> -> memref<10240x64xf32, #tpu.memory_space<vmem_shared>>
      tpu.wait_indirect_dma semaphore(%arg23 : memref<!tpu.dma_semaphore, #tpu.memory_space<semaphore_mem>>) src(%arg12 : memref<80x64xf32, #tpu.memory_space<vmem>>) dst(%dma_wait3A_140 : memref<10240x64xf32, #tpu.memory_space<vmem_shared>>)
      %dma_start3A_141 = arith.constant 7 : i32
      %dma_start3A_142 = arith.constant 0 : i32
      %dma_start3A_143 = tpu.memref_slice %arg8[%dma_start3A_141, %dma_start3A_142] : memref<250x80xi32, #tpu.memory_space<vmem>> -> memref<1x80xi32, #tpu.memory_space<vmem>>
      %dma_start3A_144 = tpu.memref_squeeze %dma_start3A_143 : memref<1x80xi32, #tpu.memory_space<vmem>> -> memref<80xi32, #tpu.memory_space<vmem>>
      %dma_start3A_145 = arith.constant 0 : i32
      %dma_start3A_146 = arith.constant 0 : i32
      %dma_start3A_147 = tpu.memref_slice %arg3[%dma_start3A_145, %dma_start3A_146] : memref<10000x64xf32, #tpu.memory_space<hbm>> -> memref<10000x64xf32, #tpu.memory_space<hbm>>
      tpu.enqueue_indirect_dma source(%dma_start3A_147 : memref<10000x64xf32, #tpu.memory_space<hbm>>) target(%arg12 : memref<80x64xf32, #tpu.memory_space<vmem>>) offsets(%dma_start3A_144 : memref<80xi32, #tpu.memory_space<vmem>>) semaphore(%arg18 : memref<!tpu.dma_semaphore, #tpu.memory_space<semaphore_mem>>)
      %dma_wait3A_148 = arith.constant 0 : i32
      %dma_wait3A_149 = arith.constant 0 : i32
      %dma_wait3A_150 = tpu.memref_slice %arg8[%dma_wait3A_148, %dma_wait3A_149] : memref<250x80xi32, #tpu.memory_space<vmem>> -> memref<1x80xi32, #tpu.memory_space<vmem>>
      %dma_wait3A_151 = tpu.memref_squeeze %dma_wait3A_150 : memref<1x80xi32, #tpu.memory_space<vmem>> -> memref<80xi32, #tpu.memory_space<vmem>>
      %dma_wait3A_152 = arith.constant 0 : i32
      %dma_wait3A_153 = arith.constant 0 : i32
      %dma_wait3A_154 = tpu.memref_slice %arg3[%dma_wait3A_152, %dma_wait3A_153] : memref<10000x64xf32, #tpu.memory_space<hbm>> -> memref<10000x64xf32, #tpu.memory_space<hbm>>
      tpu.wait_indirect_dma semaphore(%arg20 : memref<!tpu.dma_semaphore, #tpu.memory_space<semaphore_mem>>) src(%dma_wait3A_154 : memref<10000x64xf32, #tpu.memory_space<hbm>>) dst(%arg14 : memref<80x64xf32, #tpu.memory_space<vmem>>)
      %dma_start3A_155 = arith.constant 4 : i32
      %dma_start3A_156 = arith.constant 0 : i32
      %dma_start3A_157 = tpu.memref_slice %arg9[%dma_start3A_155, %dma_start3A_156] : memref<250x80xi32, #tpu.memory_space<vmem>> -> memref<1x80xi32, #tpu.memory_space<vmem>>
      %dma_start3A_158 = tpu.memref_squeeze %dma_start3A_157 : memref<1x80xi32, #tpu.memory_space<vmem>> -> memref<80xi32, #tpu.memory_space<vmem>>
      %dma_start3A_159 = arith.constant 0 : i32
      %dma_start3A_160 = arith.constant 0 : i32
      %dma_start3A_161 = tpu.memref_slice %arg15[%dma_start3A_159, %dma_start3A_160] : memref<10240x64xf32, #tpu.memory_space<vmem_shared>> -> memref<10240x64xf32, #tpu.memory_space<vmem_shared>>
      tpu.enqueue_indirect_dma source(%arg14 : memref<80x64xf32, #tpu.memory_space<vmem>>) target(%dma_start3A_161 : memref<10240x64xf32, #tpu.memory_space<vmem_shared>>) offsets(%dma_start3A_158 : memref<80xi32, #tpu.memory_space<vmem>>) semaphore(%arg25 : memref<!tpu.dma_semaphore, #tpu.memory_space<semaphore_mem>>) {add = true}
      %scan3A = arith.constant 0 : i32
      %scan3A_162 = arith.constant 1 : i32
      %scan3A_163 = arith.constant 48 : i32
      %scan3A_164 = arith.addi %scan3A_162, %scan3A_163 : i32
      %scan3A_165 = arith.constant 1 : i32
      %scan3A_166 = scf.for %scan3A_301 = %scan3A_162 to %scan3A_164 step %scan3A_165 iter_args(%scan3A_302 = %scan3A) -> (i32)  : i32 {
        %mul3A_303 = arith.constant 5 : i32
        %mul3A_304 = arith.muli %scan3A_301, %mul3A_303 : i32
        %add3A = arith.constant 0 : i32
        %add3A_305 = arith.addi %mul3A_304, %add3A : i32
        %dma_wait3A_306 = arith.constant 0 : i32
        %dma_wait3A_307 = arith.constant 0 : i32
        %dma_wait3A_308 = tpu.memref_slice %arg9[%dma_wait3A_306, %dma_wait3A_307] : memref<250x80xi32, #tpu.memory_space<vmem>> -> memref<1x80xi32, #tpu.memory_space<vmem>>
        %dma_wait3A_309 = tpu.memref_squeeze %dma_wait3A_308 : memref<1x80xi32, #tpu.memory_space<vmem>> -> memref<80xi32, #tpu.memory_space<vmem>>
        %dma_wait3A_310 = arith.constant 0 : i32
        %dma_wait3A_311 = arith.constant 0 : i32
        %dma_wait3A_312 = tpu.memref_slice %arg15[%dma_wait3A_310, %dma_wait3A_311] : memref<10240x64xf32, #tpu.memory_space<vmem_shared>> -> memref<10240x64xf32, #tpu.memory_space<vmem_shared>>
        tpu.wait_indirect_dma semaphore(%arg24 : memref<!tpu.dma_semaphore, #tpu.memory_space<semaphore_mem>>) src(%arg13 : memref<80x64xf32, #tpu.memory_space<vmem>>) dst(%dma_wait3A_312 : memref<10240x64xf32, #tpu.memory_space<vmem_shared>>)
        %add3A_313 = arith.constant 3 : i32
        %add3A_314 = arith.addi %add3A_305, %add3A_313 : i32
        %dma_start3A_315 = arith.constant 0 : i32
        %dma_start3A_316 = tpu.memref_slice %arg8[%add3A_314, %dma_start3A_315] : memref<250x80xi32, #tpu.memory_space<vmem>> -> memref<1x80xi32, #tpu.memory_space<vmem>>
        %dma_start3A_317 = tpu.memref_squeeze %dma_start3A_316 : memref<1x80xi32, #tpu.memory_space<vmem>> -> memref<80xi32, #tpu.memory_space<vmem>>
        %dma_start3A_318 = arith.constant 0 : i32
        %dma_start3A_319 = arith.constant 0 : i32
        %dma_start3A_320 = tpu.memref_slice %arg3[%dma_start3A_318, %dma_start3A_319] : memref<10000x64xf32, #tpu.memory_space<hbm>> -> memref<10000x64xf32, #tpu.memory_space<hbm>>
        tpu.enqueue_indirect_dma source(%dma_start3A_320 : memref<10000x64xf32, #tpu.memory_space<hbm>>) target(%arg13 : memref<80x64xf32, #tpu.memory_space<vmem>>) offsets(%dma_start3A_317 : memref<80xi32, #tpu.memory_space<vmem>>) semaphore(%arg19 : memref<!tpu.dma_semaphore, #tpu.memory_space<semaphore_mem>>)
        %dma_wait3A_321 = arith.constant 0 : i32
        %dma_wait3A_322 = arith.constant 0 : i32
        %dma_wait3A_323 = tpu.memref_slice %arg8[%dma_wait3A_321, %dma_wait3A_322] : memref<250x80xi32, #tpu.memory_space<vmem>> -> memref<1x80xi32, #tpu.memory_space<vmem>>
        %dma_wait3A_324 = tpu.memref_squeeze %dma_wait3A_323 : memref<1x80xi32, #tpu.memory_space<vmem>> -> memref<80xi32, #tpu.memory_space<vmem>>
        %dma_wait3A_325 = arith.constant 0 : i32
        %dma_wait3A_326 = arith.constant 0 : i32
        %dma_wait3A_327 = tpu.memref_slice %arg3[%dma_wait3A_325, %dma_wait3A_326] : memref<10000x64xf32, #tpu.memory_space<hbm>> -> memref<10000x64xf32, #tpu.memory_space<hbm>>
        tpu.wait_indirect_dma semaphore(%arg16 : memref<!tpu.dma_semaphore, #tpu.memory_space<semaphore_mem>>) src(%dma_wait3A_327 : memref<10000x64xf32, #tpu.memory_space<hbm>>) dst(%arg10 : memref<80x64xf32, #tpu.memory_space<vmem>>)
        %dma_start3A_328 = arith.constant 0 : i32
        %dma_start3A_329 = tpu.memref_slice %arg9[%add3A_305, %dma_start3A_328] : memref<250x80xi32, #tpu.memory_space<vmem>> -> memref<1x80xi32, #tpu.memory_space<vmem>>
        %dma_start3A_330 = tpu.memref_squeeze %dma_start3A_329 : memref<1x80xi32, #tpu.memory_space<vmem>> -> memref<80xi32, #tpu.memory_space<vmem>>
        %dma_start3A_331 = arith.constant 0 : i32
        %dma_start3A_332 = arith.constant 0 : i32
        %dma_start3A_333 = tpu.memref_slice %arg15[%dma_start3A_331, %dma_start3A_332] : memref<10240x64xf32, #tpu.memory_space<vmem_shared>> -> memref<10240x64xf32, #tpu.memory_space<vmem_shared>>
        tpu.enqueue_indirect_dma source(%arg10 : memref<80x64xf32, #tpu.memory_space<vmem>>) target(%dma_start3A_333 : memref<10240x64xf32, #tpu.memory_space<vmem_shared>>) offsets(%dma_start3A_330 : memref<80xi32, #tpu.memory_space<vmem>>) semaphore(%arg21 : memref<!tpu.dma_semaphore, #tpu.memory_space<semaphore_mem>>) {add = true}
        %mul3A_334 = arith.constant 5 : i32
        %mul3A_335 = arith.muli %scan3A_301, %mul3A_334 : i32
        %add3A_336 = arith.constant 1 : i32
        %add3A_337 = arith.addi %mul3A_335, %add3A_336 : i32
        %dma_wait3A_338 = arith.constant 0 : i32
        %dma_wait3A_339 = arith.constant 0 : i32
        %dma_wait3A_340 = tpu.memref_slice %arg9[%dma_wait3A_338, %dma_wait3A_339] : memref<250x80xi32, #tpu.memory_space<vmem>> -> memref<1x80xi32, #tpu.memory_space<vmem>>
        %dma_wait3A_341 = tpu.memref_squeeze %dma_wait3A_340 : memref<1x80xi32, #tpu.memory_space<vmem>> -> memref<80xi32, #tpu.memory_space<vmem>>
        %dma_wait3A_342 = arith.constant 0 : i32
        %dma_wait3A_343 = arith.constant 0 : i32
        %dma_wait3A_344 = tpu.memref_slice %arg15[%dma_wait3A_342, %dma_wait3A_343] : memref<10240x64xf32, #tpu.memory_space<vmem_shared>> -> memref<10240x64xf32, #tpu.memory_space<vmem_shared>>
        tpu.wait_indirect_dma semaphore(%arg25 : memref<!tpu.dma_semaphore, #tpu.memory_space<semaphore_mem>>) src(%arg14 : memref<80x64xf32, #tpu.memory_space<vmem>>) dst(%dma_wait3A_344 : memref<10240x64xf32, #tpu.memory_space<vmem_shared>>)
        %add3A_345 = arith.constant 3 : i32
        %add3A_346 = arith.addi %add3A_337, %add3A_345 : i32
        %dma_start3A_347 = arith.constant 0 : i32
        %dma_start3A_348 = tpu.memref_slice %arg8[%add3A_346, %dma_start3A_347] : memref<250x80xi32, #tpu.memory_space<vmem>> -> memref<1x80xi32, #tpu.memory_space<vmem>>
        %dma_start3A_349 = tpu.memref_squeeze %dma_start3A_348 : memref<1x80xi32, #tpu.memory_space<vmem>> -> memref<80xi32, #tpu.memory_space<vmem>>
        %dma_start3A_350 = arith.constant 0 : i32
        %dma_start3A_351 = arith.constant 0 : i32
        %dma_start3A_352 = tpu.memref_slice %arg3[%dma_start3A_350, %dma_start3A_351] : memref<10000x64xf32, #tpu.memory_space<hbm>> -> memref<10000x64xf32, #tpu.memory_space<hbm>>
        tpu.enqueue_indirect_dma source(%dma_start3A_352 : memref<10000x64xf32, #tpu.memory_space<hbm>>) target(%arg14 : memref<80x64xf32, #tpu.memory_space<vmem>>) offsets(%dma_start3A_349 : memref<80xi32, #tpu.memory_space<vmem>>) semaphore(%arg20 : memref<!tpu.dma_semaphore, #tpu.memory_space<semaphore_mem>>)
        %dma_wait3A_353 = arith.constant 0 : i32
        %dma_wait3A_354 = arith.constant 0 : i32
        %dma_wait3A_355 = tpu.memref_slice %arg8[%dma_wait3A_353, %dma_wait3A_354] : memref<250x80xi32, #tpu.memory_space<vmem>> -> memref<1x80xi32, #tpu.memory_space<vmem>>
        %dma_wait3A_356 = tpu.memref_squeeze %dma_wait3A_355 : memref<1x80xi32, #tpu.memory_space<vmem>> -> memref<80xi32, #tpu.memory_space<vmem>>
        %dma_wait3A_357 = arith.constant 0 : i32
        %dma_wait3A_358 = arith.constant 0 : i32
        %dma_wait3A_359 = tpu.memref_slice %arg3[%dma_wait3A_357, %dma_wait3A_358] : memref<10000x64xf32, #tpu.memory_space<hbm>> -> memref<10000x64xf32, #tpu.memory_space<hbm>>
        tpu.wait_indirect_dma semaphore(%arg17 : memref<!tpu.dma_semaphore, #tpu.memory_space<semaphore_mem>>) src(%dma_wait3A_359 : memref<10000x64xf32, #tpu.memory_space<hbm>>) dst(%arg11 : memref<80x64xf32, #tpu.memory_space<vmem>>)
        %dma_start3A_360 = arith.constant 0 : i32
        %dma_start3A_361 = tpu.memref_slice %arg9[%add3A_337, %dma_start3A_360] : memref<250x80xi32, #tpu.memory_space<vmem>> -> memref<1x80xi32, #tpu.memory_space<vmem>>
        %dma_start3A_362 = tpu.memref_squeeze %dma_start3A_361 : memref<1x80xi32, #tpu.memory_space<vmem>> -> memref<80xi32, #tpu.memory_space<vmem>>
        %dma_start3A_363 = arith.constant 0 : i32
        %dma_start3A_364 = arith.constant 0 : i32
        %dma_start3A_365 = tpu.memref_slice %arg15[%dma_start3A_363, %dma_start3A_364] : memref<10240x64xf32, #tpu.memory_space<vmem_shared>> -> memref<10240x64xf32, #tpu.memory_space<vmem_shared>>
        tpu.enqueue_indirect_dma source(%arg11 : memref<80x64xf32, #tpu.memory_space<vmem>>) target(%dma_start3A_365 : memref<10240x64xf32, #tpu.memory_space<vmem_shared>>) offsets(%dma_start3A_362 : memref<80xi32, #tpu.memory_space<vmem>>) semaphore(%arg22 : memref<!tpu.dma_semaphore, #tpu.memory_space<semaphore_mem>>) {add = true}
        %mul3A_366 = arith.constant 5 : i32
        %mul3A_367 = arith.muli %scan3A_301, %mul3A_366 : i32
        %add3A_368 = arith.constant 2 : i32
        %add3A_369 = arith.addi %mul3A_367, %add3A_368 : i32
        %dma_wait3A_370 = arith.constant 0 : i32
        %dma_wait3A_371 = arith.constant 0 : i32
        %dma_wait3A_372 = tpu.memref_slice %arg9[%dma_wait3A_370, %dma_wait3A_371] : memref<250x80xi32, #tpu.memory_space<vmem>> -> memref<1x80xi32, #tpu.memory_space<vmem>>
        %dma_wait3A_373 = tpu.memref_squeeze %dma_wait3A_372 : memref<1x80xi32, #tpu.memory_space<vmem>> -> memref<80xi32, #tpu.memory_space<vmem>>
        %dma_wait3A_374 = arith.constant 0 : i32
        %dma_wait3A_375 = arith.constant 0 : i32
        %dma_wait3A_376 = tpu.memref_slice %arg15[%dma_wait3A_374, %dma_wait3A_375] : memref<10240x64xf32, #tpu.memory_space<vmem_shared>> -> memref<10240x64xf32, #tpu.memory_space<vmem_shared>>
        tpu.wait_indirect_dma semaphore(%arg21 : memref<!tpu.dma_semaphore, #tpu.memory_space<semaphore_mem>>) src(%arg10 : memref<80x64xf32, #tpu.memory_space<vmem>>) dst(%dma_wait3A_376 : memref<10240x64xf32, #tpu.memory_space<vmem_shared>>)
        %add3A_377 = arith.constant 3 : i32
        %add3A_378 = arith.addi %add3A_369, %add3A_377 : i32
        %dma_start3A_379 = arith.constant 0 : i32
        %dma_start3A_380 = tpu.memref_slice %arg8[%add3A_378, %dma_start3A_379] : memref<250x80xi32, #tpu.memory_space<vmem>> -> memref<1x80xi32, #tpu.memory_space<vmem>>
        %dma_start3A_381 = tpu.memref_squeeze %dma_start3A_380 : memref<1x80xi32, #tpu.memory_space<vmem>> -> memref<80xi32, #tpu.memory_space<vmem>>
        %dma_start3A_382 = arith.constant 0 : i32
        %dma_start3A_383 = arith.constant 0 : i32
        %dma_start3A_384 = tpu.memref_slice %arg3[%dma_start3A_382, %dma_start3A_383] : memref<10000x64xf32, #tpu.memory_space<hbm>> -> memref<10000x64xf32, #tpu.memory_space<hbm>>
        tpu.enqueue_indirect_dma source(%dma_start3A_384 : memref<10000x64xf32, #tpu.memory_space<hbm>>) target(%arg10 : memref<80x64xf32, #tpu.memory_space<vmem>>) offsets(%dma_start3A_381 : memref<80xi32, #tpu.memory_space<vmem>>) semaphore(%arg16 : memref<!tpu.dma_semaphore, #tpu.memory_space<semaphore_mem>>)
        %dma_wait3A_385 = arith.constant 0 : i32
        %dma_wait3A_386 = arith.constant 0 : i32
        %dma_wait3A_387 = tpu.memref_slice %arg8[%dma_wait3A_385, %dma_wait3A_386] : memref<250x80xi32, #tpu.memory_space<vmem>> -> memref<1x80xi32, #tpu.memory_space<vmem>>
        %dma_wait3A_388 = tpu.memref_squeeze %dma_wait3A_387 : memref<1x80xi32, #tpu.memory_space<vmem>> -> memref<80xi32, #tpu.memory_space<vmem>>
        %dma_wait3A_389 = arith.constant 0 : i32
        %dma_wait3A_390 = arith.constant 0 : i32
        %dma_wait3A_391 = tpu.memref_slice %arg3[%dma_wait3A_389, %dma_wait3A_390] : memref<10000x64xf32, #tpu.memory_space<hbm>> -> memref<10000x64xf32, #tpu.memory_space<hbm>>
        tpu.wait_indirect_dma semaphore(%arg18 : memref<!tpu.dma_semaphore, #tpu.memory_space<semaphore_mem>>) src(%dma_wait3A_391 : memref<10000x64xf32, #tpu.memory_space<hbm>>) dst(%arg12 : memref<80x64xf32, #tpu.memory_space<vmem>>)
        %dma_start3A_392 = arith.constant 0 : i32
        %dma_start3A_393 = tpu.memref_slice %arg9[%add3A_369, %dma_start3A_392] : memref<250x80xi32, #tpu.memory_space<vmem>> -> memref<1x80xi32, #tpu.memory_space<vmem>>
        %dma_start3A_394 = tpu.memref_squeeze %dma_start3A_393 : memref<1x80xi32, #tpu.memory_space<vmem>> -> memref<80xi32, #tpu.memory_space<vmem>>
        %dma_start3A_395 = arith.constant 0 : i32
        %dma_start3A_396 = arith.constant 0 : i32
        %dma_start3A_397 = tpu.memref_slice %arg15[%dma_start3A_395, %dma_start3A_396] : memref<10240x64xf32, #tpu.memory_space<vmem_shared>> -> memref<10240x64xf32, #tpu.memory_space<vmem_shared>>
        tpu.enqueue_indirect_dma source(%arg12 : memref<80x64xf32, #tpu.memory_space<vmem>>) target(%dma_start3A_397 : memref<10240x64xf32, #tpu.memory_space<vmem_shared>>) offsets(%dma_start3A_394 : memref<80xi32, #tpu.memory_space<vmem>>) semaphore(%arg23 : memref<!tpu.dma_semaphore, #tpu.memory_space<semaphore_mem>>) {add = true}
        %mul3A_398 = arith.constant 5 : i32
        %mul3A_399 = arith.muli %scan3A_301, %mul3A_398 : i32
        %add3A_400 = arith.constant 3 : i32
        %add3A_401 = arith.addi %mul3A_399, %add3A_400 : i32
        %dma_wait3A_402 = arith.constant 0 : i32
        %dma_wait3A_403 = arith.constant 0 : i32
        %dma_wait3A_404 = tpu.memref_slice %arg9[%dma_wait3A_402, %dma_wait3A_403] : memref<250x80xi32, #tpu.memory_space<vmem>> -> memref<1x80xi32, #tpu.memory_space<vmem>>
        %dma_wait3A_405 = tpu.memref_squeeze %dma_wait3A_404 : memref<1x80xi32, #tpu.memory_space<vmem>> -> memref<80xi32, #tpu.memory_space<vmem>>
        %dma_wait3A_406 = arith.constant 0 : i32
        %dma_wait3A_407 = arith.constant 0 : i32
        %dma_wait3A_408 = tpu.memref_slice %arg15[%dma_wait3A_406, %dma_wait3A_407] : memref<10240x64xf32, #tpu.memory_space<vmem_shared>> -> memref<10240x64xf32, #tpu.memory_space<vmem_shared>>
        tpu.wait_indirect_dma semaphore(%arg22 : memref<!tpu.dma_semaphore, #tpu.memory_space<semaphore_mem>>) src(%arg11 : memref<80x64xf32, #tpu.memory_space<vmem>>) dst(%dma_wait3A_408 : memref<10240x64xf32, #tpu.memory_space<vmem_shared>>)
        %add3A_409 = arith.constant 3 : i32
        %add3A_410 = arith.addi %add3A_401, %add3A_409 : i32
        %dma_start3A_411 = arith.constant 0 : i32
        %dma_start3A_412 = tpu.memref_slice %arg8[%add3A_410, %dma_start3A_411] : memref<250x80xi32, #tpu.memory_space<vmem>> -> memref<1x80xi32, #tpu.memory_space<vmem>>
        %dma_start3A_413 = tpu.memref_squeeze %dma_start3A_412 : memref<1x80xi32, #tpu.memory_space<vmem>> -> memref<80xi32, #tpu.memory_space<vmem>>
        %dma_start3A_414 = arith.constant 0 : i32
        %dma_start3A_415 = arith.constant 0 : i32
        %dma_start3A_416 = tpu.memref_slice %arg3[%dma_start3A_414, %dma_start3A_415] : memref<10000x64xf32, #tpu.memory_space<hbm>> -> memref<10000x64xf32, #tpu.memory_space<hbm>>
        tpu.enqueue_indirect_dma source(%dma_start3A_416 : memref<10000x64xf32, #tpu.memory_space<hbm>>) target(%arg11 : memref<80x64xf32, #tpu.memory_space<vmem>>) offsets(%dma_start3A_413 : memref<80xi32, #tpu.memory_space<vmem>>) semaphore(%arg17 : memref<!tpu.dma_semaphore, #tpu.memory_space<semaphore_mem>>)
        %dma_wait3A_417 = arith.constant 0 : i32
        %dma_wait3A_418 = arith.constant 0 : i32
        %dma_wait3A_419 = tpu.memref_slice %arg8[%dma_wait3A_417, %dma_wait3A_418] : memref<250x80xi32, #tpu.memory_space<vmem>> -> memref<1x80xi32, #tpu.memory_space<vmem>>
        %dma_wait3A_420 = tpu.memref_squeeze %dma_wait3A_419 : memref<1x80xi32, #tpu.memory_space<vmem>> -> memref<80xi32, #tpu.memory_space<vmem>>
        %dma_wait3A_421 = arith.constant 0 : i32
        %dma_wait3A_422 = arith.constant 0 : i32
        %dma_wait3A_423 = tpu.memref_slice %arg3[%dma_wait3A_421, %dma_wait3A_422] : memref<10000x64xf32, #tpu.memory_space<hbm>> -> memref<10000x64xf32, #tpu.memory_space<hbm>>
        tpu.wait_indirect_dma semaphore(%arg19 : memref<!tpu.dma_semaphore, #tpu.memory_space<semaphore_mem>>) src(%dma_wait3A_423 : memref<10000x64xf32, #tpu.memory_space<hbm>>) dst(%arg13 : memref<80x64xf32, #tpu.memory_space<vmem>>)
        %dma_start3A_424 = arith.constant 0 : i32
        %dma_start3A_425 = tpu.memref_slice %arg9[%add3A_401, %dma_start3A_424] : memref<250x80xi32, #tpu.memory_space<vmem>> -> memref<1x80xi32, #tpu.memory_space<vmem>>
        %dma_start3A_426 = tpu.memref_squeeze %dma_start3A_425 : memref<1x80xi32, #tpu.memory_space<vmem>> -> memref<80xi32, #tpu.memory_space<vmem>>
        %dma_start3A_427 = arith.constant 0 : i32
        %dma_start3A_428 = arith.constant 0 : i32
        %dma_start3A_429 = tpu.memref_slice %arg15[%dma_start3A_427, %dma_start3A_428] : memref<10240x64xf32, #tpu.memory_space<vmem_shared>> -> memref<10240x64xf32, #tpu.memory_space<vmem_shared>>
        tpu.enqueue_indirect_dma source(%arg13 : memref<80x64xf32, #tpu.memory_space<vmem>>) target(%dma_start3A_429 : memref<10240x64xf32, #tpu.memory_space<vmem_shared>>) offsets(%dma_start3A_426 : memref<80xi32, #tpu.memory_space<vmem>>) semaphore(%arg24 : memref<!tpu.dma_semaphore, #tpu.memory_space<semaphore_mem>>) {add = true}
        %mul3A_430 = arith.constant 5 : i32
        %mul3A_431 = arith.muli %scan3A_301, %mul3A_430 : i32
        %add3A_432 = arith.constant 4 : i32
        %add3A_433 = arith.addi %mul3A_431, %add3A_432 : i32
        %dma_wait3A_434 = arith.constant 0 : i32
        %dma_wait3A_435 = arith.constant 0 : i32
        %dma_wait3A_436 = tpu.memref_slice %arg9[%dma_wait3A_434, %dma_wait3A_435] : memref<250x80xi32, #tpu.memory_space<vmem>> -> memref<1x80xi32, #tpu.memory_space<vmem>>
        %dma_wait3A_437 = tpu.memref_squeeze %dma_wait3A_436 : memref<1x80xi32, #tpu.memory_space<vmem>> -> memref<80xi32, #tpu.memory_space<vmem>>
        %dma_wait3A_438 = arith.constant 0 : i32
        %dma_wait3A_439 = arith.constant 0 : i32
        %dma_wait3A_440 = tpu.memref_slice %arg15[%dma_wait3A_438, %dma_wait3A_439] : memref<10240x64xf32, #tpu.memory_space<vmem_shared>> -> memref<10240x64xf32, #tpu.memory_space<vmem_shared>>
        tpu.wait_indirect_dma semaphore(%arg23 : memref<!tpu.dma_semaphore, #tpu.memory_space<semaphore_mem>>) src(%arg12 : memref<80x64xf32, #tpu.memory_space<vmem>>) dst(%dma_wait3A_440 : memref<10240x64xf32, #tpu.memory_space<vmem_shared>>)
        %add3A_441 = arith.constant 3 : i32
        %add3A_442 = arith.addi %add3A_433, %add3A_441 : i32
        %dma_start3A_443 = arith.constant 0 : i32
        %dma_start3A_444 = tpu.memref_slice %arg8[%add3A_442, %dma_start3A_443] : memref<250x80xi32, #tpu.memory_space<vmem>> -> memref<1x80xi32, #tpu.memory_space<vmem>>
        %dma_start3A_445 = tpu.memref_squeeze %dma_start3A_444 : memref<1x80xi32, #tpu.memory_space<vmem>> -> memref<80xi32, #tpu.memory_space<vmem>>
        %dma_start3A_446 = arith.constant 0 : i32
        %dma_start3A_447 = arith.constant 0 : i32
        %dma_start3A_448 = tpu.memref_slice %arg3[%dma_start3A_446, %dma_start3A_447] : memref<10000x64xf32, #tpu.memory_space<hbm>> -> memref<10000x64xf32, #tpu.memory_space<hbm>>
        tpu.enqueue_indirect_dma source(%dma_start3A_448 : memref<10000x64xf32, #tpu.memory_space<hbm>>) target(%arg12 : memref<80x64xf32, #tpu.memory_space<vmem>>) offsets(%dma_start3A_445 : memref<80xi32, #tpu.memory_space<vmem>>) semaphore(%arg18 : memref<!tpu.dma_semaphore, #tpu.memory_space<semaphore_mem>>)
        %dma_wait3A_449 = arith.constant 0 : i32
        %dma_wait3A_450 = arith.constant 0 : i32
        %dma_wait3A_451 = tpu.memref_slice %arg8[%dma_wait3A_449, %dma_wait3A_450] : memref<250x80xi32, #tpu.memory_space<vmem>> -> memref<1x80xi32, #tpu.memory_space<vmem>>
        %dma_wait3A_452 = tpu.memref_squeeze %dma_wait3A_451 : memref<1x80xi32, #tpu.memory_space<vmem>> -> memref<80xi32, #tpu.memory_space<vmem>>
        %dma_wait3A_453 = arith.constant 0 : i32
        %dma_wait3A_454 = arith.constant 0 : i32
        %dma_wait3A_455 = tpu.memref_slice %arg3[%dma_wait3A_453, %dma_wait3A_454] : memref<10000x64xf32, #tpu.memory_space<hbm>> -> memref<10000x64xf32, #tpu.memory_space<hbm>>
        tpu.wait_indirect_dma semaphore(%arg20 : memref<!tpu.dma_semaphore, #tpu.memory_space<semaphore_mem>>) src(%dma_wait3A_455 : memref<10000x64xf32, #tpu.memory_space<hbm>>) dst(%arg14 : memref<80x64xf32, #tpu.memory_space<vmem>>)
        %dma_start3A_456 = arith.constant 0 : i32
        %dma_start3A_457 = tpu.memref_slice %arg9[%add3A_433, %dma_start3A_456] : memref<250x80xi32, #tpu.memory_space<vmem>> -> memref<1x80xi32, #tpu.memory_space<vmem>>
        %dma_start3A_458 = tpu.memref_squeeze %dma_start3A_457 : memref<1x80xi32, #tpu.memory_space<vmem>> -> memref<80xi32, #tpu.memory_space<vmem>>
        %dma_start3A_459 = arith.constant 0 : i32
        %dma_start3A_460 = arith.constant 0 : i32
        %dma_start3A_461 = tpu.memref_slice %arg15[%dma_start3A_459, %dma_start3A_460] : memref<10240x64xf32, #tpu.memory_space<vmem_shared>> -> memref<10240x64xf32, #tpu.memory_space<vmem_shared>>
        tpu.enqueue_indirect_dma source(%arg14 : memref<80x64xf32, #tpu.memory_space<vmem>>) target(%dma_start3A_461 : memref<10240x64xf32, #tpu.memory_space<vmem_shared>>) offsets(%dma_start3A_458 : memref<80xi32, #tpu.memory_space<vmem>>) semaphore(%arg25 : memref<!tpu.dma_semaphore, #tpu.memory_space<semaphore_mem>>) {add = true}
        %scan3A_462 = arith.constant 0 : i32
        scf.yield %scan3A_462 : i32
      }
      %scan3A_167 = arith.constant 48 : i32
      %dma_wait3A_168 = arith.constant 0 : i32
      %dma_wait3A_169 = arith.constant 0 : i32
      %dma_wait3A_170 = tpu.memref_slice %arg9[%dma_wait3A_168, %dma_wait3A_169] : memref<250x80xi32, #tpu.memory_space<vmem>> -> memref<1x80xi32, #tpu.memory_space<vmem>>
      %dma_wait3A_171 = tpu.memref_squeeze %dma_wait3A_170 : memref<1x80xi32, #tpu.memory_space<vmem>> -> memref<80xi32, #tpu.memory_space<vmem>>
      %dma_wait3A_172 = arith.constant 0 : i32
      %dma_wait3A_173 = arith.constant 0 : i32
      %dma_wait3A_174 = tpu.memref_slice %arg15[%dma_wait3A_172, %dma_wait3A_173] : memref<10240x64xf32, #tpu.memory_space<vmem_shared>> -> memref<10240x64xf32, #tpu.memory_space<vmem_shared>>
      tpu.wait_indirect_dma semaphore(%arg24 : memref<!tpu.dma_semaphore, #tpu.memory_space<semaphore_mem>>) src(%arg13 : memref<80x64xf32, #tpu.memory_space<vmem>>) dst(%dma_wait3A_174 : memref<10240x64xf32, #tpu.memory_space<vmem_shared>>)
      %dma_start3A_175 = arith.constant 248 : i32
      %dma_start3A_176 = arith.constant 0 : i32
      %dma_start3A_177 = tpu.memref_slice %arg8[%dma_start3A_175, %dma_start3A_176] : memref<250x80xi32, #tpu.memory_space<vmem>> -> memref<1x80xi32, #tpu.memory_space<vmem>>
      %dma_start3A_178 = tpu.memref_squeeze %dma_start3A_177 : memref<1x80xi32, #tpu.memory_space<vmem>> -> memref<80xi32, #tpu.memory_space<vmem>>
      %dma_start3A_179 = arith.constant 0 : i32
      %dma_start3A_180 = arith.constant 0 : i32
      %dma_start3A_181 = tpu.memref_slice %arg3[%dma_start3A_179, %dma_start3A_180] : memref<10000x64xf32, #tpu.memory_space<hbm>> -> memref<10000x64xf32, #tpu.memory_space<hbm>>
      tpu.enqueue_indirect_dma source(%dma_start3A_181 : memref<10000x64xf32, #tpu.memory_space<hbm>>) target(%arg13 : memref<80x64xf32, #tpu.memory_space<vmem>>) offsets(%dma_start3A_178 : memref<80xi32, #tpu.memory_space<vmem>>) semaphore(%arg19 : memref<!tpu.dma_semaphore, #tpu.memory_space<semaphore_mem>>)
      %dma_wait3A_182 = arith.constant 0 : i32
      %dma_wait3A_183 = arith.constant 0 : i32
      %dma_wait3A_184 = tpu.memref_slice %arg8[%dma_wait3A_182, %dma_wait3A_183] : memref<250x80xi32, #tpu.memory_space<vmem>> -> memref<1x80xi32, #tpu.memory_space<vmem>>
      %dma_wait3A_185 = tpu.memref_squeeze %dma_wait3A_184 : memref<1x80xi32, #tpu.memory_space<vmem>> -> memref<80xi32, #tpu.memory_space<vmem>>
      %dma_wait3A_186 = arith.constant 0 : i32
      %dma_wait3A_187 = arith.constant 0 : i32
      %dma_wait3A_188 = tpu.memref_slice %arg3[%dma_wait3A_186, %dma_wait3A_187] : memref<10000x64xf32, #tpu.memory_space<hbm>> -> memref<10000x64xf32, #tpu.memory_space<hbm>>
      tpu.wait_indirect_dma semaphore(%arg16 : memref<!tpu.dma_semaphore, #tpu.memory_space<semaphore_mem>>) src(%dma_wait3A_188 : memref<10000x64xf32, #tpu.memory_space<hbm>>) dst(%arg10 : memref<80x64xf32, #tpu.memory_space<vmem>>)
      %dma_start3A_189 = arith.constant 245 : i32
      %dma_start3A_190 = arith.constant 0 : i32
      %dma_start3A_191 = tpu.memref_slice %arg9[%dma_start3A_189, %dma_start3A_190] : memref<250x80xi32, #tpu.memory_space<vmem>> -> memref<1x80xi32, #tpu.memory_space<vmem>>
      %dma_start3A_192 = tpu.memref_squeeze %dma_start3A_191 : memref<1x80xi32, #tpu.memory_space<vmem>> -> memref<80xi32, #tpu.memory_space<vmem>>
      %dma_start3A_193 = arith.constant 0 : i32
      %dma_start3A_194 = arith.constant 0 : i32
      %dma_start3A_195 = tpu.memref_slice %arg15[%dma_start3A_193, %dma_start3A_194] : memref<10240x64xf32, #tpu.memory_space<vmem_shared>> -> memref<10240x64xf32, #tpu.memory_space<vmem_shared>>
      tpu.enqueue_indirect_dma source(%arg10 : memref<80x64xf32, #tpu.memory_space<vmem>>) target(%dma_start3A_195 : memref<10240x64xf32, #tpu.memory_space<vmem_shared>>) offsets(%dma_start3A_192 : memref<80xi32, #tpu.memory_space<vmem>>) semaphore(%arg21 : memref<!tpu.dma_semaphore, #tpu.memory_space<semaphore_mem>>) {add = true}
      %dma_wait3A_196 = arith.constant 0 : i32
      %dma_wait3A_197 = arith.constant 0 : i32
      %dma_wait3A_198 = tpu.memref_slice %arg9[%dma_wait3A_196, %dma_wait3A_197] : memref<250x80xi32, #tpu.memory_space<vmem>> -> memref<1x80xi32, #tpu.memory_space<vmem>>
      %dma_wait3A_199 = tpu.memref_squeeze %dma_wait3A_198 : memref<1x80xi32, #tpu.memory_space<vmem>> -> memref<80xi32, #tpu.memory_space<vmem>>
      %dma_wait3A_200 = arith.constant 0 : i32
      %dma_wait3A_201 = arith.constant 0 : i32
      %dma_wait3A_202 = tpu.memref_slice %arg15[%dma_wait3A_200, %dma_wait3A_201] : memref<10240x64xf32, #tpu.memory_space<vmem_shared>> -> memref<10240x64xf32, #tpu.memory_space<vmem_shared>>
      tpu.wait_indirect_dma semaphore(%arg25 : memref<!tpu.dma_semaphore, #tpu.memory_space<semaphore_mem>>) src(%arg14 : memref<80x64xf32, #tpu.memory_space<vmem>>) dst(%dma_wait3A_202 : memref<10240x64xf32, #tpu.memory_space<vmem_shared>>)
      %dma_start3A_203 = arith.constant 249 : i32
      %dma_start3A_204 = arith.constant 0 : i32
      %dma_start3A_205 = tpu.memref_slice %arg8[%dma_start3A_203, %dma_start3A_204] : memref<250x80xi32, #tpu.memory_space<vmem>> -> memref<1x80xi32, #tpu.memory_space<vmem>>
      %dma_start3A_206 = tpu.memref_squeeze %dma_start3A_205 : memref<1x80xi32, #tpu.memory_space<vmem>> -> memref<80xi32, #tpu.memory_space<vmem>>
      %dma_start3A_207 = arith.constant 0 : i32
      %dma_start3A_208 = arith.constant 0 : i32
      %dma_start3A_209 = tpu.memref_slice %arg3[%dma_start3A_207, %dma_start3A_208] : memref<10000x64xf32, #tpu.memory_space<hbm>> -> memref<10000x64xf32, #tpu.memory_space<hbm>>
      tpu.enqueue_indirect_dma source(%dma_start3A_209 : memref<10000x64xf32, #tpu.memory_space<hbm>>) target(%arg14 : memref<80x64xf32, #tpu.memory_space<vmem>>) offsets(%dma_start3A_206 : memref<80xi32, #tpu.memory_space<vmem>>) semaphore(%arg20 : memref<!tpu.dma_semaphore, #tpu.memory_space<semaphore_mem>>)
      %dma_wait3A_210 = arith.constant 0 : i32
      %dma_wait3A_211 = arith.constant 0 : i32
      %dma_wait3A_212 = tpu.memref_slice %arg8[%dma_wait3A_210, %dma_wait3A_211] : memref<250x80xi32, #tpu.memory_space<vmem>> -> memref<1x80xi32, #tpu.memory_space<vmem>>
      %dma_wait3A_213 = tpu.memref_squeeze %dma_wait3A_212 : memref<1x80xi32, #tpu.memory_space<vmem>> -> memref<80xi32, #tpu.memory_space<vmem>>
      %dma_wait3A_214 = arith.constant 0 : i32
      %dma_wait3A_215 = arith.constant 0 : i32
      %dma_wait3A_216 = tpu.memref_slice %arg3[%dma_wait3A_214, %dma_wait3A_215] : memref<10000x64xf32, #tpu.memory_space<hbm>> -> memref<10000x64xf32, #tpu.memory_space<hbm>>
      tpu.wait_indirect_dma semaphore(%arg17 : memref<!tpu.dma_semaphore, #tpu.memory_space<semaphore_mem>>) src(%dma_wait3A_216 : memref<10000x64xf32, #tpu.memory_space<hbm>>) dst(%arg11 : memref<80x64xf32, #tpu.memory_space<vmem>>)
      %dma_start3A_217 = arith.constant 246 : i32
      %dma_start3A_218 = arith.constant 0 : i32
      %dma_start3A_219 = tpu.memref_slice %arg9[%dma_start3A_217, %dma_start3A_218] : memref<250x80xi32, #tpu.memory_space<vmem>> -> memref<1x80xi32, #tpu.memory_space<vmem>>
      %dma_start3A_220 = tpu.memref_squeeze %dma_start3A_219 : memref<1x80xi32, #tpu.memory_space<vmem>> -> memref<80xi32, #tpu.memory_space<vmem>>
      %dma_start3A_221 = arith.constant 0 : i32
      %dma_start3A_222 = arith.constant 0 : i32
      %dma_start3A_223 = tpu.memref_slice %arg15[%dma_start3A_221, %dma_start3A_222] : memref<10240x64xf32, #tpu.memory_space<vmem_shared>> -> memref<10240x64xf32, #tpu.memory_space<vmem_shared>>
      tpu.enqueue_indirect_dma source(%arg11 : memref<80x64xf32, #tpu.memory_space<vmem>>) target(%dma_start3A_223 : memref<10240x64xf32, #tpu.memory_space<vmem_shared>>) offsets(%dma_start3A_220 : memref<80xi32, #tpu.memory_space<vmem>>) semaphore(%arg22 : memref<!tpu.dma_semaphore, #tpu.memory_space<semaphore_mem>>) {add = true}
      %dma_wait3A_224 = arith.constant 0 : i32
      %dma_wait3A_225 = arith.constant 0 : i32
      %dma_wait3A_226 = tpu.memref_slice %arg8[%dma_wait3A_224, %dma_wait3A_225] : memref<250x80xi32, #tpu.memory_space<vmem>> -> memref<1x80xi32, #tpu.memory_space<vmem>>
      %dma_wait3A_227 = tpu.memref_squeeze %dma_wait3A_226 : memref<1x80xi32, #tpu.memory_space<vmem>> -> memref<80xi32, #tpu.memory_space<vmem>>
      %dma_wait3A_228 = arith.constant 0 : i32
      %dma_wait3A_229 = arith.constant 0 : i32
      %dma_wait3A_230 = tpu.memref_slice %arg3[%dma_wait3A_228, %dma_wait3A_229] : memref<10000x64xf32, #tpu.memory_space<hbm>> -> memref<10000x64xf32, #tpu.memory_space<hbm>>
      tpu.wait_indirect_dma semaphore(%arg18 : memref<!tpu.dma_semaphore, #tpu.memory_space<semaphore_mem>>) src(%dma_wait3A_230 : memref<10000x64xf32, #tpu.memory_space<hbm>>) dst(%arg12 : memref<80x64xf32, #tpu.memory_space<vmem>>)
      %dma_start3A_231 = arith.constant 247 : i32
      %dma_start3A_232 = arith.constant 0 : i32
      %dma_start3A_233 = tpu.memref_slice %arg9[%dma_start3A_231, %dma_start3A_232] : memref<250x80xi32, #tpu.memory_space<vmem>> -> memref<1x80xi32, #tpu.memory_space<vmem>>
      %dma_start3A_234 = tpu.memref_squeeze %dma_start3A_233 : memref<1x80xi32, #tpu.memory_space<vmem>> -> memref<80xi32, #tpu.memory_space<vmem>>
      %dma_start3A_235 = arith.constant 0 : i32
      %dma_start3A_236 = arith.constant 0 : i32
      %dma_start3A_237 = tpu.memref_slice %arg15[%dma_start3A_235, %dma_start3A_236] : memref<10240x64xf32, #tpu.memory_space<vmem_shared>> -> memref<10240x64xf32, #tpu.memory_space<vmem_shared>>
      tpu.enqueue_indirect_dma source(%arg12 : memref<80x64xf32, #tpu.memory_space<vmem>>) target(%dma_start3A_237 : memref<10240x64xf32, #tpu.memory_space<vmem_shared>>) offsets(%dma_start3A_234 : memref<80xi32, #tpu.memory_space<vmem>>) semaphore(%arg23 : memref<!tpu.dma_semaphore, #tpu.memory_space<semaphore_mem>>) {add = true}
      %dma_wait3A_238 = arith.constant 0 : i32
      %dma_wait3A_239 = arith.constant 0 : i32
      %dma_wait3A_240 = tpu.memref_slice %arg8[%dma_wait3A_238, %dma_wait3A_239] : memref<250x80xi32, #tpu.memory_space<vmem>> -> memref<1x80xi32, #tpu.memory_space<vmem>>
      %dma_wait3A_241 = tpu.memref_squeeze %dma_wait3A_240 : memref<1x80xi32, #tpu.memory_space<vmem>> -> memref<80xi32, #tpu.memory_space<vmem>>
      %dma_wait3A_242 = arith.constant 0 : i32
      %dma_wait3A_243 = arith.constant 0 : i32
      %dma_wait3A_244 = tpu.memref_slice %arg3[%dma_wait3A_242, %dma_wait3A_243] : memref<10000x64xf32, #tpu.memory_space<hbm>> -> memref<10000x64xf32, #tpu.memory_space<hbm>>
      tpu.wait_indirect_dma semaphore(%arg19 : memref<!tpu.dma_semaphore, #tpu.memory_space<semaphore_mem>>) src(%dma_wait3A_244 : memref<10000x64xf32, #tpu.memory_space<hbm>>) dst(%arg13 : memref<80x64xf32, #tpu.memory_space<vmem>>)
      %dma_start3A_245 = arith.constant 248 : i32
      %dma_start3A_246 = arith.constant 0 : i32
      %dma_start3A_247 = tpu.memref_slice %arg9[%dma_start3A_245, %dma_start3A_246] : memref<250x80xi32, #tpu.memory_space<vmem>> -> memref<1x80xi32, #tpu.memory_space<vmem>>
      %dma_start3A_248 = tpu.memref_squeeze %dma_start3A_247 : memref<1x80xi32, #tpu.memory_space<vmem>> -> memref<80xi32, #tpu.memory_space<vmem>>
      %dma_start3A_249 = arith.constant 0 : i32
      %dma_start3A_250 = arith.constant 0 : i32
      %dma_start3A_251 = tpu.memref_slice %arg15[%dma_start3A_249, %dma_start3A_250] : memref<10240x64xf32, #tpu.memory_space<vmem_shared>> -> memref<10240x64xf32, #tpu.memory_space<vmem_shared>>
      tpu.enqueue_indirect_dma source(%arg13 : memref<80x64xf32, #tpu.memory_space<vmem>>) target(%dma_start3A_251 : memref<10240x64xf32, #tpu.memory_space<vmem_shared>>) offsets(%dma_start3A_248 : memref<80xi32, #tpu.memory_space<vmem>>) semaphore(%arg24 : memref<!tpu.dma_semaphore, #tpu.memory_space<semaphore_mem>>) {add = true}
      %dma_wait3A_252 = arith.constant 0 : i32
      %dma_wait3A_253 = arith.constant 0 : i32
      %dma_wait3A_254 = tpu.memref_slice %arg8[%dma_wait3A_252, %dma_wait3A_253] : memref<250x80xi32, #tpu.memory_space<vmem>> -> memref<1x80xi32, #tpu.memory_space<vmem>>
      %dma_wait3A_255 = tpu.memref_squeeze %dma_wait3A_254 : memref<1x80xi32, #tpu.memory_space<vmem>> -> memref<80xi32, #tpu.memory_space<vmem>>
      %dma_wait3A_256 = arith.constant 0 : i32
      %dma_wait3A_257 = arith.constant 0 : i32
      %dma_wait3A_258 = tpu.memref_slice %arg3[%dma_wait3A_256, %dma_wait3A_257] : memref<10000x64xf32, #tpu.memory_space<hbm>> -> memref<10000x64xf32, #tpu.memory_space<hbm>>
      tpu.wait_indirect_dma semaphore(%arg20 : memref<!tpu.dma_semaphore, #tpu.memory_space<semaphore_mem>>) src(%dma_wait3A_258 : memref<10000x64xf32, #tpu.memory_space<hbm>>) dst(%arg14 : memref<80x64xf32, #tpu.memory_space<vmem>>)
      %dma_start3A_259 = arith.constant 249 : i32
      %dma_start3A_260 = arith.constant 0 : i32
      %dma_start3A_261 = tpu.memref_slice %arg9[%dma_start3A_259, %dma_start3A_260] : memref<250x80xi32, #tpu.memory_space<vmem>> -> memref<1x80xi32, #tpu.memory_space<vmem>>
      %dma_start3A_262 = tpu.memref_squeeze %dma_start3A_261 : memref<1x80xi32, #tpu.memory_space<vmem>> -> memref<80xi32, #tpu.memory_space<vmem>>
      %dma_start3A_263 = arith.constant 0 : i32
      %dma_start3A_264 = arith.constant 0 : i32
      %dma_start3A_265 = tpu.memref_slice %arg15[%dma_start3A_263, %dma_start3A_264] : memref<10240x64xf32, #tpu.memory_space<vmem_shared>> -> memref<10240x64xf32, #tpu.memory_space<vmem_shared>>
      tpu.enqueue_indirect_dma source(%arg14 : memref<80x64xf32, #tpu.memory_space<vmem>>) target(%dma_start3A_265 : memref<10240x64xf32, #tpu.memory_space<vmem_shared>>) offsets(%dma_start3A_262 : memref<80xi32, #tpu.memory_space<vmem>>) semaphore(%arg25 : memref<!tpu.dma_semaphore, #tpu.memory_space<semaphore_mem>>) {add = true}
      %dma_wait3A_266 = arith.constant 0 : i32
      %dma_wait3A_267 = arith.constant 0 : i32
      %dma_wait3A_268 = tpu.memref_slice %arg9[%dma_wait3A_266, %dma_wait3A_267] : memref<250x80xi32, #tpu.memory_space<vmem>> -> memref<1x80xi32, #tpu.memory_space<vmem>>
      %dma_wait3A_269 = tpu.memref_squeeze %dma_wait3A_268 : memref<1x80xi32, #tpu.memory_space<vmem>> -> memref<80xi32, #tpu.memory_space<vmem>>
      %dma_wait3A_270 = arith.constant 0 : i32
      %dma_wait3A_271 = arith.constant 0 : i32
      %dma_wait3A_272 = tpu.memref_slice %arg15[%dma_wait3A_270, %dma_wait3A_271] : memref<10240x64xf32, #tpu.memory_space<vmem_shared>> -> memref<10240x64xf32, #tpu.memory_space<vmem_shared>>
      tpu.wait_indirect_dma semaphore(%arg21 : memref<!tpu.dma_semaphore, #tpu.memory_space<semaphore_mem>>) src(%arg10 : memref<80x64xf32, #tpu.memory_space<vmem>>) dst(%dma_wait3A_272 : memref<10240x64xf32, #tpu.memory_space<vmem_shared>>)
      %dma_wait3A_273 = arith.constant 0 : i32
      %dma_wait3A_274 = arith.constant 0 : i32
      %dma_wait3A_275 = tpu.memref_slice %arg9[%dma_wait3A_273, %dma_wait3A_274] : memref<250x80xi32, #tpu.memory_space<vmem>> -> memref<1x80xi32, #tpu.memory_space<vmem>>
      %dma_wait3A_276 = tpu.memref_squeeze %dma_wait3A_275 : memref<1x80xi32, #tpu.memory_space<vmem>> -> memref<80xi32, #tpu.memory_space<vmem>>
      %dma_wait3A_277 = arith.constant 0 : i32
      %dma_wait3A_278 = arith.constant 0 : i32
      %dma_wait3A_279 = tpu.memref_slice %arg15[%dma_wait3A_277, %dma_wait3A_278] : memref<10240x64xf32, #tpu.memory_space<vmem_shared>> -> memref<10240x64xf32, #tpu.memory_space<vmem_shared>>
      tpu.wait_indirect_dma semaphore(%arg22 : memref<!tpu.dma_semaphore, #tpu.memory_space<semaphore_mem>>) src(%arg11 : memref<80x64xf32, #tpu.memory_space<vmem>>) dst(%dma_wait3A_279 : memref<10240x64xf32, #tpu.memory_space<vmem_shared>>)
      %dma_wait3A_280 = arith.constant 0 : i32
      %dma_wait3A_281 = arith.constant 0 : i32
      %dma_wait3A_282 = tpu.memref_slice %arg9[%dma_wait3A_280, %dma_wait3A_281] : memref<250x80xi32, #tpu.memory_space<vmem>> -> memref<1x80xi32, #tpu.memory_space<vmem>>
      %dma_wait3A_283 = tpu.memref_squeeze %dma_wait3A_282 : memref<1x80xi32, #tpu.memory_space<vmem>> -> memref<80xi32, #tpu.memory_space<vmem>>
      %dma_wait3A_284 = arith.constant 0 : i32
      %dma_wait3A_285 = arith.constant 0 : i32
      %dma_wait3A_286 = tpu.memref_slice %arg15[%dma_wait3A_284, %dma_wait3A_285] : memref<10240x64xf32, #tpu.memory_space<vmem_shared>> -> memref<10240x64xf32, #tpu.memory_space<vmem_shared>>
      tpu.wait_indirect_dma semaphore(%arg23 : memref<!tpu.dma_semaphore, #tpu.memory_space<semaphore_mem>>) src(%arg12 : memref<80x64xf32, #tpu.memory_space<vmem>>) dst(%dma_wait3A_286 : memref<10240x64xf32, #tpu.memory_space<vmem_shared>>)
      %dma_wait3A_287 = arith.constant 0 : i32
      %dma_wait3A_288 = arith.constant 0 : i32
      %dma_wait3A_289 = tpu.memref_slice %arg9[%dma_wait3A_287, %dma_wait3A_288] : memref<250x80xi32, #tpu.memory_space<vmem>> -> memref<1x80xi32, #tpu.memory_space<vmem>>
      %dma_wait3A_290 = tpu.memref_squeeze %dma_wait3A_289 : memref<1x80xi32, #tpu.memory_space<vmem>> -> memref<80xi32, #tpu.memory_space<vmem>>
      %dma_wait3A_291 = arith.constant 0 : i32
      %dma_wait3A_292 = arith.constant 0 : i32
      %dma_wait3A_293 = tpu.memref_slice %arg15[%dma_wait3A_291, %dma_wait3A_292] : memref<10240x64xf32, #tpu.memory_space<vmem_shared>> -> memref<10240x64xf32, #tpu.memory_space<vmem_shared>>
      tpu.wait_indirect_dma semaphore(%arg24 : memref<!tpu.dma_semaphore, #tpu.memory_space<semaphore_mem>>) src(%arg13 : memref<80x64xf32, #tpu.memory_space<vmem>>) dst(%dma_wait3A_293 : memref<10240x64xf32, #tpu.memory_space<vmem_shared>>)
      %dma_wait3A_294 = arith.constant 0 : i32
      %dma_wait3A_295 = arith.constant 0 : i32
      %dma_wait3A_296 = tpu.memref_slice %arg9[%dma_wait3A_294, %dma_wait3A_295] : memref<250x80xi32, #tpu.memory_space<vmem>> -> memref<1x80xi32, #tpu.memory_space<vmem>>
      %dma_wait3A_297 = tpu.memref_squeeze %dma_wait3A_296 : memref<1x80xi32, #tpu.memory_space<vmem>> -> memref<80xi32, #tpu.memory_space<vmem>>
      %dma_wait3A_298 = arith.constant 0 : i32
      %dma_wait3A_299 = arith.constant 0 : i32
      %dma_wait3A_300 = tpu.memref_slice %arg15[%dma_wait3A_298, %dma_wait3A_299] : memref<10240x64xf32, #tpu.memory_space<vmem_shared>> -> memref<10240x64xf32, #tpu.memory_space<vmem_shared>>
      tpu.wait_indirect_dma semaphore(%arg25 : memref<!tpu.dma_semaphore, #tpu.memory_space<semaphore_mem>>) src(%arg14 : memref<80x64xf32, #tpu.memory_space<vmem>>) dst(%dma_wait3A_300 : memref<10240x64xf32, #tpu.memory_space<vmem_shared>>)
    } else {
    }
    %barrier3A_10 = arith.constant 0 : index
    tpu.barrier barrier_id(%barrier3A_10)
    %mul3A_11 = arith.constant 640 : i32
    %mul3A_12 = arith.muli %arg1, %mul3A_11 : i32
    %mul3A_13 = arith.constant 640 : i32
    %mul3A_14 = arith.muli %arg1, %mul3A_13 : i32
    %mul3A_15 = arith.constant 64 : i32
    %mul3A_16 = arith.muli %arg0, %mul3A_15 : i32
    "tpu.region"() ({
      %run_scoped3A = tpu.sem_alloc : memref<!tpu.dma_semaphore, #tpu.memory_space<semaphore_mem>>
      %dma_start3A = tpu.memref_slice %arg7[%mul3A_14, %mul3A_16] : memref<10240x128xf32, #tpu.memory_space<hbm>> -> memref<640x64xf32, #tpu.memory_space<hbm>>
      %dma_start3A_17 = arith.constant 0 : i32
      %dma_start3A_18 = tpu.memref_slice %arg15[%mul3A_12, %dma_start3A_17] : memref<10240x64xf32, #tpu.memory_space<vmem_shared>> -> memref<640x64xf32, #tpu.memory_space<vmem_shared>>
      tpu.enqueue_dma source(%dma_start3A_18 : memref<640x64xf32, #tpu.memory_space<vmem_shared>>) target(%dma_start3A : memref<640x64xf32, #tpu.memory_space<hbm>>) target_semaphore(%run_scoped3A : memref<!tpu.dma_semaphore, #tpu.memory_space<semaphore_mem>>)
      %dma_wait3A = tpu.memref_slice %arg7[%mul3A_14, %mul3A_16] : memref<10240x128xf32, #tpu.memory_space<hbm>> -> memref<640x64xf32, #tpu.memory_space<hbm>>
      %dma_wait3A_19 = arith.constant 0 : i32
      %dma_wait3A_20 = tpu.memref_slice %arg15[%mul3A_12, %dma_wait3A_19] : memref<10240x64xf32, #tpu.memory_space<vmem_shared>> -> memref<640x64xf32, #tpu.memory_space<vmem_shared>>
      tpu.wait_dma2 semaphore(%run_scoped3A : memref<!tpu.dma_semaphore, #tpu.memory_space<semaphore_mem>>) src(%dma_wait3A_20 : memref<640x64xf32, #tpu.memory_space<vmem_shared>>) dst(%dma_wait3A : memref<640x64xf32, #tpu.memory_space<hbm>>)
      tpu.yield
    }) : () -> ()
    return
  }
}

module attributes {stable_mosaic.version = 14 : i64} {
  func.func @_detile_body(%arg0: memref<2x320000xi32, #tpu.memory_space<vmem>>, %arg1: memref<320000xi32, #tpu.memory_space<vmem>>, %arg2: memref<320000xi32, #tpu.memory_space<vmem>>) attributes {dimension_semantics = [], scalar_prefetch = 0 : i64, scratch_operands = 0 : i64, tpu.core_type = #tpu.core_type<tc>} {
    %get3A = arith.constant 0 : index
    %get3A_0 = arith.constant 0 : index
    %get3A_1 = vector.load %arg0[%get3A, %get3A_0] : memref<2x320000xi32, #tpu.memory_space<vmem>>, vector<1x320000xi32>
    %get3A_2 = vector.shape_cast %get3A_1 : vector<1x320000xi32> to vector<320000xi32>
    %swap3A = arith.constant 0 : index
    %swap3A_3 = vector.load %arg1[%swap3A] : memref<320000xi32, #tpu.memory_space<vmem>>, vector<320000xi32>
    tpu.vector_store %arg1[%swap3A], %get3A_2 {strides = array<i32>} : memref<320000xi32, #tpu.memory_space<vmem>>, vector<320000xi32>,
    %get3A_4 = arith.constant 1 : index
    %get3A_5 = arith.constant 0 : index
    %get3A_6 = vector.load %arg0[%get3A_4, %get3A_5] : memref<2x320000xi32, #tpu.memory_space<vmem>>, vector<1x320000xi32>
    %get3A_7 = vector.shape_cast %get3A_6 : vector<1x320000xi32> to vector<320000xi32>
    %swap3A_8 = arith.constant 0 : index
    %swap3A_9 = vector.load %arg2[%swap3A_8] : memref<320000xi32, #tpu.memory_space<vmem>>, vector<320000xi32>
    tpu.vector_store %arg2[%swap3A_8], %get3A_7 {strides = array<i32>} : memref<320000xi32, #tpu.memory_space<vmem>>, vector<320000xi32>,
    return
  }
}

module attributes {stable_mosaic.version = 14 : i64} {
  func.func @_mlp_body(%arg0: i32, %arg1: memref<2000x128xf32, #tpu.memory_space<vmem>>, %arg2: memref<128x128xf32, #tpu.memory_space<vmem>>, %arg3: memref<1x128xf32, #tpu.memory_space<vmem>>, %arg4: memref<2000x128xf32, #tpu.memory_space<vmem>>, %arg5: memref<2000x64xf32, #tpu.memory_space<vmem>>, %arg6: memref<2000x64xf32, #tpu.memory_space<vmem>>, %arg7: memref<2000x8xf32, #tpu.memory_space<vmem>>) attributes {dimension_semantics = [#tpu.dimension_semantics<arbitrary>], iteration_bounds = array<i64: 5>, scalar_prefetch = 0 : i64, scratch_operands = 0 : i64, tpu.core_type = #tpu.core_type<tc>, window_params = [{transform_indices = @transform_0, window_bounds = array<i64: 2000, 128>}, {pipeline_mode = #tpu.pipeline_mode<synchronous>, transform_indices = @transform_1, window_bounds = array<i64: 128, 128>}, {pipeline_mode = #tpu.pipeline_mode<synchronous>, transform_indices = @transform_2, window_bounds = array<i64: 1, 128>}, {transform_indices = @transform_3, window_bounds = array<i64: 2000, 128>}, {transform_indices = @transform_4, window_bounds = array<i64: 2000, 64>}, {transform_indices = @transform_5, window_bounds = array<i64: 2000, 64>}, {transform_indices = @transform_6, window_bounds = array<i64: 2000, 8>}]} {
    %get3A = arith.constant 0 : index
    %get3A_0 = arith.constant 0 : index
    %get3A_1 = vector.load %arg4[%get3A, %get3A_0] : memref<2000x128xf32, #tpu.memory_space<vmem>>, vector<2000x1xf32>
    %get3A_2 = arith.constant 0 : index
    %get3A_3 = arith.constant 8 : index
    %get3A_4 = vector.load %arg4[%get3A_2, %get3A_3] : memref<2000x128xf32, #tpu.memory_space<vmem>>, vector<2000x1xf32>
    %add3A = arith.addf %get3A_1, %get3A_4 : vector<2000x1xf32>
    %add3A_5 = arith.constant 1.000000e+00 : f32
    %add3A_6 = vector.broadcast %add3A_5 : f32 to vector<2000x1xf32>
    %add3A_7 = arith.addf %add3A, %add3A_6 : vector<2000x1xf32>
    %rsqrt3A = math.rsqrt %add3A_7 : vector<2000x1xf32>
    %get3A_8 = arith.constant 0 : index
    %get3A_9 = arith.constant 0 : index
    %get3A_10 = vector.load %arg1[%get3A_8, %get3A_9] : memref<2000x128xf32, #tpu.memory_space<vmem>>, vector<2000x128xf32>
    %get3A_11 = arith.constant 0 : index
    %get3A_12 = arith.constant 0 : index
    %get3A_13 = vector.load %arg2[%get3A_11, %get3A_12] : memref<128x128xf32, #tpu.memory_space<vmem>>, vector<128x128xf32>
    %dot_general3A = arith.constant dense<0.000000e+00> : vector<2000x128xf32>
    %dot_general3A_14 = tpu.matmul %get3A_10, %get3A_13, %dot_general3A {dimension_numbers = #tpu.dot_dimension_numbers<[1], [0], [0], [1], [0, 0, 1, 1], [], []>, transpose_lhs_hint = false} : vector<2000x128xf32>, vector<128x128xf32>, vector<2000x128xf32> -> vector<2000x128xf32>
    %get3A_15 = arith.constant 0 : index
    %get3A_16 = arith.constant 0 : index
    %get3A_17 = vector.load %arg3[%get3A_15, %get3A_16] : memref<1x128xf32, #tpu.memory_space<vmem>>, vector<1x128xf32>
    %add3A_18 = vector.broadcast %get3A_17 : vector<1x128xf32> to vector<2000x128xf32>
    %add3A_19 = arith.addf %dot_general3A_14, %add3A_18 : vector<2000x128xf32>
    %max3A = arith.constant 0.000000e+00 : f32
    %max3A_20 = vector.broadcast %max3A : f32 to vector<2000x128xf32>
    %max3A_21 = arith.maximumf %add3A_19, %max3A_20 : vector<2000x128xf32>
    %mul3A = vector.broadcast %rsqrt3A : vector<2000x1xf32> to vector<2000x128xf32>
    %mul3A_22 = arith.mulf %max3A_21, %mul3A : vector<2000x128xf32>
    %slice3A = vector.extract_strided_slice %mul3A_22 {offsets = [0, 0], sizes = [2000, 64], strides = [1, 1]} : vector<2000x128xf32> to vector<2000x64xf32>
    %swap3A = arith.constant 0 : index
    %swap3A_23 = arith.constant 0 : index
    %swap3A_24 = vector.load %arg5[%swap3A, %swap3A_23] : memref<2000x64xf32, #tpu.memory_space<vmem>>, vector<2000x64xf32>
    tpu.vector_store %arg5[%swap3A, %swap3A_23], %slice3A {strides = array<i32>} : memref<2000x64xf32, #tpu.memory_space<vmem>>, vector<2000x64xf32>,
    %slice3A_25 = vector.extract_strided_slice %mul3A_22 {offsets = [0, 64], sizes = [2000, 64], strides = [1, 1]} : vector<2000x128xf32> to vector<2000x64xf32>
    %swap3A_26 = arith.constant 0 : index
    %swap3A_27 = arith.constant 0 : index
    %swap3A_28 = vector.load %arg6[%swap3A_26, %swap3A_27] : memref<2000x64xf32, #tpu.memory_space<vmem>>, vector<2000x64xf32>
    tpu.vector_store %arg6[%swap3A_26, %swap3A_27], %slice3A_25 {strides = array<i32>} : memref<2000x64xf32, #tpu.memory_space<vmem>>, vector<2000x64xf32>,
    %broadcast_in_dim3A = vector.shape_cast %rsqrt3A : vector<2000x1xf32> to vector<2000x1xf32>
    %broadcast_in_dim3A_29 = vector.broadcast %broadcast_in_dim3A : vector<2000x1xf32> to vector<2000x8xf32>
    %swap3A_30 = arith.constant 0 : index
    %swap3A_31 = arith.constant 0 : index
    %swap3A_32 = vector.load %arg7[%swap3A_30, %swap3A_31] : memref<2000x8xf32, #tpu.memory_space<vmem>>, vector<2000x8xf32>
    tpu.vector_store %arg7[%swap3A_30, %swap3A_31], %broadcast_in_dim3A_29 {strides = array<i32>} : memref<2000x8xf32, #tpu.memory_space<vmem>>, vector<2000x8xf32>,
    return
  }
  func.func @transform_0(%arg0: i32) -> (i32, i32) {
    %c0_i32 = arith.constant 0 : i32
    %c0_i32_0 = arith.constant 0 : i32
    return %arg0, %c0_i32 : i32, i32
  }
  func.func @transform_1(%arg0: i32) -> (i32, i32) {
    %c0_i32 = arith.constant 0 : i32
    %c0_i32_0 = arith.constant 0 : i32
    %c0_i32_1 = arith.constant 0 : i32
    return %c0_i32, %c0_i32_0 : i32, i32
  }
  func.func @transform_2(%arg0: i32) -> (i32, i32) {
    %c0_i32 = arith.constant 0 : i32
    %c0_i32_0 = arith.constant 0 : i32
    %c0_i32_1 = arith.constant 0 : i32
    return %c0_i32, %c0_i32_0 : i32, i32
  }
  func.func @transform_3(%arg0: i32) -> (i32, i32) {
    %c0_i32 = arith.constant 0 : i32
    %c0_i32_0 = arith.constant 0 : i32
    return %arg0, %c0_i32 : i32, i32
  }
  func.func @transform_4(%arg0: i32) -> (i32, i32) {
    %c0_i32 = arith.constant 0 : i32
    %c0_i32_0 = arith.constant 0 : i32
    return %arg0, %c0_i32 : i32, i32
  }
  func.func @transform_5(%arg0: i32) -> (i32, i32) {
    %c0_i32 = arith.constant 0 : i32
    %c0_i32_0 = arith.constant 0 : i32
    return %arg0, %c0_i32 : i32, i32
  }
  func.func @transform_6(%arg0: i32) -> (i32, i32) {
    %c0_i32 = arith.constant 0 : i32
    %c0_i32_0 = arith.constant 0 : i32
    return %arg0, %c0_i32 : i32, i32
  }
}

module attributes {stable_mosaic.version = 14 : i64} {
  func.func @_mid_body(%arg0: i32, %arg1: memref<2000x128xf32, #tpu.memory_space<vmem>>, %arg2: memref<2000x64xf32, #tpu.memory_space<vmem>>, %arg3: memref<2000x64xf32, #tpu.memory_space<vmem>>, %arg4: memref<2000x8xf32, #tpu.memory_space<vmem>>, %arg5: memref<128x128xf32, #tpu.memory_space<vmem>>, %arg6: memref<1x128xf32, #tpu.memory_space<vmem>>, %arg7: memref<128x64xf32, #tpu.memory_space<vmem>>, %arg8: memref<2000x64xf32, #tpu.memory_space<vmem>>) attributes {dimension_semantics = [#tpu.dimension_semantics<arbitrary>], iteration_bounds = array<i64: 5>, scalar_prefetch = 0 : i64, scratch_operands = 0 : i64, tpu.core_type = #tpu.core_type<tc>, window_params = [{transform_indices = @transform_0, window_bounds = array<i64: 2000, 128>}, {transform_indices = @transform_1, window_bounds = array<i64: 2000, 64>}, {transform_indices = @transform_2, window_bounds = array<i64: 2000, 64>}, {transform_indices = @transform_3, window_bounds = array<i64: 2000, 8>}, {pipeline_mode = #tpu.pipeline_mode<synchronous>, transform_indices = @transform_4, window_bounds = array<i64: 128, 128>}, {pipeline_mode = #tpu.pipeline_mode<synchronous>, transform_indices = @transform_5, window_bounds = array<i64: 1, 128>}, {pipeline_mode = #tpu.pipeline_mode<synchronous>, transform_indices = @transform_6, window_bounds = array<i64: 128, 64>}, {transform_indices = @transform_7, window_bounds = array<i64: 2000, 64>}]} {
    %get3A = arith.constant 0 : index
    %get3A_0 = arith.constant 0 : index
    %get3A_1 = vector.load %arg4[%get3A, %get3A_0] : memref<2000x8xf32, #tpu.memory_space<vmem>>, vector<2000x1xf32>
    %get3A_2 = arith.constant 0 : index
    %get3A_3 = arith.constant 0 : index
    %get3A_4 = vector.load %arg2[%get3A_2, %get3A_3] : memref<2000x64xf32, #tpu.memory_space<vmem>>, vector<2000x64xf32>
    %get3A_5 = arith.constant 0 : index
    %get3A_6 = arith.constant 0 : index
    %get3A_7 = vector.load %arg3[%get3A_5, %get3A_6] : memref<2000x64xf32, #tpu.memory_space<vmem>>, vector<2000x64xf32>
    %concatenate3A = tpu.concatenate %get3A_4, %get3A_7 in 1 : vector<2000x64xf32>, vector<2000x64xf32> -> vector<2000x128xf32>
    %get3A_8 = arith.constant 0 : index
    %get3A_9 = arith.constant 0 : index
    %get3A_10 = vector.load %arg1[%get3A_8, %get3A_9] : memref<2000x128xf32, #tpu.memory_space<vmem>>, vector<2000x128xf32>
    %add3A = arith.addf %get3A_10, %concatenate3A : vector<2000x128xf32>
    %mul3A = vector.broadcast %get3A_1 : vector<2000x1xf32> to vector<2000x128xf32>
    %mul3A_11 = arith.mulf %add3A, %mul3A : vector<2000x128xf32>
    %get3A_12 = arith.constant 0 : index
    %get3A_13 = arith.constant 0 : index
    %get3A_14 = vector.load %arg5[%get3A_12, %get3A_13] : memref<128x128xf32, #tpu.memory_space<vmem>>, vector<128x128xf32>
    %dot_general3A = arith.constant dense<0.000000e+00> : vector<2000x128xf32>
    %dot_general3A_15 = tpu.matmul %mul3A_11, %get3A_14, %dot_general3A {dimension_numbers = #tpu.dot_dimension_numbers<[1], [0], [0], [1], [0, 0, 1, 1], [], []>, transpose_lhs_hint = false} : vector<2000x128xf32>, vector<128x128xf32>, vector<2000x128xf32> -> vector<2000x128xf32>
    %get3A_16 = arith.constant 0 : index
    %get3A_17 = arith.constant 0 : index
    %get3A_18 = vector.load %arg6[%get3A_16, %get3A_17] : memref<1x128xf32, #tpu.memory_space<vmem>>, vector<1x128xf32>
    %add3A_19 = vector.broadcast %get3A_18 : vector<1x128xf32> to vector<2000x128xf32>
    %add3A_20 = arith.addf %dot_general3A_15, %add3A_19 : vector<2000x128xf32>
    %max3A = arith.constant 0.000000e+00 : f32
    %max3A_21 = vector.broadcast %max3A : f32 to vector<2000x128xf32>
    %max3A_22 = arith.maximumf %add3A_20, %max3A_21 : vector<2000x128xf32>
    %mul3A_23 = vector.broadcast %get3A_1 : vector<2000x1xf32> to vector<2000x128xf32>
    %mul3A_24 = arith.mulf %max3A_22, %mul3A_23 : vector<2000x128xf32>
    %get3A_25 = arith.constant 0 : index
    %get3A_26 = arith.constant 0 : index
    %get3A_27 = vector.load %arg7[%get3A_25, %get3A_26] : memref<128x64xf32, #tpu.memory_space<vmem>>, vector<128x64xf32>
    %dot_general3A_28 = arith.constant dense<0.000000e+00> : vector<2000x64xf32>
    %dot_general3A_29 = tpu.matmul %mul3A_24, %get3A_27, %dot_general3A_28 {dimension_numbers = #tpu.dot_dimension_numbers<[1], [0], [0], [1], [0, 0, 1, 1], [], []>, transpose_lhs_hint = false} : vector<2000x128xf32>, vector<128x64xf32>, vector<2000x64xf32> -> vector<2000x64xf32>
    %swap3A = arith.constant 0 : index
    %swap3A_30 = arith.constant 0 : index
    %swap3A_31 = vector.load %arg8[%swap3A, %swap3A_30] : memref<2000x64xf32, #tpu.memory_space<vmem>>, vector<2000x64xf32>
    tpu.vector_store %arg8[%swap3A, %swap3A_30], %dot_general3A_29 {strides = array<i32>} : memref<2000x64xf32, #tpu.memory_space<vmem>>, vector<2000x64xf32>,
    return
  }
  func.func @transform_0(%arg0: i32) -> (i32, i32) {
    %c0_i32 = arith.constant 0 : i32
    %c0_i32_0 = arith.constant 0 : i32
    return %arg0, %c0_i32 : i32, i32
  }
  func.func @transform_1(%arg0: i32) -> (i32, i32) {
    %c0_i32 = arith.constant 0 : i32
    %c0_i32_0 = arith.constant 0 : i32
    return %arg0, %c0_i32 : i32, i32
  }
  func.func @transform_2(%arg0: i32) -> (i32, i32) {
    %c0_i32 = arith.constant 0 : i32
    %c0_i32_0 = arith.constant 0 : i32
    return %arg0, %c0_i32 : i32, i32
  }
  func.func @transform_3(%arg0: i32) -> (i32, i32) {
    %c0_i32 = arith.constant 0 : i32
    %c0_i32_0 = arith.constant 0 : i32
    return %arg0, %c0_i32 : i32, i32
  }
  func.func @transform_4(%arg0: i32) -> (i32, i32) {
    %c0_i32 = arith.constant 0 : i32
    %c0_i32_0 = arith.constant 0 : i32
    %c0_i32_1 = arith.constant 0 : i32
    return %c0_i32, %c0_i32_0 : i32, i32
  }
  func.func @transform_5(%arg0: i32) -> (i32, i32) {
    %c0_i32 = arith.constant 0 : i32
    %c0_i32_0 = arith.constant 0 : i32
    %c0_i32_1 = arith.constant 0 : i32
    return %c0_i32, %c0_i32_0 : i32, i32
  }
  func.func @transform_6(%arg0: i32) -> (i32, i32) {
    %c0_i32 = arith.constant 0 : i32
    %c0_i32_0 = arith.constant 0 : i32
    %c0_i32_1 = arith.constant 0 : i32
    return %c0_i32, %c0_i32_0 : i32, i32
  }
  func.func @transform_7(%arg0: i32) -> (i32, i32) {
    %c0_i32 = arith.constant 0 : i32
    %c0_i32_0 = arith.constant 0 : i32
    return %arg0, %c0_i32 : i32, i32
  }
}

module attributes {stable_mosaic.version = 14 : i64} {
  func.func @_fin_body(%arg0: i32, %arg1: memref<2000x128xf32, #tpu.memory_space<vmem>>, %arg2: memref<2000x64xf32, #tpu.memory_space<vmem>>, %arg3: memref<2000x8xf32, #tpu.memory_space<vmem>>, %arg4: memref<1x64xf32, #tpu.memory_space<vmem>>, %arg5: memref<2000x64xf32, #tpu.memory_space<vmem>>) attributes {dimension_semantics = [#tpu.dimension_semantics<arbitrary>], iteration_bounds = array<i64: 5>, scalar_prefetch = 0 : i64, scratch_operands = 0 : i64, tpu.core_type = #tpu.core_type<tc>, window_params = [{transform_indices = @transform_0, window_bounds = array<i64: 2000, 128>}, {transform_indices = @transform_1, window_bounds = array<i64: 2000, 64>}, {transform_indices = @transform_2, window_bounds = array<i64: 2000, 8>}, {pipeline_mode = #tpu.pipeline_mode<synchronous>, transform_indices = @transform_3, window_bounds = array<i64: 1, 64>}, {transform_indices = @transform_4, window_bounds = array<i64: 2000, 64>}]} {
    %get3A = arith.constant 0 : index
    %get3A_0 = arith.constant 0 : index
    %get3A_1 = vector.load %arg3[%get3A, %get3A_0] : memref<2000x8xf32, #tpu.memory_space<vmem>>, vector<2000x1xf32>
    %get3A_2 = arith.constant 0 : index
    %get3A_3 = arith.constant 0 : index
    %get3A_4 = vector.load %arg1[%get3A_2, %get3A_3] : memref<2000x128xf32, #tpu.memory_space<vmem>>, vector<2000x64xf32>
    %get3A_5 = arith.constant 0 : index
    %get3A_6 = arith.constant 64 : index
    %get3A_7 = vector.load %arg1[%get3A_5, %get3A_6] : memref<2000x128xf32, #tpu.memory_space<vmem>>, vector<2000x64xf32>
    %add3A = arith.addf %get3A_4, %get3A_7 : vector<2000x64xf32>
    %get3A_8 = arith.constant 0 : index
    %get3A_9 = arith.constant 0 : index
    %get3A_10 = vector.load %arg2[%get3A_8, %get3A_9] : memref<2000x64xf32, #tpu.memory_space<vmem>>, vector<2000x64xf32>
    %add3A_11 = arith.addf %add3A, %get3A_10 : vector<2000x64xf32>
    %mul3A = vector.broadcast %get3A_1 : vector<2000x1xf32> to vector<2000x64xf32>
    %mul3A_12 = arith.mulf %add3A_11, %mul3A : vector<2000x64xf32>
    %get3A_13 = arith.constant 0 : index
    %get3A_14 = arith.constant 0 : index
    %get3A_15 = vector.load %arg4[%get3A_13, %get3A_14] : memref<1x64xf32, #tpu.memory_space<vmem>>, vector<1x64xf32>
    %add3A_16 = vector.broadcast %get3A_15 : vector<1x64xf32> to vector<2000x64xf32>
    %add3A_17 = arith.addf %mul3A_12, %add3A_16 : vector<2000x64xf32>
    %swap3A = arith.constant 0 : index
    %swap3A_18 = arith.constant 0 : index
    %swap3A_19 = vector.load %arg5[%swap3A, %swap3A_18] : memref<2000x64xf32, #tpu.memory_space<vmem>>, vector<2000x64xf32>
    tpu.vector_store %arg5[%swap3A, %swap3A_18], %add3A_17 {strides = array<i32>} : memref<2000x64xf32, #tpu.memory_space<vmem>>, vector<2000x64xf32>,
    return
  }
  func.func @transform_0(%arg0: i32) -> (i32, i32) {
    %c0_i32 = arith.constant 0 : i32
    %c0_i32_0 = arith.constant 0 : i32
    return %arg0, %c0_i32 : i32, i32
  }
  func.func @transform_1(%arg0: i32) -> (i32, i32) {
    %c0_i32 = arith.constant 0 : i32
    %c0_i32_0 = arith.constant 0 : i32
    return %arg0, %c0_i32 : i32, i32
  }
  func.func @transform_2(%arg0: i32) -> (i32, i32) {
    %c0_i32 = arith.constant 0 : i32
    %c0_i32_0 = arith.constant 0 : i32
    return %arg0, %c0_i32 : i32, i32
  }
  func.func @transform_3(%arg0: i32) -> (i32, i32) {
    %c0_i32 = arith.constant 0 : i32
    %c0_i32_0 = arith.constant 0 : i32
    %c0_i32_1 = arith.constant 0 : i32
    return %c0_i32, %c0_i32_0 : i32, i32
  }
  func.func @transform_4(%arg0: i32) -> (i32, i32) {
    %c0_i32 = arith.constant 0 : i32
    %c0_i32_0 = arith.constant 0 : i32
    return %arg0, %c0_i32 : i32, i32
  }
}

</mosaic_0001>

<sc_bundles>
// kernel: kernel.12.cloned.1.call-start
scs
__scs_entry_jumppad:
0x0: {  	(pc) =	sbr.rel $0x88, $3  }
0x1: {  	(tag) =	ssettag $0x0;
	lr =	simm.s32 $0x1  }
0x2: {  	[smem:$0x3F99] =	sst lr;
	_ =	strace $0xD0000000  }
0x3: {  	_ = 	snop  }
0x4: {  	_ = 	snop  }
0x5: {  	_ = 	snop  }
0x6: {  	_ = 	snop  }
0x7: {  	_ = 	snop  }
__scs_overlays_trampoline_lowered:
0x8: {  	[smem:$0x3FA8] =	sst s0  }
0x9: {  	[smem:$0x3FA9] =	sst s1  }
0xa: {  	[smem:$0x3FAA] =	sst s2  }
0xb: {  	[smem:$0x3FAB] =	sst s3  }
0xc: {  	[smem:$0x3FAC] =	sst s4  }
0xd: {  	[smem:$0x3FAD] =	sst s5  }
0xe: {  	[smem:$0x3FAE] =	sst s6  }
0xf: {  	[smem:$0x3FAF] =	sst s7  }
0x10: {  	[smem:$0x3FB0] =	sst s8  }
0x11: {  	[smem:$0x3FB1] =	sst s9;
	s0 =	simm.s32 @!p0 $0x0  }
0x12: {  	s1 =	sld [smem:$0x3F97];
	s0 =	simm.s32 @p0 $0x1  }
0x13: {  	[smem:$0x3FB2] =	sst s0;
	s0 =	simm.s32 @!p1 $0x0  }
0x14: {  	s2 =	sld [smem:$0x3F96];
	s0 =	simm.s32 @p1 $0x1  }
0x15: {  	[smem:$0x3FB3] =	sst s0;
	s0 =	simm.s32 @!p2 $0x0  }
0x16: {  	s3 =	sld [smem:$0x3FDB];
	s0 =	simm.s32 @p2 $0x1  }
0x17: {  	s4 =	simm.s32 $0x1BF5;
	[smem:$0x3FB5] =	sst s0  }
0x18: {  	s0 =	sld [smem:$0x3F98];
	_ =	swait.ge [sflag:s4], $0x0  }
0x19: {  	s7 =	sld [smem:$0x3F99]  }
0x1a: {  	s8 =	sadd.s32 $0xFFFFE003, lr  }
0x1b: {  	s9 =	sadd.s32 $0xFFFFFEF7, lr;
	s5 =	simm.s32 $0xFFFFFFFF;
	p2 =	slt.u32 s8, $0xFFFFF086  }
0x1c: {  	p1 =	slt.u32 s9, $0xF7A;
	s5 =	simm.s32 @!p2 $0x0  }
0x1d: {  	s5 =	simm.s32 @p1 $0x1;
	p0 =	seq.s32 s7, s2  }
0x1e: {  	s7 =	smul.u32 @!p0 $0xF7A, s2;
	p2 =	seq.s32 @!p0 s5, $0x0  }
0x1f: {  	s9 =	smul.u32 $0xF7A, s1;
	s8 =	simm.s32 @!p0 $0x1BF5;
	p2 =	por !p2, p0  }
0x20: {  	[sflag:s8] =	ssyncset.s32 @!p0 $0xFFFFF086;
	s6 =	sadd.s32 @!p0 s3, s7;
	s7 =	simm.s32 @!p0 $0x108  }
0x21: {  	s3 =	sadd.s32 s3, s9;
	s6 =	sadd.s32 @!p0 $0x88, s6;
	s7 =	simm.s32 @p2 $0x1082  }
0x22: {  	[simem:s7], [sflag:s8] =	dma.local @!p0 [hbm:s6], $0xF7A  }
0x23: {  	s9 =	sor.u32 $0xD0000000, s2;
	s6 =	simm.s32 $0x108;
	_ =	swait.ge @!p0 [sflag:s8], $0x0  }
0x24: {  	s3 =	sadd.s32 $0x88, s3;
	s6 =	simm.s32 @!p1 $0x1082;
	[sflag:s4] =	ssyncset.s32 $0xFFFFF086  }
0x25: {  	[simem:s6], [sflag:s4] =	dma.local [hbm:s3], $0xF7A  }
0x26: {  	[smem:$0x3F99] =	sst s1;
	(tag) =	ssettag s2;
	_ =	strace s9  }
0x27: {  	s1 =	sld [smem:$0x3FA9]  }
0x28: {  	s2 =	sld [smem:$0x3FAA]  }
0x29: {  	s4 =	sld [smem:$0x3FAC]  }
0x2a: {  	p0 =	seq.s32 s5, $0x0;
	s5 =	sld [smem:$0x3FAD]  }
0x2b: {  	s6 =	sld [smem:$0x3FAE]  }
0x2c: {  	s7 =	sld [smem:$0x3FAF]  }
0x2d: {  	s3 =	simm.s32 $0x108;
	s8 =	sld [smem:$0x3FB0]  }
0x2e: {  	s3 =	simm.s32 @!p0 $0x1082;
	s9 =	sld [smem:$0x3FB1]  }
0x2f: {  	lr =	sadd.s32 s0, s3;
	s0 =	sld [smem:$0x3FA8]  }
0x30: {  	s3 =	sld [smem:$0x3FAB]  }
0x31: {  	[smem:$0x3FB4] =	sst s10  }
0x32: {  	s10 =	sld [smem:$0x3FB2];
	_ =	sdelay $0x3  }
0x33: {  	p0 =	seq.s32 s10, $0x1;
	s10 =	sld [smem:$0x3FB4];
	_ =	sdelay $0x3  }
0x34: {  	[smem:$0x3FB4] =	sst s10  }
0x35: {  	s10 =	sld [smem:$0x3FB3];
	_ =	sdelay $0x3  }
0x36: {  	p1 =	seq.s32 s10, $0x1;
	s10 =	sld [smem:$0x3FB4];
	_ =	sdelay $0x3  }
0x37: {  	[smem:$0x3FB4] =	sst s10  }
0x38: {  	s10 =	sld [smem:$0x3FB5]  }
0x39: {  	_ = 	snop;
	(pc) =	sbr.ind lr, $3  }
0x3a: {  	_ = 	snop  }
0x3b: {  	_ = 	snop  }
0x3c: {  	p2 =	seq.s32 s10, $0x1;
	s10 =	sld [smem:$0x3FB4]  }
0x3d: {  	_ =	shalt  }
0x3e: {  	_ =	shalt  }
0x3f: {  	_ =	shalt  }
0x40: {  	_ =	shalt  }
0x41: {  	_ =	shalt  }
0x42: {  	_ =	shalt  }
0x43: {  	_ =	shalt  }
0x44: {  	_ =	shalt  }
0x45: {  	_ =	shalt  }
0x46: {  	_ =	shalt  }
0x47: {  	_ =	shalt  }
0x48: {  	_ =	shalt  }
0x49: {  	_ =	shalt  }
0x4a: {  	_ =	shalt  }
0x4b: {  	_ =	shalt  }
0x4c: {  	_ =	shalt  }
0x4d: {  	_ =	shalt  }
0x4e: {  	_ =	shalt  }
0x4f: {  	_ =	shalt  }
0x50: {  	_ =	shalt  }
0x51: {  	_ =	shalt  }
0x52: {  	_ =	shalt  }
0x53: {  	_ =	shalt  }
0x54: {  	_ =	shalt  }
0x55: {  	_ =	shalt  }
0x56: {  	_ =	shalt  }
0x57: {  	_ =	shalt  }
0x58: {  	_ =	shalt  }
0x59: {  	_ =	shalt  }
0x5a: {  	_ =	shalt  }
0x5b: {  	_ =	shalt  }
0x5c: {  	_ =	shalt  }
0x5d: {  	_ =	shalt  }
0x5e: {  	_ =	shalt  }
0x5f: {  	_ =	shalt  }
0x60: {  	_ =	shalt  }
0x61: {  	_ =	shalt  }
0x62: {  	_ =	shalt  }
0x63: {  	_ =	shalt  }
0x64: {  	_ =	shalt  }
0x65: {  	_ =	shalt  }
0x66: {  	_ =	shalt  }
0x67: {  	_ =	shalt  }
0x68: {  	_ =	shalt  }
0x69: {  	_ =	shalt  }
0x6a: {  	_ =	shalt  }
0x6b: {  	_ =	shalt  }
0x6c: {  	_ =	shalt  }
0x6d: {  	_ =	shalt  }
0x6e: {  	_ =	shalt  }
0x6f: {  	_ =	shalt  }
0x70: {  	_ =	shalt  }
0x71: {  	_ =	shalt  }
0x72: {  	_ =	shalt  }
0x73: {  	_ =	shalt  }
0x74: {  	_ =	shalt  }
0x75: {  	_ =	shalt  }
0x76: {  	_ =	shalt  }
0x77: {  	_ =	shalt  }
0x78: {  	_ =	shalt  }
0x79: {  	_ =	shalt  }
0x7a: {  	_ =	shalt  }
0x7b: {  	_ =	shalt  }
0x7c: {  	_ =	shalt  }
0x7d: {  	_ =	shalt  }
0x7e: {  	_ =	shalt  }
0x7f: {  	_ =	shalt  }
0x80: {  	_ =	shalt  }
0x81: {  	_ =	shalt  }
0x82: {  	_ =	shalt  }
0x83: {  	_ =	shalt  }
0x84: {  	_ =	shalt  }
0x85: {  	_ =	shalt  }
0x86: {  	_ =	shalt  }
0x87: {  	_ =	shalt  }
.Lfunc_end0:
.L_simem_size_0:
called_computation.1_lowered:
.L_overlay_start_0:
0x88: {  	s2 =	sld [smem:$0x3FD9]  }
0x89: {  	s3 =	sld [smem:$0x3FFE];
	_ =	sdelay $0x1  }
0x8a: {  	s1 =	srdreg.scid  }
0x8b: {  	s0 =	sand.u32 $0x1, s1  }
0x8c: {  	s17 =	sshll.u32 s0, $0xA;
	s2 =	sadd.s32 s3, s2  }
0x8d: {  	s2 =	sadd.s32 s2, s17  }
0x8e: {  	[smem:$0x3FC0] =	sst s2  }
0x8f: {  	_ = 	snop  }
0x90: {  	s2 =	sld [smem:$0x3FD0];
	(tm) =	ssettm $0x1  }
0x91: {  	s18 =	sld [smem:$0x3FFB];
	_ =	sdelay $0x3  }
0x92: {  	_ =	strace s18  }
0x93: {  	s3 =	sld [smem:$0x3FFC];
	_ =	sdelay $0x3  }
0x94: {  	_ =	strace s3  }
0x95: {  	s3 =	sld [smem:$0x3FFD];
	_ =	sdelay $0x3  }
0x96: {  	_ =	strace s3  }
0x97: {  	_ =	strace $0x8FFFFFFF  }
0x98: {  	s19 =	sld [smem:$0x3FDB];
	_ =	sdelay $0x1  }
0x99: {  	s4 =	simm.s32 $_scs_section_size  }
0x9a: {  	s5 =	simm.s32 $_size__tile_overlayer_lowered;
	s6 =	simm.s32 $_tile_overlayer_lowered  }
0x9b: {  	s22 =	simm.s32 $0x1BFF;
	s21 =	sshll.u32 s6, $0x1;
	s3 =	sadd.s32 s4, s19  }
0x9c: {  	s7 =	simm.s32 $0x0;
	s20 =	sshll.u32 s5, $0x1;
	s5 =	sadd.s32 s21, s3  }
0x9d: {  	[timem:s7], [sflag:s22] =	dma.local [hbm:s5], s20  }
0x9e: {  	_ =	swait.ge [sflag:s22], s20  }
0x9f: {  	s4 =	ssub.s32 $0x0, s20;
	[sflag:s22] =	ssyncset.done $0x0  }
0xa0: {  	[sflag:s22] =	ssyncadd.s32 s4;
	_ =	sdelay $0x1  }
0xa1: {  	s23 =	simm.s32 $0x1B8B  }
0xa2: {  	_ =	swait.ge [sflag:s23], $0x1  }
0xa3: {  	[sflag:s23] =	ssyncset.done $0x0  }
0xa4: {  	s25 =	simm.s32 $0x1B8E;
	s24 =	sld [smem:$0x3FFE];
	[sflag:s23] =	ssyncadd.s32 $0xFFFFFFFF  }
0xa5: {  	s26 =	simm.s32 $execute0_lowered;
	[smem:$0x3FD2] =	sst s25  }
0xa6: {  	s5 =	sshll.u32 s26, $0x1;
	_ =	strace $0x80000049;
	[dreg:$0x1] =	wrdreg $0xFFFFFFFF  }
0xa7: {  	s28 =	simm.s32 $_size_execute0_lowered;
	s3 =	sadd.s32 s3, s5;
	[dreg:$0x0] =	wrdreg $0x0  }
0xa8: {  	s5 =	sshll.u32 s28, $0x1;
	[dreg:$0x2] =	wrdreg s3  }
0xa9: {  	[dreg:$0x3] =	wrdreg s5  }
0xaa: {  	[dreg:$0x4] =	wrdreg $0xC0  }
0xab: {  	_ =	task [dreg:s7], $0x5FFFF  }
0xac: {  	[dreg:$0x1] =	wrdreg $0xFFFFFFFF  }
0xad: {  	[dreg:$0x0] =	wrdreg $0x60  }
0xae: {  	[dreg:$0x2] =	wrdreg s2  }
0xaf: {  	[dreg:$0x3] =	wrdreg s24  }
0xb0: {  	[dreg:$0x4] =	wrdreg $0x100400  }
0xb1: {  	[dreg:$0x5] =	wrdreg $0x9  }
0xb2: {  	_ =	task.clear_ibuf [dreg:s7], $0x6FFFF;
	_ =	strace $0x90000049  }
0xb3: {  	s29 =	simm.s32 $0x9;
	_ =	strace $0x8000004B  }
0xb4: {  	_ =	swait.ge [sflag:s29], $0x1  }
0xb5: {  	[sflag:s29] =	ssyncadd.s32 $0xFFFFFFFF  }
0xb6: {  	_ =	strace $0x9000004B  }
0xb7: {  	_ =	sfence  }
0xb8: {  	s30 =	sld [smem:$0x0];
	_ =	sdelay $0x2  }
0xb9: {  	s31 =	sshll.u32 s1, $0xD;
	s1 =	sshrl.u32 s1, $0x2  }
0xba: {  	s3 =	sand.u32 $0x4000, s31;
	s1 =	sadd.s32 s1, s30  }
0xbb: {  	s0 =	sor.u32 s3, s0;
	s1 =	sshll.u32 s1, $0x11  }
0xbc: {  	s0 =	sor.u32 s1, s0  }
0xbd: {  	s0 =	sadd.s32 $0x8F2B, s0  }
0xbe: {  	[sflag:s0] =	ssyncadd.remote.s32 $0x1  }
0xbf: {  	_ =	sfence.sel $0xFFFF  }
0xc0: {  	[dreg:$0x0] =	wrdreg $0xFFFFFFFF;
	(pc) =	sbr.abs _section_cstart, $3  }
0xc1: {  	[dreg:$0x1] =	wrdreg $0xFFFFFFFF  }
0xc2: {  	_ =	task.clear_ibuf [dreg:s7], $0x2FFFF;
	_ =	strace $0x9FFFFFFF  }
0xc3: {  	(tm) =	ssettm $0x7FFFFFFF  }
tec
execute0_lowered:
.L_overlay_start_1:
0x0: {  	(tag) =	ssettag $0x1  }
0x1: {  	s2 =	rddreg [dreg:$0x0]  }
0x2: {  	s0 =	rddreg [dreg:$0x1]  }
0x3: {  	s3 =	rddreg [dreg:$0x2]  }
0x4: {  	s10 =	stileid.u32;
	s5 =	simm.s32 $0x0;
	s4 =	srdreg.scid  }
0x5: {  	s13 =	simm.s32 $0xB;
	s14 =	simm.s32 $0x4E20;
	s15 =	simm.s32 $0x50  }
0x6: {  	s16 =	simm.s32 $0x9C40;
	s17 =	simm.s32 $0xB040;
	s19 =	simm.s32 $0xC440  }
0x7: {  	s21 =	simm.s32 $0xD840;
	s22 =	simm.s32 $0x1;
	s28 =	simm.s32 $0x6  }
0x8: {  	s30 =	simm.s32 $0x3;
	s18 =	simm.s32 $0x4;
	s23 =	simm.s32 $0x8  }
0x9: {  	s29 =	simm.s32 $0x5;
	s20 =	simm.s32 $0xA;
	s1 =	smul.u32 $0x9C4, s10  }
0xa: {  	[smem:$0x7FF] =	sst s5;
	s4 =	sand.u32 $0x1, s4;
	s6 =	smul.u32 $0x14000, s10  }
0xb: {  	s7 =	smul.u32 $0xA000, s10;
	s5 =	sadd.s32 $0x66000, s0;
	s26 =	sshll.u32 s10, $0x6  }
0xc: {  	_ =	strace $0x8000004A;
	s8 =	sshll.u32 s4, $0x6;
	s9 =	ssub.s32 $0x2, s4  }
0xd: {  	p0 =	seq.s32 s4, $0x1;
	s1 =	sadd.s32 s1, s0;
	s6 =	sor.u32 s8, s6  }
0xe: {  	s24 =	sshrl.u32 s7, $0x3;
	s25 =	sshrl.u32 s9, $0x1;
	s12 =	sadd.s32 s7, s3  }
0xf: {  	s7 =	sor.u32 $0x1C0B, s26;
	s26 =	simm.s32 $0x0;
	s6 =	sshrl.u32 s6, $0x3  }
.Ltmp0:
0x10: {  	s8 =	sadd.s32 s24, s0;
	s11 =	ssub.s32 s9, s25;
	(pc) =	sbr.rel .LBB2_1-.Ltmp0, $4  }
0x11: {  	s9 =	sadd.s32 $0x4000, s1;
	s12 =	sshrl.u32 s12, $0x3;
	s24 =	simm.s32 $0xEC40  }
0x12: {  	s25 =	simm.s32 $0x2;
	s0 =	sadd.s32 s6, s0;
	s31 =	sadd.s32 $0x79A00, s8  }
0x13: {  	s8 =	sadd.s32 $0xDE00, s1;
	s11 =	smax.u32 s11, $0x1;
	s1 =	simm.s32 $0x9  }
0x14: {  	[dreg:$0x4] =	wrdreg s31;
	s10 =	sadd.s32 $0x8DA00, s0;
	s0 =	simm.s32 $0x7  }
.LBB2_7:
0x15: {  	[spmem:s3] =	stream.indirect.scatter.add.f32 [tilespmem:s24], [sflag:$0xA], $0x40, s4, s15, $0xb8;
	[tilespmem:$0x1A040] =	vst v63  }
0x16: {  	s4 =	smov.u32 s5  }
.LBB2_8:
0x17: {  	_ =	swait.ge [sflag:s1], $0x1400  }
0x18: {  	[sflag:s1] =	ssyncset.done $0x0  }
0x19: {  	s6 =	simm.s32 $0x4D80;
	[sflag:s1] =	ssyncadd.s32 $0xFFFFEC00  }
0x1a: {  	[tilespmem:s21], [sflag:$0x4] =	stream.indirect.gather [hbm4b:s4+s15], $0x40, s6, s15, $0xb8;
	[tilespmem:$0x1A040] =	vst v63  }
0x1b: {  	_ =	swait.ge [sflag:s22], $0x1400  }
0x1c: {  	[sflag:s22] =	ssyncset.done $0x0  }
0x1d: {  	s31 =	simm.s32 $0x9AB0;
	[sflag:s22] =	ssyncadd.s32 $0xFFFFEC00  }
0x1e: {  	[spmem:s3] =	stream.indirect.scatter.add.f32 [tilespmem:s16], [sflag:$0x6], $0x40, s31, s15, $0xb8;
	[tilespmem:$0x1A040] =	vst v63  }
0x1f: {  	_ =	swait.ge [sflag:s20], $0x1400  }
0x20: {  	[sflag:s20] =	ssyncset.done $0x0  }
0x21: {  	s31 =	simm.s32 $0x4DD0;
	[sflag:s20] =	ssyncadd.s32 $0xFFFFEC00  }
0x22: {  	[tilespmem:s24], [sflag:$0x5] =	stream.indirect.gather [hbm4b:s4+s15], $0x40, s31, s15, $0xb8;
	[tilespmem:$0x1A040] =	vst v63  }
0x23: {  	_ =	swait.ge [sflag:s25], $0x1400  }
0x24: {  	[sflag:s25] =	ssyncset.done $0x0  }
0x25: {  	s31 =	simm.s32 $0x9B00;
	[sflag:s25] =	ssyncadd.s32 $0xFFFFEC00  }
0x26: {  	[spmem:s3] =	stream.indirect.scatter.add.f32 [tilespmem:s17], [sflag:$0x7], $0x40, s31, s15, $0xb8;
	[tilespmem:$0x1A040] =	vst v63  }
0x27: {  	_ =	swait.ge [sflag:s30], $0x1400  }
0x28: {  	[sflag:s30] =	ssyncset.done $0x0  }
0x29: {  	s6 =	simm.s32 $0x9B50;
	[sflag:s30] =	ssyncadd.s32 $0xFFFFEC00  }
0x2a: {  	[spmem:s3] =	stream.indirect.scatter.add.f32 [tilespmem:s19], [sflag:$0x8], $0x40, s6, s15, $0xb8;
	[tilespmem:$0x1A040] =	vst v63  }
0x2b: {  	_ =	swait.ge [sflag:s18], $0x1400  }
0x2c: {  	[sflag:s18] =	ssyncset.done $0x0  }
0x2d: {  	s31 =	simm.s32 $0x9BA0;
	[sflag:s18] =	ssyncadd.s32 $0xFFFFEC00  }
0x2e: {  	[spmem:s3] =	stream.indirect.scatter.add.f32 [tilespmem:s21], [sflag:$0x9], $0x40, s31, s15, $0xb8;
	[tilespmem:$0x1A040] =	vst v63  }
0x2f: {  	_ =	swait.ge [sflag:s29], $0x1400  }
0x30: {  	[sflag:s29] =	ssyncset.done $0x0  }
0x31: {  	s6 =	simm.s32 $0x9BF0;
	[sflag:s29] =	ssyncadd.s32 $0xFFFFEC00  }
0x32: {  	[spmem:s3] =	stream.indirect.scatter.add.f32 [tilespmem:s24], [sflag:$0xA], $0x40, s6, s15, $0xb8;
	[tilespmem:$0x1A040] =	vst v63  }
0x33: {  	_ =	swait.ge [sflag:s28], $0x1400  }
0x34: {  	[sflag:s28] =	ssyncset.done $0x0  }
0x35: {  	[sflag:s28] =	ssyncadd.s32 $0xFFFFEC00  }
0x36: {  	_ =	swait.ge [sflag:s0], $0x1400  }
0x37: {  	[sflag:s0] =	ssyncset.done $0x0  }
0x38: {  	[sflag:s0] =	ssyncadd.s32 $0xFFFFEC00  }
0x39: {  	_ =	swait.ge [sflag:s23], $0x1400  }
0x3a: {  	[sflag:s23] =	ssyncset.done $0x0  }
0x3b: {  	[sflag:s23] =	ssyncadd.s32 $0xFFFFEC00  }
0x3c: {  	_ =	swait.ge [sflag:s1], $0x1400  }
0x3d: {  	[sflag:s1] =	ssyncset.done $0x0  }
0x3e: {  	[sflag:s1] =	ssyncadd.s32 $0xFFFFEC00  }
0x3f: {  	_ =	swait.ge [sflag:s20], $0x1400  }
0x40: {  	s26 =	sadd.s32 $0x1, s26;
	[sflag:s20] =	ssyncset.done $0x0  }
0x41: {  	p1 =	sne.s32 s26, s11;
	[sflag:s20] =	ssyncadd.s32 $0xFFFFEC00  }
.Ltmp1:
0x42: {  	s31 =	simm.s32 $0x10;
	[bflag:$0x0] =	sbarrier.arrive $0xFFFF;
	(pc) =	sbr.rel @!p1 .LBB2_9-.Ltmp1, $4  }
0x43: {  	[hbm:s10@s31], [sflag:s7] =	dma.strided [spmem:s12@s23], $0x1400, s22, $0x8   }
0x44: {  	_ =	swait.ge [sflag:s13], $0x1400  }
0x45: {  	[sflag:s13] =	ssyncset.done $0x0  }
0x46: {  	[sflag:s13] =	ssyncadd.s32 $0xFFFFEC00  }
.LBB2_1:
0x47: {  	s4 =	rddreg [dreg:$0x4]  }
0x48: {  	[spmem:s12], [sflag:s7] =	dma.local [hbm:s4], $0x1400  }
0x49: {  	_ =	swait.ge [sflag:s13], $0x1400  }
0x4a: {  	[sflag:s13] =	ssyncset.done $0x0  }
0x4b: {  	s31 =	simm.s32 $0x0;
	[sflag:s13] =	ssyncadd.s32 $0xFFFFEC00  }
0x4c: {  	[tilespmem:s31], [sflag:$0xB] =	stream.linear.gather [hbm4b:s8+s31], $0x4E20, $0x38;
	[tilespmem:$0x1A040] =	vst v63  }
0x4d: {  	_ =	swait.ge [sflag:s13], $0x4E20  }
0x4e: {  	[sflag:s13] =	ssyncset.done $0x0  }
0x4f: {  	[sflag:s13] =	ssyncadd.s32 $0xFFFFB1E0  }
0x50: {  	[tilespmem:s14], [sflag:$0xB] =	stream.linear.gather [hbm4b:s9+s31], $0x4E20, $0x38;
	[tilespmem:$0x1A040] =	vst v63  }
.Ltmp2:
0x51: {  	_ =	swait.ge [sflag:s13], $0x4E20;
	(pc) =	sbr.rel @!p0 .LBB2_2-.Ltmp2, $4  }
0x52: {  	[sflag:s13] =	ssyncset.done $0x0  }
0x53: {  	[sflag:s13] =	ssyncadd.s32 $0xFFFFB1E0  }
0x54: {  	[bflag:$0x0] =	sbarrier.arrive $0xFFFF  }
0x55: {  	s4 =	simm.s32 $0x0  }
0x56: {  	[tilespmem:s16], [sflag:$0x1] =	stream.indirect.gather [hbm4b:s5+s15], $0x40, s4, s15, $0xb8;
	[tilespmem:$0x1A040] =	vst v63  }
0x57: {  	_ = 	snop  }
0x58: {  	[tilespmem:s17], [sflag:$0x2] =	stream.indirect.gather [hbm4b:s5+s15], $0x40, s15, s15, $0xb8;
	[tilespmem:$0x1A040] =	vst v63  }
0x59: {  	s6 =	simm.s32 $0xA0  }
0x5a: {  	[tilespmem:s19], [sflag:$0x3] =	stream.indirect.gather [hbm4b:s5+s15], $0x40, s6, s15, $0xb8;
	[tilespmem:$0x1A040] =	vst v63  }
0x5b: {  	s6 =	simm.s32 $0xF0  }
0x5c: {  	[tilespmem:s21], [sflag:$0x4] =	stream.indirect.gather [hbm4b:s5+s15], $0x40, s6, s15, $0xb8;
	[tilespmem:$0x1A040] =	vst v63  }
0x5d: {  	_ =	swait.ge [sflag:s22], $0x1400  }
0x5e: {  	[sflag:s22] =	ssyncset.done $0x0  }
0x5f: {  	[sflag:s22] =	ssyncadd.s32 $0xFFFFEC00  }
0x60: {  	[spmem:s3] =	stream.indirect.scatter.add.f32 [tilespmem:s16], [sflag:$0x6], $0x40, s14, s15, $0xb8;
	[tilespmem:$0x1A040] =	vst v63  }
0x61: {  	s6 =	simm.s32 $0x140  }
0x62: {  	[tilespmem:s24], [sflag:$0x5] =	stream.indirect.gather [hbm4b:s5+s15], $0x40, s6, s15, $0xb8;
	[tilespmem:$0x1A040] =	vst v63  }
0x63: {  	_ =	swait.ge [sflag:s25], $0x1400  }
0x64: {  	[sflag:s25] =	ssyncset.done $0x0  }
0x65: {  	s6 =	simm.s32 $0x4E70;
	[sflag:s25] =	ssyncadd.s32 $0xFFFFEC00  }
0x66: {  	[spmem:s3] =	stream.indirect.scatter.add.f32 [tilespmem:s17], [sflag:$0x7], $0x40, s6, s15, $0xb8;
	[tilespmem:$0x1A040] =	vst v63  }
0x67: {  	_ =	swait.ge [sflag:s28], $0x1400  }
0x68: {  	[sflag:s28] =	ssyncset.done $0x0  }
0x69: {  	s6 =	simm.s32 $0x190;
	[sflag:s28] =	ssyncadd.s32 $0xFFFFEC00  }
0x6a: {  	[tilespmem:s16], [sflag:$0x1] =	stream.indirect.gather [hbm4b:s5+s15], $0x40, s6, s15, $0xb8;
	[tilespmem:$0x1A040] =	vst v63  }
0x6b: {  	_ =	swait.ge [sflag:s30], $0x1400  }
0x6c: {  	[sflag:s30] =	ssyncset.done $0x0  }
0x6d: {  	s6 =	simm.s32 $0x4EC0;
	[sflag:s30] =	ssyncadd.s32 $0xFFFFEC00  }
0x6e: {  	[spmem:s3] =	stream.indirect.scatter.add.f32 [tilespmem:s19], [sflag:$0x8], $0x40, s6, s15, $0xb8;
	[tilespmem:$0x1A040] =	vst v63  }
0x6f: {  	_ =	swait.ge [sflag:s0], $0x1400  }
0x70: {  	[sflag:s0] =	ssyncset.done $0x0  }
0x71: {  	s6 =	simm.s32 $0x1E0;
	[sflag:s0] =	ssyncadd.s32 $0xFFFFEC00  }
0x72: {  	[tilespmem:s17], [sflag:$0x2] =	stream.indirect.gather [hbm4b:s5+s15], $0x40, s6, s15, $0xb8;
	[tilespmem:$0x1A040] =	vst v63  }
0x73: {  	_ =	swait.ge [sflag:s18], $0x1400  }
0x74: {  	[sflag:s18] =	ssyncset.done $0x0  }
0x75: {  	s6 =	simm.s32 $0x4F10;
	[sflag:s18] =	ssyncadd.s32 $0xFFFFEC00  }
0x76: {  	[spmem:s3] =	stream.indirect.scatter.add.f32 [tilespmem:s21], [sflag:$0x9], $0x40, s6, s15, $0xb8;
	[tilespmem:$0x1A040] =	vst v63  }
0x77: {  	_ =	swait.ge [sflag:s23], $0x1400  }
0x78: {  	[sflag:s23] =	ssyncset.done $0x0  }
0x79: {  	s6 =	simm.s32 $0x230;
	[sflag:s23] =	ssyncadd.s32 $0xFFFFEC00  }
0x7a: {  	[tilespmem:s19], [sflag:$0x3] =	stream.indirect.gather [hbm4b:s5+s15], $0x40, s6, s15, $0xb8;
	[tilespmem:$0x1A040] =	vst v63  }
0x7b: {  	_ =	swait.ge [sflag:s29], $0x1400  }
0x7c: {  	[sflag:s29] =	ssyncset.done $0x0  }
0x7d: {  	s6 =	simm.s32 $0x4F60;
	[sflag:s29] =	ssyncadd.s32 $0xFFFFEC00  }
0x7e: {  	[spmem:s3] =	stream.indirect.scatter.add.f32 [tilespmem:s24], [sflag:$0xA], $0x40, s6, s15, $0xb8;
	[tilespmem:$0x1A040] =	vst v63  }
0x7f: {  	_ =	swait.ge [sflag:s1], $0x1400  }
0x80: {  	[sflag:s1] =	ssyncset.done $0x0  }
0x81: {  	s6 =	simm.s32 $0x280;
	[sflag:s1] =	ssyncadd.s32 $0xFFFFEC00  }
0x82: {  	[tilespmem:s21], [sflag:$0x4] =	stream.indirect.gather [hbm4b:s5+s15], $0x40, s6, s15, $0xb8;
	[tilespmem:$0x1A040] =	vst v63  }
0x83: {  	_ =	swait.ge [sflag:s22], $0x1400  }
0x84: {  	[sflag:s22] =	ssyncset.done $0x0  }
0x85: {  	s6 =	simm.s32 $0x4FB0;
	[sflag:s22] =	ssyncadd.s32 $0xFFFFEC00  }
0x86: {  	[spmem:s3] =	stream.indirect.scatter.add.f32 [tilespmem:s16], [sflag:$0x6], $0x40, s6, s15, $0xb8;
	[tilespmem:$0x1A040] =	vst v63  }
0x87: {  	_ =	swait.ge [sflag:s20], $0x1400  }
0x88: {  	[sflag:s20] =	ssyncset.done $0x0  }
0x89: {  	s6 =	simm.s32 $0x2D0;
	[sflag:s20] =	ssyncadd.s32 $0xFFFFEC00  }
0x8a: {  	[tilespmem:s24], [sflag:$0x5] =	stream.indirect.gather [hbm4b:s5+s15], $0x40, s6, s15, $0xb8;
	[tilespmem:$0x1A040] =	vst v63  }
0x8b: {  	_ =	swait.ge [sflag:s25], $0x1400  }
0x8c: {  	[sflag:s25] =	ssyncset.done $0x0  }
0x8d: {  	s6 =	simm.s32 $0x5000;
	[sflag:s25] =	ssyncadd.s32 $0xFFFFEC00  }
0x8e: {  	[spmem:s3] =	stream.indirect.scatter.add.f32 [tilespmem:s17], [sflag:$0x7], $0x40, s6, s15, $0xb8;
	[tilespmem:$0x1A040] =	vst v63  }
0x8f: {  	_ =	swait.ge [sflag:s28], $0x1400  }
0x90: {  	[sflag:s28] =	ssyncset.done $0x0  }
0x91: {  	s6 =	simm.s32 $0x320;
	[sflag:s28] =	ssyncadd.s32 $0xFFFFEC00  }
0x92: {  	[tilespmem:s16], [sflag:$0x1] =	stream.indirect.gather [hbm4b:s5+s15], $0x40, s6, s15, $0xb8;
	[tilespmem:$0x1A040] =	vst v63  }
0x93: {  	_ =	swait.ge [sflag:s30], $0x1400  }
0x94: {  	[sflag:s30] =	ssyncset.done $0x0  }
0x95: {  	s6 =	simm.s32 $0x5050;
	[sflag:s30] =	ssyncadd.s32 $0xFFFFEC00  }
0x96: {  	[spmem:s3] =	stream.indirect.scatter.add.f32 [tilespmem:s19], [sflag:$0x8], $0x40, s6, s15, $0xb8;
	[tilespmem:$0x1A040] =	vst v63  }
0x97: {  	_ =	swait.ge [sflag:s0], $0x1400  }
0x98: {  	[sflag:s0] =	ssyncset.done $0x0  }
0x99: {  	s6 =	simm.s32 $0x370;
	[sflag:s0] =	ssyncadd.s32 $0xFFFFEC00  }
0x9a: {  	[tilespmem:s17], [sflag:$0x2] =	stream.indirect.gather [hbm4b:s5+s15], $0x40, s6, s15, $0xb8;
	[tilespmem:$0x1A040] =	vst v63  }
0x9b: {  	_ =	swait.ge [sflag:s18], $0x1400  }
0x9c: {  	[sflag:s18] =	ssyncset.done $0x0  }
0x9d: {  	s6 =	simm.s32 $0x50A0;
	[sflag:s18] =	ssyncadd.s32 $0xFFFFEC00  }
0x9e: {  	[spmem:s3] =	stream.indirect.scatter.add.f32 [tilespmem:s21], [sflag:$0x9], $0x40, s6, s15, $0xb8;
	[tilespmem:$0x1A040] =	vst v63  }
0x9f: {  	_ =	swait.ge [sflag:s23], $0x1400  }
0xa0: {  	[sflag:s23] =	ssyncset.done $0x0  }
0xa1: {  	s6 =	simm.s32 $0x3C0;
	[sflag:s23] =	ssyncadd.s32 $0xFFFFEC00  }
0xa2: {  	[tilespmem:s19], [sflag:$0x3] =	stream.indirect.gather [hbm4b:s5+s15], $0x40, s6, s15, $0xb8;
	[tilespmem:$0x1A040] =	vst v63  }
0xa3: {  	_ =	swait.ge [sflag:s29], $0x1400  }
0xa4: {  	[sflag:s29] =	ssyncset.done $0x0  }
0xa5: {  	s31 =	simm.s32 $0x640;
	s4 =	simm.s32 $0x50F0;
	[sflag:s29] =	ssyncadd.s32 $0xFFFFEC00  }
.LBB2_6:
0xa6: {  	[spmem:s3] =	stream.indirect.scatter.add.f32 [tilespmem:s24], [sflag:$0xA], $0x40, s4, s15, $0xb8;
	[tilespmem:$0x1A040] =	vst v63  }
0xa7: {  	s4 =	smov.u32 s31  }
0xa8: {  	p1 =	sne.s32 s31, $0x125C0;
	s31 =	sadd.s32 $0x640, s31;
	_ =	swait.ge [sflag:s1], $0x1400  }
0xa9: {  	s4 =	sshra.s32 s4, $0x2;
	[sflag:s1] =	ssyncset.done $0x0  }
0xaa: {  	s6 =	sadd.s32 $0x280, s4;
	[sflag:s1] =	ssyncadd.s32 $0xFFFFEC00  }
0xab: {  	[tilespmem:s21], [sflag:$0x4] =	stream.indirect.gather [hbm4b:s5+s15], $0x40, s6, s15, $0xb8;
	[tilespmem:$0x1A040] =	vst v63  }
0xac: {  	_ =	swait.ge [sflag:s22], $0x1400  }
0xad: {  	[sflag:s22] =	ssyncset.done $0x0  }
0xae: {  	s6 =	sadd.s32 $0x4FB0, s4;
	[sflag:s22] =	ssyncadd.s32 $0xFFFFEC00  }
0xaf: {  	[spmem:s3] =	stream.indirect.scatter.add.f32 [tilespmem:s16], [sflag:$0x6], $0x40, s6, s15, $0xb8;
	[tilespmem:$0x1A040] =	vst v63  }
0xb0: {  	_ =	swait.ge [sflag:s20], $0x1400  }
0xb1: {  	[sflag:s20] =	ssyncset.done $0x0  }
0xb2: {  	s6 =	sadd.s32 $0x2D0, s4;
	[sflag:s20] =	ssyncadd.s32 $0xFFFFEC00  }
0xb3: {  	[tilespmem:s24], [sflag:$0x5] =	stream.indirect.gather [hbm4b:s5+s15], $0x40, s6, s15, $0xb8;
	[tilespmem:$0x1A040] =	vst v63  }
0xb4: {  	_ =	swait.ge [sflag:s25], $0x1400  }
0xb5: {  	[sflag:s25] =	ssyncset.done $0x0  }
0xb6: {  	s6 =	sadd.s32 $0x5000, s4;
	[sflag:s25] =	ssyncadd.s32 $0xFFFFEC00  }
0xb7: {  	[spmem:s3] =	stream.indirect.scatter.add.f32 [tilespmem:s17], [sflag:$0x7], $0x40, s6, s15, $0xb8;
	[tilespmem:$0x1A040] =	vst v63  }
0xb8: {  	_ =	swait.ge [sflag:s28], $0x1400  }
0xb9: {  	[sflag:s28] =	ssyncset.done $0x0  }
0xba: {  	s6 =	sadd.s32 $0x320, s4;
	[sflag:s28] =	ssyncadd.s32 $0xFFFFEC00  }
0xbb: {  	[tilespmem:s16], [sflag:$0x1] =	stream.indirect.gather [hbm4b:s5+s15], $0x40, s6, s15, $0xb8;
	[tilespmem:$0x1A040] =	vst v63  }
0xbc: {  	_ =	swait.ge [sflag:s30], $0x1400  }
0xbd: {  	[sflag:s30] =	ssyncset.done $0x0  }
0xbe: {  	s6 =	sadd.s32 $0x5050, s4;
	[sflag:s30] =	ssyncadd.s32 $0xFFFFEC00  }
0xbf: {  	[spmem:s3] =	stream.indirect.scatter.add.f32 [tilespmem:s19], [sflag:$0x8], $0x40, s6, s15, $0xb8;
	[tilespmem:$0x1A040] =	vst v63  }
0xc0: {  	_ =	swait.ge [sflag:s0], $0x1400  }
0xc1: {  	[sflag:s0] =	ssyncset.done $0x0  }
0xc2: {  	s6 =	sadd.s32 $0x370, s4;
	[sflag:s0] =	ssyncadd.s32 $0xFFFFEC00  }
0xc3: {  	[tilespmem:s17], [sflag:$0x2] =	stream.indirect.gather [hbm4b:s5+s15], $0x40, s6, s15, $0xb8;
	[tilespmem:$0x1A040] =	vst v63  }
0xc4: {  	_ =	swait.ge [sflag:s18], $0x1400  }
0xc5: {  	[sflag:s18] =	ssyncset.done $0x0  }
0xc6: {  	s6 =	sadd.s32 $0x50A0, s4;
	[sflag:s18] =	ssyncadd.s32 $0xFFFFEC00  }
0xc7: {  	[spmem:s3] =	stream.indirect.scatter.add.f32 [tilespmem:s21], [sflag:$0x9], $0x40, s6, s15, $0xb8;
	[tilespmem:$0x1A040] =	vst v63  }
0xc8: {  	_ =	swait.ge [sflag:s23], $0x1400  }
0xc9: {  	[sflag:s23] =	ssyncset.done $0x0  }
.Ltmp3:
0xca: {  	s6 =	sadd.s32 $0x3C0, s4;
	[sflag:s23] =	ssyncadd.s32 $0xFFFFEC00;
	(pc) =	sbr.rel @p1 .LBB2_6-.Ltmp3, $4  }
0xcb: {  	[tilespmem:s19], [sflag:$0x3] =	stream.indirect.gather [hbm4b:s5+s15], $0x40, s6, s15, $0xb8;
	[tilespmem:$0x1A040] =	vst v63  }
0xcc: {  	_ =	swait.ge [sflag:s29], $0x1400  }
0xcd: {  	[sflag:s29] =	ssyncset.done $0x0  }
0xce: {  	s4 =	sadd.s32 $0x50F0, s4;
	[sflag:s29] =	ssyncadd.s32 $0xFFFFEC00  }
.Ltmp4:
0xcf: {  	_ = 	snop;
	(pc) =	sbr.rel .LBB2_7-.Ltmp4, $1  }
0xd0: {  	_ =	sdelay $0x3  }
.LBB2_2:
0xd1: {  	[tilespmem:s16], [sflag:$0x1] =	stream.indirect.gather [hbm4b:s2+s15], $0x40, s4, s15, $0xb8;
	[tilespmem:$0x1A040] =	vst v63  }
0xd2: {  	_ = 	snop  }
0xd3: {  	[tilespmem:s17], [sflag:$0x2] =	stream.indirect.gather [hbm4b:s2+s15], $0x40, s15, s15, $0xb8;
	[tilespmem:$0x1A040] =	vst v63  }
0xd4: {  	s6 =	simm.s32 $0xA0  }
0xd5: {  	[tilespmem:s19], [sflag:$0x3] =	stream.indirect.gather [hbm4b:s2+s15], $0x40, s6, s15, $0xb8;
	[tilespmem:$0x1A040] =	vst v63  }
0xd6: {  	s6 =	simm.s32 $0xF0  }
0xd7: {  	[tilespmem:s21], [sflag:$0x4] =	stream.indirect.gather [hbm4b:s2+s15], $0x40, s6, s15, $0xb8;
	[tilespmem:$0x1A040] =	vst v63  }
0xd8: {  	_ =	swait.ge [sflag:s22], $0x1400  }
0xd9: {  	[sflag:s22] =	ssyncset.done $0x0  }
0xda: {  	[sflag:s22] =	ssyncadd.s32 $0xFFFFEC00  }
0xdb: {  	[spmem:s3] =	stream.indirect.scatter.add.f32 [tilespmem:s16], [sflag:$0x6], $0x40, s14, s15, $0xb8;
	[tilespmem:$0x1A040] =	vst v63  }
0xdc: {  	s6 =	simm.s32 $0x140  }
0xdd: {  	[tilespmem:s24], [sflag:$0x5] =	stream.indirect.gather [hbm4b:s2+s15], $0x40, s6, s15, $0xb8;
	[tilespmem:$0x1A040] =	vst v63  }
0xde: {  	_ =	swait.ge [sflag:s25], $0x1400  }
0xdf: {  	[sflag:s25] =	ssyncset.done $0x0  }
0xe0: {  	s6 =	simm.s32 $0x4E70;
	[sflag:s25] =	ssyncadd.s32 $0xFFFFEC00  }
0xe1: {  	[spmem:s3] =	stream.indirect.scatter.add.f32 [tilespmem:s17], [sflag:$0x7], $0x40, s6, s15, $0xb8;
	[tilespmem:$0x1A040] =	vst v63  }
0xe2: {  	_ =	swait.ge [sflag:s28], $0x1400  }
0xe3: {  	[sflag:s28] =	ssyncset.done $0x0  }
0xe4: {  	s6 =	simm.s32 $0x190;
	[sflag:s28] =	ssyncadd.s32 $0xFFFFEC00  }
0xe5: {  	[tilespmem:s16], [sflag:$0x1] =	stream.indirect.gather [hbm4b:s2+s15], $0x40, s6, s15, $0xb8;
	[tilespmem:$0x1A040] =	vst v63  }
0xe6: {  	_ =	swait.ge [sflag:s30], $0x1400  }
0xe7: {  	[sflag:s30] =	ssyncset.done $0x0  }
0xe8: {  	s6 =	simm.s32 $0x4EC0;
	[sflag:s30] =	ssyncadd.s32 $0xFFFFEC00  }
0xe9: {  	[spmem:s3] =	stream.indirect.scatter.add.f32 [tilespmem:s19], [sflag:$0x8], $0x40, s6, s15, $0xb8;
	[tilespmem:$0x1A040] =	vst v63  }
0xea: {  	_ =	swait.ge [sflag:s0], $0x1400  }
0xeb: {  	[sflag:s0] =	ssyncset.done $0x0  }
0xec: {  	s6 =	simm.s32 $0x1E0;
	[sflag:s0] =	ssyncadd.s32 $0xFFFFEC00  }
0xed: {  	[tilespmem:s17], [sflag:$0x2] =	stream.indirect.gather [hbm4b:s2+s15], $0x40, s6, s15, $0xb8;
	[tilespmem:$0x1A040] =	vst v63  }
0xee: {  	_ =	swait.ge [sflag:s18], $0x1400  }
0xef: {  	[sflag:s18] =	ssyncset.done $0x0  }
0xf0: {  	s6 =	simm.s32 $0x4F10;
	[sflag:s18] =	ssyncadd.s32 $0xFFFFEC00  }
0xf1: {  	[spmem:s3] =	stream.indirect.scatter.add.f32 [tilespmem:s21], [sflag:$0x9], $0x40, s6, s15, $0xb8;
	[tilespmem:$0x1A040] =	vst v63  }
0xf2: {  	_ =	swait.ge [sflag:s23], $0x1400  }
0xf3: {  	[sflag:s23] =	ssyncset.done $0x0  }
0xf4: {  	s6 =	simm.s32 $0x230;
	[sflag:s23] =	ssyncadd.s32 $0xFFFFEC00  }
0xf5: {  	[tilespmem:s19], [sflag:$0x3] =	stream.indirect.gather [hbm4b:s2+s15], $0x40, s6, s15, $0xb8;
	[tilespmem:$0x1A040] =	vst v63  }
0xf6: {  	_ =	swait.ge [sflag:s29], $0x1400  }
0xf7: {  	[sflag:s29] =	ssyncset.done $0x0  }
0xf8: {  	s6 =	simm.s32 $0x4F60;
	[sflag:s29] =	ssyncadd.s32 $0xFFFFEC00  }
0xf9: {  	[spmem:s3] =	stream.indirect.scatter.add.f32 [tilespmem:s24], [sflag:$0xA], $0x40, s6, s15, $0xb8;
	[tilespmem:$0x1A040] =	vst v63  }
0xfa: {  	_ =	swait.ge [sflag:s1], $0x1400  }
0xfb: {  	[sflag:s1] =	ssyncset.done $0x0  }
0xfc: {  	s6 =	simm.s32 $0x280;
	[sflag:s1] =	ssyncadd.s32 $0xFFFFEC00  }
0xfd: {  	[tilespmem:s21], [sflag:$0x4] =	stream.indirect.gather [hbm4b:s2+s15], $0x40, s6, s15, $0xb8;
	[tilespmem:$0x1A040] =	vst v63  }
0xfe: {  	_ =	swait.ge [sflag:s22], $0x1400  }
0xff: {  	[sflag:s22] =	ssyncset.done $0x0  }
0x100: {  	s6 =	simm.s32 $0x4FB0;
	[sflag:s22] =	ssyncadd.s32 $0xFFFFEC00  }
0x101: {  	[spmem:s3] =	stream.indirect.scatter.add.f32 [tilespmem:s16], [sflag:$0x6], $0x40, s6, s15, $0xb8;
	[tilespmem:$0x1A040] =	vst v63  }
0x102: {  	_ =	swait.ge [sflag:s20], $0x1400  }
0x103: {  	[sflag:s20] =	ssyncset.done $0x0  }
0x104: {  	s6 =	simm.s32 $0x2D0;
	[sflag:s20] =	ssyncadd.s32 $0xFFFFEC00  }
0x105: {  	[tilespmem:s24], [sflag:$0x5] =	stream.indirect.gather [hbm4b:s2+s15], $0x40, s6, s15, $0xb8;
	[tilespmem:$0x1A040] =	vst v63  }
0x106: {  	_ =	swait.ge [sflag:s25], $0x1400  }
0x107: {  	[sflag:s25] =	ssyncset.done $0x0  }
0x108: {  	s6 =	simm.s32 $0x5000;
	[sflag:s25] =	ssyncadd.s32 $0xFFFFEC00  }
0x109: {  	[spmem:s3] =	stream.indirect.scatter.add.f32 [tilespmem:s17], [sflag:$0x7], $0x40, s6, s15, $0xb8;
	[tilespmem:$0x1A040] =	vst v63  }
0x10a: {  	_ =	swait.ge [sflag:s28], $0x1400  }
0x10b: {  	[sflag:s28] =	ssyncset.done $0x0  }
0x10c: {  	s6 =	simm.s32 $0x320;
	[sflag:s28] =	ssyncadd.s32 $0xFFFFEC00  }
0x10d: {  	[tilespmem:s16], [sflag:$0x1] =	stream.indirect.gather [hbm4b:s2+s15], $0x40, s6, s15, $0xb8;
	[tilespmem:$0x1A040] =	vst v63  }
0x10e: {  	_ =	swait.ge [sflag:s30], $0x1400  }
0x10f: {  	[sflag:s30] =	ssyncset.done $0x0  }
0x110: {  	s6 =	simm.s32 $0x5050;
	[sflag:s30] =	ssyncadd.s32 $0xFFFFEC00  }
0x111: {  	[spmem:s3] =	stream.indirect.scatter.add.f32 [tilespmem:s19], [sflag:$0x8], $0x40, s6, s15, $0xb8;
	[tilespmem:$0x1A040] =	vst v63  }
0x112: {  	_ =	swait.ge [sflag:s0], $0x1400  }
0x113: {  	[sflag:s0] =	ssyncset.done $0x0  }
0x114: {  	s6 =	simm.s32 $0x370;
	[sflag:s0] =	ssyncadd.s32 $0xFFFFEC00  }
0x115: {  	[tilespmem:s17], [sflag:$0x2] =	stream.indirect.gather [hbm4b:s2+s15], $0x40, s6, s15, $0xb8;
	[tilespmem:$0x1A040] =	vst v63  }
0x116: {  	_ =	swait.ge [sflag:s18], $0x1400  }
0x117: {  	[sflag:s18] =	ssyncset.done $0x0  }
0x118: {  	s6 =	simm.s32 $0x50A0;
	[sflag:s18] =	ssyncadd.s32 $0xFFFFEC00  }
0x119: {  	[spmem:s3] =	stream.indirect.scatter.add.f32 [tilespmem:s21], [sflag:$0x9], $0x40, s6, s15, $0xb8;
	[tilespmem:$0x1A040] =	vst v63  }
0x11a: {  	_ =	swait.ge [sflag:s23], $0x1400  }
0x11b: {  	[sflag:s23] =	ssyncset.done $0x0  }
0x11c: {  	s6 =	simm.s32 $0x3C0;
	[sflag:s23] =	ssyncadd.s32 $0xFFFFEC00  }
0x11d: {  	[tilespmem:s19], [sflag:$0x3] =	stream.indirect.gather [hbm4b:s2+s15], $0x40, s6, s15, $0xb8;
	[tilespmem:$0x1A040] =	vst v63  }
0x11e: {  	_ =	swait.ge [sflag:s29], $0x1400  }
0x11f: {  	[sflag:s29] =	ssyncset.done $0x0  }
0x120: {  	s31 =	simm.s32 $0x640;
	s4 =	simm.s32 $0x50F0;
	[sflag:s29] =	ssyncadd.s32 $0xFFFFEC00  }
.LBB2_3:
0x121: {  	[spmem:s3] =	stream.indirect.scatter.add.f32 [tilespmem:s24], [sflag:$0xA], $0x40, s4, s15, $0xb8;
	[tilespmem:$0x1A040] =	vst v63  }
0x122: {  	s4 =	smov.u32 s31  }
0x123: {  	p1 =	seq.s32 s31, $0x125C0;
	s31 =	sadd.s32 $0x640, s31;
	_ =	swait.ge [sflag:s1], $0x1400  }
0x124: {  	s4 =	sshra.s32 s4, $0x2;
	[sflag:s1] =	ssyncset.done $0x0  }
0x125: {  	s6 =	sadd.s32 $0x280, s4;
	[sflag:s1] =	ssyncadd.s32 $0xFFFFEC00  }
0x126: {  	[tilespmem:s21], [sflag:$0x4] =	stream.indirect.gather [hbm4b:s2+s15], $0x40, s6, s15, $0xb8;
	[tilespmem:$0x1A040] =	vst v63  }
0x127: {  	_ =	swait.ge [sflag:s22], $0x1400  }
0x128: {  	[sflag:s22] =	ssyncset.done $0x0  }
0x129: {  	s6 =	sadd.s32 $0x4FB0, s4;
	[sflag:s22] =	ssyncadd.s32 $0xFFFFEC00  }
0x12a: {  	[spmem:s3] =	stream.indirect.scatter.add.f32 [tilespmem:s16], [sflag:$0x6], $0x40, s6, s15, $0xb8;
	[tilespmem:$0x1A040] =	vst v63  }
0x12b: {  	_ =	swait.ge [sflag:s20], $0x1400  }
0x12c: {  	[sflag:s20] =	ssyncset.done $0x0  }
0x12d: {  	s6 =	sadd.s32 $0x2D0, s4;
	[sflag:s20] =	ssyncadd.s32 $0xFFFFEC00  }
0x12e: {  	[tilespmem:s24], [sflag:$0x5] =	stream.indirect.gather [hbm4b:s2+s15], $0x40, s6, s15, $0xb8;
	[tilespmem:$0x1A040] =	vst v63  }
0x12f: {  	_ =	swait.ge [sflag:s25], $0x1400  }
0x130: {  	[sflag:s25] =	ssyncset.done $0x0  }
0x131: {  	s6 =	sadd.s32 $0x5000, s4;
	[sflag:s25] =	ssyncadd.s32 $0xFFFFEC00  }
0x132: {  	[spmem:s3] =	stream.indirect.scatter.add.f32 [tilespmem:s17], [sflag:$0x7], $0x40, s6, s15, $0xb8;
	[tilespmem:$0x1A040] =	vst v63  }
0x133: {  	_ =	swait.ge [sflag:s28], $0x1400  }
0x134: {  	[sflag:s28] =	ssyncset.done $0x0  }
0x135: {  	s6 =	sadd.s32 $0x320, s4;
	[sflag:s28] =	ssyncadd.s32 $0xFFFFEC00  }
0x136: {  	[tilespmem:s16], [sflag:$0x1] =	stream.indirect.gather [hbm4b:s2+s15], $0x40, s6, s15, $0xb8;
	[tilespmem:$0x1A040] =	vst v63  }
0x137: {  	_ =	swait.ge [sflag:s30], $0x1400  }
0x138: {  	[sflag:s30] =	ssyncset.done $0x0  }
0x139: {  	s6 =	sadd.s32 $0x5050, s4;
	[sflag:s30] =	ssyncadd.s32 $0xFFFFEC00  }
0x13a: {  	[spmem:s3] =	stream.indirect.scatter.add.f32 [tilespmem:s19], [sflag:$0x8], $0x40, s6, s15, $0xb8;
	[tilespmem:$0x1A040] =	vst v63  }
0x13b: {  	_ =	swait.ge [sflag:s0], $0x1400  }
0x13c: {  	[sflag:s0] =	ssyncset.done $0x0  }
0x13d: {  	s6 =	sadd.s32 $0x370, s4;
	[sflag:s0] =	ssyncadd.s32 $0xFFFFEC00  }
0x13e: {  	[tilespmem:s17], [sflag:$0x2] =	stream.indirect.gather [hbm4b:s2+s15], $0x40, s6, s15, $0xb8;
	[tilespmem:$0x1A040] =	vst v63  }
0x13f: {  	_ =	swait.ge [sflag:s18], $0x1400  }
0x140: {  	[sflag:s18] =	ssyncset.done $0x0  }
0x141: {  	s6 =	sadd.s32 $0x50A0, s4;
	[sflag:s18] =	ssyncadd.s32 $0xFFFFEC00  }
0x142: {  	[spmem:s3] =	stream.indirect.scatter.add.f32 [tilespmem:s21], [sflag:$0x9], $0x40, s6, s15, $0xb8;
	[tilespmem:$0x1A040] =	vst v63  }
0x143: {  	_ =	swait.ge [sflag:s23], $0x1400  }
0x144: {  	[sflag:s23] =	ssyncset.done $0x0  }
.Ltmp5:
0x145: {  	s6 =	sadd.s32 $0x3C0, s4;
	[sflag:s23] =	ssyncadd.s32 $0xFFFFEC00;
	(pc) =	sbr.rel @!p1 .LBB2_3-.Ltmp5, $4  }
0x146: {  	[tilespmem:s19], [sflag:$0x3] =	stream.indirect.gather [hbm4b:s2+s15], $0x40, s6, s15, $0xb8;
	[tilespmem:$0x1A040] =	vst v63  }
0x147: {  	_ =	swait.ge [sflag:s29], $0x1400  }
0x148: {  	[sflag:s29] =	ssyncset.done $0x0  }
0x149: {  	s4 =	sadd.s32 $0x50F0, s4;
	[sflag:s29] =	ssyncadd.s32 $0xFFFFEC00  }
.Ltmp6:
0x14a: {  	(pc) =	sbr.rel .LBB2_8-.Ltmp6, $3  }
0x14b: {  	_ =	sdelay $0x1  }
0x14c: {  	[spmem:s3] =	stream.indirect.scatter.add.f32 [tilespmem:s24], [sflag:$0xA], $0x40, s4, s15, $0xb8;
	[tilespmem:$0x1A040] =	vst v63  }
0x14d: {  	s4 =	smov.u32 s2  }
.LBB2_9:
0x14e: {  	_ =	sfence.sel $0x180000  }
0x14f: {  	[bflag:$0x0] =	sbarrier.arrive $0xFFFF  }
0x150: {  	_ =	strace $0x9000004A  }
0x151: {  	s0 =	stileid.u32;
	[bflag:$0x2] =	sbarrier.arrive $0xFFFF  }
0x152: {  	p0 =	sne.s32 s0, $0x0;
	s0 =	rddreg [dreg:$0x3]  }
0x153: {  	s0 =	sadd.s32 @!p0 $0x100000, s0  }
0x154: {  	[sflag:s0] =	ssyncadd.tile.s32 @!p0 $0x1;
	_ =	shalt  }
.Lfunc_end2:
_tile_overlayer_lowered:
.L_overlay_start_2:
0x155: {  	(tag) =	ssettag $0x2  }
0x156: {  	s0 =	rddreg [dreg:$0x0];
	s2 =	stileid.u32  }
0x157: {  	s1 =	rddreg [dreg:$0x1];
	p0 =	sne.s32 s2, $0x0  }
0x158: {  	s3 =	rddreg [dreg:$0x2];
	[bflag:$0x3] =	sbarrier.arrive $0xFFFF;
	s2 =	simm.s32 @!p0 $0x1C0B  }
0x159: {  	[timem:s3], [sflag:s2] =	dma.local @!p0 [hbm:s0], s1  }
0x15a: {  	s0 =	simm.s32 @!p0 $0xB  }
0x15b: {  	_ =	swait.ge @!p0 [sflag:s0], s1  }
0x15c: {  	s1 =	ssub.s32 @!p0 $0x0, s1;
	[sflag:s0] =	ssyncset.done @!p0 $0x0  }
0x15d: {  	[sflag:s0] =	ssyncadd.s32 @!p0 s1  }
0x15e: {  	[bflag:$0x3] =	sbarrier.arrive $0xFFFF  }
0x15f: {  	_ =	shalt  }

// kernel: kernel.15.cloned.1.call-start
scs
__scs_entry_jumppad:
0x0: {  	(pc) =	sbr.rel $0x88, $3  }
0x1: {  	(tag) =	ssettag $0x0;
	lr =	simm.s32 $0x1  }
0x2: {  	[smem:$0x3F99] =	sst lr;
	_ =	strace $0xD0000000  }
0x3: {  	_ = 	snop  }
0x4: {  	_ = 	snop  }
0x5: {  	_ = 	snop  }
0x6: {  	_ = 	snop  }
0x7: {  	_ = 	snop  }
__scs_overlays_trampoline_lowered:
0x8: {  	[smem:$0x3FA8] =	sst s0  }
0x9: {  	[smem:$0x3FA9] =	sst s1  }
0xa: {  	[smem:$0x3FAA] =	sst s2  }
0xb: {  	[smem:$0x3FAB] =	sst s3  }
0xc: {  	[smem:$0x3FAC] =	sst s4  }
0xd: {  	[smem:$0x3FAD] =	sst s5  }
0xe: {  	[smem:$0x3FAE] =	sst s6  }
0xf: {  	[smem:$0x3FAF] =	sst s7  }
0x10: {  	[smem:$0x3FB0] =	sst s8  }
0x11: {  	[smem:$0x3FB1] =	sst s9;
	s0 =	simm.s32 @!p0 $0x0  }
0x12: {  	s1 =	sld [smem:$0x3F97];
	s0 =	simm.s32 @p0 $0x1  }
0x13: {  	[smem:$0x3FB2] =	sst s0;
	s0 =	simm.s32 @!p1 $0x0  }
0x14: {  	s2 =	sld [smem:$0x3F96];
	s0 =	simm.s32 @p1 $0x1  }
0x15: {  	[smem:$0x3FB3] =	sst s0;
	s0 =	simm.s32 @!p2 $0x0  }
0x16: {  	s3 =	sld [smem:$0x3FDB];
	s0 =	simm.s32 @p2 $0x1  }
0x17: {  	s4 =	simm.s32 $0x1BF5;
	[smem:$0x3FB5] =	sst s0  }
0x18: {  	s0 =	sld [smem:$0x3F98];
	_ =	swait.ge [sflag:s4], $0x0  }
0x19: {  	s7 =	sld [smem:$0x3F99]  }
0x1a: {  	s8 =	sadd.s32 $0xFFFFE003, lr  }
0x1b: {  	s9 =	sadd.s32 $0xFFFFFEF7, lr;
	s5 =	simm.s32 $0xFFFFFFFF;
	p2 =	slt.u32 s8, $0xFFFFF086  }
0x1c: {  	p1 =	slt.u32 s9, $0xF7A;
	s5 =	simm.s32 @!p2 $0x0  }
0x1d: {  	s5 =	simm.s32 @p1 $0x1;
	p0 =	seq.s32 s7, s2  }
0x1e: {  	s7 =	smul.u32 @!p0 $0xF7A, s2;
	p2 =	seq.s32 @!p0 s5, $0x0  }
0x1f: {  	s9 =	smul.u32 $0xF7A, s1;
	s8 =	simm.s32 @!p0 $0x1BF5;
	p2 =	por !p2, p0  }
0x20: {  	[sflag:s8] =	ssyncset.s32 @!p0 $0xFFFFF086;
	s6 =	sadd.s32 @!p0 s3, s7;
	s7 =	simm.s32 @!p0 $0x108  }
0x21: {  	s3 =	sadd.s32 s3, s9;
	s6 =	sadd.s32 @!p0 $0x88, s6;
	s7 =	simm.s32 @p2 $0x1082  }
0x22: {  	[simem:s7], [sflag:s8] =	dma.local @!p0 [hbm:s6], $0xF7A  }
0x23: {  	s9 =	sor.u32 $0xD0000000, s2;
	s6 =	simm.s32 $0x108;
	_ =	swait.ge @!p0 [sflag:s8], $0x0  }
0x24: {  	s3 =	sadd.s32 $0x88, s3;
	s6 =	simm.s32 @!p1 $0x1082;
	[sflag:s4] =	ssyncset.s32 $0xFFFFF086  }
0x25: {  	[simem:s6], [sflag:s4] =	dma.local [hbm:s3], $0xF7A  }
0x26: {  	[smem:$0x3F99] =	sst s1;
	(tag) =	ssettag s2;
	_ =	strace s9  }
0x27: {  	s1 =	sld [smem:$0x3FA9]  }
0x28: {  	s2 =	sld [smem:$0x3FAA]  }
0x29: {  	s4 =	sld [smem:$0x3FAC]  }
0x2a: {  	p0 =	seq.s32 s5, $0x0;
	s5 =	sld [smem:$0x3FAD]  }
0x2b: {  	s6 =	sld [smem:$0x3FAE]  }
0x2c: {  	s7 =	sld [smem:$0x3FAF]  }
0x2d: {  	s3 =	simm.s32 $0x108;
	s8 =	sld [smem:$0x3FB0]  }
0x2e: {  	s3 =	simm.s32 @!p0 $0x1082;
	s9 =	sld [smem:$0x3FB1]  }
0x2f: {  	lr =	sadd.s32 s0, s3;
	s0 =	sld [smem:$0x3FA8]  }
0x30: {  	s3 =	sld [smem:$0x3FAB]  }
0x31: {  	[smem:$0x3FB4] =	sst s10  }
0x32: {  	s10 =	sld [smem:$0x3FB2];
	_ =	sdelay $0x3  }
0x33: {  	p0 =	seq.s32 s10, $0x1;
	s10 =	sld [smem:$0x3FB4];
	_ =	sdelay $0x3  }
0x34: {  	[smem:$0x3FB4] =	sst s10  }
0x35: {  	s10 =	sld [smem:$0x3FB3];
	_ =	sdelay $0x3  }
0x36: {  	p1 =	seq.s32 s10, $0x1;
	s10 =	sld [smem:$0x3FB4];
	_ =	sdelay $0x3  }
0x37: {  	[smem:$0x3FB4] =	sst s10  }
0x38: {  	s10 =	sld [smem:$0x3FB5]  }
0x39: {  	_ = 	snop;
	(pc) =	sbr.ind lr, $3  }
0x3a: {  	_ = 	snop  }
0x3b: {  	_ = 	snop  }
0x3c: {  	p2 =	seq.s32 s10, $0x1;
	s10 =	sld [smem:$0x3FB4]  }
0x3d: {  	_ =	shalt  }
0x3e: {  	_ =	shalt  }
0x3f: {  	_ =	shalt  }
0x40: {  	_ =	shalt  }
0x41: {  	_ =	shalt  }
0x42: {  	_ =	shalt  }
0x43: {  	_ =	shalt  }
0x44: {  	_ =	shalt  }
0x45: {  	_ =	shalt  }
0x46: {  	_ =	shalt  }
0x47: {  	_ =	shalt  }
0x48: {  	_ =	shalt  }
0x49: {  	_ =	shalt  }
0x4a: {  	_ =	shalt  }
0x4b: {  	_ =	shalt  }
0x4c: {  	_ =	shalt  }
0x4d: {  	_ =	shalt  }
0x4e: {  	_ =	shalt  }
0x4f: {  	_ =	shalt  }
0x50: {  	_ =	shalt  }
0x51: {  	_ =	shalt  }
0x52: {  	_ =	shalt  }
0x53: {  	_ =	shalt  }
0x54: {  	_ =	shalt  }
0x55: {  	_ =	shalt  }
0x56: {  	_ =	shalt  }
0x57: {  	_ =	shalt  }
0x58: {  	_ =	shalt  }
0x59: {  	_ =	shalt  }
0x5a: {  	_ =	shalt  }
0x5b: {  	_ =	shalt  }
0x5c: {  	_ =	shalt  }
0x5d: {  	_ =	shalt  }
0x5e: {  	_ =	shalt  }
0x5f: {  	_ =	shalt  }
0x60: {  	_ =	shalt  }
0x61: {  	_ =	shalt  }
0x62: {  	_ =	shalt  }
0x63: {  	_ =	shalt  }
0x64: {  	_ =	shalt  }
0x65: {  	_ =	shalt  }
0x66: {  	_ =	shalt  }
0x67: {  	_ =	shalt  }
0x68: {  	_ =	shalt  }
0x69: {  	_ =	shalt  }
0x6a: {  	_ =	shalt  }
0x6b: {  	_ =	shalt  }
0x6c: {  	_ =	shalt  }
0x6d: {  	_ =	shalt  }
0x6e: {  	_ =	shalt  }
0x6f: {  	_ =	shalt  }
0x70: {  	_ =	shalt  }
0x71: {  	_ =	shalt  }
0x72: {  	_ =	shalt  }
0x73: {  	_ =	shalt  }
0x74: {  	_ =	shalt  }
0x75: {  	_ =	shalt  }
0x76: {  	_ =	shalt  }
0x77: {  	_ =	shalt  }
0x78: {  	_ =	shalt  }
0x79: {  	_ =	shalt  }
0x7a: {  	_ =	shalt  }
0x7b: {  	_ =	shalt  }
0x7c: {  	_ =	shalt  }
0x7d: {  	_ =	shalt  }
0x7e: {  	_ =	shalt  }
0x7f: {  	_ =	shalt  }
0x80: {  	_ =	shalt  }
0x81: {  	_ =	shalt  }
0x82: {  	_ =	shalt  }
0x83: {  	_ =	shalt  }
0x84: {  	_ =	shalt  }
0x85: {  	_ =	shalt  }
0x86: {  	_ =	shalt  }
0x87: {  	_ =	shalt  }
.Lfunc_end0:
.L_simem_size_0:
called_computation.2_lowered:
.L_overlay_start_0:
0x88: {  	s2 =	sld [smem:$0x3FD9]  }
0x89: {  	s3 =	sld [smem:$0x3FFE];
	_ =	sdelay $0x1  }
0x8a: {  	s1 =	srdreg.scid  }
0x8b: {  	s0 =	sand.u32 $0x1, s1  }
0x8c: {  	s17 =	sshll.u32 s0, $0xA;
	s2 =	sadd.s32 s3, s2  }
0x8d: {  	s2 =	sadd.s32 s2, s17  }
0x8e: {  	[smem:$0x3FC0] =	sst s2  }
0x8f: {  	_ = 	snop  }
0x90: {  	s2 =	sld [smem:$0x3FD0];
	(tm) =	ssettm $0x1  }
0x91: {  	s18 =	sld [smem:$0x3FFB];
	_ =	sdelay $0x3  }
0x92: {  	_ =	strace s18  }
0x93: {  	s3 =	sld [smem:$0x3FFC];
	_ =	sdelay $0x3  }
0x94: {  	_ =	strace s3  }
0x95: {  	s3 =	sld [smem:$0x3FFD];
	_ =	sdelay $0x3  }
0x96: {  	_ =	strace s3  }
0x97: {  	_ =	strace $0x8FFFFFFF  }
0x98: {  	s19 =	sld [smem:$0x3FDB];
	_ =	sdelay $0x1  }
0x99: {  	s4 =	simm.s32 $_scs_section_size  }
0x9a: {  	s5 =	simm.s32 $_size__tile_overlayer_lowered;
	s6 =	simm.s32 $_tile_overlayer_lowered  }
0x9b: {  	s22 =	simm.s32 $0x1BFF;
	s21 =	sshll.u32 s6, $0x1;
	s3 =	sadd.s32 s4, s19  }
0x9c: {  	s7 =	simm.s32 $0x0;
	s20 =	sshll.u32 s5, $0x1;
	s5 =	sadd.s32 s21, s3  }
0x9d: {  	[timem:s7], [sflag:s22] =	dma.local [hbm:s5], s20  }
0x9e: {  	_ =	swait.ge [sflag:s22], s20  }
0x9f: {  	s4 =	ssub.s32 $0x0, s20;
	[sflag:s22] =	ssyncset.done $0x0  }
0xa0: {  	[sflag:s22] =	ssyncadd.s32 s4;
	_ =	sdelay $0x1  }
0xa1: {  	s23 =	simm.s32 $0x1B8B  }
0xa2: {  	_ =	swait.ge [sflag:s23], $0x1  }
0xa3: {  	[sflag:s23] =	ssyncset.done $0x0  }
0xa4: {  	s25 =	simm.s32 $0x1B8E;
	s24 =	sld [smem:$0x3FFE];
	[sflag:s23] =	ssyncadd.s32 $0xFFFFFFFF  }
0xa5: {  	s26 =	simm.s32 $execute0_lowered;
	[smem:$0x3FD2] =	sst s25  }
0xa6: {  	s5 =	sshll.u32 s26, $0x1;
	_ =	strace $0x8000004C;
	[dreg:$0x1] =	wrdreg $0xFFFFFFFF  }
0xa7: {  	s28 =	simm.s32 $_size_execute0_lowered;
	s3 =	sadd.s32 s3, s5;
	[dreg:$0x0] =	wrdreg $0x0  }
0xa8: {  	s5 =	sshll.u32 s28, $0x1;
	[dreg:$0x2] =	wrdreg s3  }
0xa9: {  	[dreg:$0x3] =	wrdreg s5  }
0xaa: {  	[dreg:$0x4] =	wrdreg $0xC0  }
0xab: {  	_ =	task [dreg:s7], $0x5FFFF  }
0xac: {  	[dreg:$0x1] =	wrdreg $0xFFFFFFFF  }
0xad: {  	[dreg:$0x0] =	wrdreg $0x60  }
0xae: {  	[dreg:$0x2] =	wrdreg s2  }
0xaf: {  	[dreg:$0x3] =	wrdreg s24  }
0xb0: {  	[dreg:$0x4] =	wrdreg $0xB2200  }
0xb1: {  	[dreg:$0x5] =	wrdreg $0x9  }
0xb2: {  	_ =	task.clear_ibuf [dreg:s7], $0x6FFFF;
	_ =	strace $0x9000004C  }
0xb3: {  	s29 =	simm.s32 $0x9;
	_ =	strace $0x8000004E  }
0xb4: {  	_ =	swait.ge [sflag:s29], $0x1  }
0xb5: {  	[sflag:s29] =	ssyncadd.s32 $0xFFFFFFFF  }
0xb6: {  	_ =	strace $0x9000004E  }
0xb7: {  	_ =	sfence  }
0xb8: {  	s30 =	sld [smem:$0x0];
	_ =	sdelay $0x2  }
0xb9: {  	s31 =	sshll.u32 s1, $0xD;
	s1 =	sshrl.u32 s1, $0x2  }
0xba: {  	s3 =	sand.u32 $0x4000, s31;
	s1 =	sadd.s32 s1, s30  }
0xbb: {  	s0 =	sor.u32 s3, s0;
	s1 =	sshll.u32 s1, $0x11  }
0xbc: {  	s0 =	sor.u32 s1, s0  }
0xbd: {  	s0 =	sadd.s32 $0x8F2B, s0  }
0xbe: {  	[sflag:s0] =	ssyncadd.remote.s32 $0x1  }
0xbf: {  	_ =	sfence.sel $0xFFFF  }
0xc0: {  	[dreg:$0x0] =	wrdreg $0xFFFFFFFF;
	(pc) =	sbr.abs _section_cstart, $3  }
0xc1: {  	[dreg:$0x1] =	wrdreg $0xFFFFFFFF  }
0xc2: {  	_ =	task.clear_ibuf [dreg:s7], $0x2FFFF;
	_ =	strace $0x9FFFFFFF  }
0xc3: {  	(tm) =	ssettm $0x7FFFFFFF  }
tec
execute0_lowered:
.L_overlay_start_1:
0x0: {  	(tag) =	ssettag $0x1  }
0x1: {  	s1 =	rddreg [dreg:$0x0]  }
0x2: {  	s0 =	srdreg.scid;
	s2 =	rddreg [dreg:$0x1]  }
0x3: {  	s10 =	stileid.u32;
	s3 =	rddreg [dreg:$0x2];
	s4 =	simm.s32 $0x0  }
0x4: {  	s12 =	simm.s32 $0xB;
	s13 =	simm.s32 $0x2710;
	s14 =	simm.s32 $0x50  }
0x5: {  	s15 =	simm.s32 $0x4E20;
	s16 =	simm.s32 $0x6220;
	s18 =	simm.s32 $0x7620  }
0x6: {  	s20 =	simm.s32 $0x8A20;
	s29 =	simm.s32 $0x3;
	s31 =	simm.s32 $0x7  }
0x7: {  	s19 =	simm.s32 $0x8;
	s30 =	simm.s32 $0x9;
	s5 =	smul.u32 $0x4E20, s10  }
0x8: {  	s28 =	simm.s32 $0x0;
	s0 =	sand.u32 $0x1, s0;
	s21 =	smul.u32 $0xA000, s10  }
0x9: {  	[smem:$0x7FF] =	sst s4;
	s7 =	smul.u32 $0x14000, s10;
	s25 =	sshll.u32 s10, $0x6  }
0xa: {  	s6 =	smul.u32 $0x2710, s0;
	s22 =	sshll.u32 s0, $0x6;
	s0 =	ssub.s32 $0x2, s0  }
0xb: {  	_ =	strace $0x8000004D;
	s9 =	sshrl.u32 s21, $0x3;
	s24 =	sshrl.u32 s0, $0x1  }
0xc: {  	s11 =	sadd.s32 s21, s3;
	s21 =	simm.s32 $0x1;
	s5 =	sadd.s32 s6, s5  }
0xd: {  	s23 =	sadd.s32 s9, s2;
	s0 =	ssub.s32 s0, s24;
	s6 =	sor.u32 $0x1C0B, s25  }
0xe: {  	s11 =	sshrl.u32 s11, $0x3;
	s24 =	simm.s32 $0x2;
	s25 =	simm.s32 $0x5  }
0xf: {  	s5 =	sshrl.u32 s5, $0x3;
	s26 =	sadd.s32 $0x79A00, s23;
	s10 =	smax.u32 s0, $0x1  }
0x10: {  	s23 =	simm.s32 $0x9E20;
	s8 =	sadd.s32 s5, s2;
	s5 =	sor.u32 s22, s7  }
0x11: {  	s0 =	simm.s32 $0x4;
	[dreg:$0x4] =	wrdreg s26;
	s5 =	sshrl.u32 s5, $0x3  }
0x12: {  	s26 =	simm.s32 $0x6;
	s7 =	sadd.s32 $0xDE00, s8;
	s2 =	sadd.s32 s5, s2  }
0x13: {  	s8 =	sadd.s32 $0x4000, s8;
	s9 =	sadd.s32 $0x17C00, s2;
	s2 =	simm.s32 $0xA  }
.LBB2_1:
0x14: {  	s5 =	rddreg [dreg:$0x4]  }
0x15: {  	[spmem:s11], [sflag:s6] =	dma.local [hbm:s5], $0x1400  }
0x16: {  	_ =	swait.ge [sflag:s12], $0x1400  }
0x17: {  	[sflag:s12] =	ssyncset.done $0x0  }
0x18: {  	[sflag:s12] =	ssyncadd.s32 $0xFFFFEC00  }
0x19: {  	[tilespmem:s4], [sflag:$0xB] =	stream.linear.gather [hbm4b:s7+s4], $0x2710, $0x38;
	[tilespmem:$0x15220] =	vst v63  }
0x1a: {  	_ =	swait.ge [sflag:s12], $0x2710  }
0x1b: {  	[sflag:s12] =	ssyncset.done $0x0  }
0x1c: {  	[sflag:s12] =	ssyncadd.s32 $0xFFFFD8F0  }
0x1d: {  	[tilespmem:s13], [sflag:$0xB] =	stream.linear.gather [hbm4b:s8+s4], $0x2710, $0x38;
	[tilespmem:$0x15220] =	vst v63  }
0x1e: {  	_ =	swait.ge [sflag:s12], $0x2710  }
0x1f: {  	[sflag:s12] =	ssyncset.done $0x0  }
0x20: {  	[sflag:s12] =	ssyncadd.s32 $0xFFFFD8F0  }
0x21: {  	[bflag:$0x0] =	sbarrier.arrive $0xFFFF  }
0x22: {  	[tilespmem:s15], [sflag:$0x1] =	stream.indirect.gather [hbm4b:s1+s14], $0x40, s4, s14, $0xb8;
	[tilespmem:$0x15220] =	vst v63  }
0x23: {  	_ = 	snop  }
0x24: {  	[tilespmem:s16], [sflag:$0x2] =	stream.indirect.gather [hbm4b:s1+s14], $0x40, s14, s14, $0xb8;
	[tilespmem:$0x15220] =	vst v63  }
0x25: {  	s17 =	simm.s32 $0xA0  }
0x26: {  	[tilespmem:s18], [sflag:$0x3] =	stream.indirect.gather [hbm4b:s1+s14], $0x40, s17, s14, $0xb8;
	[tilespmem:$0x15220] =	vst v63  }
0x27: {  	s22 =	simm.s32 $0xF0  }
0x28: {  	[tilespmem:s20], [sflag:$0x4] =	stream.indirect.gather [hbm4b:s1+s14], $0x40, s22, s14, $0xb8;
	[tilespmem:$0x15220] =	vst v63  }
0x29: {  	_ =	swait.ge [sflag:s21], $0x1400  }
0x2a: {  	[sflag:s21] =	ssyncset.done $0x0  }
0x2b: {  	[sflag:s21] =	ssyncadd.s32 $0xFFFFEC00  }
0x2c: {  	[spmem:s3] =	stream.indirect.scatter.add.f32 [tilespmem:s15], [sflag:$0x6], $0x40, s13, s14, $0xb8;
	[tilespmem:$0x15220] =	vst v63  }
0x2d: {  	s17 =	simm.s32 $0x140  }
0x2e: {  	[tilespmem:s23], [sflag:$0x5] =	stream.indirect.gather [hbm4b:s1+s14], $0x40, s17, s14, $0xb8;
	[tilespmem:$0x15220] =	vst v63  }
0x2f: {  	_ =	swait.ge [sflag:s24], $0x1400  }
0x30: {  	[sflag:s24] =	ssyncset.done $0x0  }
0x31: {  	s22 =	simm.s32 $0x2760;
	[sflag:s24] =	ssyncadd.s32 $0xFFFFEC00  }
0x32: {  	[spmem:s3] =	stream.indirect.scatter.add.f32 [tilespmem:s16], [sflag:$0x7], $0x40, s22, s14, $0xb8;
	[tilespmem:$0x15220] =	vst v63  }
0x33: {  	_ =	swait.ge [sflag:s26], $0x1400  }
0x34: {  	[sflag:s26] =	ssyncset.done $0x0  }
0x35: {  	s17 =	simm.s32 $0x190;
	[sflag:s26] =	ssyncadd.s32 $0xFFFFEC00  }
0x36: {  	[tilespmem:s15], [sflag:$0x1] =	stream.indirect.gather [hbm4b:s1+s14], $0x40, s17, s14, $0xb8;
	[tilespmem:$0x15220] =	vst v63  }
0x37: {  	_ =	swait.ge [sflag:s29], $0x1400  }
0x38: {  	[sflag:s29] =	ssyncset.done $0x0  }
0x39: {  	s22 =	simm.s32 $0x27B0;
	[sflag:s29] =	ssyncadd.s32 $0xFFFFEC00  }
0x3a: {  	[spmem:s3] =	stream.indirect.scatter.add.f32 [tilespmem:s18], [sflag:$0x8], $0x40, s22, s14, $0xb8;
	[tilespmem:$0x15220] =	vst v63  }
0x3b: {  	_ =	swait.ge [sflag:s31], $0x1400  }
0x3c: {  	[sflag:s31] =	ssyncset.done $0x0  }
0x3d: {  	s17 =	simm.s32 $0x1E0;
	[sflag:s31] =	ssyncadd.s32 $0xFFFFEC00  }
0x3e: {  	[tilespmem:s16], [sflag:$0x2] =	stream.indirect.gather [hbm4b:s1+s14], $0x40, s17, s14, $0xb8;
	[tilespmem:$0x15220] =	vst v63  }
0x3f: {  	_ =	swait.ge [sflag:s0], $0x1400  }
0x40: {  	[sflag:s0] =	ssyncset.done $0x0  }
0x41: {  	s22 =	simm.s32 $0x2800;
	[sflag:s0] =	ssyncadd.s32 $0xFFFFEC00  }
0x42: {  	[spmem:s3] =	stream.indirect.scatter.add.f32 [tilespmem:s20], [sflag:$0x9], $0x40, s22, s14, $0xb8;
	[tilespmem:$0x15220] =	vst v63  }
0x43: {  	_ =	swait.ge [sflag:s19], $0x1400  }
0x44: {  	[sflag:s19] =	ssyncset.done $0x0  }
0x45: {  	s17 =	simm.s32 $0x230;
	[sflag:s19] =	ssyncadd.s32 $0xFFFFEC00  }
0x46: {  	[tilespmem:s18], [sflag:$0x3] =	stream.indirect.gather [hbm4b:s1+s14], $0x40, s17, s14, $0xb8;
	[tilespmem:$0x15220] =	vst v63  }
0x47: {  	_ =	swait.ge [sflag:s25], $0x1400  }
0x48: {  	[sflag:s25] =	ssyncset.done $0x0  }
0x49: {  	s22 =	simm.s32 $0x2850;
	[sflag:s25] =	ssyncadd.s32 $0xFFFFEC00  }
0x4a: {  	[spmem:s3] =	stream.indirect.scatter.add.f32 [tilespmem:s23], [sflag:$0xA], $0x40, s22, s14, $0xb8;
	[tilespmem:$0x15220] =	vst v63  }
0x4b: {  	_ =	swait.ge [sflag:s30], $0x1400  }
0x4c: {  	[sflag:s30] =	ssyncset.done $0x0  }
0x4d: {  	s17 =	simm.s32 $0x280;
	[sflag:s30] =	ssyncadd.s32 $0xFFFFEC00  }
0x4e: {  	[tilespmem:s20], [sflag:$0x4] =	stream.indirect.gather [hbm4b:s1+s14], $0x40, s17, s14, $0xb8;
	[tilespmem:$0x15220] =	vst v63  }
0x4f: {  	_ =	swait.ge [sflag:s21], $0x1400  }
0x50: {  	[sflag:s21] =	ssyncset.done $0x0  }
0x51: {  	s5 =	simm.s32 $0x28A0;
	[sflag:s21] =	ssyncadd.s32 $0xFFFFEC00  }
0x52: {  	[spmem:s3] =	stream.indirect.scatter.add.f32 [tilespmem:s15], [sflag:$0x6], $0x40, s5, s14, $0xb8;
	[tilespmem:$0x15220] =	vst v63  }
0x53: {  	_ =	swait.ge [sflag:s2], $0x1400  }
0x54: {  	[sflag:s2] =	ssyncset.done $0x0  }
0x55: {  	s22 =	simm.s32 $0x2D0;
	[sflag:s2] =	ssyncadd.s32 $0xFFFFEC00  }
0x56: {  	[tilespmem:s23], [sflag:$0x5] =	stream.indirect.gather [hbm4b:s1+s14], $0x40, s22, s14, $0xb8;
	[tilespmem:$0x15220] =	vst v63  }
0x57: {  	_ =	swait.ge [sflag:s24], $0x1400  }
0x58: {  	[sflag:s24] =	ssyncset.done $0x0  }
0x59: {  	s5 =	simm.s32 $0x28F0;
	[sflag:s24] =	ssyncadd.s32 $0xFFFFEC00  }
0x5a: {  	[spmem:s3] =	stream.indirect.scatter.add.f32 [tilespmem:s16], [sflag:$0x7], $0x40, s5, s14, $0xb8;
	[tilespmem:$0x15220] =	vst v63  }
0x5b: {  	_ =	swait.ge [sflag:s26], $0x1400  }
0x5c: {  	[sflag:s26] =	ssyncset.done $0x0  }
0x5d: {  	s22 =	simm.s32 $0x320;
	[sflag:s26] =	ssyncadd.s32 $0xFFFFEC00  }
0x5e: {  	[tilespmem:s15], [sflag:$0x1] =	stream.indirect.gather [hbm4b:s1+s14], $0x40, s22, s14, $0xb8;
	[tilespmem:$0x15220] =	vst v63  }
0x5f: {  	_ =	swait.ge [sflag:s29], $0x1400  }
0x60: {  	[sflag:s29] =	ssyncset.done $0x0  }
0x61: {  	s5 =	simm.s32 $0x2940;
	[sflag:s29] =	ssyncadd.s32 $0xFFFFEC00  }
0x62: {  	[spmem:s3] =	stream.indirect.scatter.add.f32 [tilespmem:s18], [sflag:$0x8], $0x40, s5, s14, $0xb8;
	[tilespmem:$0x15220] =	vst v63  }
0x63: {  	_ =	swait.ge [sflag:s31], $0x1400  }
0x64: {  	[sflag:s31] =	ssyncset.done $0x0  }
0x65: {  	s22 =	simm.s32 $0x370;
	[sflag:s31] =	ssyncadd.s32 $0xFFFFEC00  }
0x66: {  	[tilespmem:s16], [sflag:$0x2] =	stream.indirect.gather [hbm4b:s1+s14], $0x40, s22, s14, $0xb8;
	[tilespmem:$0x15220] =	vst v63  }
0x67: {  	_ =	swait.ge [sflag:s0], $0x1400  }
0x68: {  	[sflag:s0] =	ssyncset.done $0x0  }
0x69: {  	s5 =	simm.s32 $0x2990;
	[sflag:s0] =	ssyncadd.s32 $0xFFFFEC00  }
0x6a: {  	[spmem:s3] =	stream.indirect.scatter.add.f32 [tilespmem:s20], [sflag:$0x9], $0x40, s5, s14, $0xb8;
	[tilespmem:$0x15220] =	vst v63  }
0x6b: {  	_ =	swait.ge [sflag:s19], $0x1400  }
0x6c: {  	[sflag:s19] =	ssyncset.done $0x0  }
0x6d: {  	s22 =	simm.s32 $0x3C0;
	[sflag:s19] =	ssyncadd.s32 $0xFFFFEC00  }
0x6e: {  	[tilespmem:s18], [sflag:$0x3] =	stream.indirect.gather [hbm4b:s1+s14], $0x40, s22, s14, $0xb8;
	[tilespmem:$0x15220] =	vst v63  }
0x6f: {  	_ =	swait.ge [sflag:s25], $0x1400  }
0x70: {  	[sflag:s25] =	ssyncset.done $0x0  }
0x71: {  	s17 =	simm.s32 $0x640;
	s22 =	simm.s32 $0x29E0;
	[sflag:s25] =	ssyncadd.s32 $0xFFFFEC00  }
.LBB2_2:
0x72: {  	[spmem:s3] =	stream.indirect.scatter.add.f32 [tilespmem:s23], [sflag:$0xA], $0x40, s22, s14, $0xb8;
	[tilespmem:$0x15220] =	vst v63  }
0x73: {  	s22 =	smov.u32 s17  }
0x74: {  	p0 =	sne.s32 s17, $0x8980;
	s17 =	sadd.s32 $0x640, s17;
	_ =	swait.ge [sflag:s30], $0x1400  }
0x75: {  	s22 =	sshra.s32 s22, $0x2;
	[sflag:s30] =	ssyncset.done $0x0  }
0x76: {  	s5 =	sadd.s32 $0x280, s22;
	[sflag:s30] =	ssyncadd.s32 $0xFFFFEC00  }
0x77: {  	[tilespmem:s20], [sflag:$0x4] =	stream.indirect.gather [hbm4b:s1+s14], $0x40, s5, s14, $0xb8;
	[tilespmem:$0x15220] =	vst v63  }
0x78: {  	_ =	swait.ge [sflag:s21], $0x1400  }
0x79: {  	[sflag:s21] =	ssyncset.done $0x0  }
0x7a: {  	s5 =	sadd.s32 $0x28A0, s22;
	[sflag:s21] =	ssyncadd.s32 $0xFFFFEC00  }
0x7b: {  	[spmem:s3] =	stream.indirect.scatter.add.f32 [tilespmem:s15], [sflag:$0x6], $0x40, s5, s14, $0xb8;
	[tilespmem:$0x15220] =	vst v63  }
0x7c: {  	_ =	swait.ge [sflag:s2], $0x1400  }
0x7d: {  	[sflag:s2] =	ssyncset.done $0x0  }
0x7e: {  	s5 =	sadd.s32 $0x2D0, s22;
	[sflag:s2] =	ssyncadd.s32 $0xFFFFEC00  }
0x7f: {  	[tilespmem:s23], [sflag:$0x5] =	stream.indirect.gather [hbm4b:s1+s14], $0x40, s5, s14, $0xb8;
	[tilespmem:$0x15220] =	vst v63  }
0x80: {  	_ =	swait.ge [sflag:s24], $0x1400  }
0x81: {  	[sflag:s24] =	ssyncset.done $0x0  }
0x82: {  	s5 =	sadd.s32 $0x28F0, s22;
	[sflag:s24] =	ssyncadd.s32 $0xFFFFEC00  }
0x83: {  	[spmem:s3] =	stream.indirect.scatter.add.f32 [tilespmem:s16], [sflag:$0x7], $0x40, s5, s14, $0xb8;
	[tilespmem:$0x15220] =	vst v63  }
0x84: {  	_ =	swait.ge [sflag:s26], $0x1400  }
0x85: {  	[sflag:s26] =	ssyncset.done $0x0  }
0x86: {  	s5 =	sadd.s32 $0x320, s22;
	[sflag:s26] =	ssyncadd.s32 $0xFFFFEC00  }
0x87: {  	[tilespmem:s15], [sflag:$0x1] =	stream.indirect.gather [hbm4b:s1+s14], $0x40, s5, s14, $0xb8;
	[tilespmem:$0x15220] =	vst v63  }
0x88: {  	_ =	swait.ge [sflag:s29], $0x1400  }
0x89: {  	[sflag:s29] =	ssyncset.done $0x0  }
0x8a: {  	s5 =	sadd.s32 $0x2940, s22;
	[sflag:s29] =	ssyncadd.s32 $0xFFFFEC00  }
0x8b: {  	[spmem:s3] =	stream.indirect.scatter.add.f32 [tilespmem:s18], [sflag:$0x8], $0x40, s5, s14, $0xb8;
	[tilespmem:$0x15220] =	vst v63  }
0x8c: {  	_ =	swait.ge [sflag:s31], $0x1400  }
0x8d: {  	[sflag:s31] =	ssyncset.done $0x0  }
0x8e: {  	s5 =	sadd.s32 $0x370, s22;
	[sflag:s31] =	ssyncadd.s32 $0xFFFFEC00  }
0x8f: {  	[tilespmem:s16], [sflag:$0x2] =	stream.indirect.gather [hbm4b:s1+s14], $0x40, s5, s14, $0xb8;
	[tilespmem:$0x15220] =	vst v63  }
0x90: {  	_ =	swait.ge [sflag:s0], $0x1400  }
0x91: {  	[sflag:s0] =	ssyncset.done $0x0  }
0x92: {  	s5 =	sadd.s32 $0x2990, s22;
	[sflag:s0] =	ssyncadd.s32 $0xFFFFEC00  }
0x93: {  	[spmem:s3] =	stream.indirect.scatter.add.f32 [tilespmem:s20], [sflag:$0x9], $0x40, s5, s14, $0xb8;
	[tilespmem:$0x15220] =	vst v63  }
0x94: {  	_ =	swait.ge [sflag:s19], $0x1400  }
0x95: {  	[sflag:s19] =	ssyncset.done $0x0  }
.Ltmp0:
0x96: {  	s5 =	sadd.s32 $0x3C0, s22;
	[sflag:s19] =	ssyncadd.s32 $0xFFFFEC00;
	(pc) =	sbr.rel @p0 .LBB2_2-.Ltmp0, $4  }
0x97: {  	[tilespmem:s18], [sflag:$0x3] =	stream.indirect.gather [hbm4b:s1+s14], $0x40, s5, s14, $0xb8;
	[tilespmem:$0x15220] =	vst v63  }
0x98: {  	_ =	swait.ge [sflag:s25], $0x1400  }
0x99: {  	[sflag:s25] =	ssyncset.done $0x0  }
0x9a: {  	s22 =	sadd.s32 $0x29E0, s22;
	[sflag:s25] =	ssyncadd.s32 $0xFFFFEC00  }
0x9b: {  	[spmem:s3] =	stream.indirect.scatter.add.f32 [tilespmem:s23], [sflag:$0xA], $0x40, s22, s14, $0xb8;
	[tilespmem:$0x15220] =	vst v63  }
0x9c: {  	_ =	swait.ge [sflag:s30], $0x1400  }
0x9d: {  	[sflag:s30] =	ssyncset.done $0x0  }
0x9e: {  	s5 =	simm.s32 $0x2670;
	[sflag:s30] =	ssyncadd.s32 $0xFFFFEC00  }
0x9f: {  	[tilespmem:s20], [sflag:$0x4] =	stream.indirect.gather [hbm4b:s1+s14], $0x40, s5, s14, $0xb8;
	[tilespmem:$0x15220] =	vst v63  }
0xa0: {  	_ =	swait.ge [sflag:s21], $0x1400  }
0xa1: {  	[sflag:s21] =	ssyncset.done $0x0  }
0xa2: {  	s22 =	simm.s32 $0x4C90;
	[sflag:s21] =	ssyncadd.s32 $0xFFFFEC00  }
0xa3: {  	[spmem:s3] =	stream.indirect.scatter.add.f32 [tilespmem:s15], [sflag:$0x6], $0x40, s22, s14, $0xb8;
	[tilespmem:$0x15220] =	vst v63  }
0xa4: {  	_ =	swait.ge [sflag:s2], $0x1400  }
0xa5: {  	[sflag:s2] =	ssyncset.done $0x0  }
0xa6: {  	s17 =	simm.s32 $0x26C0;
	[sflag:s2] =	ssyncadd.s32 $0xFFFFEC00  }
0xa7: {  	[tilespmem:s23], [sflag:$0x5] =	stream.indirect.gather [hbm4b:s1+s14], $0x40, s17, s14, $0xb8;
	[tilespmem:$0x15220] =	vst v63  }
0xa8: {  	_ =	swait.ge [sflag:s24], $0x1400  }
0xa9: {  	[sflag:s24] =	ssyncset.done $0x0  }
0xaa: {  	s22 =	simm.s32 $0x4CE0;
	[sflag:s24] =	ssyncadd.s32 $0xFFFFEC00  }
0xab: {  	[spmem:s3] =	stream.indirect.scatter.add.f32 [tilespmem:s16], [sflag:$0x7], $0x40, s22, s14, $0xb8;
	[tilespmem:$0x15220] =	vst v63  }
0xac: {  	_ =	swait.ge [sflag:s29], $0x1400  }
0xad: {  	[sflag:s29] =	ssyncset.done $0x0  }
0xae: {  	s17 =	simm.s32 $0x4D30;
	[sflag:s29] =	ssyncadd.s32 $0xFFFFEC00  }
0xaf: {  	[spmem:s3] =	stream.indirect.scatter.add.f32 [tilespmem:s18], [sflag:$0x8], $0x40, s17, s14, $0xb8;
	[tilespmem:$0x15220] =	vst v63  }
0xb0: {  	_ =	swait.ge [sflag:s0], $0x1400  }
0xb1: {  	[sflag:s0] =	ssyncset.done $0x0  }
0xb2: {  	s22 =	simm.s32 $0x4D80;
	[sflag:s0] =	ssyncadd.s32 $0xFFFFEC00  }
0xb3: {  	[spmem:s3] =	stream.indirect.scatter.add.f32 [tilespmem:s20], [sflag:$0x9], $0x40, s22, s14, $0xb8;
	[tilespmem:$0x15220] =	vst v63  }
0xb4: {  	_ =	swait.ge [sflag:s25], $0x1400  }
0xb5: {  	[sflag:s25] =	ssyncset.done $0x0  }
0xb6: {  	s17 =	simm.s32 $0x4DD0;
	[sflag:s25] =	ssyncadd.s32 $0xFFFFEC00  }
0xb7: {  	[spmem:s3] =	stream.indirect.scatter.add.f32 [tilespmem:s23], [sflag:$0xA], $0x40, s17, s14, $0xb8;
	[tilespmem:$0x15220] =	vst v63  }
0xb8: {  	_ =	swait.ge [sflag:s26], $0x1400  }
0xb9: {  	[sflag:s26] =	ssyncset.done $0x0  }
0xba: {  	[sflag:s26] =	ssyncadd.s32 $0xFFFFEC00  }
0xbb: {  	_ =	swait.ge [sflag:s31], $0x1400  }
0xbc: {  	[sflag:s31] =	ssyncset.done $0x0  }
0xbd: {  	[sflag:s31] =	ssyncadd.s32 $0xFFFFEC00  }
0xbe: {  	_ =	swait.ge [sflag:s19], $0x1400  }
0xbf: {  	[sflag:s19] =	ssyncset.done $0x0  }
0xc0: {  	[sflag:s19] =	ssyncadd.s32 $0xFFFFEC00  }
0xc1: {  	_ =	swait.ge [sflag:s30], $0x1400  }
0xc2: {  	[sflag:s30] =	ssyncset.done $0x0  }
0xc3: {  	[sflag:s30] =	ssyncadd.s32 $0xFFFFEC00  }
0xc4: {  	_ =	swait.ge [sflag:s2], $0x1400  }
0xc5: {  	s28 =	sadd.s32 $0x1, s28;
	[sflag:s2] =	ssyncset.done $0x0  }
0xc6: {  	p0 =	sne.s32 s28, s10;
	[sflag:s2] =	ssyncadd.s32 $0xFFFFEC00  }
.Ltmp1:
0xc7: {  	s22 =	simm.s32 $0x10;
	[bflag:$0x0] =	sbarrier.arrive $0xFFFF;
	(pc) =	sbr.rel @p0 .LBB2_1-.Ltmp1, $4  }
0xc8: {  	[hbm:s9@s22], [sflag:s6] =	dma.strided [spmem:s11@s19], $0x1400, s21, $0x8   }
0xc9: {  	_ =	swait.ge [sflag:s12], $0x1400  }
0xca: {  	[sflag:s12] =	ssyncset.done $0x0  }
0xcb: {  	[sflag:s12] =	ssyncadd.s32 $0xFFFFEC00  }
0xcc: {  	_ =	sfence.sel $0x180000  }
0xcd: {  	[bflag:$0x0] =	sbarrier.arrive $0xFFFF  }
0xce: {  	_ =	strace $0x9000004D  }
0xcf: {  	s0 =	stileid.u32;
	[bflag:$0x2] =	sbarrier.arrive $0xFFFF  }
0xd0: {  	p0 =	sne.s32 s0, $0x0;
	s0 =	rddreg [dreg:$0x3]  }
0xd1: {  	s0 =	sadd.s32 @!p0 $0x100000, s0  }
0xd2: {  	[sflag:s0] =	ssyncadd.tile.s32 @!p0 $0x1;
	_ =	shalt  }
.Lfunc_end2:
_tile_overlayer_lowered:
.L_overlay_start_2:
0xd3: {  	(tag) =	ssettag $0x2  }
0xd4: {  	s0 =	rddreg [dreg:$0x0];
	s2 =	stileid.u32  }
0xd5: {  	s1 =	rddreg [dreg:$0x1];
	p0 =	sne.s32 s2, $0x0  }
0xd6: {  	s3 =	rddreg [dreg:$0x2];
	[bflag:$0x3] =	sbarrier.arrive $0xFFFF;
	s2 =	simm.s32 @!p0 $0x1C0B  }
0xd7: {  	[timem:s3], [sflag:s2] =	dma.local @!p0 [hbm:s0], s1  }
0xd8: {  	s0 =	simm.s32 @!p0 $0xB  }
0xd9: {  	_ =	swait.ge @!p0 [sflag:s0], s1  }
0xda: {  	s1 =	ssub.s32 @!p0 $0x0, s1;
	[sflag:s0] =	ssyncset.done @!p0 $0x0  }
0xdb: {  	[sflag:s0] =	ssyncadd.s32 @!p0 s1  }
0xdc: {  	[bflag:$0x3] =	sbarrier.arrive $0xFFFF  }
0xdd: {  	_ =	shalt  }

// kernel: kernel.9.cloned.1.call-start
scs
__scs_entry_jumppad:
0x0: {  	(pc) =	sbr.rel $0x88, $3  }
0x1: {  	(tag) =	ssettag $0x0;
	lr =	simm.s32 $0x1  }
0x2: {  	[smem:$0x3F99] =	sst lr;
	_ =	strace $0xD0000000  }
0x3: {  	_ = 	snop  }
0x4: {  	_ = 	snop  }
0x5: {  	_ = 	snop  }
0x6: {  	_ = 	snop  }
0x7: {  	_ = 	snop  }
__scs_overlays_trampoline_lowered:
0x8: {  	[smem:$0x3FA8] =	sst s0  }
0x9: {  	[smem:$0x3FA9] =	sst s1  }
0xa: {  	[smem:$0x3FAA] =	sst s2  }
0xb: {  	[smem:$0x3FAB] =	sst s3  }
0xc: {  	[smem:$0x3FAC] =	sst s4  }
0xd: {  	[smem:$0x3FAD] =	sst s5  }
0xe: {  	[smem:$0x3FAE] =	sst s6  }
0xf: {  	[smem:$0x3FAF] =	sst s7  }
0x10: {  	[smem:$0x3FB0] =	sst s8  }
0x11: {  	[smem:$0x3FB1] =	sst s9;
	s0 =	simm.s32 @!p0 $0x0  }
0x12: {  	s1 =	sld [smem:$0x3F97];
	s0 =	simm.s32 @p0 $0x1  }
0x13: {  	[smem:$0x3FB2] =	sst s0;
	s0 =	simm.s32 @!p1 $0x0  }
0x14: {  	s2 =	sld [smem:$0x3F96];
	s0 =	simm.s32 @p1 $0x1  }
0x15: {  	[smem:$0x3FB3] =	sst s0;
	s0 =	simm.s32 @!p2 $0x0  }
0x16: {  	s3 =	sld [smem:$0x3FDB];
	s0 =	simm.s32 @p2 $0x1  }
0x17: {  	s4 =	simm.s32 $0x1BF5;
	[smem:$0x3FB5] =	sst s0  }
0x18: {  	s0 =	sld [smem:$0x3F98];
	_ =	swait.ge [sflag:s4], $0x0  }
0x19: {  	s7 =	sld [smem:$0x3F99]  }
0x1a: {  	s8 =	sadd.s32 $0xFFFFE003, lr  }
0x1b: {  	s9 =	sadd.s32 $0xFFFFFEF7, lr;
	s5 =	simm.s32 $0xFFFFFFFF;
	p2 =	slt.u32 s8, $0xFFFFF086  }
0x1c: {  	p1 =	slt.u32 s9, $0xF7A;
	s5 =	simm.s32 @!p2 $0x0  }
0x1d: {  	s5 =	simm.s32 @p1 $0x1;
	p0 =	seq.s32 s7, s2  }
0x1e: {  	s7 =	smul.u32 @!p0 $0xF7A, s2;
	p2 =	seq.s32 @!p0 s5, $0x0  }
0x1f: {  	s9 =	smul.u32 $0xF7A, s1;
	s8 =	simm.s32 @!p0 $0x1BF5;
	p2 =	por !p2, p0  }
0x20: {  	[sflag:s8] =	ssyncset.s32 @!p0 $0xFFFFF086;
	s6 =	sadd.s32 @!p0 s3, s7;
	s7 =	simm.s32 @!p0 $0x108  }
0x21: {  	s3 =	sadd.s32 s3, s9;
	s6 =	sadd.s32 @!p0 $0x88, s6;
	s7 =	simm.s32 @p2 $0x1082  }
0x22: {  	[simem:s7], [sflag:s8] =	dma.local @!p0 [hbm:s6], $0xF7A  }
0x23: {  	s9 =	sor.u32 $0xD0000000, s2;
	s6 =	simm.s32 $0x108;
	_ =	swait.ge @!p0 [sflag:s8], $0x0  }
0x24: {  	s3 =	sadd.s32 $0x88, s3;
	s6 =	simm.s32 @!p1 $0x1082;
	[sflag:s4] =	ssyncset.s32 $0xFFFFF086  }
0x25: {  	[simem:s6], [sflag:s4] =	dma.local [hbm:s3], $0xF7A  }
0x26: {  	[smem:$0x3F99] =	sst s1;
	(tag) =	ssettag s2;
	_ =	strace s9  }
0x27: {  	s1 =	sld [smem:$0x3FA9]  }
0x28: {  	s2 =	sld [smem:$0x3FAA]  }
0x29: {  	s4 =	sld [smem:$0x3FAC]  }
0x2a: {  	p0 =	seq.s32 s5, $0x0;
	s5 =	sld [smem:$0x3FAD]  }
0x2b: {  	s6 =	sld [smem:$0x3FAE]  }
0x2c: {  	s7 =	sld [smem:$0x3FAF]  }
0x2d: {  	s3 =	simm.s32 $0x108;
	s8 =	sld [smem:$0x3FB0]  }
0x2e: {  	s3 =	simm.s32 @!p0 $0x1082;
	s9 =	sld [smem:$0x3FB1]  }
0x2f: {  	lr =	sadd.s32 s0, s3;
	s0 =	sld [smem:$0x3FA8]  }
0x30: {  	s3 =	sld [smem:$0x3FAB]  }
0x31: {  	[smem:$0x3FB4] =	sst s10  }
0x32: {  	s10 =	sld [smem:$0x3FB2];
	_ =	sdelay $0x3  }
0x33: {  	p0 =	seq.s32 s10, $0x1;
	s10 =	sld [smem:$0x3FB4];
	_ =	sdelay $0x3  }
0x34: {  	[smem:$0x3FB4] =	sst s10  }
0x35: {  	s10 =	sld [smem:$0x3FB3];
	_ =	sdelay $0x3  }
0x36: {  	p1 =	seq.s32 s10, $0x1;
	s10 =	sld [smem:$0x3FB4];
	_ =	sdelay $0x3  }
0x37: {  	[smem:$0x3FB4] =	sst s10  }
0x38: {  	s10 =	sld [smem:$0x3FB5]  }
0x39: {  	_ = 	snop;
	(pc) =	sbr.ind lr, $3  }
0x3a: {  	_ = 	snop  }
0x3b: {  	_ = 	snop  }
0x3c: {  	p2 =	seq.s32 s10, $0x1;
	s10 =	sld [smem:$0x3FB4]  }
0x3d: {  	_ =	shalt  }
0x3e: {  	_ =	shalt  }
0x3f: {  	_ =	shalt  }
0x40: {  	_ =	shalt  }
0x41: {  	_ =	shalt  }
0x42: {  	_ =	shalt  }
0x43: {  	_ =	shalt  }
0x44: {  	_ =	shalt  }
0x45: {  	_ =	shalt  }
0x46: {  	_ =	shalt  }
0x47: {  	_ =	shalt  }
0x48: {  	_ =	shalt  }
0x49: {  	_ =	shalt  }
0x4a: {  	_ =	shalt  }
0x4b: {  	_ =	shalt  }
0x4c: {  	_ =	shalt  }
0x4d: {  	_ =	shalt  }
0x4e: {  	_ =	shalt  }
0x4f: {  	_ =	shalt  }
0x50: {  	_ =	shalt  }
0x51: {  	_ =	shalt  }
0x52: {  	_ =	shalt  }
0x53: {  	_ =	shalt  }
0x54: {  	_ =	shalt  }
0x55: {  	_ =	shalt  }
0x56: {  	_ =	shalt  }
0x57: {  	_ =	shalt  }
0x58: {  	_ =	shalt  }
0x59: {  	_ =	shalt  }
0x5a: {  	_ =	shalt  }
0x5b: {  	_ =	shalt  }
0x5c: {  	_ =	shalt  }
0x5d: {  	_ =	shalt  }
0x5e: {  	_ =	shalt  }
0x5f: {  	_ =	shalt  }
0x60: {  	_ =	shalt  }
0x61: {  	_ =	shalt  }
0x62: {  	_ =	shalt  }
0x63: {  	_ =	shalt  }
0x64: {  	_ =	shalt  }
0x65: {  	_ =	shalt  }
0x66: {  	_ =	shalt  }
0x67: {  	_ =	shalt  }
0x68: {  	_ =	shalt  }
0x69: {  	_ =	shalt  }
0x6a: {  	_ =	shalt  }
0x6b: {  	_ =	shalt  }
0x6c: {  	_ =	shalt  }
0x6d: {  	_ =	shalt  }
0x6e: {  	_ =	shalt  }
0x6f: {  	_ =	shalt  }
0x70: {  	_ =	shalt  }
0x71: {  	_ =	shalt  }
0x72: {  	_ =	shalt  }
0x73: {  	_ =	shalt  }
0x74: {  	_ =	shalt  }
0x75: {  	_ =	shalt  }
0x76: {  	_ =	shalt  }
0x77: {  	_ =	shalt  }
0x78: {  	_ =	shalt  }
0x79: {  	_ =	shalt  }
0x7a: {  	_ =	shalt  }
0x7b: {  	_ =	shalt  }
0x7c: {  	_ =	shalt  }
0x7d: {  	_ =	shalt  }
0x7e: {  	_ =	shalt  }
0x7f: {  	_ =	shalt  }
0x80: {  	_ =	shalt  }
0x81: {  	_ =	shalt  }
0x82: {  	_ =	shalt  }
0x83: {  	_ =	shalt  }
0x84: {  	_ =	shalt  }
0x85: {  	_ =	shalt  }
0x86: {  	_ =	shalt  }
0x87: {  	_ =	shalt  }
.Lfunc_end0:
.L_simem_size_0:
called_computation_lowered:
.L_overlay_start_0:
0x88: {  	s2 =	sld [smem:$0x3FD9]  }
0x89: {  	s3 =	sld [smem:$0x3FFE];
	_ =	sdelay $0x1  }
0x8a: {  	s1 =	srdreg.scid  }
0x8b: {  	s0 =	sand.u32 $0x1, s1  }
0x8c: {  	s17 =	sshll.u32 s0, $0xA;
	s2 =	sadd.s32 s3, s2  }
0x8d: {  	s2 =	sadd.s32 s2, s17  }
0x8e: {  	[smem:$0x3FC0] =	sst s2  }
0x8f: {  	_ = 	snop  }
0x90: {  	s2 =	sld [smem:$0x3FD0];
	(tm) =	ssettm $0x1  }
0x91: {  	s18 =	sld [smem:$0x3FFB];
	_ =	sdelay $0x3  }
0x92: {  	_ =	strace s18  }
0x93: {  	s3 =	sld [smem:$0x3FFC];
	_ =	sdelay $0x3  }
0x94: {  	_ =	strace s3  }
0x95: {  	s3 =	sld [smem:$0x3FFD];
	_ =	sdelay $0x3  }
0x96: {  	_ =	strace s3  }
0x97: {  	_ =	strace $0x8FFFFFFF  }
0x98: {  	s19 =	sld [smem:$0x3FDB];
	_ =	sdelay $0x1  }
0x99: {  	s4 =	simm.s32 $_scs_section_size  }
0x9a: {  	s5 =	simm.s32 $_size__tile_overlayer_lowered;
	s6 =	simm.s32 $_tile_overlayer_lowered  }
0x9b: {  	s22 =	simm.s32 $0x1BFF;
	s21 =	sshll.u32 s6, $0x1;
	s3 =	sadd.s32 s4, s19  }
0x9c: {  	s7 =	simm.s32 $0x0;
	s20 =	sshll.u32 s5, $0x1;
	s5 =	sadd.s32 s21, s3  }
0x9d: {  	[timem:s7], [sflag:s22] =	dma.local [hbm:s5], s20  }
0x9e: {  	_ =	swait.ge [sflag:s22], s20  }
0x9f: {  	s4 =	ssub.s32 $0x0, s20;
	[sflag:s22] =	ssyncset.done $0x0  }
0xa0: {  	[sflag:s22] =	ssyncadd.s32 s4;
	_ =	sdelay $0x1  }
0xa1: {  	s23 =	simm.s32 $0x1B8B  }
0xa2: {  	_ =	swait.ge [sflag:s23], $0x1  }
0xa3: {  	[sflag:s23] =	ssyncset.done $0x0  }
0xa4: {  	s25 =	simm.s32 $0x1B8E;
	s24 =	sld [smem:$0x3FFE];
	[sflag:s23] =	ssyncadd.s32 $0xFFFFFFFF  }
0xa5: {  	s26 =	simm.s32 $execute0_lowered;
	[smem:$0x3FD2] =	sst s25  }
0xa6: {  	s5 =	sshll.u32 s26, $0x1;
	_ =	strace $0x80000046;
	[dreg:$0x1] =	wrdreg $0xFFFFFFFF  }
0xa7: {  	s28 =	simm.s32 $_size_execute0_lowered;
	s3 =	sadd.s32 s3, s5;
	[dreg:$0x0] =	wrdreg $0x0  }
0xa8: {  	s5 =	sshll.u32 s28, $0x1;
	[dreg:$0x2] =	wrdreg s3  }
0xa9: {  	[dreg:$0x3] =	wrdreg s5  }
0xaa: {  	[dreg:$0x4] =	wrdreg $0xC0  }
0xab: {  	_ =	task [dreg:s7], $0x5FFFF  }
0xac: {  	[dreg:$0x1] =	wrdreg $0xFFFFFFFF  }
0xad: {  	[dreg:$0x0] =	wrdreg $0x60  }
0xae: {  	[dreg:$0x2] =	wrdreg s24  }
0xaf: {  	[dreg:$0x3] =	wrdreg s2  }
0xb0: {  	[dreg:$0x4] =	wrdreg $0x29900  }
0xb1: {  	[dreg:$0x5] =	wrdreg $0x9  }
0xb2: {  	_ =	task.clear_ibuf [dreg:s7], $0x6FFFF;
	_ =	strace $0x90000046  }
0xb3: {  	s29 =	simm.s32 $0x9;
	_ =	strace $0x80000048  }
0xb4: {  	_ =	swait.ge [sflag:s29], $0x1  }
0xb5: {  	[sflag:s29] =	ssyncadd.s32 $0xFFFFFFFF  }
0xb6: {  	_ =	strace $0x90000048  }
0xb7: {  	_ =	sfence  }
0xb8: {  	s30 =	sld [smem:$0x0];
	_ =	sdelay $0x2  }
0xb9: {  	s31 =	sshll.u32 s1, $0xD;
	s1 =	sshrl.u32 s1, $0x2  }
0xba: {  	s3 =	sand.u32 $0x4000, s31;
	s1 =	sadd.s32 s1, s30  }
0xbb: {  	s0 =	sor.u32 s3, s0;
	s1 =	sshll.u32 s1, $0x11  }
0xbc: {  	s0 =	sor.u32 s1, s0  }
0xbd: {  	s0 =	sadd.s32 $0x8F2B, s0  }
0xbe: {  	[sflag:s0] =	ssyncadd.remote.s32 $0x1  }
0xbf: {  	_ =	sfence.sel $0xFFFF  }
0xc0: {  	[dreg:$0x0] =	wrdreg $0xFFFFFFFF;
	(pc) =	sbr.abs _section_cstart, $3  }
0xc1: {  	[dreg:$0x1] =	wrdreg $0xFFFFFFFF  }
0xc2: {  	_ =	task.clear_ibuf [dreg:s7], $0x2FFFF;
	_ =	strace $0x9FFFFFFF  }
0xc3: {  	(tm) =	ssettm $0x7FFFFFFF  }
tec
execute0_lowered:
.L_overlay_start_1:
0x0: {  	(tag) =	ssettag $0x1  }
0x1: {  	s5 =	rddreg [dreg:$0x0]  }
0x2: {  	s1 =	srdreg.scid;
	s6 =	rddreg [dreg:$0x1]  }
0x3: {  	s0 =	stileid.u32;
	s2 =	rddreg [dreg:$0x2]  }
0x4: {  	s3 =	simm.s32 $0x0;
	s13 =	simm.s32 $0x50;
	s14 =	simm.s32 $0x1  }
0x5: {  	s15 =	simm.s32 $0x10;
	s16 =	simm.s32 $0x0;
	s4 =	smul.u32 $0x4E20, s0  }
0x6: {  	s7 =	sand.u32 $0x1, s1;
	s1 =	rddreg [dreg:$0x3];
	s10 =	smul.u32 $0x1400, s0  }
0x7: {  	[smem:$0x7FF] =	sst s3;
	s12 =	smul.u32 $0x2800, s0;
	s30 =	sshll.u32 s0, $0x6  }
0x8: {  	s8 =	smul.u32 $0x2710, s7;
	_ =	strace $0x80000047;
	s9 =	ssub.s32 $0x2, s7  }
0x9: {  	s11 =	sadd.s32 s7, s5;
	s28 =	sshrl.u32 s9, $0x1;
	s29 =	sshrl.u32 s10, $0x3  }
0xa: {  	s10 =	sadd.s32 s10, s2;
	s31 =	sadd.s32 s12, s11;
	s11 =	simm.s32 $0x2  }
0xb: {  	s12 =	simm.s32 $0x2710;
	s4 =	sadd.s32 s8, s4;
	s9 =	ssub.s32 s9, s28  }
0xc: {  	s8 =	sadd.s32 $0x17E00, s31;
	s10 =	sshrl.u32 s10, $0x3;
	s4 =	sshrl.u32 s4, $0x3  }
0xd: {  	s9 =	smax.u32 s9, $0x1;
	s26 =	sadd.s32 s4, s5;
	s4 =	sadd.s32 $0x17C00, s5  }
0xe: {  	s5 =	sadd.s32 s6, s29;
	s6 =	sor.u32 $0x1C02, s30;
	s7 =	sadd.s32 $0x4000, s26  }
.LBB2_1:
0xf: {  	[spmem:s10], [sflag:s6] =	dma.local [hbm:s5], $0x280  }
0x10: {  	_ =	swait.ge [sflag:s11], $0x280  }
0x11: {  	[sflag:s11] =	ssyncset.done $0x0  }
0x12: {  	[sflag:s11] =	ssyncadd.s32 $0xFFFFFD80  }
0x13: {  	[tilespmem:s12], [sflag:$0x2] =	stream.linear.gather [hbm4b:s4+s3], $0x280, $0x38;
	[tilespmem:$0x3D90] =	vst v63  }
0x14: {  	_ =	swait.ge [sflag:s11], $0x280  }
0x15: {  	[sflag:s11] =	ssyncset.done $0x0  }
0x16: {  	[sflag:s11] =	ssyncadd.s32 $0xFFFFFD80  }
0x17: {  	[tilespmem:s3], [sflag:$0x2] =	stream.linear.gather [hbm4b:s7+s3], $0x2710, $0x38;
	[tilespmem:$0x3D90] =	vst v63  }
0x18: {  	_ =	swait.ge [sflag:s11], $0x2710  }
0x19: {  	[sflag:s11] =	ssyncset.done $0x0  }
0x1a: {  	[sflag:s11] =	ssyncadd.s32 $0xFFFFD8F0  }
0x1b: {  	s17 =	simm.s32 $0x0;
	[bflag:$0x0] =	sbarrier.arrive $0xFFFF  }
0x1c: {  	[spmem:s2] =	stream.indirect.scatter.add.f32 [tilespmem:s12], [sflag:$0x1], $0x8, s17, s13, $0xb8;
	[tilespmem:$0x3D90] =	vst v63  }
0x1d: {  	s20 =	simm.s32 $0x50  }
0x1e: {  	[spmem:s2] =	stream.indirect.scatter.add.f32 [tilespmem:s12], [sflag:$0x1], $0x8, s20, s13, $0xb8;
	[tilespmem:$0x3D90] =	vst v63  }
0x1f: {  	s21 =	simm.s32 $0xA0  }
0x20: {  	[spmem:s2] =	stream.indirect.scatter.add.f32 [tilespmem:s12], [sflag:$0x1], $0x8, s21, s13, $0xb8;
	[tilespmem:$0x3D90] =	vst v63  }
0x21: {  	s22 =	simm.s32 $0xF0  }
0x22: {  	[spmem:s2] =	stream.indirect.scatter.add.f32 [tilespmem:s12], [sflag:$0x1], $0x8, s22, s13, $0xb8;
	[tilespmem:$0x3D90] =	vst v63  }
0x23: {  	s23 =	simm.s32 $0x140  }
0x24: {  	[spmem:s2] =	stream.indirect.scatter.add.f32 [tilespmem:s12], [sflag:$0x1], $0x8, s23, s13, $0xb8;
	[tilespmem:$0x3D90] =	vst v63  }
0x25: {  	s24 =	simm.s32 $0x190  }
0x26: {  	[spmem:s2] =	stream.indirect.scatter.add.f32 [tilespmem:s12], [sflag:$0x1], $0x8, s24, s13, $0xb8;
	[tilespmem:$0x3D90] =	vst v63  }
0x27: {  	s25 =	simm.s32 $0x1E0  }
0x28: {  	[spmem:s2] =	stream.indirect.scatter.add.f32 [tilespmem:s12], [sflag:$0x1], $0x8, s25, s13, $0xb8;
	[tilespmem:$0x3D90] =	vst v63  }
0x29: {  	s26 =	simm.s32 $0x230  }
0x2a: {  	[spmem:s2] =	stream.indirect.scatter.add.f32 [tilespmem:s12], [sflag:$0x1], $0x8, s26, s13, $0xb8;
	[tilespmem:$0x3D90] =	vst v63  }
0x2b: {  	s28 =	simm.s32 $0x280  }
0x2c: {  	[spmem:s2] =	stream.indirect.scatter.add.f32 [tilespmem:s12], [sflag:$0x1], $0x8, s28, s13, $0xb8;
	[tilespmem:$0x3D90] =	vst v63  }
0x2d: {  	s29 =	simm.s32 $0x2D0  }
0x2e: {  	[spmem:s2] =	stream.indirect.scatter.add.f32 [tilespmem:s12], [sflag:$0x1], $0x8, s29, s13, $0xb8;
	[tilespmem:$0x3D90] =	vst v63  }
0x2f: {  	s30 =	simm.s32 $0x320  }
0x30: {  	[spmem:s2] =	stream.indirect.scatter.add.f32 [tilespmem:s12], [sflag:$0x1], $0x8, s30, s13, $0xb8;
	[tilespmem:$0x3D90] =	vst v63  }
0x31: {  	s31 =	simm.s32 $0x370  }
0x32: {  	[spmem:s2] =	stream.indirect.scatter.add.f32 [tilespmem:s12], [sflag:$0x1], $0x8, s31, s13, $0xb8;
	[tilespmem:$0x3D90] =	vst v63  }
0x33: {  	s18 =	simm.s32 $0x3C0  }
0x34: {  	[spmem:s2] =	stream.indirect.scatter.add.f32 [tilespmem:s12], [sflag:$0x1], $0x8, s18, s13, $0xb8;
	[tilespmem:$0x3D90] =	vst v63  }
0x35: {  	s19 =	simm.s32 $0x410  }
0x36: {  	[spmem:s2] =	stream.indirect.scatter.add.f32 [tilespmem:s12], [sflag:$0x1], $0x8, s19, s13, $0xb8;
	[tilespmem:$0x3D90] =	vst v63  }
0x37: {  	s20 =	simm.s32 $0x460  }
0x38: {  	[spmem:s2] =	stream.indirect.scatter.add.f32 [tilespmem:s12], [sflag:$0x1], $0x8, s20, s13, $0xb8;
	[tilespmem:$0x3D90] =	vst v63  }
0x39: {  	s21 =	simm.s32 $0x4B0  }
0x3a: {  	[spmem:s2] =	stream.indirect.scatter.add.f32 [tilespmem:s12], [sflag:$0x1], $0x8, s21, s13, $0xb8;
	[tilespmem:$0x3D90] =	vst v63  }
0x3b: {  	s22 =	simm.s32 $0x500  }
0x3c: {  	[spmem:s2] =	stream.indirect.scatter.add.f32 [tilespmem:s12], [sflag:$0x1], $0x8, s22, s13, $0xb8;
	[tilespmem:$0x3D90] =	vst v63  }
0x3d: {  	s23 =	simm.s32 $0x550  }
0x3e: {  	[spmem:s2] =	stream.indirect.scatter.add.f32 [tilespmem:s12], [sflag:$0x1], $0x8, s23, s13, $0xb8;
	[tilespmem:$0x3D90] =	vst v63  }
0x3f: {  	s24 =	simm.s32 $0x5A0  }
0x40: {  	[spmem:s2] =	stream.indirect.scatter.add.f32 [tilespmem:s12], [sflag:$0x1], $0x8, s24, s13, $0xb8;
	[tilespmem:$0x3D90] =	vst v63  }
0x41: {  	s25 =	simm.s32 $0x5F0  }
0x42: {  	[spmem:s2] =	stream.indirect.scatter.add.f32 [tilespmem:s12], [sflag:$0x1], $0x8, s25, s13, $0xb8;
	[tilespmem:$0x3D90] =	vst v63  }
0x43: {  	s26 =	simm.s32 $0x640  }
0x44: {  	[spmem:s2] =	stream.indirect.scatter.add.f32 [tilespmem:s12], [sflag:$0x1], $0x8, s26, s13, $0xb8;
	[tilespmem:$0x3D90] =	vst v63  }
0x45: {  	s28 =	simm.s32 $0x690  }
0x46: {  	[spmem:s2] =	stream.indirect.scatter.add.f32 [tilespmem:s12], [sflag:$0x1], $0x8, s28, s13, $0xb8;
	[tilespmem:$0x3D90] =	vst v63  }
0x47: {  	s29 =	simm.s32 $0x6E0  }
0x48: {  	[spmem:s2] =	stream.indirect.scatter.add.f32 [tilespmem:s12], [sflag:$0x1], $0x8, s29, s13, $0xb8;
	[tilespmem:$0x3D90] =	vst v63  }
0x49: {  	s30 =	simm.s32 $0x730  }
0x4a: {  	[spmem:s2] =	stream.indirect.scatter.add.f32 [tilespmem:s12], [sflag:$0x1], $0x8, s30, s13, $0xb8;
	[tilespmem:$0x3D90] =	vst v63  }
0x4b: {  	s31 =	simm.s32 $0x780  }
0x4c: {  	[spmem:s2] =	stream.indirect.scatter.add.f32 [tilespmem:s12], [sflag:$0x1], $0x8, s31, s13, $0xb8;
	[tilespmem:$0x3D90] =	vst v63  }
0x4d: {  	_ =	swait.ge [sflag:s14], $0x280  }
0x4e: {  	[sflag:s14] =	ssyncset.done $0x0  }
0x4f: {  	[sflag:s14] =	ssyncadd.s32 $0xFFFFFD80  }
0x50: {  	_ =	swait.ge [sflag:s14], $0x280  }
0x51: {  	[sflag:s14] =	ssyncset.done $0x0  }
0x52: {  	[sflag:s14] =	ssyncadd.s32 $0xFFFFFD80  }
0x53: {  	_ =	swait.ge [sflag:s14], $0x280  }
0x54: {  	[sflag:s14] =	ssyncset.done $0x0  }
0x55: {  	[sflag:s14] =	ssyncadd.s32 $0xFFFFFD80  }
0x56: {  	_ =	swait.ge [sflag:s14], $0x280  }
0x57: {  	[sflag:s14] =	ssyncset.done $0x0  }
0x58: {  	[sflag:s14] =	ssyncadd.s32 $0xFFFFFD80  }
0x59: {  	_ =	swait.ge [sflag:s14], $0x280  }
0x5a: {  	[sflag:s14] =	ssyncset.done $0x0  }
0x5b: {  	[sflag:s14] =	ssyncadd.s32 $0xFFFFFD80  }
0x5c: {  	_ =	swait.ge [sflag:s14], $0x280  }
0x5d: {  	[sflag:s14] =	ssyncset.done $0x0  }
0x5e: {  	[sflag:s14] =	ssyncadd.s32 $0xFFFFFD80  }
0x5f: {  	_ =	swait.ge [sflag:s14], $0x280  }
0x60: {  	[sflag:s14] =	ssyncset.done $0x0  }
0x61: {  	[sflag:s14] =	ssyncadd.s32 $0xFFFFFD80  }
0x62: {  	_ =	swait.ge [sflag:s14], $0x280  }
0x63: {  	[sflag:s14] =	ssyncset.done $0x0  }
0x64: {  	[sflag:s14] =	ssyncadd.s32 $0xFFFFFD80  }
0x65: {  	_ =	swait.ge [sflag:s14], $0x280  }
0x66: {  	[sflag:s14] =	ssyncset.done $0x0  }
0x67: {  	[sflag:s14] =	ssyncadd.s32 $0xFFFFFD80  }
0x68: {  	_ =	swait.ge [sflag:s14], $0x280  }
0x69: {  	[sflag:s14] =	ssyncset.done $0x0  }
0x6a: {  	[sflag:s14] =	ssyncadd.s32 $0xFFFFFD80  }
0x6b: {  	_ =	swait.ge [sflag:s14], $0x280  }
0x6c: {  	[sflag:s14] =	ssyncset.done $0x0  }
0x6d: {  	[sflag:s14] =	ssyncadd.s32 $0xFFFFFD80  }
0x6e: {  	_ =	swait.ge [sflag:s14], $0x280  }
0x6f: {  	[sflag:s14] =	ssyncset.done $0x0  }
0x70: {  	[sflag:s14] =	ssyncadd.s32 $0xFFFFFD80  }
0x71: {  	_ =	swait.ge [sflag:s14], $0x280  }
0x72: {  	[sflag:s14] =	ssyncset.done $0x0  }
0x73: {  	[sflag:s14] =	ssyncadd.s32 $0xFFFFFD80  }
0x74: {  	_ =	swait.ge [sflag:s14], $0x280  }
0x75: {  	[sflag:s14] =	ssyncset.done $0x0  }
0x76: {  	[sflag:s14] =	ssyncadd.s32 $0xFFFFFD80  }
0x77: {  	_ =	swait.ge [sflag:s14], $0x280  }
0x78: {  	[sflag:s14] =	ssyncset.done $0x0  }
0x79: {  	[sflag:s14] =	ssyncadd.s32 $0xFFFFFD80  }
0x7a: {  	_ =	swait.ge [sflag:s14], $0x280  }
0x7b: {  	[sflag:s14] =	ssyncset.done $0x0  }
0x7c: {  	[sflag:s14] =	ssyncadd.s32 $0xFFFFFD80  }
0x7d: {  	_ =	swait.ge [sflag:s14], $0x280  }
0x7e: {  	[sflag:s14] =	ssyncset.done $0x0  }
0x7f: {  	[sflag:s14] =	ssyncadd.s32 $0xFFFFFD80  }
0x80: {  	_ =	swait.ge [sflag:s14], $0x280  }
0x81: {  	[sflag:s14] =	ssyncset.done $0x0  }
0x82: {  	[sflag:s14] =	ssyncadd.s32 $0xFFFFFD80  }
0x83: {  	_ =	swait.ge [sflag:s14], $0x280  }
0x84: {  	[sflag:s14] =	ssyncset.done $0x0  }
0x85: {  	[sflag:s14] =	ssyncadd.s32 $0xFFFFFD80  }
0x86: {  	_ =	swait.ge [sflag:s14], $0x280  }
0x87: {  	[sflag:s14] =	ssyncset.done $0x0  }
0x88: {  	[sflag:s14] =	ssyncadd.s32 $0xFFFFFD80  }
0x89: {  	_ =	swait.ge [sflag:s14], $0x280  }
0x8a: {  	[sflag:s14] =	ssyncset.done $0x0  }
0x8b: {  	[sflag:s14] =	ssyncadd.s32 $0xFFFFFD80  }
0x8c: {  	_ =	swait.ge [sflag:s14], $0x280  }
0x8d: {  	[sflag:s14] =	ssyncset.done $0x0  }
0x8e: {  	[sflag:s14] =	ssyncadd.s32 $0xFFFFFD80  }
0x8f: {  	_ =	swait.ge [sflag:s14], $0x280  }
0x90: {  	[sflag:s14] =	ssyncset.done $0x0  }
0x91: {  	[sflag:s14] =	ssyncadd.s32 $0xFFFFFD80  }
0x92: {  	_ =	swait.ge [sflag:s14], $0x280  }
0x93: {  	[sflag:s14] =	ssyncset.done $0x0  }
0x94: {  	[sflag:s14] =	ssyncadd.s32 $0xFFFFFD80  }
0x95: {  	_ =	swait.ge [sflag:s14], $0x280  }
0x96: {  	s17 =	simm.s32 $0x1F40;
	s20 =	simm.s32 $0x3E80;
	[sflag:s14] =	ssyncset.done $0x0  }
.LBB2_2:
0x97: {  	s19 =	sshra.s32 s17, $0x2  }
0x98: {  	[sflag:s14] =	ssyncadd.s32 $0xFFFFFD80;
	s17 =	smov.u32 s20;
	s18 =	sadd.s32 $0x1F40, s20  }
0x99: {  	[spmem:s2] =	stream.indirect.scatter.add.f32 [tilespmem:s12], [sflag:$0x1], $0x8, s19, s13, $0xb8;
	[tilespmem:$0x3D90] =	vst v63  }
0x9a: {  	p0 =	sne.s32 s20, $0x7D00;
	s20 =	sadd.s32 $0x50, s19  }
0x9b: {  	[spmem:s2] =	stream.indirect.scatter.add.f32 [tilespmem:s12], [sflag:$0x1], $0x8, s20, s13, $0xb8;
	[tilespmem:$0x3D90] =	vst v63  }
0x9c: {  	s20 =	sadd.s32 $0xA0, s19  }
0x9d: {  	[spmem:s2] =	stream.indirect.scatter.add.f32 [tilespmem:s12], [sflag:$0x1], $0x8, s20, s13, $0xb8;
	[tilespmem:$0x3D90] =	vst v63  }
0x9e: {  	s20 =	sadd.s32 $0xF0, s19  }
0x9f: {  	[spmem:s2] =	stream.indirect.scatter.add.f32 [tilespmem:s12], [sflag:$0x1], $0x8, s20, s13, $0xb8;
	[tilespmem:$0x3D90] =	vst v63  }
0xa0: {  	s20 =	sadd.s32 $0x140, s19  }
0xa1: {  	[spmem:s2] =	stream.indirect.scatter.add.f32 [tilespmem:s12], [sflag:$0x1], $0x8, s20, s13, $0xb8;
	[tilespmem:$0x3D90] =	vst v63  }
0xa2: {  	s20 =	sadd.s32 $0x190, s19  }
0xa3: {  	[spmem:s2] =	stream.indirect.scatter.add.f32 [tilespmem:s12], [sflag:$0x1], $0x8, s20, s13, $0xb8;
	[tilespmem:$0x3D90] =	vst v63  }
0xa4: {  	s20 =	sadd.s32 $0x1E0, s19  }
0xa5: {  	[spmem:s2] =	stream.indirect.scatter.add.f32 [tilespmem:s12], [sflag:$0x1], $0x8, s20, s13, $0xb8;
	[tilespmem:$0x3D90] =	vst v63  }
0xa6: {  	s20 =	sadd.s32 $0x230, s19  }
0xa7: {  	[spmem:s2] =	stream.indirect.scatter.add.f32 [tilespmem:s12], [sflag:$0x1], $0x8, s20, s13, $0xb8;
	[tilespmem:$0x3D90] =	vst v63  }
0xa8: {  	s20 =	sadd.s32 $0x280, s19  }
0xa9: {  	[spmem:s2] =	stream.indirect.scatter.add.f32 [tilespmem:s12], [sflag:$0x1], $0x8, s20, s13, $0xb8;
	[tilespmem:$0x3D90] =	vst v63  }
0xaa: {  	s20 =	sadd.s32 $0x2D0, s19  }
0xab: {  	[spmem:s2] =	stream.indirect.scatter.add.f32 [tilespmem:s12], [sflag:$0x1], $0x8, s20, s13, $0xb8;
	[tilespmem:$0x3D90] =	vst v63  }
0xac: {  	s20 =	sadd.s32 $0x320, s19  }
0xad: {  	[spmem:s2] =	stream.indirect.scatter.add.f32 [tilespmem:s12], [sflag:$0x1], $0x8, s20, s13, $0xb8;
	[tilespmem:$0x3D90] =	vst v63  }
0xae: {  	s20 =	sadd.s32 $0x370, s19  }
0xaf: {  	[spmem:s2] =	stream.indirect.scatter.add.f32 [tilespmem:s12], [sflag:$0x1], $0x8, s20, s13, $0xb8;
	[tilespmem:$0x3D90] =	vst v63  }
0xb0: {  	s20 =	sadd.s32 $0x3C0, s19  }
0xb1: {  	[spmem:s2] =	stream.indirect.scatter.add.f32 [tilespmem:s12], [sflag:$0x1], $0x8, s20, s13, $0xb8;
	[tilespmem:$0x3D90] =	vst v63  }
0xb2: {  	s20 =	sadd.s32 $0x410, s19  }
0xb3: {  	[spmem:s2] =	stream.indirect.scatter.add.f32 [tilespmem:s12], [sflag:$0x1], $0x8, s20, s13, $0xb8;
	[tilespmem:$0x3D90] =	vst v63  }
0xb4: {  	s20 =	sadd.s32 $0x460, s19  }
0xb5: {  	[spmem:s2] =	stream.indirect.scatter.add.f32 [tilespmem:s12], [sflag:$0x1], $0x8, s20, s13, $0xb8;
	[tilespmem:$0x3D90] =	vst v63  }
0xb6: {  	s20 =	sadd.s32 $0x4B0, s19  }
0xb7: {  	[spmem:s2] =	stream.indirect.scatter.add.f32 [tilespmem:s12], [sflag:$0x1], $0x8, s20, s13, $0xb8;
	[tilespmem:$0x3D90] =	vst v63  }
0xb8: {  	s20 =	sadd.s32 $0x500, s19  }
0xb9: {  	[spmem:s2] =	stream.indirect.scatter.add.f32 [tilespmem:s12], [sflag:$0x1], $0x8, s20, s13, $0xb8;
	[tilespmem:$0x3D90] =	vst v63  }
0xba: {  	s20 =	sadd.s32 $0x550, s19  }
0xbb: {  	[spmem:s2] =	stream.indirect.scatter.add.f32 [tilespmem:s12], [sflag:$0x1], $0x8, s20, s13, $0xb8;
	[tilespmem:$0x3D90] =	vst v63  }
0xbc: {  	s20 =	sadd.s32 $0x5A0, s19  }
0xbd: {  	[spmem:s2] =	stream.indirect.scatter.add.f32 [tilespmem:s12], [sflag:$0x1], $0x8, s20, s13, $0xb8;
	[tilespmem:$0x3D90] =	vst v63  }
0xbe: {  	s20 =	sadd.s32 $0x5F0, s19  }
0xbf: {  	[spmem:s2] =	stream.indirect.scatter.add.f32 [tilespmem:s12], [sflag:$0x1], $0x8, s20, s13, $0xb8;
	[tilespmem:$0x3D90] =	vst v63  }
0xc0: {  	s20 =	sadd.s32 $0x640, s19  }
0xc1: {  	[spmem:s2] =	stream.indirect.scatter.add.f32 [tilespmem:s12], [sflag:$0x1], $0x8, s20, s13, $0xb8;
	[tilespmem:$0x3D90] =	vst v63  }
0xc2: {  	s20 =	sadd.s32 $0x690, s19  }
0xc3: {  	[spmem:s2] =	stream.indirect.scatter.add.f32 [tilespmem:s12], [sflag:$0x1], $0x8, s20, s13, $0xb8;
	[tilespmem:$0x3D90] =	vst v63  }
0xc4: {  	s20 =	sadd.s32 $0x6E0, s19  }
0xc5: {  	[spmem:s2] =	stream.indirect.scatter.add.f32 [tilespmem:s12], [sflag:$0x1], $0x8, s20, s13, $0xb8;
	[tilespmem:$0x3D90] =	vst v63  }
0xc6: {  	s20 =	sadd.s32 $0x730, s19  }
0xc7: {  	[spmem:s2] =	stream.indirect.scatter.add.f32 [tilespmem:s12], [sflag:$0x1], $0x8, s20, s13, $0xb8;
	[tilespmem:$0x3D90] =	vst v63  }
0xc8: {  	s19 =	sadd.s32 $0x780, s19  }
0xc9: {  	[spmem:s2] =	stream.indirect.scatter.add.f32 [tilespmem:s12], [sflag:$0x1], $0x8, s19, s13, $0xb8;
	[tilespmem:$0x3D90] =	vst v63  }
0xca: {  	_ =	swait.ge [sflag:s14], $0x280  }
0xcb: {  	[sflag:s14] =	ssyncset.done $0x0  }
0xcc: {  	[sflag:s14] =	ssyncadd.s32 $0xFFFFFD80  }
0xcd: {  	_ =	swait.ge [sflag:s14], $0x280  }
0xce: {  	[sflag:s14] =	ssyncset.done $0x0  }
0xcf: {  	[sflag:s14] =	ssyncadd.s32 $0xFFFFFD80  }
0xd0: {  	_ =	swait.ge [sflag:s14], $0x280  }
0xd1: {  	[sflag:s14] =	ssyncset.done $0x0  }
0xd2: {  	[sflag:s14] =	ssyncadd.s32 $0xFFFFFD80  }
0xd3: {  	_ =	swait.ge [sflag:s14], $0x280  }
0xd4: {  	[sflag:s14] =	ssyncset.done $0x0  }
0xd5: {  	[sflag:s14] =	ssyncadd.s32 $0xFFFFFD80  }
0xd6: {  	_ =	swait.ge [sflag:s14], $0x280  }
0xd7: {  	[sflag:s14] =	ssyncset.done $0x0  }
0xd8: {  	[sflag:s14] =	ssyncadd.s32 $0xFFFFFD80  }
0xd9: {  	_ =	swait.ge [sflag:s14], $0x280  }
0xda: {  	[sflag:s14] =	ssyncset.done $0x0  }
0xdb: {  	[sflag:s14] =	ssyncadd.s32 $0xFFFFFD80  }
0xdc: {  	_ =	swait.ge [sflag:s14], $0x280  }
0xdd: {  	[sflag:s14] =	ssyncset.done $0x0  }
0xde: {  	[sflag:s14] =	ssyncadd.s32 $0xFFFFFD80  }
0xdf: {  	_ =	swait.ge [sflag:s14], $0x280  }
0xe0: {  	[sflag:s14] =	ssyncset.done $0x0  }
0xe1: {  	[sflag:s14] =	ssyncadd.s32 $0xFFFFFD80  }
0xe2: {  	_ =	swait.ge [sflag:s14], $0x280  }
0xe3: {  	[sflag:s14] =	ssyncset.done $0x0  }
0xe4: {  	[sflag:s14] =	ssyncadd.s32 $0xFFFFFD80  }
0xe5: {  	_ =	swait.ge [sflag:s14], $0x280  }
0xe6: {  	[sflag:s14] =	ssyncset.done $0x0  }
0xe7: {  	[sflag:s14] =	ssyncadd.s32 $0xFFFFFD80  }
0xe8: {  	_ =	swait.ge [sflag:s14], $0x280  }
0xe9: {  	[sflag:s14] =	ssyncset.done $0x0  }
0xea: {  	[sflag:s14] =	ssyncadd.s32 $0xFFFFFD80  }
0xeb: {  	_ =	swait.ge [sflag:s14], $0x280  }
0xec: {  	[sflag:s14] =	ssyncset.done $0x0  }
0xed: {  	[sflag:s14] =	ssyncadd.s32 $0xFFFFFD80  }
0xee: {  	_ =	swait.ge [sflag:s14], $0x280  }
0xef: {  	[sflag:s14] =	ssyncset.done $0x0  }
0xf0: {  	[sflag:s14] =	ssyncadd.s32 $0xFFFFFD80  }
0xf1: {  	_ =	swait.ge [sflag:s14], $0x280  }
0xf2: {  	[sflag:s14] =	ssyncset.done $0x0  }
0xf3: {  	[sflag:s14] =	ssyncadd.s32 $0xFFFFFD80  }
0xf4: {  	_ =	swait.ge [sflag:s14], $0x280  }
0xf5: {  	[sflag:s14] =	ssyncset.done $0x0  }
0xf6: {  	[sflag:s14] =	ssyncadd.s32 $0xFFFFFD80  }
0xf7: {  	_ =	swait.ge [sflag:s14], $0x280  }
0xf8: {  	[sflag:s14] =	ssyncset.done $0x0  }
0xf9: {  	[sflag:s14] =	ssyncadd.s32 $0xFFFFFD80  }
0xfa: {  	_ =	swait.ge [sflag:s14], $0x280  }
0xfb: {  	[sflag:s14] =	ssyncset.done $0x0  }
0xfc: {  	[sflag:s14] =	ssyncadd.s32 $0xFFFFFD80  }
0xfd: {  	_ =	swait.ge [sflag:s14], $0x280  }
0xfe: {  	[sflag:s14] =	ssyncset.done $0x0  }
0xff: {  	[sflag:s14] =	ssyncadd.s32 $0xFFFFFD80  }
0x100: {  	_ =	swait.ge [sflag:s14], $0x280  }
0x101: {  	[sflag:s14] =	ssyncset.done $0x0  }
0x102: {  	[sflag:s14] =	ssyncadd.s32 $0xFFFFFD80  }
0x103: {  	_ =	swait.ge [sflag:s14], $0x280  }
0x104: {  	[sflag:s14] =	ssyncset.done $0x0  }
0x105: {  	[sflag:s14] =	ssyncadd.s32 $0xFFFFFD80  }
0x106: {  	_ =	swait.ge [sflag:s14], $0x280  }
0x107: {  	[sflag:s14] =	ssyncset.done $0x0  }
0x108: {  	[sflag:s14] =	ssyncadd.s32 $0xFFFFFD80  }
0x109: {  	_ =	swait.ge [sflag:s14], $0x280  }
0x10a: {  	[sflag:s14] =	ssyncset.done $0x0  }
0x10b: {  	[sflag:s14] =	ssyncadd.s32 $0xFFFFFD80  }
0x10c: {  	_ =	swait.ge [sflag:s14], $0x280  }
0x10d: {  	[sflag:s14] =	ssyncset.done $0x0  }
0x10e: {  	[sflag:s14] =	ssyncadd.s32 $0xFFFFFD80  }
.Ltmp0:
0x10f: {  	_ =	swait.ge [sflag:s14], $0x280;
	(pc) =	sbr.rel @p0 .LBB2_2-.Ltmp0, $4  }
0x110: {  	[sflag:s14] =	ssyncset.done $0x0  }
0x111: {  	[sflag:s14] =	ssyncadd.s32 $0xFFFFFD80  }
0x112: {  	_ =	swait.ge [sflag:s14], $0x280  }
0x113: {  	s20 =	smov.u32 s18;
	[sflag:s14] =	ssyncset.done $0x0  }
0x114: {  	s17 =	sshra.s32 s17, $0x2;
	[sflag:s14] =	ssyncadd.s32 $0xFFFFFD80  }
0x115: {  	[spmem:s2] =	stream.indirect.scatter.add.f32 [tilespmem:s12], [sflag:$0x1], $0x8, s17, s13, $0xb8;
	[tilespmem:$0x3D90] =	vst v63  }
0x116: {  	s18 =	sadd.s32 $0x50, s17  }
0x117: {  	[spmem:s2] =	stream.indirect.scatter.add.f32 [tilespmem:s12], [sflag:$0x1], $0x8, s18, s13, $0xb8;
	[tilespmem:$0x3D90] =	vst v63  }
0x118: {  	s21 =	sadd.s32 $0xA0, s17  }
0x119: {  	[spmem:s2] =	stream.indirect.scatter.add.f32 [tilespmem:s12], [sflag:$0x1], $0x8, s21, s13, $0xb8;
	[tilespmem:$0x3D90] =	vst v63  }
0x11a: {  	s22 =	sadd.s32 $0xF0, s17  }
0x11b: {  	[spmem:s2] =	stream.indirect.scatter.add.f32 [tilespmem:s12], [sflag:$0x1], $0x8, s22, s13, $0xb8;
	[tilespmem:$0x3D90] =	vst v63  }
0x11c: {  	s23 =	sadd.s32 $0x140, s17  }
0x11d: {  	[spmem:s2] =	stream.indirect.scatter.add.f32 [tilespmem:s12], [sflag:$0x1], $0x8, s23, s13, $0xb8;
	[tilespmem:$0x3D90] =	vst v63  }
0x11e: {  	s24 =	sadd.s32 $0x190, s17  }
0x11f: {  	[spmem:s2] =	stream.indirect.scatter.add.f32 [tilespmem:s12], [sflag:$0x1], $0x8, s24, s13, $0xb8;
	[tilespmem:$0x3D90] =	vst v63  }
0x120: {  	s25 =	sadd.s32 $0x1E0, s17  }
0x121: {  	[spmem:s2] =	stream.indirect.scatter.add.f32 [tilespmem:s12], [sflag:$0x1], $0x8, s25, s13, $0xb8;
	[tilespmem:$0x3D90] =	vst v63  }
0x122: {  	s26 =	sadd.s32 $0x230, s17  }
0x123: {  	[spmem:s2] =	stream.indirect.scatter.add.f32 [tilespmem:s12], [sflag:$0x1], $0x8, s26, s13, $0xb8;
	[tilespmem:$0x3D90] =	vst v63  }
0x124: {  	s28 =	sadd.s32 $0x280, s17  }
0x125: {  	[spmem:s2] =	stream.indirect.scatter.add.f32 [tilespmem:s12], [sflag:$0x1], $0x8, s28, s13, $0xb8;
	[tilespmem:$0x3D90] =	vst v63  }
0x126: {  	s29 =	sadd.s32 $0x2D0, s17  }
0x127: {  	[spmem:s2] =	stream.indirect.scatter.add.f32 [tilespmem:s12], [sflag:$0x1], $0x8, s29, s13, $0xb8;
	[tilespmem:$0x3D90] =	vst v63  }
0x128: {  	s30 =	sadd.s32 $0x320, s17  }
0x129: {  	[spmem:s2] =	stream.indirect.scatter.add.f32 [tilespmem:s12], [sflag:$0x1], $0x8, s30, s13, $0xb8;
	[tilespmem:$0x3D90] =	vst v63  }
0x12a: {  	s31 =	sadd.s32 $0x370, s17  }
0x12b: {  	[spmem:s2] =	stream.indirect.scatter.add.f32 [tilespmem:s12], [sflag:$0x1], $0x8, s31, s13, $0xb8;
	[tilespmem:$0x3D90] =	vst v63  }
0x12c: {  	s19 =	sadd.s32 $0x3C0, s17  }
0x12d: {  	[spmem:s2] =	stream.indirect.scatter.add.f32 [tilespmem:s12], [sflag:$0x1], $0x8, s19, s13, $0xb8;
	[tilespmem:$0x3D90] =	vst v63  }
0x12e: {  	s20 =	sadd.s32 $0x410, s17  }
0x12f: {  	[spmem:s2] =	stream.indirect.scatter.add.f32 [tilespmem:s12], [sflag:$0x1], $0x8, s20, s13, $0xb8;
	[tilespmem:$0x3D90] =	vst v63  }
0x130: {  	s21 =	sadd.s32 $0x460, s17  }
0x131: {  	[spmem:s2] =	stream.indirect.scatter.add.f32 [tilespmem:s12], [sflag:$0x1], $0x8, s21, s13, $0xb8;
	[tilespmem:$0x3D90] =	vst v63  }
0x132: {  	s22 =	sadd.s32 $0x4B0, s17  }
0x133: {  	[spmem:s2] =	stream.indirect.scatter.add.f32 [tilespmem:s12], [sflag:$0x1], $0x8, s22, s13, $0xb8;
	[tilespmem:$0x3D90] =	vst v63  }
0x134: {  	s23 =	sadd.s32 $0x500, s17  }
0x135: {  	[spmem:s2] =	stream.indirect.scatter.add.f32 [tilespmem:s12], [sflag:$0x1], $0x8, s23, s13, $0xb8;
	[tilespmem:$0x3D90] =	vst v63  }
0x136: {  	s24 =	sadd.s32 $0x550, s17  }
0x137: {  	[spmem:s2] =	stream.indirect.scatter.add.f32 [tilespmem:s12], [sflag:$0x1], $0x8, s24, s13, $0xb8;
	[tilespmem:$0x3D90] =	vst v63  }
0x138: {  	s25 =	sadd.s32 $0x5A0, s17  }
0x139: {  	[spmem:s2] =	stream.indirect.scatter.add.f32 [tilespmem:s12], [sflag:$0x1], $0x8, s25, s13, $0xb8;
	[tilespmem:$0x3D90] =	vst v63  }
0x13a: {  	s26 =	sadd.s32 $0x5F0, s17  }
0x13b: {  	[spmem:s2] =	stream.indirect.scatter.add.f32 [tilespmem:s12], [sflag:$0x1], $0x8, s26, s13, $0xb8;
	[tilespmem:$0x3D90] =	vst v63  }
0x13c: {  	s28 =	sadd.s32 $0x640, s17  }
0x13d: {  	[spmem:s2] =	stream.indirect.scatter.add.f32 [tilespmem:s12], [sflag:$0x1], $0x8, s28, s13, $0xb8;
	[tilespmem:$0x3D90] =	vst v63  }
0x13e: {  	s29 =	sadd.s32 $0x690, s17  }
0x13f: {  	[spmem:s2] =	stream.indirect.scatter.add.f32 [tilespmem:s12], [sflag:$0x1], $0x8, s29, s13, $0xb8;
	[tilespmem:$0x3D90] =	vst v63  }
0x140: {  	s30 =	sadd.s32 $0x6E0, s17  }
0x141: {  	[spmem:s2] =	stream.indirect.scatter.add.f32 [tilespmem:s12], [sflag:$0x1], $0x8, s30, s13, $0xb8;
	[tilespmem:$0x3D90] =	vst v63  }
0x142: {  	s31 =	sadd.s32 $0x730, s17  }
0x143: {  	[spmem:s2] =	stream.indirect.scatter.add.f32 [tilespmem:s12], [sflag:$0x1], $0x8, s31, s13, $0xb8;
	[tilespmem:$0x3D90] =	vst v63  }
0x144: {  	s17 =	sadd.s32 $0x780, s17  }
0x145: {  	[spmem:s2] =	stream.indirect.scatter.add.f32 [tilespmem:s12], [sflag:$0x1], $0x8, s17, s13, $0xb8;
	[tilespmem:$0x3D90] =	vst v63  }
0x146: {  	_ =	swait.ge [sflag:s14], $0x280  }
0x147: {  	[sflag:s14] =	ssyncset.done $0x0  }
0x148: {  	[sflag:s14] =	ssyncadd.s32 $0xFFFFFD80  }
0x149: {  	_ =	swait.ge [sflag:s14], $0x280  }
0x14a: {  	[sflag:s14] =	ssyncset.done $0x0  }
0x14b: {  	[sflag:s14] =	ssyncadd.s32 $0xFFFFFD80  }
0x14c: {  	_ =	swait.ge [sflag:s14], $0x280  }
0x14d: {  	[sflag:s14] =	ssyncset.done $0x0  }
0x14e: {  	[sflag:s14] =	ssyncadd.s32 $0xFFFFFD80  }
0x14f: {  	_ =	swait.ge [sflag:s14], $0x280  }
0x150: {  	[sflag:s14] =	ssyncset.done $0x0  }
0x151: {  	[sflag:s14] =	ssyncadd.s32 $0xFFFFFD80  }
0x152: {  	_ =	swait.ge [sflag:s14], $0x280  }
0x153: {  	[sflag:s14] =	ssyncset.done $0x0  }
0x154: {  	[sflag:s14] =	ssyncadd.s32 $0xFFFFFD80  }
0x155: {  	_ =	swait.ge [sflag:s14], $0x280  }
0x156: {  	[sflag:s14] =	ssyncset.done $0x0  }
0x157: {  	[sflag:s14] =	ssyncadd.s32 $0xFFFFFD80  }
0x158: {  	_ =	swait.ge [sflag:s14], $0x280  }
0x159: {  	[sflag:s14] =	ssyncset.done $0x0  }
0x15a: {  	[sflag:s14] =	ssyncadd.s32 $0xFFFFFD80  }
0x15b: {  	_ =	swait.ge [sflag:s14], $0x280  }
0x15c: {  	[sflag:s14] =	ssyncset.done $0x0  }
0x15d: {  	[sflag:s14] =	ssyncadd.s32 $0xFFFFFD80  }
0x15e: {  	_ =	swait.ge [sflag:s14], $0x280  }
0x15f: {  	[sflag:s14] =	ssyncset.done $0x0  }
0x160: {  	[sflag:s14] =	ssyncadd.s32 $0xFFFFFD80  }
0x161: {  	_ =	swait.ge [sflag:s14], $0x280  }
0x162: {  	[sflag:s14] =	ssyncset.done $0x0  }
0x163: {  	[sflag:s14] =	ssyncadd.s32 $0xFFFFFD80  }
0x164: {  	_ =	swait.ge [sflag:s14], $0x280  }
0x165: {  	[sflag:s14] =	ssyncset.done $0x0  }
0x166: {  	[sflag:s14] =	ssyncadd.s32 $0xFFFFFD80  }
0x167: {  	_ =	swait.ge [sflag:s14], $0x280  }
0x168: {  	[sflag:s14] =	ssyncset.done $0x0  }
0x169: {  	[sflag:s14] =	ssyncadd.s32 $0xFFFFFD80  }
0x16a: {  	_ =	swait.ge [sflag:s14], $0x280  }
0x16b: {  	[sflag:s14] =	ssyncset.done $0x0  }
0x16c: {  	[sflag:s14] =	ssyncadd.s32 $0xFFFFFD80  }
0x16d: {  	_ =	swait.ge [sflag:s14], $0x280  }
0x16e: {  	[sflag:s14] =	ssyncset.done $0x0  }
0x16f: {  	[sflag:s14] =	ssyncadd.s32 $0xFFFFFD80  }
0x170: {  	_ =	swait.ge [sflag:s14], $0x280  }
0x171: {  	[sflag:s14] =	ssyncset.done $0x0  }
0x172: {  	[sflag:s14] =	ssyncadd.s32 $0xFFFFFD80  }
0x173: {  	_ =	swait.ge [sflag:s14], $0x280  }
0x174: {  	[sflag:s14] =	ssyncset.done $0x0  }
0x175: {  	[sflag:s14] =	ssyncadd.s32 $0xFFFFFD80  }
0x176: {  	_ =	swait.ge [sflag:s14], $0x280  }
0x177: {  	[sflag:s14] =	ssyncset.done $0x0  }
0x178: {  	[sflag:s14] =	ssyncadd.s32 $0xFFFFFD80  }
0x179: {  	_ =	swait.ge [sflag:s14], $0x280  }
0x17a: {  	[sflag:s14] =	ssyncset.done $0x0  }
0x17b: {  	[sflag:s14] =	ssyncadd.s32 $0xFFFFFD80  }
0x17c: {  	_ =	swait.ge [sflag:s14], $0x280  }
0x17d: {  	[sflag:s14] =	ssyncset.done $0x0  }
0x17e: {  	[sflag:s14] =	ssyncadd.s32 $0xFFFFFD80  }
0x17f: {  	_ =	swait.ge [sflag:s14], $0x280  }
0x180: {  	[sflag:s14] =	ssyncset.done $0x0  }
0x181: {  	[sflag:s14] =	ssyncadd.s32 $0xFFFFFD80  }
0x182: {  	_ =	swait.ge [sflag:s14], $0x280  }
0x183: {  	[sflag:s14] =	ssyncset.done $0x0  }
0x184: {  	[sflag:s14] =	ssyncadd.s32 $0xFFFFFD80  }
0x185: {  	_ =	swait.ge [sflag:s14], $0x280  }
0x186: {  	[sflag:s14] =	ssyncset.done $0x0  }
0x187: {  	[sflag:s14] =	ssyncadd.s32 $0xFFFFFD80  }
0x188: {  	_ =	swait.ge [sflag:s14], $0x280  }
0x189: {  	[sflag:s14] =	ssyncset.done $0x0  }
0x18a: {  	[sflag:s14] =	ssyncadd.s32 $0xFFFFFD80  }
0x18b: {  	_ =	swait.ge [sflag:s14], $0x280  }
0x18c: {  	[sflag:s14] =	ssyncset.done $0x0  }
0x18d: {  	[sflag:s14] =	ssyncadd.s32 $0xFFFFFD80  }
0x18e: {  	_ =	swait.ge [sflag:s14], $0x280  }
0x18f: {  	s16 =	sadd.s32 $0x1, s16;
	[sflag:s14] =	ssyncset.done $0x0  }
0x190: {  	p0 =	sne.s32 s16, s9;
	[sflag:s14] =	ssyncadd.s32 $0xFFFFFD80  }
.Ltmp1:
0x191: {  	[bflag:$0x0] =	sbarrier.arrive $0xFFFF;
	(pc) =	sbr.rel @p0 .LBB2_1-.Ltmp1, $4  }
0x192: {  	[hbm:s8@s15], [sflag:s6] =	dma.strided [spmem:s10@s14], $0x280, s14, $0x1   }
0x193: {  	_ =	swait.ge [sflag:s11], $0x280  }
0x194: {  	[sflag:s11] =	ssyncset.done $0x0  }
0x195: {  	[sflag:s11] =	ssyncadd.s32 $0xFFFFFD80  }
0x196: {  	_ =	sfence.sel $0x180000  }
0x197: {  	[bflag:$0x0] =	sbarrier.arrive $0xFFFF  }
0x198: {  	p0 =	sne.s32 s0, $0x0;
	_ =	strace $0x90000047  }
0x199: {  	s0 =	sadd.s32 @!p0 $0x100000, s1;
	[bflag:$0x2] =	sbarrier.arrive $0xFFFF  }
0x19a: {  	[sflag:s0] =	ssyncadd.tile.s32 @!p0 $0x1;
	_ =	shalt  }
.Lfunc_end2:
_tile_overlayer_lowered:
.L_overlay_start_2:
0x19b: {  	(tag) =	ssettag $0x2  }
0x19c: {  	s0 =	rddreg [dreg:$0x0];
	s2 =	stileid.u32  }
0x19d: {  	s1 =	rddreg [dreg:$0x1];
	p0 =	sne.s32 s2, $0x0  }
0x19e: {  	s3 =	rddreg [dreg:$0x2];
	[bflag:$0x3] =	sbarrier.arrive $0xFFFF;
	s2 =	simm.s32 @!p0 $0x1C02  }
0x19f: {  	[timem:s3], [sflag:s2] =	dma.local @!p0 [hbm:s0], s1  }
0x1a0: {  	s0 =	simm.s32 @!p0 $0x2  }
0x1a1: {  	_ =	swait.ge @!p0 [sflag:s0], s1  }
0x1a2: {  	s1 =	ssub.s32 @!p0 $0x0, s1;
	[sflag:s0] =	ssyncset.done @!p0 $0x0  }
0x1a3: {  	[sflag:s0] =	ssyncadd.s32 @!p0 s1  }
0x1a4: {  	[bflag:$0x3] =	sbarrier.arrive $0xFFFF  }
0x1a5: {  	_ =	shalt  }

</sc_bundles>
